<compile_context>
chip_gen: v7x
topology: tpu7x:2x2x1
jax: 0.10.2.dev20260603
libtpu: 0.0.44.dev20260713+nightly
codegen_flags: <defaults>
</compile_context>

<pallas_src>
import functools

import jax
import jax.numpy as jnp
from jax import lax
from jax.experimental import pallas as pl
from jax.experimental.pallas import tpu as pltpu
from jax.experimental.pallas import tpu_sc as plsc

NN = 50000
NE = 800000
NG = 512
HID = 64
HH = HID // 2
IN_PAD = 8

NCORE = 2
NSUB = 16
L = 16

NP = 50176
TRN = NP // NSUB
ACC_ROWS = NP + 8

EP = 819200
B = 128
ER = EP // B
CPB = 40
EITERS = ER // NSUB
NBLK = EITERS // CPB
DITERS = ER // NSUB // 2
DBLK = DITERS // CPB
NBUF = 4

CH = 112
NCH = TRN // CH

PG = 640
PTT = PG // NSUB

_MESH = plsc.VectorSubcoreMesh(
    core_axis_name="c", subcore_axis_name="s",
    num_cores=NCORE, num_subcores=NSUB)
_SC_PARAMS = pltpu.CompilerParams(use_tc_tiling_on_sc=False)



@functools.partial(
    pl.kernel,
    out_type=jax.ShapeDtypeStruct((NCORE, NP, L), jnp.float32),
    mesh=_MESH,
    compiler_params=_SC_PARAMS,
    scratch_types=[
        pltpu.VMEM((CPB, B), jnp.int32),
        pltpu.VMEM((B, L), jnp.float32),
        pltpu.VMEM((CH, L), jnp.float32),
        pltpu.VMEM_SHARED((ACC_ROWS, L), jnp.float32),
    ],
)
def _deg_kernel(dst_hbm, deg_hbm, dblk, ones, ibuf, cnt):
    c = lax.axis_index("c")
    s = lax.axis_index("s")

    def fill1(r, _):
        ones[r, :] = jnp.full((L,), 1.0, jnp.float32)
        return 0
    lax.fori_loop(0, B, fill1, 0)

    init = jnp.where(c == 0, 1.0, 0.0)

    def filli(r, _):
        ibuf[r, :] = jnp.full((L,), 1.0, jnp.float32) * init
        return 0
    lax.fori_loop(0, CH, filli, 0)

    def initl(k, _):
        pltpu.sync_copy(ibuf, cnt.at[pl.ds(s * TRN + k * CH, CH)])
        return 0
    lax.fori_loop(0, NCH, initl, 0)
    plsc.subcore_barrier()

    def blkloop(blk, _):
        row0 = c * (ER // 2) + s * DITERS + blk * CPB
        pltpu.sync_copy(dst_hbm.at[pl.ds(row0, CPB)], dblk)

        def cloop(jj, _):
            pltpu.sync_copy(ones, cnt.at[dblk.at[jj]], add=True)
            return 0
        lax.fori_loop(0, CPB, cloop, 0)
        return 0
    lax.fori_loop(0, DBLK, blkloop, 0)
    plsc.subcore_barrier()

    pltpu.sync_copy(cnt.at[pl.ds(s * TRN, TRN)],
                    deg_hbm.at[c, pl.ds(s * TRN, TRN)])



def _edge_ring(c, s, hp_hbm, src_hbm, dst_hbm, sblk, dblk, rows, gsem, tsem,
               acc):
    def blkloop(blk, _):
        row0 = s * EITERS + blk * CPB
        pltpu.sync_copy(src_hbm.at[pl.ds(row0, CPB)], sblk)
        pltpu.sync_copy(dst_hbm.at[pl.ds(row0, CPB)], dblk)
        pltpu.async_copy(hp_hbm.at[c].at[sblk.at[0]], rows[0], gsem[0])
        pltpu.async_copy(hp_hbm.at[c].at[sblk.at[1]], rows[1], gsem[1])

        def qloop(t, _):
            for u in range(NBUF):
                j = NBUF * t + u
                v = (u + 2) % NBUF

                @pl.when(j >= 2)
                def _():
                    pltpu.make_async_copy(
                        rows[v], acc.at[pl.ds(0, B)], tsem[v]).wait()

                @pl.when(j + 2 < CPB)
                def _():
                    pltpu.async_copy(
                        hp_hbm.at[c].at[sblk.at[j + 2]], rows[v], gsem[v])

                pltpu.make_async_copy(
                    hp_hbm.at[c, pl.ds(0, B)], rows[u], gsem[u]).wait()
                pltpu.async_copy(
                    rows[u], acc.at[dblk.at[j]], tsem[u], add=True)
            return 0
        lax.fori_loop(0, CPB // NBUF, qloop, 0)
        pltpu.make_async_copy(rows[2], acc.at[pl.ds(0, B)], tsem[2]).wait()
        pltpu.make_async_copy(rows[3], acc.at[pl.ds(0, B)], tsem[3]).wait()
        return 0
    lax.fori_loop(0, NBLK, blkloop, 0)


def _conv_g_body(hp_hbm, src_hbm, dst_hbm, g_hbm,
                 sblk, dblk, r0, r1, r2, r3, acc,
                 g0, g1, g2, g3, t0, t1, t2, t3):
    c = lax.axis_index("c")
    s = lax.axis_index("s")
    pltpu.sync_copy(hp_hbm.at[c, pl.ds(s * TRN, TRN)],
                    acc.at[pl.ds(s * TRN, TRN)])
    plsc.subcore_barrier()
    _edge_ring(c, s, hp_hbm, src_hbm, dst_hbm, sblk, dblk,
               (r0, r1, r2, r3), (g0, g1, g2, g3), (t0, t1, t2, t3), acc)
    plsc.subcore_barrier()
    pltpu.sync_copy(acc.at[pl.ds(s * TRN, TRN)],
                    g_hbm.at[c, pl.ds(s * TRN, TRN)])


def _conv_pool_body(hp_hbm, src_hbm, dst_hbm, dinv_hbm, batch_hbm,
                    pooled_hbm, cntg_hbm,
                    sblk, dblk, r0, r1, r2, r3, dchunk, bidx,
                    acc, pooled, cntg,
                    g0, g1, g2, g3, t0, t1, t2, t3):
    c = lax.axis_index("c")
    s = lax.axis_index("s")
    pltpu.sync_copy(hp_hbm.at[c, pl.ds(s * TRN, TRN)],
                    acc.at[pl.ds(s * TRN, TRN)])
    plsc.subcore_barrier()
    _edge_ring(c, s, hp_hbm, src_hbm, dst_hbm, sblk, dblk,
               (r0, r1, r2, r3), (g0, g1, g2, g3), (t0, t1, t2, t3), acc)

    def fillz(r, _):
        for j in range(HH // L):
            r3[r, pl.ds(j * L, L)] = jnp.zeros((L,), jnp.float32)
        return 0
    lax.fori_loop(0, PTT, fillz, 0)
    pltpu.sync_copy(r3.at[pl.ds(0, PTT)], pooled.at[pl.ds(s * PTT, PTT)])
    pltpu.sync_copy(r3.at[pl.ds(0, PTT)], cntg.at[pl.ds(s * PTT, PTT)])

    def fillo(r, _):
        for j in range(HH // L):
            r2[r, pl.ds(j * L, L)] = jnp.full((L,), 1.0, jnp.float32)
        return 0
    lax.fori_loop(0, CH, fillo, 0)
    plsc.subcore_barrier()

    def nloop(k, _):
        grow = s * TRN + k * CH
        pltpu.sync_copy(acc.at[pl.ds(grow, CH)], r0.at[pl.ds(0, CH)])
        pltpu.sync_copy(dinv_hbm.at[pl.ds(grow, CH)], dchunk)
        pltpu.sync_copy(batch_hbm.at[pl.ds(grow, CH)], bidx)

        def rblk(t, _):
            dv16 = dchunk[pl.ds(t * L, L)]
            for r16 in range(L):
                row = t * L + r16
                dv = dv16[r16]
                for j in range(HH // L):
                    sl = pl.ds(j * L, L)
                    r0[row, sl] = r0[row, sl] * dv
            return 0
        lax.fori_loop(0, CH // L, rblk, 0)

        pltpu.sync_copy(r0.at[pl.ds(0, CH)], pooled.at[bidx], add=True)

        @pl.when(c == 0)
        def _():
            pltpu.sync_copy(r2.at[pl.ds(0, CH)], cntg.at[bidx], add=True)
        return 0
    lax.fori_loop(0, NCH, nloop, 0)
    plsc.subcore_barrier()

    @pl.when(s == 0)
    def _():
        pltpu.sync_copy(pooled.at[pl.ds(0, NG)], pooled_hbm.at[c])

        @pl.when(c == 0)
        def _():
            pltpu.sync_copy(cntg.at[pl.ds(0, NG)], cntg_hbm)


_RING_SCRATCH = [
    pltpu.VMEM((CPB, B), jnp.int32),
    pltpu.VMEM((CPB, B), jnp.int32),
    pltpu.VMEM((B, HH), jnp.float32),
    pltpu.VMEM((B, HH), jnp.float32),
    pltpu.VMEM((B, HH), jnp.float32),
    pltpu.VMEM((B, HH), jnp.float32),
]
_SEMS = [pltpu.SemaphoreType.DMA] * (2 * NBUF)

_conv_g = pl.kernel(
    _conv_g_body,
    out_type=jax.ShapeDtypeStruct((NCORE, NP, HH), jnp.float32),
    mesh=_MESH,
    compiler_params=_SC_PARAMS,
    scratch_types=_RING_SCRATCH + [
        pltpu.VMEM_SHARED((ACC_ROWS, HH), jnp.float32),
    ] + _SEMS,
)

_conv_pool = pl.kernel(
    _conv_pool_body,
    out_type=(jax.ShapeDtypeStruct((NCORE, NG, HH), jnp.float32),
              jax.ShapeDtypeStruct((NG, HH), jnp.float32)),
    mesh=_MESH,
    compiler_params=_SC_PARAMS,
    scratch_types=_RING_SCRATCH + [
        pltpu.VMEM((CH,), jnp.float32),
        pltpu.VMEM((CH,), jnp.int32),
        pltpu.VMEM_SHARED((ACC_ROWS, HH), jnp.float32),
        pltpu.VMEM_SHARED((PG, HH), jnp.float32),
        pltpu.VMEM_SHARED((PG, HH), jnp.float32),
    ] + _SEMS,
)



def _b1_body(deg_ref, x_ref, w_ref, dinv_ref, hp_ref):
    deg = deg_ref[0, :, 0:1] + deg_ref[1, :, 0:1]
    dinv = lax.rsqrt(deg)
    dinv_ref[...] = dinv[:, 0]
    h = jnp.dot(x_ref[...] * dinv, w_ref[...],
                preferred_element_type=jnp.float32)
    hp_ref[0] = h[:, :HH]
    hp_ref[1] = h[:, HH:]


_b1_call = pl.pallas_call(
    _b1_body,
    grid=(NP // 512,),
    in_specs=[
        pl.BlockSpec((NCORE, 512, L), lambda i: (0, i, 0)),
        pl.BlockSpec((512, IN_PAD), lambda i: (i, 0)),
        pl.BlockSpec((IN_PAD, HID), lambda i: (0, 0)),
    ],
    out_specs=[
        pl.BlockSpec((512,), lambda i: (i,)),
        pl.BlockSpec((NCORE, 512, HH), lambda i: (0, i, 0)),
    ],
    out_shape=[
        jax.ShapeDtypeStruct((NP,), jnp.float32),
        jax.ShapeDtypeStruct((NCORE, NP, HH), jnp.float32),
    ],
)


def _mm_body(agg_ref, dinv_ref, b_ref, w_ref, o_ref):
    dv = dinv_ref[...][:, None]
    t0 = jnp.maximum(agg_ref[0] * dv + b_ref[0, :HH], 0.0) * dv
    t1 = jnp.maximum(agg_ref[1] * dv + b_ref[0, HH:], 0.0) * dv
    h = (jnp.dot(t0, w_ref[:HH, :], preferred_element_type=jnp.float32)
         + jnp.dot(t1, w_ref[HH:, :], preferred_element_type=jnp.float32))
    o_ref[0] = h[:, :HH]
    o_ref[1] = h[:, HH:]


_mm_call = pl.pallas_call(
    _mm_body,
    grid=(NP // 512,),
    in_specs=[
        pl.BlockSpec((NCORE, 512, HH), lambda i: (0, i, 0)),
        pl.BlockSpec((512,), lambda i: (i,)),
        pl.BlockSpec((1, HID), lambda i: (0, 0)),
        pl.BlockSpec((HID, HID), lambda i: (0, 0)),
    ],
    out_specs=pl.BlockSpec((NCORE, 512, HH), lambda i: (0, i, 0)),
    out_shape=jax.ShapeDtypeStruct((NCORE, NP, HH), jnp.float32),
)


def _final_body(pp_ref, cp_ref, b3_ref, wl_ref, bl_ref, o_ref):
    cnt = jnp.maximum(cp_ref[:, 0:1], 1.0)
    p0 = pp_ref[0] / cnt + b3_ref[0, :HH]
    p1 = pp_ref[1] / cnt + b3_ref[0, HH:]
    o_ref[...] = (jnp.dot(p0, wl_ref[:HH, :],
                          preferred_element_type=jnp.float32)
                  + jnp.dot(p1, wl_ref[HH:, :],
                            preferred_element_type=jnp.float32)
                  + bl_ref[...])


_final_call = pl.pallas_call(
    _final_body,
    out_shape=jax.ShapeDtypeStruct((NG, 128), jnp.float32),
)



def kernel(x, edge_index, batch, W1, b1, W2, b2, W3, b3, Wl, bl):
    f32 = jnp.float32
    xpad = jnp.zeros((NP, IN_PAD), f32).at[:NN, :x.shape[1]].set(x)
    srcp = jnp.concatenate(
        [edge_index[0], jnp.zeros((EP - NE,), jnp.int32)]).reshape(ER, B)
    dstp = jnp.concatenate(
        [edge_index[1], jnp.full((EP - NE,), NP, jnp.int32)]).reshape(ER, B)
    batchp = jnp.concatenate(
        [batch, jnp.full((NP - NN,), NG, jnp.int32)])
    W1p = jnp.zeros((IN_PAD, HID), f32).at[:W1.shape[0]].set(W1)
    Wlp = jnp.zeros((HID, 128), f32).at[:, :Wl.shape[1]].set(Wl)
    blp = jnp.zeros((1, 128), f32).at[0, :bl.shape[0]].set(bl)

    deg = _deg_kernel(dstp)
    dinv, h1 = _b1_call(deg, xpad, W1p)
    agg1 = _conv_g(h1, srcp, dstp)
    h2 = _mm_call(agg1, dinv, b1.reshape(1, HID), W2)
    agg2 = _conv_g(h2, srcp, dstp)
    h3 = _mm_call(agg2, dinv, b2.reshape(1, HID), W3)
    pooledp, cntp = _conv_pool(h3, srcp, dstp, dinv, batchp)
    out = _final_call(pooledp, cntp, b3.reshape(1, HID), Wlp, blp)
    return out[:, :bl.shape[0]]

# --- scband reference (transcript-rebuilt; emitter-appended) ---
"""Pipeline reference for scband-gcn-54417235640789 (READ-ONLY COPY).

The authoritative reference and input builder live on the scoring server;
editing this copy changes nothing except your own understanding.
"""

import jax, jax.numpy as jnp
import numpy as np

N_NODES = 50000
N_EDGES = 800000
N_GRAPHS = 512
IN_DIM = 7
HID = 64
OUT_DIM = 2


def gcn_conv(x, edge_index, W, b):
    n = x.shape[0]
    h = x @ W
    loop = jnp.arange(n, dtype=edge_index.dtype)
    src = jnp.concatenate([edge_index[0], loop])
    dst = jnp.concatenate([edge_index[1], loop])
    deg = jax.ops.segment_sum(jnp.ones(src.shape[0], dtype=h.dtype), dst, num_segments=n)
    dinv = jnp.where(deg > 0, jax.lax.rsqrt(deg), 0.0)
    norm = dinv[src] * dinv[dst]
    msg = h[src] * norm[:, None]
    out = jax.ops.segment_sum(msg, dst, num_segments=n)
    return out + b


def setup_inputs(seed: int = 0) -> dict:
    key = jax.random.key(seed)
    ks = jax.random.split(key, 12)
    x = jax.random.normal(ks[0], (N_NODES, IN_DIM), dtype=jnp.float32)
    edge_index = jax.random.randint(ks[1], (2, N_EDGES), 0, N_NODES, dtype=jnp.int32)
    batch = jnp.sort(jax.random.randint(ks[2], (N_NODES,), 0, N_GRAPHS, dtype=jnp.int32))
    W1 = jax.random.normal(ks[3], (IN_DIM, HID), dtype=jnp.float32) / np.sqrt(IN_DIM)
    b1 = jnp.zeros((HID,), dtype=jnp.float32)
    W2 = jax.random.normal(ks[4], (HID, HID), dtype=jnp.float32) / np.sqrt(HID)
    b2 = jnp.zeros((HID,), dtype=jnp.float32)
    W3 = jax.random.normal(ks[5], (HID, HID), dtype=jnp.float32) / np.sqrt(HID)
    b3 = jnp.zeros((HID,), dtype=jnp.float32)
    Wl = jax.random.normal(ks[6], (HID, OUT_DIM), dtype=jnp.float32) / np.sqrt(HID)
    bl = jnp.zeros((OUT_DIM,), dtype=jnp.float32)
    return {"x": x, "edge_index": edge_index, "batch": batch,
            "W1": W1, "b1": b1, "W2": W2, "b2": b2, "W3": W3, "b3": b3,
            "Wl": Wl, "bl": bl}


def reference(x, edge_index, batch, W1, b1, W2, b2, W3, b3, Wl, bl):
    h = jax.nn.relu(gcn_conv(x, edge_index, W1, b1))
    h = jax.nn.relu(gcn_conv(h, edge_index, W2, b2))
    h = gcn_conv(h, edge_index, W3, b3)
    sums = jax.ops.segment_sum(h, batch, num_segments=N_GRAPHS)
    cnt = jax.ops.segment_sum(jnp.ones((h.shape[0],), dtype=h.dtype), batch, num_segments=N_GRAPHS)
    pooled = sums / jnp.maximum(cnt, 1.0)[:, None]
    # dropout is identity in eval mode
    return pooled @ Wl + bl

if __name__ == "__main__":
    import jax
    _d = setup_inputs()
    print(jax.jit(kernel)(*tuple(_d.values())))

</pallas_src>

<mosaic_0001>
#map = affine_map<(d0, d1) -> (0, 0)>
#map1 = affine_map<(d0, d1) -> (0, 0, 0)>
module attributes {stable_mosaic.version = 14 : i64} {
  func.func @_deg_kernel(%arg0: i32, %arg1: i32, %arg2: memref<6400x128xi32, #tpu.memory_space<hbm>>, %arg3: memref<2x50176x16xf32, #tpu.memory_space<hbm>>, %arg4: memref<40x128xi32, #tpu.memory_space<vmem>>, %arg5: memref<128x16xf32, #tpu.memory_space<vmem>>, %arg6: memref<112x16xf32, #tpu.memory_space<vmem>>, %arg7: memref<50184x16xf32, #tpu.memory_space<vmem_shared>>) attributes {dimension_semantics = [#tpu.dimension_semantics<core_parallel>, #tpu.dimension_semantics<subcore_parallel>], iteration_bounds = array<i64: 2, 16>, scalar_prefetch = 0 : i64, scratch_operands = 4 : i64, tpu.core_type = #tpu.core_type<sc_vector_subcore>, window_params = [{transform_indices = #map}, {transform_indices = #map1}]} {
    %scan3A = arith.constant 0 : i32
    %scan3A_0 = arith.constant 0 : i32
    %scan3A_1 = arith.constant 128 : i32
    %scan3A_2 = arith.addi %scan3A_0, %scan3A_1 : i32
    %scan3A_3 = arith.constant 1 : i32
    %scan3A_4 = scf.for %scan3A_33 = %scan3A_0 to %scan3A_2 step %scan3A_3 iter_args(%scan3A_34 = %scan3A) -> (i32)  : i32 {
      %broadcast_in_dim3A = arith.constant 1.000000e+00 : f32
      %broadcast_in_dim3A_35 = vector.broadcast %broadcast_in_dim3A : f32 to vector<16xf32>
      %swap3A = arith.index_cast %scan3A_33 : i32 to index
      %swap3A_36 = arith.constant 0 : index
      %swap3A_37 = tpu.vector_load %arg5[%swap3A, %swap3A_36] {strides = array<i32>} : memref<128x16xf32, #tpu.memory_space<vmem>>, vector<1x16xf32>,
      %swap3A_38 = vector.shape_cast %swap3A_37 : vector<1x16xf32> to vector<16xf32>
      %swap3A_39 = vector.shape_cast %broadcast_in_dim3A_35 : vector<16xf32> to vector<1x16xf32>
      tpu.vector_store %arg5[%swap3A, %swap3A_36], %swap3A_39 {strides = array<i32>} : memref<128x16xf32, #tpu.memory_space<vmem>>, vector<1x16xf32>,
      %scan3A_40 = arith.constant 0 : i32
      scf.yield %scan3A_40 : i32
    }
    %scan3A_5 = arith.constant 128 : i32
    %eq3A = arith.constant 0 : i32
    %eq3A_6 = arith.cmpi eq, %arg0, %eq3A : i32
    %jit3A = arith.constant 1.000000e+00 : f32
    %jit3A_7 = arith.constant 0.000000e+00 : f32
    %select_n3A = arith.select %eq3A_6, %jit3A, %jit3A_7 : f32
    %scan3A_8 = arith.constant 0 : i32
    %scan3A_9 = arith.constant 0 : i32
    %scan3A_10 = arith.constant 112 : i32
    %scan3A_11 = arith.addi %scan3A_9, %scan3A_10 : i32
    %scan3A_12 = arith.constant 1 : i32
    %scan3A_13 = scf.for %scan3A_33 = %scan3A_9 to %scan3A_11 step %scan3A_12 iter_args(%scan3A_34 = %scan3A_8) -> (i32)  : i32 {
      %broadcast_in_dim3A = arith.constant 1.000000e+00 : f32
      %broadcast_in_dim3A_35 = vector.broadcast %broadcast_in_dim3A : f32 to vector<16xf32>
      %mul3A_36 = vector.broadcast %select_n3A : f32 to vector<16xf32>
      %mul3A_37 = arith.mulf %broadcast_in_dim3A_35, %mul3A_36 : vector<16xf32>
      %swap3A = arith.index_cast %scan3A_33 : i32 to index
      %swap3A_38 = arith.constant 0 : index
      %swap3A_39 = tpu.vector_load %arg6[%swap3A, %swap3A_38] {strides = array<i32>} : memref<112x16xf32, #tpu.memory_space<vmem>>, vector<1x16xf32>,
      %swap3A_40 = vector.shape_cast %swap3A_39 : vector<1x16xf32> to vector<16xf32>
      %swap3A_41 = vector.shape_cast %mul3A_37 : vector<16xf32> to vector<1x16xf32>
      tpu.vector_store %arg6[%swap3A, %swap3A_38], %swap3A_41 {strides = array<i32>} : memref<112x16xf32, #tpu.memory_space<vmem>>, vector<1x16xf32>,
      %scan3A_42 = arith.constant 0 : i32
      scf.yield %scan3A_42 : i32
    }
    %scan3A_14 = arith.constant 112 : i32
    %scan3A_15 = arith.constant 0 : i32
    %scan3A_16 = arith.constant 0 : i32
    %scan3A_17 = arith.constant 28 : i32
    %scan3A_18 = arith.addi %scan3A_16, %scan3A_17 : i32
    %scan3A_19 = arith.constant 1 : i32
    %scan3A_20 = scf.for %scan3A_33 = %scan3A_16 to %scan3A_18 step %scan3A_19 iter_args(%scan3A_34 = %scan3A_15) -> (i32)  : i32 {
      %mul3A_35 = arith.constant 3136 : i32
      %mul3A_36 = arith.muli %arg1, %mul3A_35 : i32
      %mul3A_37 = arith.constant 112 : i32
      %mul3A_38 = arith.muli %scan3A_33, %mul3A_37 : i32
      %add3A = arith.addi %mul3A_36, %mul3A_38 : i32
      "tpu.region"() ({
        %run_scoped3A = tpu.sem_alloc : memref<!tpu.dma_semaphore, #tpu.memory_space<semaphore_mem>>
        %dma_start3A = arith.constant 0 : i32
        %dma_start3A_40 = tpu.memref_slice %arg7[%add3A, %dma_start3A] : memref<50184x16xf32, #tpu.memory_space<vmem_shared>> -> memref<112x16xf32, #tpu.memory_space<vmem_shared>>
        %dma_start3A_41 = arith.constant 0 : i32
        %dma_start3A_42 = tpu.memref_slice %arg7[%add3A, %dma_start3A_41] : memref<50184x16xf32, #tpu.memory_space<vmem_shared>> -> memref<112x16xf32, #tpu.memory_space<vmem_shared>>
        tpu.enqueue_dma source(%arg6 : memref<112x16xf32, #tpu.memory_space<vmem>>) target(%dma_start3A_42 : memref<112x16xf32, #tpu.memory_space<vmem_shared>>) target_semaphore(%run_scoped3A : memref<!tpu.dma_semaphore, #tpu.memory_space<semaphore_mem>>)
        %dma_wait3A = arith.constant 0 : i32
        %dma_wait3A_43 = tpu.memref_slice %arg7[%add3A, %dma_wait3A] : memref<50184x16xf32, #tpu.memory_space<vmem_shared>> -> memref<112x16xf32, #tpu.memory_space<vmem_shared>>
        %dma_wait3A_44 = arith.constant 0 : i32
        %dma_wait3A_45 = tpu.memref_slice %arg7[%add3A, %dma_wait3A_44] : memref<50184x16xf32, #tpu.memory_space<vmem_shared>> -> memref<112x16xf32, #tpu.memory_space<vmem_shared>>
        tpu.wait_dma2 semaphore(%run_scoped3A : memref<!tpu.dma_semaphore, #tpu.memory_space<semaphore_mem>>) src(%arg6 : memref<112x16xf32, #tpu.memory_space<vmem>>) dst(%dma_wait3A_45 : memref<112x16xf32, #tpu.memory_space<vmem_shared>>)
        tpu.yield
      }) : () -> ()
      %scan3A_39 = arith.constant 0 : i32
      scf.yield %scan3A_39 : i32
    }
    %scan3A_21 = arith.constant 28 : i32
    %barrier3A = arith.constant 0 : index
    tpu.barrier barrier_id(%barrier3A)
    %scan3A_22 = arith.constant 0 : i32
    %scan3A_23 = arith.constant 0 : i32
    %scan3A_24 = arith.constant 5 : i32
    %scan3A_25 = arith.addi %scan3A_23, %scan3A_24 : i32
    %scan3A_26 = arith.constant 1 : i32
    %scan3A_27 = scf.for %scan3A_33 = %scan3A_23 to %scan3A_25 step %scan3A_26 iter_args(%scan3A_34 = %scan3A_22) -> (i32)  : i32 {
      %mul3A_35 = arith.constant 3200 : i32
      %mul3A_36 = arith.muli %arg0, %mul3A_35 : i32
      %mul3A_37 = arith.constant 200 : i32
      %mul3A_38 = arith.muli %arg1, %mul3A_37 : i32
      %add3A = arith.addi %mul3A_36, %mul3A_38 : i32
      %mul3A_39 = arith.constant 40 : i32
      %mul3A_40 = arith.muli %scan3A_33, %mul3A_39 : i32
      %add3A_41 = arith.addi %add3A, %mul3A_40 : i32
      "tpu.region"() ({
        %run_scoped3A = tpu.sem_alloc : memref<!tpu.dma_semaphore, #tpu.memory_space<semaphore_mem>>
        %dma_start3A = arith.constant 0 : i32
        %dma_start3A_50 = tpu.memref_slice %arg2[%add3A_41, %dma_start3A] : memref<6400x128xi32, #tpu.memory_space<hbm>> -> memref<40x128xi32, #tpu.memory_space<hbm>>
        %dma_start3A_51 = arith.constant 0 : i32
        %dma_start3A_52 = tpu.memref_slice %arg2[%add3A_41, %dma_start3A_51] : memref<6400x128xi32, #tpu.memory_space<hbm>> -> memref<40x128xi32, #tpu.memory_space<hbm>>
        tpu.enqueue_dma source(%dma_start3A_52 : memref<40x128xi32, #tpu.memory_space<hbm>>) target(%arg4 : memref<40x128xi32, #tpu.memory_space<vmem>>) target_semaphore(%run_scoped3A : memref<!tpu.dma_semaphore, #tpu.memory_space<semaphore_mem>>)
        %dma_wait3A = arith.constant 0 : i32
        %dma_wait3A_53 = tpu.memref_slice %arg2[%add3A_41, %dma_wait3A] : memref<6400x128xi32, #tpu.memory_space<hbm>> -> memref<40x128xi32, #tpu.memory_space<hbm>>
        %dma_wait3A_54 = arith.constant 0 : i32
        %dma_wait3A_55 = tpu.memref_slice %arg2[%add3A_41, %dma_wait3A_54] : memref<6400x128xi32, #tpu.memory_space<hbm>> -> memref<40x128xi32, #tpu.memory_space<hbm>>
        tpu.wait_dma2 semaphore(%run_scoped3A : memref<!tpu.dma_semaphore, #tpu.memory_space<semaphore_mem>>) src(%dma_wait3A_55 : memref<40x128xi32, #tpu.memory_space<hbm>>) dst(%arg4 : memref<40x128xi32, #tpu.memory_space<vmem>>)
        tpu.yield
      }) : () -> ()
      %scan3A_42 = arith.constant 0 : i32
      %scan3A_43 = arith.constant 0 : i32
      %scan3A_44 = arith.constant 40 : i32
      %scan3A_45 = arith.addi %scan3A_43, %scan3A_44 : i32
      %scan3A_46 = arith.constant 1 : i32
      %scan3A_47 = scf.for %scan3A_50 = %scan3A_43 to %scan3A_45 step %scan3A_46 iter_args(%scan3A_51 = %scan3A_42) -> (i32)  : i32 {
        "tpu.region"() ({
          %run_scoped3A = tpu.sem_alloc : memref<!tpu.dma_semaphore, #tpu.memory_space<semaphore_mem>>
          %dma_start3A = arith.constant 0 : i32
          %dma_start3A_53 = tpu.memref_slice %arg4[%scan3A_50, %dma_start3A] : memref<40x128xi32, #tpu.memory_space<vmem>> -> memref<1x128xi32, #tpu.memory_space<vmem>>
          %dma_start3A_54 = tpu.memref_squeeze %dma_start3A_53 : memref<1x128xi32, #tpu.memory_space<vmem>> -> memref<128xi32, #tpu.memory_space<vmem>>
          %dma_start3A_55 = arith.constant 0 : i32
          %dma_start3A_56 = arith.constant 0 : i32
          %dma_start3A_57 = tpu.memref_slice %arg7[%dma_start3A_55, %dma_start3A_56] : memref<50184x16xf32, #tpu.memory_space<vmem_shared>> -> memref<50184x16xf32, #tpu.memory_space<vmem_shared>>
          tpu.enqueue_indirect_dma source(%arg5 : memref<128x16xf32, #tpu.memory_space<vmem>>) target(%dma_start3A_57 : memref<50184x16xf32, #tpu.memory_space<vmem_shared>>) offsets(%dma_start3A_54 : memref<128xi32, #tpu.memory_space<vmem>>) semaphore(%run_scoped3A : memref<!tpu.dma_semaphore, #tpu.memory_space<semaphore_mem>>) {add = true}
          %dma_wait3A = arith.constant 0 : i32
          %dma_wait3A_58 = tpu.memref_slice %arg4[%scan3A_50, %dma_wait3A] : memref<40x128xi32, #tpu.memory_space<vmem>> -> memref<1x128xi32, #tpu.memory_space<vmem>>
          %dma_wait3A_59 = tpu.memref_squeeze %dma_wait3A_58 : memref<1x128xi32, #tpu.memory_space<vmem>> -> memref<128xi32, #tpu.memory_space<vmem>>
          %dma_wait3A_60 = arith.constant 0 : i32
          %dma_wait3A_61 = arith.constant 0 : i32
          %dma_wait3A_62 = tpu.memref_slice %arg7[%dma_wait3A_60, %dma_wait3A_61] : memref<50184x16xf32, #tpu.memory_space<vmem_shared>> -> memref<50184x16xf32, #tpu.memory_space<vmem_shared>>
          tpu.wait_indirect_dma semaphore(%run_scoped3A : memref<!tpu.dma_semaphore, #tpu.memory_space<semaphore_mem>>) src(%arg5 : memref<128x16xf32, #tpu.memory_space<vmem>>) dst(%dma_wait3A_62 : memref<50184x16xf32, #tpu.memory_space<vmem_shared>>)
          tpu.yield
        }) : () -> ()
        %scan3A_52 = arith.constant 0 : i32
        scf.yield %scan3A_52 : i32
      }
      %scan3A_48 = arith.constant 40 : i32
      %scan3A_49 = arith.constant 0 : i32
      scf.yield %scan3A_49 : i32
    }
    %scan3A_28 = arith.constant 5 : i32
    %barrier3A_29 = arith.constant 0 : index
    tpu.barrier barrier_id(%barrier3A_29)
    %mul3A = arith.constant 3136 : i32
    %mul3A_30 = arith.muli %arg1, %mul3A : i32
    %mul3A_31 = arith.constant 3136 : i32
    %mul3A_32 = arith.muli %arg1, %mul3A_31 : i32
    "tpu.region"() ({
      %run_scoped3A = tpu.sem_alloc : memref<!tpu.dma_semaphore, #tpu.memory_space<semaphore_mem>>
      %dma_start3A = arith.constant 0 : i32
      %dma_start3A_33 = tpu.memref_slice %arg3[%arg0, %mul3A_32, %dma_start3A] : memref<2x50176x16xf32, #tpu.memory_space<hbm>> -> memref<1x3136x16xf32, #tpu.memory_space<hbm>>
      %dma_start3A_34 = tpu.memref_squeeze %dma_start3A_33 : memref<1x3136x16xf32, #tpu.memory_space<hbm>> -> memref<3136x16xf32, #tpu.memory_space<hbm>>
      %dma_start3A_35 = arith.constant 0 : i32
      %dma_start3A_36 = tpu.memref_slice %arg7[%mul3A_30, %dma_start3A_35] : memref<50184x16xf32, #tpu.memory_space<vmem_shared>> -> memref<3136x16xf32, #tpu.memory_space<vmem_shared>>
      tpu.enqueue_dma source(%dma_start3A_36 : memref<3136x16xf32, #tpu.memory_space<vmem_shared>>) target(%dma_start3A_34 : memref<3136x16xf32, #tpu.memory_space<hbm>>) target_semaphore(%run_scoped3A : memref<!tpu.dma_semaphore, #tpu.memory_space<semaphore_mem>>)
      %dma_wait3A = arith.constant 0 : i32
      %dma_wait3A_37 = tpu.memref_slice %arg3[%arg0, %mul3A_32, %dma_wait3A] : memref<2x50176x16xf32, #tpu.memory_space<hbm>> -> memref<1x3136x16xf32, #tpu.memory_space<hbm>>
      %dma_wait3A_38 = tpu.memref_squeeze %dma_wait3A_37 : memref<1x3136x16xf32, #tpu.memory_space<hbm>> -> memref<3136x16xf32, #tpu.memory_space<hbm>>
      %dma_wait3A_39 = arith.constant 0 : i32
      %dma_wait3A_40 = tpu.memref_slice %arg7[%mul3A_30, %dma_wait3A_39] : memref<50184x16xf32, #tpu.memory_space<vmem_shared>> -> memref<3136x16xf32, #tpu.memory_space<vmem_shared>>
      tpu.wait_dma2 semaphore(%run_scoped3A : memref<!tpu.dma_semaphore, #tpu.memory_space<semaphore_mem>>) src(%dma_wait3A_40 : memref<3136x16xf32, #tpu.memory_space<vmem_shared>>) dst(%dma_wait3A_38 : memref<3136x16xf32, #tpu.memory_space<hbm>>)
      tpu.yield
    }) : () -> ()
    return
  }
}

#map = affine_map<(d0, d1) -> (0, 0, 0)>
#map1 = affine_map<(d0, d1) -> (0, 0)>
#map2 = affine_map<(d0, d1) -> (0)>
module attributes {stable_mosaic.version = 14 : i64} {
  func.func @_conv_pool_body(%arg0: i32, %arg1: i32, %arg2: memref<2x50176x32xf32, #tpu.memory_space<hbm>>, %arg3: memref<6400x128xi32, #tpu.memory_space<hbm>>, %arg4: memref<6400x128xi32, #tpu.memory_space<hbm>>, %arg5: memref<50176xf32, #tpu.memory_space<hbm>>, %arg6: memref<50176xi32, #tpu.memory_space<hbm>>, %arg7: memref<2x512x32xf32, #tpu.memory_space<hbm>>, %arg8: memref<512x32xf32, #tpu.memory_space<hbm>>, %arg9: memref<40x128xi32, #tpu.memory_space<vmem>>, %arg10: memref<40x128xi32, #tpu.memory_space<vmem>>, %arg11: memref<128x32xf32, #tpu.memory_space<vmem>>, %arg12: memref<128x32xf32, #tpu.memory_space<vmem>>, %arg13: memref<128x32xf32, #tpu.memory_space<vmem>>, %arg14: memref<128x32xf32, #tpu.memory_space<vmem>>, %arg15: memref<112xf32, #tpu.memory_space<vmem>>, %arg16: memref<112xi32, #tpu.memory_space<vmem>>, %arg17: memref<50184x32xf32, #tpu.memory_space<vmem_shared>>, %arg18: memref<640x32xf32, #tpu.memory_space<vmem_shared>>, %arg19: memref<640x32xf32, #tpu.memory_space<vmem_shared>>, %arg20: memref<!tpu.dma_semaphore, #tpu.memory_space<semaphore_mem>>, %arg21: memref<!tpu.dma_semaphore, #tpu.memory_space<semaphore_mem>>, %arg22: memref<!tpu.dma_semaphore, #tpu.memory_space<semaphore_mem>>, %arg23: memref<!tpu.dma_semaphore, #tpu.memory_space<semaphore_mem>>, %arg24: memref<!tpu.dma_semaphore, #tpu.memory_space<semaphore_mem>>, %arg25: memref<!tpu.dma_semaphore, #tpu.memory_space<semaphore_mem>>, %arg26: memref<!tpu.dma_semaphore, #tpu.memory_space<semaphore_mem>>, %arg27: memref<!tpu.dma_semaphore, #tpu.memory_space<semaphore_mem>>) attributes {dimension_semantics = [#tpu.dimension_semantics<core_parallel>, #tpu.dimension_semantics<subcore_parallel>], iteration_bounds = array<i64: 2, 16>, scalar_prefetch = 0 : i64, scratch_operands = 19 : i64, tpu.core_type = #tpu.core_type<sc_vector_subcore>, window_params = [{transform_indices = #map}, {transform_indices = #map1}, {transform_indices = #map1}, {transform_indices = #map2}, {transform_indices = #map2}, {transform_indices = #map}, {transform_indices = #map1}]} {
    %mul3A = arith.constant 3136 : i32
    %mul3A_0 = arith.muli %arg1, %mul3A : i32
    %mul3A_1 = arith.constant 3136 : i32
    %mul3A_2 = arith.muli %arg1, %mul3A_1 : i32
    "tpu.region"() ({
      %run_scoped3A = tpu.sem_alloc : memref<!tpu.dma_semaphore, #tpu.memory_space<semaphore_mem>>
      %dma_start3A = arith.constant 0 : i32
      %dma_start3A_38 = tpu.memref_slice %arg17[%mul3A_2, %dma_start3A] : memref<50184x32xf32, #tpu.memory_space<vmem_shared>> -> memref<3136x32xf32, #tpu.memory_space<vmem_shared>>
      %dma_start3A_39 = arith.constant 0 : i32
      %dma_start3A_40 = tpu.memref_slice %arg2[%arg0, %mul3A_0, %dma_start3A_39] : memref<2x50176x32xf32, #tpu.memory_space<hbm>> -> memref<1x3136x32xf32, #tpu.memory_space<hbm>>
      %dma_start3A_41 = tpu.memref_squeeze %dma_start3A_40 : memref<1x3136x32xf32, #tpu.memory_space<hbm>> -> memref<3136x32xf32, #tpu.memory_space<hbm>>
      tpu.enqueue_dma source(%dma_start3A_41 : memref<3136x32xf32, #tpu.memory_space<hbm>>) target(%dma_start3A_38 : memref<3136x32xf32, #tpu.memory_space<vmem_shared>>) target_semaphore(%run_scoped3A : memref<!tpu.dma_semaphore, #tpu.memory_space<semaphore_mem>>)
      %dma_wait3A = arith.constant 0 : i32
      %dma_wait3A_42 = tpu.memref_slice %arg17[%mul3A_2, %dma_wait3A] : memref<50184x32xf32, #tpu.memory_space<vmem_shared>> -> memref<3136x32xf32, #tpu.memory_space<vmem_shared>>
      %dma_wait3A_43 = arith.constant 0 : i32
      %dma_wait3A_44 = tpu.memref_slice %arg2[%arg0, %mul3A_0, %dma_wait3A_43] : memref<2x50176x32xf32, #tpu.memory_space<hbm>> -> memref<1x3136x32xf32, #tpu.memory_space<hbm>>
      %dma_wait3A_45 = tpu.memref_squeeze %dma_wait3A_44 : memref<1x3136x32xf32, #tpu.memory_space<hbm>> -> memref<3136x32xf32, #tpu.memory_space<hbm>>
      tpu.wait_dma2 semaphore(%run_scoped3A : memref<!tpu.dma_semaphore, #tpu.memory_space<semaphore_mem>>) src(%dma_wait3A_45 : memref<3136x32xf32, #tpu.memory_space<hbm>>) dst(%dma_wait3A_42 : memref<3136x32xf32, #tpu.memory_space<vmem_shared>>)
      tpu.yield
    }) : () -> ()
    %barrier3A = arith.constant 0 : index
    tpu.barrier barrier_id(%barrier3A)
    %scan3A = arith.constant 0 : i32
    %scan3A_3 = arith.constant 0 : i32
    %scan3A_4 = arith.constant 10 : i32
    %scan3A_5 = arith.addi %scan3A_3, %scan3A_4 : i32
    %scan3A_6 = arith.constant 1 : i32
    %scan3A_7 = scf.for %scan3A_38 = %scan3A_3 to %scan3A_5 step %scan3A_6 iter_args(%scan3A_39 = %scan3A) -> (i32)  : i32 {
      %mul3A_40 = arith.constant 400 : i32
      %mul3A_41 = arith.muli %arg1, %mul3A_40 : i32
      %mul3A_42 = arith.constant 40 : i32
      %mul3A_43 = arith.muli %scan3A_38, %mul3A_42 : i32
      %add3A = arith.addi %mul3A_41, %mul3A_43 : i32
      "tpu.region"() ({
        %run_scoped3A = tpu.sem_alloc : memref<!tpu.dma_semaphore, #tpu.memory_space<semaphore_mem>>
        %dma_start3A_84 = arith.constant 0 : i32
        %dma_start3A_85 = tpu.memref_slice %arg3[%add3A, %dma_start3A_84] : memref<6400x128xi32, #tpu.memory_space<hbm>> -> memref<40x128xi32, #tpu.memory_space<hbm>>
        %dma_start3A_86 = arith.constant 0 : i32
        %dma_start3A_87 = tpu.memref_slice %arg3[%add3A, %dma_start3A_86] : memref<6400x128xi32, #tpu.memory_space<hbm>> -> memref<40x128xi32, #tpu.memory_space<hbm>>
        tpu.enqueue_dma source(%dma_start3A_87 : memref<40x128xi32, #tpu.memory_space<hbm>>) target(%arg9 : memref<40x128xi32, #tpu.memory_space<vmem>>) target_semaphore(%run_scoped3A : memref<!tpu.dma_semaphore, #tpu.memory_space<semaphore_mem>>)
        %dma_wait3A_88 = arith.constant 0 : i32
        %dma_wait3A_89 = tpu.memref_slice %arg3[%add3A, %dma_wait3A_88] : memref<6400x128xi32, #tpu.memory_space<hbm>> -> memref<40x128xi32, #tpu.memory_space<hbm>>
        %dma_wait3A_90 = arith.constant 0 : i32
        %dma_wait3A_91 = tpu.memref_slice %arg3[%add3A, %dma_wait3A_90] : memref<6400x128xi32, #tpu.memory_space<hbm>> -> memref<40x128xi32, #tpu.memory_space<hbm>>
        tpu.wait_dma2 semaphore(%run_scoped3A : memref<!tpu.dma_semaphore, #tpu.memory_space<semaphore_mem>>) src(%dma_wait3A_91 : memref<40x128xi32, #tpu.memory_space<hbm>>) dst(%arg9 : memref<40x128xi32, #tpu.memory_space<vmem>>)
        tpu.yield
      }) : () -> ()
      "tpu.region"() ({
        %run_scoped3A = tpu.sem_alloc : memref<!tpu.dma_semaphore, #tpu.memory_space<semaphore_mem>>
        %dma_start3A_84 = arith.constant 0 : i32
        %dma_start3A_85 = tpu.memref_slice %arg4[%add3A, %dma_start3A_84] : memref<6400x128xi32, #tpu.memory_space<hbm>> -> memref<40x128xi32, #tpu.memory_space<hbm>>
        %dma_start3A_86 = arith.constant 0 : i32
        %dma_start3A_87 = tpu.memref_slice %arg4[%add3A, %dma_start3A_86] : memref<6400x128xi32, #tpu.memory_space<hbm>> -> memref<40x128xi32, #tpu.memory_space<hbm>>
        tpu.enqueue_dma source(%dma_start3A_87 : memref<40x128xi32, #tpu.memory_space<hbm>>) target(%arg10 : memref<40x128xi32, #tpu.memory_space<vmem>>) target_semaphore(%run_scoped3A : memref<!tpu.dma_semaphore, #tpu.memory_space<semaphore_mem>>)
        %dma_wait3A_88 = arith.constant 0 : i32
        %dma_wait3A_89 = tpu.memref_slice %arg4[%add3A, %dma_wait3A_88] : memref<6400x128xi32, #tpu.memory_space<hbm>> -> memref<40x128xi32, #tpu.memory_space<hbm>>
        %dma_wait3A_90 = arith.constant 0 : i32
        %dma_wait3A_91 = tpu.memref_slice %arg4[%add3A, %dma_wait3A_90] : memref<6400x128xi32, #tpu.memory_space<hbm>> -> memref<40x128xi32, #tpu.memory_space<hbm>>
        tpu.wait_dma2 semaphore(%run_scoped3A : memref<!tpu.dma_semaphore, #tpu.memory_space<semaphore_mem>>) src(%dma_wait3A_91 : memref<40x128xi32, #tpu.memory_space<hbm>>) dst(%arg10 : memref<40x128xi32, #tpu.memory_space<vmem>>)
        tpu.yield
      }) : () -> ()
      %dma_start3A = arith.constant 0 : i32
      %dma_start3A_44 = arith.constant 0 : i32
      %dma_start3A_45 = tpu.memref_slice %arg9[%dma_start3A, %dma_start3A_44] : memref<40x128xi32, #tpu.memory_space<vmem>> -> memref<1x128xi32, #tpu.memory_space<vmem>>
      %dma_start3A_46 = tpu.memref_squeeze %dma_start3A_45 : memref<1x128xi32, #tpu.memory_space<vmem>> -> memref<128xi32, #tpu.memory_space<vmem>>
      %dma_start3A_47 = arith.constant 0 : i32
      %dma_start3A_48 = arith.constant 0 : i32
      %dma_start3A_49 = tpu.memref_slice %arg2[%arg0, %dma_start3A_47, %dma_start3A_48] : memref<2x50176x32xf32, #tpu.memory_space<hbm>> -> memref<1x50176x32xf32, #tpu.memory_space<hbm>>
      %dma_start3A_50 = tpu.memref_squeeze %dma_start3A_49 : memref<1x50176x32xf32, #tpu.memory_space<hbm>> -> memref<50176x32xf32, #tpu.memory_space<hbm>>
      %dma_start3A_51 = arith.constant 0 : i32
      %dma_start3A_52 = arith.constant 0 : i32
      %dma_start3A_53 = tpu.memref_slice %dma_start3A_50[%dma_start3A_51, %dma_start3A_52] : memref<50176x32xf32, #tpu.memory_space<hbm>> -> memref<50176x32xf32, #tpu.memory_space<hbm>>
      tpu.enqueue_indirect_dma source(%dma_start3A_53 : memref<50176x32xf32, #tpu.memory_space<hbm>>) target(%arg11 : memref<128x32xf32, #tpu.memory_space<vmem>>) offsets(%dma_start3A_46 : memref<128xi32, #tpu.memory_space<vmem>>) semaphore(%arg20 : memref<!tpu.dma_semaphore, #tpu.memory_space<semaphore_mem>>)
      %dma_start3A_54 = arith.constant 1 : i32
      %dma_start3A_55 = arith.constant 0 : i32
      %dma_start3A_56 = tpu.memref_slice %arg9[%dma_start3A_54, %dma_start3A_55] : memref<40x128xi32, #tpu.memory_space<vmem>> -> memref<1x128xi32, #tpu.memory_space<vmem>>
      %dma_start3A_57 = tpu.memref_squeeze %dma_start3A_56 : memref<1x128xi32, #tpu.memory_space<vmem>> -> memref<128xi32, #tpu.memory_space<vmem>>
      %dma_start3A_58 = arith.constant 0 : i32
      %dma_start3A_59 = arith.constant 0 : i32
      %dma_start3A_60 = tpu.memref_slice %arg2[%arg0, %dma_start3A_58, %dma_start3A_59] : memref<2x50176x32xf32, #tpu.memory_space<hbm>> -> memref<1x50176x32xf32, #tpu.memory_space<hbm>>
      %dma_start3A_61 = tpu.memref_squeeze %dma_start3A_60 : memref<1x50176x32xf32, #tpu.memory_space<hbm>> -> memref<50176x32xf32, #tpu.memory_space<hbm>>
      %dma_start3A_62 = arith.constant 0 : i32
      %dma_start3A_63 = arith.constant 0 : i32
      %dma_start3A_64 = tpu.memref_slice %dma_start3A_61[%dma_start3A_62, %dma_start3A_63] : memref<50176x32xf32, #tpu.memory_space<hbm>> -> memref<50176x32xf32, #tpu.memory_space<hbm>>
      tpu.enqueue_indirect_dma source(%dma_start3A_64 : memref<50176x32xf32, #tpu.memory_space<hbm>>) target(%arg12 : memref<128x32xf32, #tpu.memory_space<vmem>>) offsets(%dma_start3A_57 : memref<128xi32, #tpu.memory_space<vmem>>) semaphore(%arg21 : memref<!tpu.dma_semaphore, #tpu.memory_space<semaphore_mem>>)
      %scan3A_65 = arith.constant 0 : i32
      %scan3A_66 = arith.constant 0 : i32
      %scan3A_67 = arith.constant 10 : i32
      %scan3A_68 = arith.addi %scan3A_66, %scan3A_67 : i32
      %scan3A_69 = arith.constant 1 : i32
      %scan3A_70 = scf.for %scan3A_84 = %scan3A_66 to %scan3A_68 step %scan3A_69 iter_args(%scan3A_85 = %scan3A_65) -> (i32)  : i32 {
        %mul3A_86 = arith.constant 4 : i32
        %mul3A_87 = arith.muli %mul3A_86, %scan3A_84 : i32
        %add3A_88 = arith.constant 0 : i32
        %add3A_89 = arith.addi %mul3A_87, %add3A_88 : i32
        %ge3A = arith.constant 2 : i32
        %ge3A_90 = arith.cmpi sge, %add3A_89, %ge3A : i32
        %convert_element_type3A_91 = arith.extui %ge3A_90 : i1 to i32
        %cond3A_92 = arith.constant 0 : i32
        %cond3A_93 = arith.cmpi ne, %convert_element_type3A_91, %cond3A_92 : i32
        scf.if %cond3A_93 {
          %dma_wait3A_205 = arith.constant 0 : i32
          %dma_wait3A_206 = arith.constant 0 : i32
          %dma_wait3A_207 = tpu.memref_slice %arg17[%dma_wait3A_205, %dma_wait3A_206] : memref<50184x32xf32, #tpu.memory_space<vmem_shared>> -> memref<128x32xf32, #tpu.memory_space<vmem_shared>>
          %dma_wait3A_208 = arith.constant 0 : i32
          %dma_wait3A_209 = arith.constant 0 : i32
          %dma_wait3A_210 = tpu.memref_slice %arg17[%dma_wait3A_208, %dma_wait3A_209] : memref<50184x32xf32, #tpu.memory_space<vmem_shared>> -> memref<128x32xf32, #tpu.memory_space<vmem_shared>>
          tpu.wait_dma2 semaphore(%arg26 : memref<!tpu.dma_semaphore, #tpu.memory_space<semaphore_mem>>) src(%arg13 : memref<128x32xf32, #tpu.memory_space<vmem>>) dst(%dma_wait3A_210 : memref<128x32xf32, #tpu.memory_space<vmem_shared>>)
        } else {
        }
        %add3A_94 = arith.constant 2 : i32
        %add3A_95 = arith.addi %add3A_89, %add3A_94 : i32
        %lt3A = arith.constant 40 : i32
        %lt3A_96 = arith.cmpi slt, %add3A_95, %lt3A : i32
        %convert_element_type3A_97 = arith.extui %lt3A_96 : i1 to i32
        %cond3A_98 = arith.constant 0 : i32
        %cond3A_99 = arith.cmpi ne, %convert_element_type3A_97, %cond3A_98 : i32
        scf.if %cond3A_99 {
          %add3A_205 = arith.constant 2 : i32
          %add3A_206 = arith.addi %add3A_89, %add3A_205 : i32
          %dma_start3A_207 = arith.constant 0 : i32
          %dma_start3A_208 = tpu.memref_slice %arg9[%add3A_206, %dma_start3A_207] : memref<40x128xi32, #tpu.memory_space<vmem>> -> memref<1x128xi32, #tpu.memory_space<vmem>>
          %dma_start3A_209 = tpu.memref_squeeze %dma_start3A_208 : memref<1x128xi32, #tpu.memory_space<vmem>> -> memref<128xi32, #tpu.memory_space<vmem>>
          %dma_start3A_210 = arith.constant 0 : i32
          %dma_start3A_211 = arith.constant 0 : i32
          %dma_start3A_212 = tpu.memref_slice %arg2[%arg0, %dma_start3A_210, %dma_start3A_211] : memref<2x50176x32xf32, #tpu.memory_space<hbm>> -> memref<1x50176x32xf32, #tpu.memory_space<hbm>>
          %dma_start3A_213 = tpu.memref_squeeze %dma_start3A_212 : memref<1x50176x32xf32, #tpu.memory_space<hbm>> -> memref<50176x32xf32, #tpu.memory_space<hbm>>
          %dma_start3A_214 = arith.constant 0 : i32
          %dma_start3A_215 = arith.constant 0 : i32
          %dma_start3A_216 = tpu.memref_slice %dma_start3A_213[%dma_start3A_214, %dma_start3A_215] : memref<50176x32xf32, #tpu.memory_space<hbm>> -> memref<50176x32xf32, #tpu.memory_space<hbm>>
          tpu.enqueue_indirect_dma source(%dma_start3A_216 : memref<50176x32xf32, #tpu.memory_space<hbm>>) target(%arg13 : memref<128x32xf32, #tpu.memory_space<vmem>>) offsets(%dma_start3A_209 : memref<128xi32, #tpu.memory_space<vmem>>) semaphore(%arg22 : memref<!tpu.dma_semaphore, #tpu.memory_space<semaphore_mem>>)
        } else {
        }
        %dma_wait3A_100 = arith.constant 0 : i32
        %dma_wait3A_101 = arith.constant 0 : i32
        %dma_wait3A_102 = tpu.memref_slice %arg2[%arg0, %dma_wait3A_100, %dma_wait3A_101] : memref<2x50176x32xf32, #tpu.memory_space<hbm>> -> memref<1x128x32xf32, #tpu.memory_space<hbm>>
        %dma_wait3A_103 = tpu.memref_squeeze %dma_wait3A_102 : memref<1x128x32xf32, #tpu.memory_space<hbm>> -> memref<128x32xf32, #tpu.memory_space<hbm>>
        %dma_wait3A_104 = arith.constant 0 : i32
        %dma_wait3A_105 = arith.constant 0 : i32
        %dma_wait3A_106 = tpu.memref_slice %arg2[%arg0, %dma_wait3A_104, %dma_wait3A_105] : memref<2x50176x32xf32, #tpu.memory_space<hbm>> -> memref<1x128x32xf32, #tpu.memory_space<hbm>>
        %dma_wait3A_107 = tpu.memref_squeeze %dma_wait3A_106 : memref<1x128x32xf32, #tpu.memory_space<hbm>> -> memref<128x32xf32, #tpu.memory_space<hbm>>
        tpu.wait_dma2 semaphore(%arg20 : memref<!tpu.dma_semaphore, #tpu.memory_space<semaphore_mem>>) src(%dma_wait3A_107 : memref<128x32xf32, #tpu.memory_space<hbm>>) dst(%arg11 : memref<128x32xf32, #tpu.memory_space<vmem>>)
        %dma_start3A_108 = arith.constant 0 : i32
        %dma_start3A_109 = tpu.memref_slice %arg10[%add3A_89, %dma_start3A_108] : memref<40x128xi32, #tpu.memory_space<vmem>> -> memref<1x128xi32, #tpu.memory_space<vmem>>
        %dma_start3A_110 = tpu.memref_squeeze %dma_start3A_109 : memref<1x128xi32, #tpu.memory_space<vmem>> -> memref<128xi32, #tpu.memory_space<vmem>>
        %dma_start3A_111 = arith.constant 0 : i32
        %dma_start3A_112 = arith.constant 0 : i32
        %dma_start3A_113 = tpu.memref_slice %arg17[%dma_start3A_111, %dma_start3A_112] : memref<50184x32xf32, #tpu.memory_space<vmem_shared>> -> memref<50184x32xf32, #tpu.memory_space<vmem_shared>>
        tpu.enqueue_indirect_dma source(%arg11 : memref<128x32xf32, #tpu.memory_space<vmem>>) target(%dma_start3A_113 : memref<50184x32xf32, #tpu.memory_space<vmem_shared>>) offsets(%dma_start3A_110 : memref<128xi32, #tpu.memory_space<vmem>>) semaphore(%arg24 : memref<!tpu.dma_semaphore, #tpu.memory_space<semaphore_mem>>) {add = true}
        %mul3A_114 = arith.constant 4 : i32
        %mul3A_115 = arith.muli %mul3A_114, %scan3A_84 : i32
        %add3A_116 = arith.constant 1 : i32
        %add3A_117 = arith.addi %mul3A_115, %add3A_116 : i32
        %ge3A_118 = arith.constant 2 : i32
        %ge3A_119 = arith.cmpi sge, %add3A_117, %ge3A_118 : i32
        %convert_element_type3A_120 = arith.extui %ge3A_119 : i1 to i32
        %cond3A_121 = arith.constant 0 : i32
        %cond3A_122 = arith.cmpi ne, %convert_element_type3A_120, %cond3A_121 : i32
        scf.if %cond3A_122 {
          %dma_wait3A_205 = arith.constant 0 : i32
          %dma_wait3A_206 = arith.constant 0 : i32
          %dma_wait3A_207 = tpu.memref_slice %arg17[%dma_wait3A_205, %dma_wait3A_206] : memref<50184x32xf32, #tpu.memory_space<vmem_shared>> -> memref<128x32xf32, #tpu.memory_space<vmem_shared>>
          %dma_wait3A_208 = arith.constant 0 : i32
          %dma_wait3A_209 = arith.constant 0 : i32
          %dma_wait3A_210 = tpu.memref_slice %arg17[%dma_wait3A_208, %dma_wait3A_209] : memref<50184x32xf32, #tpu.memory_space<vmem_shared>> -> memref<128x32xf32, #tpu.memory_space<vmem_shared>>
          tpu.wait_dma2 semaphore(%arg27 : memref<!tpu.dma_semaphore, #tpu.memory_space<semaphore_mem>>) src(%arg14 : memref<128x32xf32, #tpu.memory_space<vmem>>) dst(%dma_wait3A_210 : memref<128x32xf32, #tpu.memory_space<vmem_shared>>)
        } else {
        }
        %add3A_123 = arith.constant 2 : i32
        %add3A_124 = arith.addi %add3A_117, %add3A_123 : i32
        %lt3A_125 = arith.constant 40 : i32
        %lt3A_126 = arith.cmpi slt, %add3A_124, %lt3A_125 : i32
        %convert_element_type3A_127 = arith.extui %lt3A_126 : i1 to i32
        %cond3A_128 = arith.constant 0 : i32
        %cond3A_129 = arith.cmpi ne, %convert_element_type3A_127, %cond3A_128 : i32
        scf.if %cond3A_129 {
          %add3A_205 = arith.constant 2 : i32
          %add3A_206 = arith.addi %add3A_117, %add3A_205 : i32
          %dma_start3A_207 = arith.constant 0 : i32
          %dma_start3A_208 = tpu.memref_slice %arg9[%add3A_206, %dma_start3A_207] : memref<40x128xi32, #tpu.memory_space<vmem>> -> memref<1x128xi32, #tpu.memory_space<vmem>>
          %dma_start3A_209 = tpu.memref_squeeze %dma_start3A_208 : memref<1x128xi32, #tpu.memory_space<vmem>> -> memref<128xi32, #tpu.memory_space<vmem>>
          %dma_start3A_210 = arith.constant 0 : i32
          %dma_start3A_211 = arith.constant 0 : i32
          %dma_start3A_212 = tpu.memref_slice %arg2[%arg0, %dma_start3A_210, %dma_start3A_211] : memref<2x50176x32xf32, #tpu.memory_space<hbm>> -> memref<1x50176x32xf32, #tpu.memory_space<hbm>>
          %dma_start3A_213 = tpu.memref_squeeze %dma_start3A_212 : memref<1x50176x32xf32, #tpu.memory_space<hbm>> -> memref<50176x32xf32, #tpu.memory_space<hbm>>
          %dma_start3A_214 = arith.constant 0 : i32
          %dma_start3A_215 = arith.constant 0 : i32
          %dma_start3A_216 = tpu.memref_slice %dma_start3A_213[%dma_start3A_214, %dma_start3A_215] : memref<50176x32xf32, #tpu.memory_space<hbm>> -> memref<50176x32xf32, #tpu.memory_space<hbm>>
          tpu.enqueue_indirect_dma source(%dma_start3A_216 : memref<50176x32xf32, #tpu.memory_space<hbm>>) target(%arg14 : memref<128x32xf32, #tpu.memory_space<vmem>>) offsets(%dma_start3A_209 : memref<128xi32, #tpu.memory_space<vmem>>) semaphore(%arg23 : memref<!tpu.dma_semaphore, #tpu.memory_space<semaphore_mem>>)
        } else {
        }
        %dma_wait3A_130 = arith.constant 0 : i32
        %dma_wait3A_131 = arith.constant 0 : i32
        %dma_wait3A_132 = tpu.memref_slice %arg2[%arg0, %dma_wait3A_130, %dma_wait3A_131] : memref<2x50176x32xf32, #tpu.memory_space<hbm>> -> memref<1x128x32xf32, #tpu.memory_space<hbm>>
        %dma_wait3A_133 = tpu.memref_squeeze %dma_wait3A_132 : memref<1x128x32xf32, #tpu.memory_space<hbm>> -> memref<128x32xf32, #tpu.memory_space<hbm>>
        %dma_wait3A_134 = arith.constant 0 : i32
        %dma_wait3A_135 = arith.constant 0 : i32
        %dma_wait3A_136 = tpu.memref_slice %arg2[%arg0, %dma_wait3A_134, %dma_wait3A_135] : memref<2x50176x32xf32, #tpu.memory_space<hbm>> -> memref<1x128x32xf32, #tpu.memory_space<hbm>>
        %dma_wait3A_137 = tpu.memref_squeeze %dma_wait3A_136 : memref<1x128x32xf32, #tpu.memory_space<hbm>> -> memref<128x32xf32, #tpu.memory_space<hbm>>
        tpu.wait_dma2 semaphore(%arg21 : memref<!tpu.dma_semaphore, #tpu.memory_space<semaphore_mem>>) src(%dma_wait3A_137 : memref<128x32xf32, #tpu.memory_space<hbm>>) dst(%arg12 : memref<128x32xf32, #tpu.memory_space<vmem>>)
        %dma_start3A_138 = arith.constant 0 : i32
        %dma_start3A_139 = tpu.memref_slice %arg10[%add3A_117, %dma_start3A_138] : memref<40x128xi32, #tpu.memory_space<vmem>> -> memref<1x128xi32, #tpu.memory_space<vmem>>
        %dma_start3A_140 = tpu.memref_squeeze %dma_start3A_139 : memref<1x128xi32, #tpu.memory_space<vmem>> -> memref<128xi32, #tpu.memory_space<vmem>>
        %dma_start3A_141 = arith.constant 0 : i32
        %dma_start3A_142 = arith.constant 0 : i32
        %dma_start3A_143 = tpu.memref_slice %arg17[%dma_start3A_141, %dma_start3A_142] : memref<50184x32xf32, #tpu.memory_space<vmem_shared>> -> memref<50184x32xf32, #tpu.memory_space<vmem_shared>>
        tpu.enqueue_indirect_dma source(%arg12 : memref<128x32xf32, #tpu.memory_space<vmem>>) target(%dma_start3A_143 : memref<50184x32xf32, #tpu.memory_space<vmem_shared>>) offsets(%dma_start3A_140 : memref<128xi32, #tpu.memory_space<vmem>>) semaphore(%arg25 : memref<!tpu.dma_semaphore, #tpu.memory_space<semaphore_mem>>) {add = true}
        %mul3A_144 = arith.constant 4 : i32
        %mul3A_145 = arith.muli %mul3A_144, %scan3A_84 : i32
        %add3A_146 = arith.constant 2 : i32
        %add3A_147 = arith.addi %mul3A_145, %add3A_146 : i32
        %ge3A_148 = arith.constant 2 : i32
        %ge3A_149 = arith.cmpi sge, %add3A_147, %ge3A_148 : i32
        %convert_element_type3A_150 = arith.extui %ge3A_149 : i1 to i32
        %cond3A_151 = arith.constant 0 : i32
        %cond3A_152 = arith.cmpi ne, %convert_element_type3A_150, %cond3A_151 : i32
        scf.if %cond3A_152 {
          %dma_wait3A_205 = arith.constant 0 : i32
          %dma_wait3A_206 = arith.constant 0 : i32
          %dma_wait3A_207 = tpu.memref_slice %arg17[%dma_wait3A_205, %dma_wait3A_206] : memref<50184x32xf32, #tpu.memory_space<vmem_shared>> -> memref<128x32xf32, #tpu.memory_space<vmem_shared>>
          %dma_wait3A_208 = arith.constant 0 : i32
          %dma_wait3A_209 = arith.constant 0 : i32
          %dma_wait3A_210 = tpu.memref_slice %arg17[%dma_wait3A_208, %dma_wait3A_209] : memref<50184x32xf32, #tpu.memory_space<vmem_shared>> -> memref<128x32xf32, #tpu.memory_space<vmem_shared>>
          tpu.wait_dma2 semaphore(%arg24 : memref<!tpu.dma_semaphore, #tpu.memory_space<semaphore_mem>>) src(%arg11 : memref<128x32xf32, #tpu.memory_space<vmem>>) dst(%dma_wait3A_210 : memref<128x32xf32, #tpu.memory_space<vmem_shared>>)
        } else {
        }
        %add3A_153 = arith.constant 2 : i32
        %add3A_154 = arith.addi %add3A_147, %add3A_153 : i32
        %lt3A_155 = arith.constant 40 : i32
        %lt3A_156 = arith.cmpi slt, %add3A_154, %lt3A_155 : i32
        %convert_element_type3A_157 = arith.extui %lt3A_156 : i1 to i32
        %cond3A_158 = arith.constant 0 : i32
        %cond3A_159 = arith.cmpi ne, %convert_element_type3A_157, %cond3A_158 : i32
        scf.if %cond3A_159 {
          %add3A_205 = arith.constant 2 : i32
          %add3A_206 = arith.addi %add3A_147, %add3A_205 : i32
          %dma_start3A_207 = arith.constant 0 : i32
          %dma_start3A_208 = tpu.memref_slice %arg9[%add3A_206, %dma_start3A_207] : memref<40x128xi32, #tpu.memory_space<vmem>> -> memref<1x128xi32, #tpu.memory_space<vmem>>
          %dma_start3A_209 = tpu.memref_squeeze %dma_start3A_208 : memref<1x128xi32, #tpu.memory_space<vmem>> -> memref<128xi32, #tpu.memory_space<vmem>>
          %dma_start3A_210 = arith.constant 0 : i32
          %dma_start3A_211 = arith.constant 0 : i32
          %dma_start3A_212 = tpu.memref_slice %arg2[%arg0, %dma_start3A_210, %dma_start3A_211] : memref<2x50176x32xf32, #tpu.memory_space<hbm>> -> memref<1x50176x32xf32, #tpu.memory_space<hbm>>
          %dma_start3A_213 = tpu.memref_squeeze %dma_start3A_212 : memref<1x50176x32xf32, #tpu.memory_space<hbm>> -> memref<50176x32xf32, #tpu.memory_space<hbm>>
          %dma_start3A_214 = arith.constant 0 : i32
          %dma_start3A_215 = arith.constant 0 : i32
          %dma_start3A_216 = tpu.memref_slice %dma_start3A_213[%dma_start3A_214, %dma_start3A_215] : memref<50176x32xf32, #tpu.memory_space<hbm>> -> memref<50176x32xf32, #tpu.memory_space<hbm>>
          tpu.enqueue_indirect_dma source(%dma_start3A_216 : memref<50176x32xf32, #tpu.memory_space<hbm>>) target(%arg11 : memref<128x32xf32, #tpu.memory_space<vmem>>) offsets(%dma_start3A_209 : memref<128xi32, #tpu.memory_space<vmem>>) semaphore(%arg20 : memref<!tpu.dma_semaphore, #tpu.memory_space<semaphore_mem>>)
        } else {
        }
        %dma_wait3A_160 = arith.constant 0 : i32
        %dma_wait3A_161 = arith.constant 0 : i32
        %dma_wait3A_162 = tpu.memref_slice %arg2[%arg0, %dma_wait3A_160, %dma_wait3A_161] : memref<2x50176x32xf32, #tpu.memory_space<hbm>> -> memref<1x128x32xf32, #tpu.memory_space<hbm>>
        %dma_wait3A_163 = tpu.memref_squeeze %dma_wait3A_162 : memref<1x128x32xf32, #tpu.memory_space<hbm>> -> memref<128x32xf32, #tpu.memory_space<hbm>>
        %dma_wait3A_164 = arith.constant 0 : i32
        %dma_wait3A_165 = arith.constant 0 : i32
        %dma_wait3A_166 = tpu.memref_slice %arg2[%arg0, %dma_wait3A_164, %dma_wait3A_165] : memref<2x50176x32xf32, #tpu.memory_space<hbm>> -> memref<1x128x32xf32, #tpu.memory_space<hbm>>
        %dma_wait3A_167 = tpu.memref_squeeze %dma_wait3A_166 : memref<1x128x32xf32, #tpu.memory_space<hbm>> -> memref<128x32xf32, #tpu.memory_space<hbm>>
        tpu.wait_dma2 semaphore(%arg22 : memref<!tpu.dma_semaphore, #tpu.memory_space<semaphore_mem>>) src(%dma_wait3A_167 : memref<128x32xf32, #tpu.memory_space<hbm>>) dst(%arg13 : memref<128x32xf32, #tpu.memory_space<vmem>>)
        %dma_start3A_168 = arith.constant 0 : i32
        %dma_start3A_169 = tpu.memref_slice %arg10[%add3A_147, %dma_start3A_168] : memref<40x128xi32, #tpu.memory_space<vmem>> -> memref<1x128xi32, #tpu.memory_space<vmem>>
        %dma_start3A_170 = tpu.memref_squeeze %dma_start3A_169 : memref<1x128xi32, #tpu.memory_space<vmem>> -> memref<128xi32, #tpu.memory_space<vmem>>
        %dma_start3A_171 = arith.constant 0 : i32
        %dma_start3A_172 = arith.constant 0 : i32
        %dma_start3A_173 = tpu.memref_slice %arg17[%dma_start3A_171, %dma_start3A_172] : memref<50184x32xf32, #tpu.memory_space<vmem_shared>> -> memref<50184x32xf32, #tpu.memory_space<vmem_shared>>
        tpu.enqueue_indirect_dma source(%arg13 : memref<128x32xf32, #tpu.memory_space<vmem>>) target(%dma_start3A_173 : memref<50184x32xf32, #tpu.memory_space<vmem_shared>>) offsets(%dma_start3A_170 : memref<128xi32, #tpu.memory_space<vmem>>) semaphore(%arg26 : memref<!tpu.dma_semaphore, #tpu.memory_space<semaphore_mem>>) {add = true}
        %mul3A_174 = arith.constant 4 : i32
        %mul3A_175 = arith.muli %mul3A_174, %scan3A_84 : i32
        %add3A_176 = arith.constant 3 : i32
        %add3A_177 = arith.addi %mul3A_175, %add3A_176 : i32
        %ge3A_178 = arith.constant 2 : i32
        %ge3A_179 = arith.cmpi sge, %add3A_177, %ge3A_178 : i32
        %convert_element_type3A_180 = arith.extui %ge3A_179 : i1 to i32
        %cond3A_181 = arith.constant 0 : i32
        %cond3A_182 = arith.cmpi ne, %convert_element_type3A_180, %cond3A_181 : i32
        scf.if %cond3A_182 {
          %dma_wait3A_205 = arith.constant 0 : i32
          %dma_wait3A_206 = arith.constant 0 : i32
          %dma_wait3A_207 = tpu.memref_slice %arg17[%dma_wait3A_205, %dma_wait3A_206] : memref<50184x32xf32, #tpu.memory_space<vmem_shared>> -> memref<128x32xf32, #tpu.memory_space<vmem_shared>>
          %dma_wait3A_208 = arith.constant 0 : i32
          %dma_wait3A_209 = arith.constant 0 : i32
          %dma_wait3A_210 = tpu.memref_slice %arg17[%dma_wait3A_208, %dma_wait3A_209] : memref<50184x32xf32, #tpu.memory_space<vmem_shared>> -> memref<128x32xf32, #tpu.memory_space<vmem_shared>>
          tpu.wait_dma2 semaphore(%arg25 : memref<!tpu.dma_semaphore, #tpu.memory_space<semaphore_mem>>) src(%arg12 : memref<128x32xf32, #tpu.memory_space<vmem>>) dst(%dma_wait3A_210 : memref<128x32xf32, #tpu.memory_space<vmem_shared>>)
        } else {
        }
        %add3A_183 = arith.constant 2 : i32
        %add3A_184 = arith.addi %add3A_177, %add3A_183 : i32
        %lt3A_185 = arith.constant 40 : i32
        %lt3A_186 = arith.cmpi slt, %add3A_184, %lt3A_185 : i32
        %convert_element_type3A_187 = arith.extui %lt3A_186 : i1 to i32
        %cond3A_188 = arith.constant 0 : i32
        %cond3A_189 = arith.cmpi ne, %convert_element_type3A_187, %cond3A_188 : i32
        scf.if %cond3A_189 {
          %add3A_205 = arith.constant 2 : i32
          %add3A_206 = arith.addi %add3A_177, %add3A_205 : i32
          %dma_start3A_207 = arith.constant 0 : i32
          %dma_start3A_208 = tpu.memref_slice %arg9[%add3A_206, %dma_start3A_207] : memref<40x128xi32, #tpu.memory_space<vmem>> -> memref<1x128xi32, #tpu.memory_space<vmem>>
          %dma_start3A_209 = tpu.memref_squeeze %dma_start3A_208 : memref<1x128xi32, #tpu.memory_space<vmem>> -> memref<128xi32, #tpu.memory_space<vmem>>
          %dma_start3A_210 = arith.constant 0 : i32
          %dma_start3A_211 = arith.constant 0 : i32
          %dma_start3A_212 = tpu.memref_slice %arg2[%arg0, %dma_start3A_210, %dma_start3A_211] : memref<2x50176x32xf32, #tpu.memory_space<hbm>> -> memref<1x50176x32xf32, #tpu.memory_space<hbm>>
          %dma_start3A_213 = tpu.memref_squeeze %dma_start3A_212 : memref<1x50176x32xf32, #tpu.memory_space<hbm>> -> memref<50176x32xf32, #tpu.memory_space<hbm>>
          %dma_start3A_214 = arith.constant 0 : i32
          %dma_start3A_215 = arith.constant 0 : i32
          %dma_start3A_216 = tpu.memref_slice %dma_start3A_213[%dma_start3A_214, %dma_start3A_215] : memref<50176x32xf32, #tpu.memory_space<hbm>> -> memref<50176x32xf32, #tpu.memory_space<hbm>>
          tpu.enqueue_indirect_dma source(%dma_start3A_216 : memref<50176x32xf32, #tpu.memory_space<hbm>>) target(%arg12 : memref<128x32xf32, #tpu.memory_space<vmem>>) offsets(%dma_start3A_209 : memref<128xi32, #tpu.memory_space<vmem>>) semaphore(%arg21 : memref<!tpu.dma_semaphore, #tpu.memory_space<semaphore_mem>>)
        } else {
        }
        %dma_wait3A_190 = arith.constant 0 : i32
        %dma_wait3A_191 = arith.constant 0 : i32
        %dma_wait3A_192 = tpu.memref_slice %arg2[%arg0, %dma_wait3A_190, %dma_wait3A_191] : memref<2x50176x32xf32, #tpu.memory_space<hbm>> -> memref<1x128x32xf32, #tpu.memory_space<hbm>>
        %dma_wait3A_193 = tpu.memref_squeeze %dma_wait3A_192 : memref<1x128x32xf32, #tpu.memory_space<hbm>> -> memref<128x32xf32, #tpu.memory_space<hbm>>
        %dma_wait3A_194 = arith.constant 0 : i32
        %dma_wait3A_195 = arith.constant 0 : i32
        %dma_wait3A_196 = tpu.memref_slice %arg2[%arg0, %dma_wait3A_194, %dma_wait3A_195] : memref<2x50176x32xf32, #tpu.memory_space<hbm>> -> memref<1x128x32xf32, #tpu.memory_space<hbm>>
        %dma_wait3A_197 = tpu.memref_squeeze %dma_wait3A_196 : memref<1x128x32xf32, #tpu.memory_space<hbm>> -> memref<128x32xf32, #tpu.memory_space<hbm>>
        tpu.wait_dma2 semaphore(%arg23 : memref<!tpu.dma_semaphore, #tpu.memory_space<semaphore_mem>>) src(%dma_wait3A_197 : memref<128x32xf32, #tpu.memory_space<hbm>>) dst(%arg14 : memref<128x32xf32, #tpu.memory_space<vmem>>)
        %dma_start3A_198 = arith.constant 0 : i32
        %dma_start3A_199 = tpu.memref_slice %arg10[%add3A_177, %dma_start3A_198] : memref<40x128xi32, #tpu.memory_space<vmem>> -> memref<1x128xi32, #tpu.memory_space<vmem>>
        %dma_start3A_200 = tpu.memref_squeeze %dma_start3A_199 : memref<1x128xi32, #tpu.memory_space<vmem>> -> memref<128xi32, #tpu.memory_space<vmem>>
        %dma_start3A_201 = arith.constant 0 : i32
        %dma_start3A_202 = arith.constant 0 : i32
        %dma_start3A_203 = tpu.memref_slice %arg17[%dma_start3A_201, %dma_start3A_202] : memref<50184x32xf32, #tpu.memory_space<vmem_shared>> -> memref<50184x32xf32, #tpu.memory_space<vmem_shared>>
        tpu.enqueue_indirect_dma source(%arg14 : memref<128x32xf32, #tpu.memory_space<vmem>>) target(%dma_start3A_203 : memref<50184x32xf32, #tpu.memory_space<vmem_shared>>) offsets(%dma_start3A_200 : memref<128xi32, #tpu.memory_space<vmem>>) semaphore(%arg27 : memref<!tpu.dma_semaphore, #tpu.memory_space<semaphore_mem>>) {add = true}
        %scan3A_204 = arith.constant 0 : i32
        scf.yield %scan3A_204 : i32
      }
      %scan3A_71 = arith.constant 10 : i32
      %dma_wait3A = arith.constant 0 : i32
      %dma_wait3A_72 = arith.constant 0 : i32
      %dma_wait3A_73 = tpu.memref_slice %arg17[%dma_wait3A, %dma_wait3A_72] : memref<50184x32xf32, #tpu.memory_space<vmem_shared>> -> memref<128x32xf32, #tpu.memory_space<vmem_shared>>
      %dma_wait3A_74 = arith.constant 0 : i32
      %dma_wait3A_75 = arith.constant 0 : i32
      %dma_wait3A_76 = tpu.memref_slice %arg17[%dma_wait3A_74, %dma_wait3A_75] : memref<50184x32xf32, #tpu.memory_space<vmem_shared>> -> memref<128x32xf32, #tpu.memory_space<vmem_shared>>
      tpu.wait_dma2 semaphore(%arg26 : memref<!tpu.dma_semaphore, #tpu.memory_space<semaphore_mem>>) src(%arg13 : memref<128x32xf32, #tpu.memory_space<vmem>>) dst(%dma_wait3A_76 : memref<128x32xf32, #tpu.memory_space<vmem_shared>>)
      %dma_wait3A_77 = arith.constant 0 : i32
      %dma_wait3A_78 = arith.constant 0 : i32
      %dma_wait3A_79 = tpu.memref_slice %arg17[%dma_wait3A_77, %dma_wait3A_78] : memref<50184x32xf32, #tpu.memory_space<vmem_shared>> -> memref<128x32xf32, #tpu.memory_space<vmem_shared>>
      %dma_wait3A_80 = arith.constant 0 : i32
      %dma_wait3A_81 = arith.constant 0 : i32
      %dma_wait3A_82 = tpu.memref_slice %arg17[%dma_wait3A_80, %dma_wait3A_81] : memref<50184x32xf32, #tpu.memory_space<vmem_shared>> -> memref<128x32xf32, #tpu.memory_space<vmem_shared>>
      tpu.wait_dma2 semaphore(%arg27 : memref<!tpu.dma_semaphore, #tpu.memory_space<semaphore_mem>>) src(%arg14 : memref<128x32xf32, #tpu.memory_space<vmem>>) dst(%dma_wait3A_82 : memref<128x32xf32, #tpu.memory_space<vmem_shared>>)
      %scan3A_83 = arith.constant 0 : i32
      scf.yield %scan3A_83 : i32
    }
    %scan3A_8 = arith.constant 10 : i32
    %scan3A_9 = arith.constant 0 : i32
    %scan3A_10 = arith.constant 0 : i32
    %scan3A_11 = arith.constant 40 : i32
    %scan3A_12 = arith.addi %scan3A_10, %scan3A_11 : i32
    %scan3A_13 = arith.constant 1 : i32
    %scan3A_14 = scf.for %scan3A_38 = %scan3A_10 to %scan3A_12 step %scan3A_13 iter_args(%scan3A_39 = %scan3A_9) -> (i32)  : i32 {
      %broadcast_in_dim3A = arith.constant 0.000000e+00 : f32
      %broadcast_in_dim3A_40 = vector.broadcast %broadcast_in_dim3A : f32 to vector<16xf32>
      %swap3A = arith.index_cast %scan3A_38 : i32 to index
      %swap3A_41 = arith.constant 0 : index
      %swap3A_42 = tpu.vector_load %arg14[%swap3A, %swap3A_41] {strides = array<i32>} : memref<128x32xf32, #tpu.memory_space<vmem>>, vector<1x16xf32>,
      %swap3A_43 = vector.shape_cast %swap3A_42 : vector<1x16xf32> to vector<16xf32>
      %swap3A_44 = vector.shape_cast %broadcast_in_dim3A_40 : vector<16xf32> to vector<1x16xf32>
      tpu.vector_store %arg14[%swap3A, %swap3A_41], %swap3A_44 {strides = array<i32>} : memref<128x32xf32, #tpu.memory_space<vmem>>, vector<1x16xf32>,
      %broadcast_in_dim3A_45 = arith.constant 0.000000e+00 : f32
      %broadcast_in_dim3A_46 = vector.broadcast %broadcast_in_dim3A_45 : f32 to vector<16xf32>
      %swap3A_47 = arith.index_cast %scan3A_38 : i32 to index
      %swap3A_48 = arith.constant 16 : index
      %swap3A_49 = tpu.vector_load %arg14[%swap3A_47, %swap3A_48] {strides = array<i32>} : memref<128x32xf32, #tpu.memory_space<vmem>>, vector<1x16xf32>,
      %swap3A_50 = vector.shape_cast %swap3A_49 : vector<1x16xf32> to vector<16xf32>
      %swap3A_51 = vector.shape_cast %broadcast_in_dim3A_46 : vector<16xf32> to vector<1x16xf32>
      tpu.vector_store %arg14[%swap3A_47, %swap3A_48], %swap3A_51 {strides = array<i32>} : memref<128x32xf32, #tpu.memory_space<vmem>>, vector<1x16xf32>,
      %scan3A_52 = arith.constant 0 : i32
      scf.yield %scan3A_52 : i32
    }
    %scan3A_15 = arith.constant 40 : i32
    %mul3A_16 = arith.constant 40 : i32
    %mul3A_17 = arith.muli %arg1, %mul3A_16 : i32
    "tpu.region"() ({
      %run_scoped3A = tpu.sem_alloc : memref<!tpu.dma_semaphore, #tpu.memory_space<semaphore_mem>>
      %dma_start3A = arith.constant 0 : i32
      %dma_start3A_38 = arith.constant 0 : i32
      %dma_start3A_39 = tpu.memref_slice %arg14[%dma_start3A, %dma_start3A_38] : memref<128x32xf32, #tpu.memory_space<vmem>> -> memref<40x32xf32, #tpu.memory_space<vmem>>
      %dma_start3A_40 = arith.constant 0 : i32
      %dma_start3A_41 = tpu.memref_slice %arg18[%mul3A_17, %dma_start3A_40] : memref<640x32xf32, #tpu.memory_space<vmem_shared>> -> memref<40x32xf32, #tpu.memory_space<vmem_shared>>
      %dma_start3A_42 = arith.constant 0 : i32
      %dma_start3A_43 = tpu.memref_slice %arg18[%mul3A_17, %dma_start3A_42] : memref<640x32xf32, #tpu.memory_space<vmem_shared>> -> memref<40x32xf32, #tpu.memory_space<vmem_shared>>
      %dma_start3A_44 = arith.constant 0 : i32
      %dma_start3A_45 = arith.constant 0 : i32
      %dma_start3A_46 = tpu.memref_slice %arg14[%dma_start3A_44, %dma_start3A_45] : memref<128x32xf32, #tpu.memory_space<vmem>> -> memref<40x32xf32, #tpu.memory_space<vmem>>
      tpu.enqueue_dma source(%dma_start3A_46 : memref<40x32xf32, #tpu.memory_space<vmem>>) target(%dma_start3A_43 : memref<40x32xf32, #tpu.memory_space<vmem_shared>>) target_semaphore(%run_scoped3A : memref<!tpu.dma_semaphore, #tpu.memory_space<semaphore_mem>>)
      %dma_wait3A = arith.constant 0 : i32
      %dma_wait3A_47 = arith.constant 0 : i32
      %dma_wait3A_48 = tpu.memref_slice %arg14[%dma_wait3A, %dma_wait3A_47] : memref<128x32xf32, #tpu.memory_space<vmem>> -> memref<40x32xf32, #tpu.memory_space<vmem>>
      %dma_wait3A_49 = arith.constant 0 : i32
      %dma_wait3A_50 = tpu.memref_slice %arg18[%mul3A_17, %dma_wait3A_49] : memref<640x32xf32, #tpu.memory_space<vmem_shared>> -> memref<40x32xf32, #tpu.memory_space<vmem_shared>>
      %dma_wait3A_51 = arith.constant 0 : i32
      %dma_wait3A_52 = tpu.memref_slice %arg18[%mul3A_17, %dma_wait3A_51] : memref<640x32xf32, #tpu.memory_space<vmem_shared>> -> memref<40x32xf32, #tpu.memory_space<vmem_shared>>
      %dma_wait3A_53 = arith.constant 0 : i32
      %dma_wait3A_54 = arith.constant 0 : i32
      %dma_wait3A_55 = tpu.memref_slice %arg14[%dma_wait3A_53, %dma_wait3A_54] : memref<128x32xf32, #tpu.memory_space<vmem>> -> memref<40x32xf32, #tpu.memory_space<vmem>>
      tpu.wait_dma2 semaphore(%run_scoped3A : memref<!tpu.dma_semaphore, #tpu.memory_space<semaphore_mem>>) src(%dma_wait3A_55 : memref<40x32xf32, #tpu.memory_space<vmem>>) dst(%dma_wait3A_52 : memref<40x32xf32, #tpu.memory_space<vmem_shared>>)
      tpu.yield
    }) : () -> ()
    %mul3A_18 = arith.constant 40 : i32
    %mul3A_19 = arith.muli %arg1, %mul3A_18 : i32
    "tpu.region"() ({
      %run_scoped3A = tpu.sem_alloc : memref<!tpu.dma_semaphore, #tpu.memory_space<semaphore_mem>>
      %dma_start3A = arith.constant 0 : i32
      %dma_start3A_38 = arith.constant 0 : i32
      %dma_start3A_39 = tpu.memref_slice %arg14[%dma_start3A, %dma_start3A_38] : memref<128x32xf32, #tpu.memory_space<vmem>> -> memref<40x32xf32, #tpu.memory_space<vmem>>
      %dma_start3A_40 = arith.constant 0 : i32
      %dma_start3A_41 = tpu.memref_slice %arg19[%mul3A_19, %dma_start3A_40] : memref<640x32xf32, #tpu.memory_space<vmem_shared>> -> memref<40x32xf32, #tpu.memory_space<vmem_shared>>
      %dma_start3A_42 = arith.constant 0 : i32
      %dma_start3A_43 = tpu.memref_slice %arg19[%mul3A_19, %dma_start3A_42] : memref<640x32xf32, #tpu.memory_space<vmem_shared>> -> memref<40x32xf32, #tpu.memory_space<vmem_shared>>
      %dma_start3A_44 = arith.constant 0 : i32
      %dma_start3A_45 = arith.constant 0 : i32
      %dma_start3A_46 = tpu.memref_slice %arg14[%dma_start3A_44, %dma_start3A_45] : memref<128x32xf32, #tpu.memory_space<vmem>> -> memref<40x32xf32, #tpu.memory_space<vmem>>
      tpu.enqueue_dma source(%dma_start3A_46 : memref<40x32xf32, #tpu.memory_space<vmem>>) target(%dma_start3A_43 : memref<40x32xf32, #tpu.memory_space<vmem_shared>>) target_semaphore(%run_scoped3A : memref<!tpu.dma_semaphore, #tpu.memory_space<semaphore_mem>>)
      %dma_wait3A = arith.constant 0 : i32
      %dma_wait3A_47 = arith.constant 0 : i32
      %dma_wait3A_48 = tpu.memref_slice %arg14[%dma_wait3A, %dma_wait3A_47] : memref<128x32xf32, #tpu.memory_space<vmem>> -> memref<40x32xf32, #tpu.memory_space<vmem>>
      %dma_wait3A_49 = arith.constant 0 : i32
      %dma_wait3A_50 = tpu.memref_slice %arg19[%mul3A_19, %dma_wait3A_49] : memref<640x32xf32, #tpu.memory_space<vmem_shared>> -> memref<40x32xf32, #tpu.memory_space<vmem_shared>>
      %dma_wait3A_51 = arith.constant 0 : i32
      %dma_wait3A_52 = tpu.memref_slice %arg19[%mul3A_19, %dma_wait3A_51] : memref<640x32xf32, #tpu.memory_space<vmem_shared>> -> memref<40x32xf32, #tpu.memory_space<vmem_shared>>
      %dma_wait3A_53 = arith.constant 0 : i32
      %dma_wait3A_54 = arith.constant 0 : i32
      %dma_wait3A_55 = tpu.memref_slice %arg14[%dma_wait3A_53, %dma_wait3A_54] : memref<128x32xf32, #tpu.memory_space<vmem>> -> memref<40x32xf32, #tpu.memory_space<vmem>>
      tpu.wait_dma2 semaphore(%run_scoped3A : memref<!tpu.dma_semaphore, #tpu.memory_space<semaphore_mem>>) src(%dma_wait3A_55 : memref<40x32xf32, #tpu.memory_space<vmem>>) dst(%dma_wait3A_52 : memref<40x32xf32, #tpu.memory_space<vmem_shared>>)
      tpu.yield
    }) : () -> ()
    %scan3A_20 = arith.constant 0 : i32
    %scan3A_21 = arith.constant 0 : i32
    %scan3A_22 = arith.constant 112 : i32
    %scan3A_23 = arith.addi %scan3A_21, %scan3A_22 : i32
    %scan3A_24 = arith.constant 1 : i32
    %scan3A_25 = scf.for %scan3A_38 = %scan3A_21 to %scan3A_23 step %scan3A_24 iter_args(%scan3A_39 = %scan3A_20) -> (i32)  : i32 {
      %broadcast_in_dim3A = arith.constant 1.000000e+00 : f32
      %broadcast_in_dim3A_40 = vector.broadcast %broadcast_in_dim3A : f32 to vector<16xf32>
      %swap3A = arith.index_cast %scan3A_38 : i32 to index
      %swap3A_41 = arith.constant 0 : index
      %swap3A_42 = tpu.vector_load %arg13[%swap3A, %swap3A_41] {strides = array<i32>} : memref<128x32xf32, #tpu.memory_space<vmem>>, vector<1x16xf32>,
      %swap3A_43 = vector.shape_cast %swap3A_42 : vector<1x16xf32> to vector<16xf32>
      %swap3A_44 = vector.shape_cast %broadcast_in_dim3A_40 : vector<16xf32> to vector<1x16xf32>
      tpu.vector_store %arg13[%swap3A, %swap3A_41], %swap3A_44 {strides = array<i32>} : memref<128x32xf32, #tpu.memory_space<vmem>>, vector<1x16xf32>,
      %broadcast_in_dim3A_45 = arith.constant 1.000000e+00 : f32
      %broadcast_in_dim3A_46 = vector.broadcast %broadcast_in_dim3A_45 : f32 to vector<16xf32>
      %swap3A_47 = arith.index_cast %scan3A_38 : i32 to index
      %swap3A_48 = arith.constant 16 : index
      %swap3A_49 = tpu.vector_load %arg13[%swap3A_47, %swap3A_48] {strides = array<i32>} : memref<128x32xf32, #tpu.memory_space<vmem>>, vector<1x16xf32>,
      %swap3A_50 = vector.shape_cast %swap3A_49 : vector<1x16xf32> to vector<16xf32>
      %swap3A_51 = vector.shape_cast %broadcast_in_dim3A_46 : vector<16xf32> to vector<1x16xf32>
      tpu.vector_store %arg13[%swap3A_47, %swap3A_48], %swap3A_51 {strides = array<i32>} : memref<128x32xf32, #tpu.memory_space<vmem>>, vector<1x16xf32>,
      %scan3A_52 = arith.constant 0 : i32
      scf.yield %scan3A_52 : i32
    }
    %scan3A_26 = arith.constant 112 : i32
    %barrier3A_27 = arith.constant 0 : index
    tpu.barrier barrier_id(%barrier3A_27)
    %scan3A_28 = arith.constant 0 : i32
    %scan3A_29 = arith.constant 0 : i32
    %scan3A_30 = arith.constant 28 : i32
    %scan3A_31 = arith.addi %scan3A_29, %scan3A_30 : i32
    %scan3A_32 = arith.constant 1 : i32
    %scan3A_33 = scf.for %scan3A_38 = %scan3A_29 to %scan3A_31 step %scan3A_32 iter_args(%scan3A_39 = %scan3A_28) -> (i32)  : i32 {
      %mul3A_40 = arith.constant 3136 : i32
      %mul3A_41 = arith.muli %arg1, %mul3A_40 : i32
      %mul3A_42 = arith.constant 112 : i32
      %mul3A_43 = arith.muli %scan3A_38, %mul3A_42 : i32
      %add3A = arith.addi %mul3A_41, %mul3A_43 : i32
      "tpu.region"() ({
        %run_scoped3A = tpu.sem_alloc : memref<!tpu.dma_semaphore, #tpu.memory_space<semaphore_mem>>
        %dma_start3A = arith.constant 0 : i32
        %dma_start3A_57 = arith.constant 0 : i32
        %dma_start3A_58 = tpu.memref_slice %arg11[%dma_start3A, %dma_start3A_57] : memref<128x32xf32, #tpu.memory_space<vmem>> -> memref<112x32xf32, #tpu.memory_space<vmem>>
        %dma_start3A_59 = arith.constant 0 : i32
        %dma_start3A_60 = tpu.memref_slice %arg17[%add3A, %dma_start3A_59] : memref<50184x32xf32, #tpu.memory_space<vmem_shared>> -> memref<112x32xf32, #tpu.memory_space<vmem_shared>>
        %dma_start3A_61 = arith.constant 0 : i32
        %dma_start3A_62 = arith.constant 0 : i32
        %dma_start3A_63 = tpu.memref_slice %arg11[%dma_start3A_61, %dma_start3A_62] : memref<128x32xf32, #tpu.memory_space<vmem>> -> memref<112x32xf32, #tpu.memory_space<vmem>>
        %dma_start3A_64 = arith.constant 0 : i32
        %dma_start3A_65 = tpu.memref_slice %arg17[%add3A, %dma_start3A_64] : memref<50184x32xf32, #tpu.memory_space<vmem_shared>> -> memref<112x32xf32, #tpu.memory_space<vmem_shared>>
        tpu.enqueue_dma source(%dma_start3A_65 : memref<112x32xf32, #tpu.memory_space<vmem_shared>>) target(%dma_start3A_63 : memref<112x32xf32, #tpu.memory_space<vmem>>) target_semaphore(%run_scoped3A : memref<!tpu.dma_semaphore, #tpu.memory_space<semaphore_mem>>)
        %dma_wait3A = arith.constant 0 : i32
        %dma_wait3A_66 = arith.constant 0 : i32
        %dma_wait3A_67 = tpu.memref_slice %arg11[%dma_wait3A, %dma_wait3A_66] : memref<128x32xf32, #tpu.memory_space<vmem>> -> memref<112x32xf32, #tpu.memory_space<vmem>>
        %dma_wait3A_68 = arith.constant 0 : i32
        %dma_wait3A_69 = tpu.memref_slice %arg17[%add3A, %dma_wait3A_68] : memref<50184x32xf32, #tpu.memory_space<vmem_shared>> -> memref<112x32xf32, #tpu.memory_space<vmem_shared>>
        %dma_wait3A_70 = arith.constant 0 : i32
        %dma_wait3A_71 = arith.constant 0 : i32
        %dma_wait3A_72 = tpu.memref_slice %arg11[%dma_wait3A_70, %dma_wait3A_71] : memref<128x32xf32, #tpu.memory_space<vmem>> -> memref<112x32xf32, #tpu.memory_space<vmem>>
        %dma_wait3A_73 = arith.constant 0 : i32
        %dma_wait3A_74 = tpu.memref_slice %arg17[%add3A, %dma_wait3A_73] : memref<50184x32xf32, #tpu.memory_space<vmem_shared>> -> memref<112x32xf32, #tpu.memory_space<vmem_shared>>
        tpu.wait_dma2 semaphore(%run_scoped3A : memref<!tpu.dma_semaphore, #tpu.memory_space<semaphore_mem>>) src(%dma_wait3A_74 : memref<112x32xf32, #tpu.memory_space<vmem_shared>>) dst(%dma_wait3A_72 : memref<112x32xf32, #tpu.memory_space<vmem>>)
        tpu.yield
      }) : () -> ()
      "tpu.region"() ({
        %run_scoped3A = tpu.sem_alloc : memref<!tpu.dma_semaphore, #tpu.memory_space<semaphore_mem>>
        %dma_start3A = tpu.memref_slice %arg5[%add3A] : memref<50176xf32, #tpu.memory_space<hbm>> -> memref<112xf32, #tpu.memory_space<hbm>>
        %dma_start3A_57 = tpu.memref_slice %arg5[%add3A] : memref<50176xf32, #tpu.memory_space<hbm>> -> memref<112xf32, #tpu.memory_space<hbm>>
        tpu.enqueue_dma source(%dma_start3A_57 : memref<112xf32, #tpu.memory_space<hbm>>) target(%arg15 : memref<112xf32, #tpu.memory_space<vmem>>) target_semaphore(%run_scoped3A : memref<!tpu.dma_semaphore, #tpu.memory_space<semaphore_mem>>)
        %dma_wait3A = tpu.memref_slice %arg5[%add3A] : memref<50176xf32, #tpu.memory_space<hbm>> -> memref<112xf32, #tpu.memory_space<hbm>>
        %dma_wait3A_58 = tpu.memref_slice %arg5[%add3A] : memref<50176xf32, #tpu.memory_space<hbm>> -> memref<112xf32, #tpu.memory_space<hbm>>
        tpu.wait_dma2 semaphore(%run_scoped3A : memref<!tpu.dma_semaphore, #tpu.memory_space<semaphore_mem>>) src(%dma_wait3A_58 : memref<112xf32, #tpu.memory_space<hbm>>) dst(%arg15 : memref<112xf32, #tpu.memory_space<vmem>>)
        tpu.yield
      }) : () -> ()
      "tpu.region"() ({
        %run_scoped3A = tpu.sem_alloc : memref<!tpu.dma_semaphore, #tpu.memory_space<semaphore_mem>>
        %dma_start3A = tpu.memref_slice %arg6[%add3A] : memref<50176xi32, #tpu.memory_space<hbm>> -> memref<112xi32, #tpu.memory_space<hbm>>
        %dma_start3A_57 = tpu.memref_slice %arg6[%add3A] : memref<50176xi32, #tpu.memory_space<hbm>> -> memref<112xi32, #tpu.memory_space<hbm>>
        tpu.enqueue_dma source(%dma_start3A_57 : memref<112xi32, #tpu.memory_space<hbm>>) target(%arg16 : memref<112xi32, #tpu.memory_space<vmem>>) target_semaphore(%run_scoped3A : memref<!tpu.dma_semaphore, #tpu.memory_space<semaphore_mem>>)
        %dma_wait3A = tpu.memref_slice %arg6[%add3A] : memref<50176xi32, #tpu.memory_space<hbm>> -> memref<112xi32, #tpu.memory_space<hbm>>
        %dma_wait3A_58 = tpu.memref_slice %arg6[%add3A] : memref<50176xi32, #tpu.memory_space<hbm>> -> memref<112xi32, #tpu.memory_space<hbm>>
        tpu.wait_dma2 semaphore(%run_scoped3A : memref<!tpu.dma_semaphore, #tpu.memory_space<semaphore_mem>>) src(%dma_wait3A_58 : memref<112xi32, #tpu.memory_space<hbm>>) dst(%arg16 : memref<112xi32, #tpu.memory_space<vmem>>)
        tpu.yield
      }) : () -> ()
      %scan3A_44 = arith.constant 0 : i32
      %scan3A_45 = arith.constant 0 : i32
      %scan3A_46 = arith.constant 7 : i32
      %scan3A_47 = arith.addi %scan3A_45, %scan3A_46 : i32
      %scan3A_48 = arith.constant 1 : i32
      %scan3A_49 = scf.for %scan3A_57 = %scan3A_45 to %scan3A_47 step %scan3A_48 iter_args(%scan3A_58 = %scan3A_44) -> (i32)  : i32 {
        %mul3A_59 = arith.constant 16 : i32
        %mul3A_60 = arith.muli %scan3A_57, %mul3A_59 : i32
        %get3A = arith.index_cast %mul3A_60 : i32 to index
        %get3A_61 = tpu.vector_load %arg15[%get3A] {strides = array<i32>} : memref<112xf32, #tpu.memory_space<vmem>>, vector<16xf32>,
        %get3A_62 = vector.shape_cast %get3A_61 : vector<16xf32> to vector<16xf32>
        %mul3A_63 = arith.constant 16 : i32
        %mul3A_64 = arith.muli %scan3A_57, %mul3A_63 : i32
        %add3A_65 = arith.constant 0 : i32
        %add3A_66 = arith.addi %mul3A_64, %add3A_65 : i32
        %slice3A = vector.extract_strided_slice %get3A_62 {offsets = [0], sizes = [1], strides = [1]} : vector<16xf32> to vector<1xf32>
        %squeeze3A = vector.extract %slice3A[0] : f32 from vector<1xf32>
        %get3A_67 = arith.index_cast %add3A_66 : i32 to index
        %get3A_68 = arith.constant 0 : index
        %get3A_69 = tpu.vector_load %arg11[%get3A_67, %get3A_68] {strides = array<i32>} : memref<128x32xf32, #tpu.memory_space<vmem>>, vector<1x16xf32>,
        %get3A_70 = vector.shape_cast %get3A_69 : vector<1x16xf32> to vector<16xf32>
        %mul3A_71 = vector.broadcast %squeeze3A : f32 to vector<16xf32>
        %mul3A_72 = arith.mulf %get3A_70, %mul3A_71 : vector<16xf32>
        %swap3A = arith.index_cast %add3A_66 : i32 to index
        %swap3A_73 = arith.constant 0 : index
        %swap3A_74 = tpu.vector_load %arg11[%swap3A, %swap3A_73] {strides = array<i32>} : memref<128x32xf32, #tpu.memory_space<vmem>>, vector<1x16xf32>,
        %swap3A_75 = vector.shape_cast %swap3A_74 : vector<1x16xf32> to vector<16xf32>
        %swap3A_76 = vector.shape_cast %mul3A_72 : vector<16xf32> to vector<1x16xf32>
        tpu.vector_store %arg11[%swap3A, %swap3A_73], %swap3A_76 {strides = array<i32>} : memref<128x32xf32, #tpu.memory_space<vmem>>, vector<1x16xf32>,
        %get3A_77 = arith.index_cast %add3A_66 : i32 to index
        %get3A_78 = arith.constant 16 : index
        %get3A_79 = tpu.vector_load %arg11[%get3A_77, %get3A_78] {strides = array<i32>} : memref<128x32xf32, #tpu.memory_space<vmem>>, vector<1x16xf32>,
        %get3A_80 = vector.shape_cast %get3A_79 : vector<1x16xf32> to vector<16xf32>
        %mul3A_81 = vector.broadcast %squeeze3A : f32 to vector<16xf32>
        %mul3A_82 = arith.mulf %get3A_80, %mul3A_81 : vector<16xf32>
        %swap3A_83 = arith.index_cast %add3A_66 : i32 to index
        %swap3A_84 = arith.constant 16 : index
        %swap3A_85 = tpu.vector_load %arg11[%swap3A_83, %swap3A_84] {strides = array<i32>} : memref<128x32xf32, #tpu.memory_space<vmem>>, vector<1x16xf32>,
        %swap3A_86 = vector.shape_cast %swap3A_85 : vector<1x16xf32> to vector<16xf32>
        %swap3A_87 = vector.shape_cast %mul3A_82 : vector<16xf32> to vector<1x16xf32>
        tpu.vector_store %arg11[%swap3A_83, %swap3A_84], %swap3A_87 {strides = array<i32>} : memref<128x32xf32, #tpu.memory_space<vmem>>, vector<1x16xf32>,
        %mul3A_88 = arith.constant 16 : i32
        %mul3A_89 = arith.muli %scan3A_57, %mul3A_88 : i32
        %add3A_90 = arith.constant 1 : i32
        %add3A_91 = arith.addi %mul3A_89, %add3A_90 : i32
        %slice3A_92 = vector.extract_strided_slice %get3A_62 {offsets = [1], sizes = [1], strides = [1]} : vector<16xf32> to vector<1xf32>
        %squeeze3A_93 = vector.extract %slice3A_92[0] : f32 from vector<1xf32>
        %get3A_94 = arith.index_cast %add3A_91 : i32 to index
        %get3A_95 = arith.constant 0 : index
        %get3A_96 = tpu.vector_load %arg11[%get3A_94, %get3A_95] {strides = array<i32>} : memref<128x32xf32, #tpu.memory_space<vmem>>, vector<1x16xf32>,
        %get3A_97 = vector.shape_cast %get3A_96 : vector<1x16xf32> to vector<16xf32>
        %mul3A_98 = vector.broadcast %squeeze3A_93 : f32 to vector<16xf32>
        %mul3A_99 = arith.mulf %get3A_97, %mul3A_98 : vector<16xf32>
        %swap3A_100 = arith.index_cast %add3A_91 : i32 to index
        %swap3A_101 = arith.constant 0 : index
        %swap3A_102 = tpu.vector_load %arg11[%swap3A_100, %swap3A_101] {strides = array<i32>} : memref<128x32xf32, #tpu.memory_space<vmem>>, vector<1x16xf32>,
        %swap3A_103 = vector.shape_cast %swap3A_102 : vector<1x16xf32> to vector<16xf32>
        %swap3A_104 = vector.shape_cast %mul3A_99 : vector<16xf32> to vector<1x16xf32>
        tpu.vector_store %arg11[%swap3A_100, %swap3A_101], %swap3A_104 {strides = array<i32>} : memref<128x32xf32, #tpu.memory_space<vmem>>, vector<1x16xf32>,
        %get3A_105 = arith.index_cast %add3A_91 : i32 to index
        %get3A_106 = arith.constant 16 : index
        %get3A_107 = tpu.vector_load %arg11[%get3A_105, %get3A_106] {strides = array<i32>} : memref<128x32xf32, #tpu.memory_space<vmem>>, vector<1x16xf32>,
        %get3A_108 = vector.shape_cast %get3A_107 : vector<1x16xf32> to vector<16xf32>
        %mul3A_109 = vector.broadcast %squeeze3A_93 : f32 to vector<16xf32>
        %mul3A_110 = arith.mulf %get3A_108, %mul3A_109 : vector<16xf32>
        %swap3A_111 = arith.index_cast %add3A_91 : i32 to index
        %swap3A_112 = arith.constant 16 : index
        %swap3A_113 = tpu.vector_load %arg11[%swap3A_111, %swap3A_112] {strides = array<i32>} : memref<128x32xf32, #tpu.memory_space<vmem>>, vector<1x16xf32>,
        %swap3A_114 = vector.shape_cast %swap3A_113 : vector<1x16xf32> to vector<16xf32>
        %swap3A_115 = vector.shape_cast %mul3A_110 : vector<16xf32> to vector<1x16xf32>
        tpu.vector_store %arg11[%swap3A_111, %swap3A_112], %swap3A_115 {strides = array<i32>} : memref<128x32xf32, #tpu.memory_space<vmem>>, vector<1x16xf32>,
        %mul3A_116 = arith.constant 16 : i32
        %mul3A_117 = arith.muli %scan3A_57, %mul3A_116 : i32
        %add3A_118 = arith.constant 2 : i32
        %add3A_119 = arith.addi %mul3A_117, %add3A_118 : i32
        %slice3A_120 = vector.extract_strided_slice %get3A_62 {offsets = [2], sizes = [1], strides = [1]} : vector<16xf32> to vector<1xf32>
        %squeeze3A_121 = vector.extract %slice3A_120[0] : f32 from vector<1xf32>
        %get3A_122 = arith.index_cast %add3A_119 : i32 to index
        %get3A_123 = arith.constant 0 : index
        %get3A_124 = tpu.vector_load %arg11[%get3A_122, %get3A_123] {strides = array<i32>} : memref<128x32xf32, #tpu.memory_space<vmem>>, vector<1x16xf32>,
        %get3A_125 = vector.shape_cast %get3A_124 : vector<1x16xf32> to vector<16xf32>
        %mul3A_126 = vector.broadcast %squeeze3A_121 : f32 to vector<16xf32>
        %mul3A_127 = arith.mulf %get3A_125, %mul3A_126 : vector<16xf32>
        %swap3A_128 = arith.index_cast %add3A_119 : i32 to index
        %swap3A_129 = arith.constant 0 : index
        %swap3A_130 = tpu.vector_load %arg11[%swap3A_128, %swap3A_129] {strides = array<i32>} : memref<128x32xf32, #tpu.memory_space<vmem>>, vector<1x16xf32>,
        %swap3A_131 = vector.shape_cast %swap3A_130 : vector<1x16xf32> to vector<16xf32>
        %swap3A_132 = vector.shape_cast %mul3A_127 : vector<16xf32> to vector<1x16xf32>
        tpu.vector_store %arg11[%swap3A_128, %swap3A_129], %swap3A_132 {strides = array<i32>} : memref<128x32xf32, #tpu.memory_space<vmem>>, vector<1x16xf32>,
        %get3A_133 = arith.index_cast %add3A_119 : i32 to index
        %get3A_134 = arith.constant 16 : index
        %get3A_135 = tpu.vector_load %arg11[%get3A_133, %get3A_134] {strides = array<i32>} : memref<128x32xf32, #tpu.memory_space<vmem>>, vector<1x16xf32>,
        %get3A_136 = vector.shape_cast %get3A_135 : vector<1x16xf32> to vector<16xf32>
        %mul3A_137 = vector.broadcast %squeeze3A_121 : f32 to vector<16xf32>
        %mul3A_138 = arith.mulf %get3A_136, %mul3A_137 : vector<16xf32>
        %swap3A_139 = arith.index_cast %add3A_119 : i32 to index
        %swap3A_140 = arith.constant 16 : index
        %swap3A_141 = tpu.vector_load %arg11[%swap3A_139, %swap3A_140] {strides = array<i32>} : memref<128x32xf32, #tpu.memory_space<vmem>>, vector<1x16xf32>,
        %swap3A_142 = vector.shape_cast %swap3A_141 : vector<1x16xf32> to vector<16xf32>
        %swap3A_143 = vector.shape_cast %mul3A_138 : vector<16xf32> to vector<1x16xf32>
        tpu.vector_store %arg11[%swap3A_139, %swap3A_140], %swap3A_143 {strides = array<i32>} : memref<128x32xf32, #tpu.memory_space<vmem>>, vector<1x16xf32>,
        %mul3A_144 = arith.constant 16 : i32
        %mul3A_145 = arith.muli %scan3A_57, %mul3A_144 : i32
        %add3A_146 = arith.constant 3 : i32
        %add3A_147 = arith.addi %mul3A_145, %add3A_146 : i32
        %slice3A_148 = vector.extract_strided_slice %get3A_62 {offsets = [3], sizes = [1], strides = [1]} : vector<16xf32> to vector<1xf32>
        %squeeze3A_149 = vector.extract %slice3A_148[0] : f32 from vector<1xf32>
        %get3A_150 = arith.index_cast %add3A_147 : i32 to index
        %get3A_151 = arith.constant 0 : index
        %get3A_152 = tpu.vector_load %arg11[%get3A_150, %get3A_151] {strides = array<i32>} : memref<128x32xf32, #tpu.memory_space<vmem>>, vector<1x16xf32>,
        %get3A_153 = vector.shape_cast %get3A_152 : vector<1x16xf32> to vector<16xf32>
        %mul3A_154 = vector.broadcast %squeeze3A_149 : f32 to vector<16xf32>
        %mul3A_155 = arith.mulf %get3A_153, %mul3A_154 : vector<16xf32>
        %swap3A_156 = arith.index_cast %add3A_147 : i32 to index
        %swap3A_157 = arith.constant 0 : index
        %swap3A_158 = tpu.vector_load %arg11[%swap3A_156, %swap3A_157] {strides = array<i32>} : memref<128x32xf32, #tpu.memory_space<vmem>>, vector<1x16xf32>,
        %swap3A_159 = vector.shape_cast %swap3A_158 : vector<1x16xf32> to vector<16xf32>
        %swap3A_160 = vector.shape_cast %mul3A_155 : vector<16xf32> to vector<1x16xf32>
        tpu.vector_store %arg11[%swap3A_156, %swap3A_157], %swap3A_160 {strides = array<i32>} : memref<128x32xf32, #tpu.memory_space<vmem>>, vector<1x16xf32>,
        %get3A_161 = arith.index_cast %add3A_147 : i32 to index
        %get3A_162 = arith.constant 16 : index
        %get3A_163 = tpu.vector_load %arg11[%get3A_161, %get3A_162] {strides = array<i32>} : memref<128x32xf32, #tpu.memory_space<vmem>>, vector<1x16xf32>,
        %get3A_164 = vector.shape_cast %get3A_163 : vector<1x16xf32> to vector<16xf32>
        %mul3A_165 = vector.broadcast %squeeze3A_149 : f32 to vector<16xf32>
        %mul3A_166 = arith.mulf %get3A_164, %mul3A_165 : vector<16xf32>
        %swap3A_167 = arith.index_cast %add3A_147 : i32 to index
        %swap3A_168 = arith.constant 16 : index
        %swap3A_169 = tpu.vector_load %arg11[%swap3A_167, %swap3A_168] {strides = array<i32>} : memref<128x32xf32, #tpu.memory_space<vmem>>, vector<1x16xf32>,
        %swap3A_170 = vector.shape_cast %swap3A_169 : vector<1x16xf32> to vector<16xf32>
        %swap3A_171 = vector.shape_cast %mul3A_166 : vector<16xf32> to vector<1x16xf32>
        tpu.vector_store %arg11[%swap3A_167, %swap3A_168], %swap3A_171 {strides = array<i32>} : memref<128x32xf32, #tpu.memory_space<vmem>>, vector<1x16xf32>,
        %mul3A_172 = arith.constant 16 : i32
        %mul3A_173 = arith.muli %scan3A_57, %mul3A_172 : i32
        %add3A_174 = arith.constant 4 : i32
        %add3A_175 = arith.addi %mul3A_173, %add3A_174 : i32
        %slice3A_176 = vector.extract_strided_slice %get3A_62 {offsets = [4], sizes = [1], strides = [1]} : vector<16xf32> to vector<1xf32>
        %squeeze3A_177 = vector.extract %slice3A_176[0] : f32 from vector<1xf32>
        %get3A_178 = arith.index_cast %add3A_175 : i32 to index
        %get3A_179 = arith.constant 0 : index
        %get3A_180 = tpu.vector_load %arg11[%get3A_178, %get3A_179] {strides = array<i32>} : memref<128x32xf32, #tpu.memory_space<vmem>>, vector<1x16xf32>,
        %get3A_181 = vector.shape_cast %get3A_180 : vector<1x16xf32> to vector<16xf32>
        %mul3A_182 = vector.broadcast %squeeze3A_177 : f32 to vector<16xf32>
        %mul3A_183 = arith.mulf %get3A_181, %mul3A_182 : vector<16xf32>
        %swap3A_184 = arith.index_cast %add3A_175 : i32 to index
        %swap3A_185 = arith.constant 0 : index
        %swap3A_186 = tpu.vector_load %arg11[%swap3A_184, %swap3A_185] {strides = array<i32>} : memref<128x32xf32, #tpu.memory_space<vmem>>, vector<1x16xf32>,
        %swap3A_187 = vector.shape_cast %swap3A_186 : vector<1x16xf32> to vector<16xf32>
        %swap3A_188 = vector.shape_cast %mul3A_183 : vector<16xf32> to vector<1x16xf32>
        tpu.vector_store %arg11[%swap3A_184, %swap3A_185], %swap3A_188 {strides = array<i32>} : memref<128x32xf32, #tpu.memory_space<vmem>>, vector<1x16xf32>,
        %get3A_189 = arith.index_cast %add3A_175 : i32 to index
        %get3A_190 = arith.constant 16 : index
        %get3A_191 = tpu.vector_load %arg11[%get3A_189, %get3A_190] {strides = array<i32>} : memref<128x32xf32, #tpu.memory_space<vmem>>, vector<1x16xf32>,
        %get3A_192 = vector.shape_cast %get3A_191 : vector<1x16xf32> to vector<16xf32>
        %mul3A_193 = vector.broadcast %squeeze3A_177 : f32 to vector<16xf32>
        %mul3A_194 = arith.mulf %get3A_192, %mul3A_193 : vector<16xf32>
        %swap3A_195 = arith.index_cast %add3A_175 : i32 to index
        %swap3A_196 = arith.constant 16 : index
        %swap3A_197 = tpu.vector_load %arg11[%swap3A_195, %swap3A_196] {strides = array<i32>} : memref<128x32xf32, #tpu.memory_space<vmem>>, vector<1x16xf32>,
        %swap3A_198 = vector.shape_cast %swap3A_197 : vector<1x16xf32> to vector<16xf32>
        %swap3A_199 = vector.shape_cast %mul3A_194 : vector<16xf32> to vector<1x16xf32>
        tpu.vector_store %arg11[%swap3A_195, %swap3A_196], %swap3A_199 {strides = array<i32>} : memref<128x32xf32, #tpu.memory_space<vmem>>, vector<1x16xf32>,
        %mul3A_200 = arith.constant 16 : i32
        %mul3A_201 = arith.muli %scan3A_57, %mul3A_200 : i32
        %add3A_202 = arith.constant 5 : i32
        %add3A_203 = arith.addi %mul3A_201, %add3A_202 : i32
        %slice3A_204 = vector.extract_strided_slice %get3A_62 {offsets = [5], sizes = [1], strides = [1]} : vector<16xf32> to vector<1xf32>
        %squeeze3A_205 = vector.extract %slice3A_204[0] : f32 from vector<1xf32>
        %get3A_206 = arith.index_cast %add3A_203 : i32 to index
        %get3A_207 = arith.constant 0 : index
        %get3A_208 = tpu.vector_load %arg11[%get3A_206, %get3A_207] {strides = array<i32>} : memref<128x32xf32, #tpu.memory_space<vmem>>, vector<1x16xf32>,
        %get3A_209 = vector.shape_cast %get3A_208 : vector<1x16xf32> to vector<16xf32>
        %mul3A_210 = vector.broadcast %squeeze3A_205 : f32 to vector<16xf32>
        %mul3A_211 = arith.mulf %get3A_209, %mul3A_210 : vector<16xf32>
        %swap3A_212 = arith.index_cast %add3A_203 : i32 to index
        %swap3A_213 = arith.constant 0 : index
        %swap3A_214 = tpu.vector_load %arg11[%swap3A_212, %swap3A_213] {strides = array<i32>} : memref<128x32xf32, #tpu.memory_space<vmem>>, vector<1x16xf32>,
        %swap3A_215 = vector.shape_cast %swap3A_214 : vector<1x16xf32> to vector<16xf32>
        %swap3A_216 = vector.shape_cast %mul3A_211 : vector<16xf32> to vector<1x16xf32>
        tpu.vector_store %arg11[%swap3A_212, %swap3A_213], %swap3A_216 {strides = array<i32>} : memref<128x32xf32, #tpu.memory_space<vmem>>, vector<1x16xf32>,
        %get3A_217 = arith.index_cast %add3A_203 : i32 to index
        %get3A_218 = arith.constant 16 : index
        %get3A_219 = tpu.vector_load %arg11[%get3A_217, %get3A_218] {strides = array<i32>} : memref<128x32xf32, #tpu.memory_space<vmem>>, vector<1x16xf32>,
        %get3A_220 = vector.shape_cast %get3A_219 : vector<1x16xf32> to vector<16xf32>
        %mul3A_221 = vector.broadcast %squeeze3A_205 : f32 to vector<16xf32>
        %mul3A_222 = arith.mulf %get3A_220, %mul3A_221 : vector<16xf32>
        %swap3A_223 = arith.index_cast %add3A_203 : i32 to index
        %swap3A_224 = arith.constant 16 : index
        %swap3A_225 = tpu.vector_load %arg11[%swap3A_223, %swap3A_224] {strides = array<i32>} : memref<128x32xf32, #tpu.memory_space<vmem>>, vector<1x16xf32>,
        %swap3A_226 = vector.shape_cast %swap3A_225 : vector<1x16xf32> to vector<16xf32>
        %swap3A_227 = vector.shape_cast %mul3A_222 : vector<16xf32> to vector<1x16xf32>
        tpu.vector_store %arg11[%swap3A_223, %swap3A_224], %swap3A_227 {strides = array<i32>} : memref<128x32xf32, #tpu.memory_space<vmem>>, vector<1x16xf32>,
        %mul3A_228 = arith.constant 16 : i32
        %mul3A_229 = arith.muli %scan3A_57, %mul3A_228 : i32
        %add3A_230 = arith.constant 6 : i32
        %add3A_231 = arith.addi %mul3A_229, %add3A_230 : i32
        %slice3A_232 = vector.extract_strided_slice %get3A_62 {offsets = [6], sizes = [1], strides = [1]} : vector<16xf32> to vector<1xf32>
        %squeeze3A_233 = vector.extract %slice3A_232[0] : f32 from vector<1xf32>
        %get3A_234 = arith.index_cast %add3A_231 : i32 to index
        %get3A_235 = arith.constant 0 : index
        %get3A_236 = tpu.vector_load %arg11[%get3A_234, %get3A_235] {strides = array<i32>} : memref<128x32xf32, #tpu.memory_space<vmem>>, vector<1x16xf32>,
        %get3A_237 = vector.shape_cast %get3A_236 : vector<1x16xf32> to vector<16xf32>
        %mul3A_238 = vector.broadcast %squeeze3A_233 : f32 to vector<16xf32>
        %mul3A_239 = arith.mulf %get3A_237, %mul3A_238 : vector<16xf32>
        %swap3A_240 = arith.index_cast %add3A_231 : i32 to index
        %swap3A_241 = arith.constant 0 : index
        %swap3A_242 = tpu.vector_load %arg11[%swap3A_240, %swap3A_241] {strides = array<i32>} : memref<128x32xf32, #tpu.memory_space<vmem>>, vector<1x16xf32>,
        %swap3A_243 = vector.shape_cast %swap3A_242 : vector<1x16xf32> to vector<16xf32>
        %swap3A_244 = vector.shape_cast %mul3A_239 : vector<16xf32> to vector<1x16xf32>
        tpu.vector_store %arg11[%swap3A_240, %swap3A_241], %swap3A_244 {strides = array<i32>} : memref<128x32xf32, #tpu.memory_space<vmem>>, vector<1x16xf32>,
        %get3A_245 = arith.index_cast %add3A_231 : i32 to index
        %get3A_246 = arith.constant 16 : index
        %get3A_247 = tpu.vector_load %arg11[%get3A_245, %get3A_246] {strides = array<i32>} : memref<128x32xf32, #tpu.memory_space<vmem>>, vector<1x16xf32>,
        %get3A_248 = vector.shape_cast %get3A_247 : vector<1x16xf32> to vector<16xf32>
        %mul3A_249 = vector.broadcast %squeeze3A_233 : f32 to vector<16xf32>
        %mul3A_250 = arith.mulf %get3A_248, %mul3A_249 : vector<16xf32>
        %swap3A_251 = arith.index_cast %add3A_231 : i32 to index
        %swap3A_252 = arith.constant 16 : index
        %swap3A_253 = tpu.vector_load %arg11[%swap3A_251, %swap3A_252] {strides = array<i32>} : memref<128x32xf32, #tpu.memory_space<vmem>>, vector<1x16xf32>,
        %swap3A_254 = vector.shape_cast %swap3A_253 : vector<1x16xf32> to vector<16xf32>
        %swap3A_255 = vector.shape_cast %mul3A_250 : vector<16xf32> to vector<1x16xf32>
        tpu.vector_store %arg11[%swap3A_251, %swap3A_252], %swap3A_255 {strides = array<i32>} : memref<128x32xf32, #tpu.memory_space<vmem>>, vector<1x16xf32>,
        %mul3A_256 = arith.constant 16 : i32
        %mul3A_257 = arith.muli %scan3A_57, %mul3A_256 : i32
        %add3A_258 = arith.constant 7 : i32
        %add3A_259 = arith.addi %mul3A_257, %add3A_258 : i32
        %slice3A_260 = vector.extract_strided_slice %get3A_62 {offsets = [7], sizes = [1], strides = [1]} : vector<16xf32> to vector<1xf32>
        %squeeze3A_261 = vector.extract %slice3A_260[0] : f32 from vector<1xf32>
        %get3A_262 = arith.index_cast %add3A_259 : i32 to index
        %get3A_263 = arith.constant 0 : index
        %get3A_264 = tpu.vector_load %arg11[%get3A_262, %get3A_263] {strides = array<i32>} : memref<128x32xf32, #tpu.memory_space<vmem>>, vector<1x16xf32>,
        %get3A_265 = vector.shape_cast %get3A_264 : vector<1x16xf32> to vector<16xf32>
        %mul3A_266 = vector.broadcast %squeeze3A_261 : f32 to vector<16xf32>
        %mul3A_267 = arith.mulf %get3A_265, %mul3A_266 : vector<16xf32>
        %swap3A_268 = arith.index_cast %add3A_259 : i32 to index
        %swap3A_269 = arith.constant 0 : index
        %swap3A_270 = tpu.vector_load %arg11[%swap3A_268, %swap3A_269] {strides = array<i32>} : memref<128x32xf32, #tpu.memory_space<vmem>>, vector<1x16xf32>,
        %swap3A_271 = vector.shape_cast %swap3A_270 : vector<1x16xf32> to vector<16xf32>
        %swap3A_272 = vector.shape_cast %mul3A_267 : vector<16xf32> to vector<1x16xf32>
        tpu.vector_store %arg11[%swap3A_268, %swap3A_269], %swap3A_272 {strides = array<i32>} : memref<128x32xf32, #tpu.memory_space<vmem>>, vector<1x16xf32>,
        %get3A_273 = arith.index_cast %add3A_259 : i32 to index
        %get3A_274 = arith.constant 16 : index
        %get3A_275 = tpu.vector_load %arg11[%get3A_273, %get3A_274] {strides = array<i32>} : memref<128x32xf32, #tpu.memory_space<vmem>>, vector<1x16xf32>,
        %get3A_276 = vector.shape_cast %get3A_275 : vector<1x16xf32> to vector<16xf32>
        %mul3A_277 = vector.broadcast %squeeze3A_261 : f32 to vector<16xf32>
        %mul3A_278 = arith.mulf %get3A_276, %mul3A_277 : vector<16xf32>
        %swap3A_279 = arith.index_cast %add3A_259 : i32 to index
        %swap3A_280 = arith.constant 16 : index
        %swap3A_281 = tpu.vector_load %arg11[%swap3A_279, %swap3A_280] {strides = array<i32>} : memref<128x32xf32, #tpu.memory_space<vmem>>, vector<1x16xf32>,
        %swap3A_282 = vector.shape_cast %swap3A_281 : vector<1x16xf32> to vector<16xf32>
        %swap3A_283 = vector.shape_cast %mul3A_278 : vector<16xf32> to vector<1x16xf32>
        tpu.vector_store %arg11[%swap3A_279, %swap3A_280], %swap3A_283 {strides = array<i32>} : memref<128x32xf32, #tpu.memory_space<vmem>>, vector<1x16xf32>,
        %mul3A_284 = arith.constant 16 : i32
        %mul3A_285 = arith.muli %scan3A_57, %mul3A_284 : i32
        %add3A_286 = arith.constant 8 : i32
        %add3A_287 = arith.addi %mul3A_285, %add3A_286 : i32
        %slice3A_288 = vector.extract_strided_slice %get3A_62 {offsets = [8], sizes = [1], strides = [1]} : vector<16xf32> to vector<1xf32>
        %squeeze3A_289 = vector.extract %slice3A_288[0] : f32 from vector<1xf32>
        %get3A_290 = arith.index_cast %add3A_287 : i32 to index
        %get3A_291 = arith.constant 0 : index
        %get3A_292 = tpu.vector_load %arg11[%get3A_290, %get3A_291] {strides = array<i32>} : memref<128x32xf32, #tpu.memory_space<vmem>>, vector<1x16xf32>,
        %get3A_293 = vector.shape_cast %get3A_292 : vector<1x16xf32> to vector<16xf32>
        %mul3A_294 = vector.broadcast %squeeze3A_289 : f32 to vector<16xf32>
        %mul3A_295 = arith.mulf %get3A_293, %mul3A_294 : vector<16xf32>
        %swap3A_296 = arith.index_cast %add3A_287 : i32 to index
        %swap3A_297 = arith.constant 0 : index
        %swap3A_298 = tpu.vector_load %arg11[%swap3A_296, %swap3A_297] {strides = array<i32>} : memref<128x32xf32, #tpu.memory_space<vmem>>, vector<1x16xf32>,
        %swap3A_299 = vector.shape_cast %swap3A_298 : vector<1x16xf32> to vector<16xf32>
        %swap3A_300 = vector.shape_cast %mul3A_295 : vector<16xf32> to vector<1x16xf32>
        tpu.vector_store %arg11[%swap3A_296, %swap3A_297], %swap3A_300 {strides = array<i32>} : memref<128x32xf32, #tpu.memory_space<vmem>>, vector<1x16xf32>,
        %get3A_301 = arith.index_cast %add3A_287 : i32 to index
        %get3A_302 = arith.constant 16 : index
        %get3A_303 = tpu.vector_load %arg11[%get3A_301, %get3A_302] {strides = array<i32>} : memref<128x32xf32, #tpu.memory_space<vmem>>, vector<1x16xf32>,
        %get3A_304 = vector.shape_cast %get3A_303 : vector<1x16xf32> to vector<16xf32>
        %mul3A_305 = vector.broadcast %squeeze3A_289 : f32 to vector<16xf32>
        %mul3A_306 = arith.mulf %get3A_304, %mul3A_305 : vector<16xf32>
        %swap3A_307 = arith.index_cast %add3A_287 : i32 to index
        %swap3A_308 = arith.constant 16 : index
        %swap3A_309 = tpu.vector_load %arg11[%swap3A_307, %swap3A_308] {strides = array<i32>} : memref<128x32xf32, #tpu.memory_space<vmem>>, vector<1x16xf32>,
        %swap3A_310 = vector.shape_cast %swap3A_309 : vector<1x16xf32> to vector<16xf32>
        %swap3A_311 = vector.shape_cast %mul3A_306 : vector<16xf32> to vector<1x16xf32>
        tpu.vector_store %arg11[%swap3A_307, %swap3A_308], %swap3A_311 {strides = array<i32>} : memref<128x32xf32, #tpu.memory_space<vmem>>, vector<1x16xf32>,
        %mul3A_312 = arith.constant 16 : i32
        %mul3A_313 = arith.muli %scan3A_57, %mul3A_312 : i32
        %add3A_314 = arith.constant 9 : i32
        %add3A_315 = arith.addi %mul3A_313, %add3A_314 : i32
        %slice3A_316 = vector.extract_strided_slice %get3A_62 {offsets = [9], sizes = [1], strides = [1]} : vector<16xf32> to vector<1xf32>
        %squeeze3A_317 = vector.extract %slice3A_316[0] : f32 from vector<1xf32>
        %get3A_318 = arith.index_cast %add3A_315 : i32 to index
        %get3A_319 = arith.constant 0 : index
        %get3A_320 = tpu.vector_load %arg11[%get3A_318, %get3A_319] {strides = array<i32>} : memref<128x32xf32, #tpu.memory_space<vmem>>, vector<1x16xf32>,
        %get3A_321 = vector.shape_cast %get3A_320 : vector<1x16xf32> to vector<16xf32>
        %mul3A_322 = vector.broadcast %squeeze3A_317 : f32 to vector<16xf32>
        %mul3A_323 = arith.mulf %get3A_321, %mul3A_322 : vector<16xf32>
        %swap3A_324 = arith.index_cast %add3A_315 : i32 to index
        %swap3A_325 = arith.constant 0 : index
        %swap3A_326 = tpu.vector_load %arg11[%swap3A_324, %swap3A_325] {strides = array<i32>} : memref<128x32xf32, #tpu.memory_space<vmem>>, vector<1x16xf32>,
        %swap3A_327 = vector.shape_cast %swap3A_326 : vector<1x16xf32> to vector<16xf32>
        %swap3A_328 = vector.shape_cast %mul3A_323 : vector<16xf32> to vector<1x16xf32>
        tpu.vector_store %arg11[%swap3A_324, %swap3A_325], %swap3A_328 {strides = array<i32>} : memref<128x32xf32, #tpu.memory_space<vmem>>, vector<1x16xf32>,
        %get3A_329 = arith.index_cast %add3A_315 : i32 to index
        %get3A_330 = arith.constant 16 : index
        %get3A_331 = tpu.vector_load %arg11[%get3A_329, %get3A_330] {strides = array<i32>} : memref<128x32xf32, #tpu.memory_space<vmem>>, vector<1x16xf32>,
        %get3A_332 = vector.shape_cast %get3A_331 : vector<1x16xf32> to vector<16xf32>
        %mul3A_333 = vector.broadcast %squeeze3A_317 : f32 to vector<16xf32>
        %mul3A_334 = arith.mulf %get3A_332, %mul3A_333 : vector<16xf32>
        %swap3A_335 = arith.index_cast %add3A_315 : i32 to index
        %swap3A_336 = arith.constant 16 : index
        %swap3A_337 = tpu.vector_load %arg11[%swap3A_335, %swap3A_336] {strides = array<i32>} : memref<128x32xf32, #tpu.memory_space<vmem>>, vector<1x16xf32>,
        %swap3A_338 = vector.shape_cast %swap3A_337 : vector<1x16xf32> to vector<16xf32>
        %swap3A_339 = vector.shape_cast %mul3A_334 : vector<16xf32> to vector<1x16xf32>
        tpu.vector_store %arg11[%swap3A_335, %swap3A_336], %swap3A_339 {strides = array<i32>} : memref<128x32xf32, #tpu.memory_space<vmem>>, vector<1x16xf32>,
        %mul3A_340 = arith.constant 16 : i32
        %mul3A_341 = arith.muli %scan3A_57, %mul3A_340 : i32
        %add3A_342 = arith.constant 10 : i32
        %add3A_343 = arith.addi %mul3A_341, %add3A_342 : i32
        %slice3A_344 = vector.extract_strided_slice %get3A_62 {offsets = [10], sizes = [1], strides = [1]} : vector<16xf32> to vector<1xf32>
        %squeeze3A_345 = vector.extract %slice3A_344[0] : f32 from vector<1xf32>
        %get3A_346 = arith.index_cast %add3A_343 : i32 to index
        %get3A_347 = arith.constant 0 : index
        %get3A_348 = tpu.vector_load %arg11[%get3A_346, %get3A_347] {strides = array<i32>} : memref<128x32xf32, #tpu.memory_space<vmem>>, vector<1x16xf32>,
        %get3A_349 = vector.shape_cast %get3A_348 : vector<1x16xf32> to vector<16xf32>
        %mul3A_350 = vector.broadcast %squeeze3A_345 : f32 to vector<16xf32>
        %mul3A_351 = arith.mulf %get3A_349, %mul3A_350 : vector<16xf32>
        %swap3A_352 = arith.index_cast %add3A_343 : i32 to index
        %swap3A_353 = arith.constant 0 : index
        %swap3A_354 = tpu.vector_load %arg11[%swap3A_352, %swap3A_353] {strides = array<i32>} : memref<128x32xf32, #tpu.memory_space<vmem>>, vector<1x16xf32>,
        %swap3A_355 = vector.shape_cast %swap3A_354 : vector<1x16xf32> to vector<16xf32>
        %swap3A_356 = vector.shape_cast %mul3A_351 : vector<16xf32> to vector<1x16xf32>
        tpu.vector_store %arg11[%swap3A_352, %swap3A_353], %swap3A_356 {strides = array<i32>} : memref<128x32xf32, #tpu.memory_space<vmem>>, vector<1x16xf32>,
        %get3A_357 = arith.index_cast %add3A_343 : i32 to index
        %get3A_358 = arith.constant 16 : index
        %get3A_359 = tpu.vector_load %arg11[%get3A_357, %get3A_358] {strides = array<i32>} : memref<128x32xf32, #tpu.memory_space<vmem>>, vector<1x16xf32>,
        %get3A_360 = vector.shape_cast %get3A_359 : vector<1x16xf32> to vector<16xf32>
        %mul3A_361 = vector.broadcast %squeeze3A_345 : f32 to vector<16xf32>
        %mul3A_362 = arith.mulf %get3A_360, %mul3A_361 : vector<16xf32>
        %swap3A_363 = arith.index_cast %add3A_343 : i32 to index
        %swap3A_364 = arith.constant 16 : index
        %swap3A_365 = tpu.vector_load %arg11[%swap3A_363, %swap3A_364] {strides = array<i32>} : memref<128x32xf32, #tpu.memory_space<vmem>>, vector<1x16xf32>,
        %swap3A_366 = vector.shape_cast %swap3A_365 : vector<1x16xf32> to vector<16xf32>
        %swap3A_367 = vector.shape_cast %mul3A_362 : vector<16xf32> to vector<1x16xf32>
        tpu.vector_store %arg11[%swap3A_363, %swap3A_364], %swap3A_367 {strides = array<i32>} : memref<128x32xf32, #tpu.memory_space<vmem>>, vector<1x16xf32>,
        %mul3A_368 = arith.constant 16 : i32
        %mul3A_369 = arith.muli %scan3A_57, %mul3A_368 : i32
        %add3A_370 = arith.constant 11 : i32
        %add3A_371 = arith.addi %mul3A_369, %add3A_370 : i32
        %slice3A_372 = vector.extract_strided_slice %get3A_62 {offsets = [11], sizes = [1], strides = [1]} : vector<16xf32> to vector<1xf32>
        %squeeze3A_373 = vector.extract %slice3A_372[0] : f32 from vector<1xf32>
        %get3A_374 = arith.index_cast %add3A_371 : i32 to index
        %get3A_375 = arith.constant 0 : index
        %get3A_376 = tpu.vector_load %arg11[%get3A_374, %get3A_375] {strides = array<i32>} : memref<128x32xf32, #tpu.memory_space<vmem>>, vector<1x16xf32>,
        %get3A_377 = vector.shape_cast %get3A_376 : vector<1x16xf32> to vector<16xf32>
        %mul3A_378 = vector.broadcast %squeeze3A_373 : f32 to vector<16xf32>
        %mul3A_379 = arith.mulf %get3A_377, %mul3A_378 : vector<16xf32>
        %swap3A_380 = arith.index_cast %add3A_371 : i32 to index
        %swap3A_381 = arith.constant 0 : index
        %swap3A_382 = tpu.vector_load %arg11[%swap3A_380, %swap3A_381] {strides = array<i32>} : memref<128x32xf32, #tpu.memory_space<vmem>>, vector<1x16xf32>,
        %swap3A_383 = vector.shape_cast %swap3A_382 : vector<1x16xf32> to vector<16xf32>
        %swap3A_384 = vector.shape_cast %mul3A_379 : vector<16xf32> to vector<1x16xf32>
        tpu.vector_store %arg11[%swap3A_380, %swap3A_381], %swap3A_384 {strides = array<i32>} : memref<128x32xf32, #tpu.memory_space<vmem>>, vector<1x16xf32>,
        %get3A_385 = arith.index_cast %add3A_371 : i32 to index
        %get3A_386 = arith.constant 16 : index
        %get3A_387 = tpu.vector_load %arg11[%get3A_385, %get3A_386] {strides = array<i32>} : memref<128x32xf32, #tpu.memory_space<vmem>>, vector<1x16xf32>,
        %get3A_388 = vector.shape_cast %get3A_387 : vector<1x16xf32> to vector<16xf32>
        %mul3A_389 = vector.broadcast %squeeze3A_373 : f32 to vector<16xf32>
        %mul3A_390 = arith.mulf %get3A_388, %mul3A_389 : vector<16xf32>
        %swap3A_391 = arith.index_cast %add3A_371 : i32 to index
        %swap3A_392 = arith.constant 16 : index
        %swap3A_393 = tpu.vector_load %arg11[%swap3A_391, %swap3A_392] {strides = array<i32>} : memref<128x32xf32, #tpu.memory_space<vmem>>, vector<1x16xf32>,
        %swap3A_394 = vector.shape_cast %swap3A_393 : vector<1x16xf32> to vector<16xf32>
        %swap3A_395 = vector.shape_cast %mul3A_390 : vector<16xf32> to vector<1x16xf32>
        tpu.vector_store %arg11[%swap3A_391, %swap3A_392], %swap3A_395 {strides = array<i32>} : memref<128x32xf32, #tpu.memory_space<vmem>>, vector<1x16xf32>,
        %mul3A_396 = arith.constant 16 : i32
        %mul3A_397 = arith.muli %scan3A_57, %mul3A_396 : i32
        %add3A_398 = arith.constant 12 : i32
        %add3A_399 = arith.addi %mul3A_397, %add3A_398 : i32
        %slice3A_400 = vector.extract_strided_slice %get3A_62 {offsets = [12], sizes = [1], strides = [1]} : vector<16xf32> to vector<1xf32>
        %squeeze3A_401 = vector.extract %slice3A_400[0] : f32 from vector<1xf32>
        %get3A_402 = arith.index_cast %add3A_399 : i32 to index
        %get3A_403 = arith.constant 0 : index
        %get3A_404 = tpu.vector_load %arg11[%get3A_402, %get3A_403] {strides = array<i32>} : memref<128x32xf32, #tpu.memory_space<vmem>>, vector<1x16xf32>,
        %get3A_405 = vector.shape_cast %get3A_404 : vector<1x16xf32> to vector<16xf32>
        %mul3A_406 = vector.broadcast %squeeze3A_401 : f32 to vector<16xf32>
        %mul3A_407 = arith.mulf %get3A_405, %mul3A_406 : vector<16xf32>
        %swap3A_408 = arith.index_cast %add3A_399 : i32 to index
        %swap3A_409 = arith.constant 0 : index
        %swap3A_410 = tpu.vector_load %arg11[%swap3A_408, %swap3A_409] {strides = array<i32>} : memref<128x32xf32, #tpu.memory_space<vmem>>, vector<1x16xf32>,
        %swap3A_411 = vector.shape_cast %swap3A_410 : vector<1x16xf32> to vector<16xf32>
        %swap3A_412 = vector.shape_cast %mul3A_407 : vector<16xf32> to vector<1x16xf32>
        tpu.vector_store %arg11[%swap3A_408, %swap3A_409], %swap3A_412 {strides = array<i32>} : memref<128x32xf32, #tpu.memory_space<vmem>>, vector<1x16xf32>,
        %get3A_413 = arith.index_cast %add3A_399 : i32 to index
        %get3A_414 = arith.constant 16 : index
        %get3A_415 = tpu.vector_load %arg11[%get3A_413, %get3A_414] {strides = array<i32>} : memref<128x32xf32, #tpu.memory_space<vmem>>, vector<1x16xf32>,
        %get3A_416 = vector.shape_cast %get3A_415 : vector<1x16xf32> to vector<16xf32>
        %mul3A_417 = vector.broadcast %squeeze3A_401 : f32 to vector<16xf32>
        %mul3A_418 = arith.mulf %get3A_416, %mul3A_417 : vector<16xf32>
        %swap3A_419 = arith.index_cast %add3A_399 : i32 to index
        %swap3A_420 = arith.constant 16 : index
        %swap3A_421 = tpu.vector_load %arg11[%swap3A_419, %swap3A_420] {strides = array<i32>} : memref<128x32xf32, #tpu.memory_space<vmem>>, vector<1x16xf32>,
        %swap3A_422 = vector.shape_cast %swap3A_421 : vector<1x16xf32> to vector<16xf32>
        %swap3A_423 = vector.shape_cast %mul3A_418 : vector<16xf32> to vector<1x16xf32>
        tpu.vector_store %arg11[%swap3A_419, %swap3A_420], %swap3A_423 {strides = array<i32>} : memref<128x32xf32, #tpu.memory_space<vmem>>, vector<1x16xf32>,
        %mul3A_424 = arith.constant 16 : i32
        %mul3A_425 = arith.muli %scan3A_57, %mul3A_424 : i32
        %add3A_426 = arith.constant 13 : i32
        %add3A_427 = arith.addi %mul3A_425, %add3A_426 : i32
        %slice3A_428 = vector.extract_strided_slice %get3A_62 {offsets = [13], sizes = [1], strides = [1]} : vector<16xf32> to vector<1xf32>
        %squeeze3A_429 = vector.extract %slice3A_428[0] : f32 from vector<1xf32>
        %get3A_430 = arith.index_cast %add3A_427 : i32 to index
        %get3A_431 = arith.constant 0 : index
        %get3A_432 = tpu.vector_load %arg11[%get3A_430, %get3A_431] {strides = array<i32>} : memref<128x32xf32, #tpu.memory_space<vmem>>, vector<1x16xf32>,
        %get3A_433 = vector.shape_cast %get3A_432 : vector<1x16xf32> to vector<16xf32>
        %mul3A_434 = vector.broadcast %squeeze3A_429 : f32 to vector<16xf32>
        %mul3A_435 = arith.mulf %get3A_433, %mul3A_434 : vector<16xf32>
        %swap3A_436 = arith.index_cast %add3A_427 : i32 to index
        %swap3A_437 = arith.constant 0 : index
        %swap3A_438 = tpu.vector_load %arg11[%swap3A_436, %swap3A_437] {strides = array<i32>} : memref<128x32xf32, #tpu.memory_space<vmem>>, vector<1x16xf32>,
        %swap3A_439 = vector.shape_cast %swap3A_438 : vector<1x16xf32> to vector<16xf32>
        %swap3A_440 = vector.shape_cast %mul3A_435 : vector<16xf32> to vector<1x16xf32>
        tpu.vector_store %arg11[%swap3A_436, %swap3A_437], %swap3A_440 {strides = array<i32>} : memref<128x32xf32, #tpu.memory_space<vmem>>, vector<1x16xf32>,
        %get3A_441 = arith.index_cast %add3A_427 : i32 to index
        %get3A_442 = arith.constant 16 : index
        %get3A_443 = tpu.vector_load %arg11[%get3A_441, %get3A_442] {strides = array<i32>} : memref<128x32xf32, #tpu.memory_space<vmem>>, vector<1x16xf32>,
        %get3A_444 = vector.shape_cast %get3A_443 : vector<1x16xf32> to vector<16xf32>
        %mul3A_445 = vector.broadcast %squeeze3A_429 : f32 to vector<16xf32>
        %mul3A_446 = arith.mulf %get3A_444, %mul3A_445 : vector<16xf32>
        %swap3A_447 = arith.index_cast %add3A_427 : i32 to index
        %swap3A_448 = arith.constant 16 : index
        %swap3A_449 = tpu.vector_load %arg11[%swap3A_447, %swap3A_448] {strides = array<i32>} : memref<128x32xf32, #tpu.memory_space<vmem>>, vector<1x16xf32>,
        %swap3A_450 = vector.shape_cast %swap3A_449 : vector<1x16xf32> to vector<16xf32>
        %swap3A_451 = vector.shape_cast %mul3A_446 : vector<16xf32> to vector<1x16xf32>
        tpu.vector_store %arg11[%swap3A_447, %swap3A_448], %swap3A_451 {strides = array<i32>} : memref<128x32xf32, #tpu.memory_space<vmem>>, vector<1x16xf32>,
        %mul3A_452 = arith.constant 16 : i32
        %mul3A_453 = arith.muli %scan3A_57, %mul3A_452 : i32
        %add3A_454 = arith.constant 14 : i32
        %add3A_455 = arith.addi %mul3A_453, %add3A_454 : i32
        %slice3A_456 = vector.extract_strided_slice %get3A_62 {offsets = [14], sizes = [1], strides = [1]} : vector<16xf32> to vector<1xf32>
        %squeeze3A_457 = vector.extract %slice3A_456[0] : f32 from vector<1xf32>
        %get3A_458 = arith.index_cast %add3A_455 : i32 to index
        %get3A_459 = arith.constant 0 : index
        %get3A_460 = tpu.vector_load %arg11[%get3A_458, %get3A_459] {strides = array<i32>} : memref<128x32xf32, #tpu.memory_space<vmem>>, vector<1x16xf32>,
        %get3A_461 = vector.shape_cast %get3A_460 : vector<1x16xf32> to vector<16xf32>
        %mul3A_462 = vector.broadcast %squeeze3A_457 : f32 to vector<16xf32>
        %mul3A_463 = arith.mulf %get3A_461, %mul3A_462 : vector<16xf32>
        %swap3A_464 = arith.index_cast %add3A_455 : i32 to index
        %swap3A_465 = arith.constant 0 : index
        %swap3A_466 = tpu.vector_load %arg11[%swap3A_464, %swap3A_465] {strides = array<i32>} : memref<128x32xf32, #tpu.memory_space<vmem>>, vector<1x16xf32>,
        %swap3A_467 = vector.shape_cast %swap3A_466 : vector<1x16xf32> to vector<16xf32>
        %swap3A_468 = vector.shape_cast %mul3A_463 : vector<16xf32> to vector<1x16xf32>
        tpu.vector_store %arg11[%swap3A_464, %swap3A_465], %swap3A_468 {strides = array<i32>} : memref<128x32xf32, #tpu.memory_space<vmem>>, vector<1x16xf32>,
        %get3A_469 = arith.index_cast %add3A_455 : i32 to index
        %get3A_470 = arith.constant 16 : index
        %get3A_471 = tpu.vector_load %arg11[%get3A_469, %get3A_470] {strides = array<i32>} : memref<128x32xf32, #tpu.memory_space<vmem>>, vector<1x16xf32>,
        %get3A_472 = vector.shape_cast %get3A_471 : vector<1x16xf32> to vector<16xf32>
        %mul3A_473 = vector.broadcast %squeeze3A_457 : f32 to vector<16xf32>
        %mul3A_474 = arith.mulf %get3A_472, %mul3A_473 : vector<16xf32>
        %swap3A_475 = arith.index_cast %add3A_455 : i32 to index
        %swap3A_476 = arith.constant 16 : index
        %swap3A_477 = tpu.vector_load %arg11[%swap3A_475, %swap3A_476] {strides = array<i32>} : memref<128x32xf32, #tpu.memory_space<vmem>>, vector<1x16xf32>,
        %swap3A_478 = vector.shape_cast %swap3A_477 : vector<1x16xf32> to vector<16xf32>
        %swap3A_479 = vector.shape_cast %mul3A_474 : vector<16xf32> to vector<1x16xf32>
        tpu.vector_store %arg11[%swap3A_475, %swap3A_476], %swap3A_479 {strides = array<i32>} : memref<128x32xf32, #tpu.memory_space<vmem>>, vector<1x16xf32>,
        %mul3A_480 = arith.constant 16 : i32
        %mul3A_481 = arith.muli %scan3A_57, %mul3A_480 : i32
        %add3A_482 = arith.constant 15 : i32
        %add3A_483 = arith.addi %mul3A_481, %add3A_482 : i32
        %slice3A_484 = vector.extract_strided_slice %get3A_62 {offsets = [15], sizes = [1], strides = [1]} : vector<16xf32> to vector<1xf32>
        %squeeze3A_485 = vector.extract %slice3A_484[0] : f32 from vector<1xf32>
        %get3A_486 = arith.index_cast %add3A_483 : i32 to index
        %get3A_487 = arith.constant 0 : index
        %get3A_488 = tpu.vector_load %arg11[%get3A_486, %get3A_487] {strides = array<i32>} : memref<128x32xf32, #tpu.memory_space<vmem>>, vector<1x16xf32>,
        %get3A_489 = vector.shape_cast %get3A_488 : vector<1x16xf32> to vector<16xf32>
        %mul3A_490 = vector.broadcast %squeeze3A_485 : f32 to vector<16xf32>
        %mul3A_491 = arith.mulf %get3A_489, %mul3A_490 : vector<16xf32>
        %swap3A_492 = arith.index_cast %add3A_483 : i32 to index
        %swap3A_493 = arith.constant 0 : index
        %swap3A_494 = tpu.vector_load %arg11[%swap3A_492, %swap3A_493] {strides = array<i32>} : memref<128x32xf32, #tpu.memory_space<vmem>>, vector<1x16xf32>,
        %swap3A_495 = vector.shape_cast %swap3A_494 : vector<1x16xf32> to vector<16xf32>
        %swap3A_496 = vector.shape_cast %mul3A_491 : vector<16xf32> to vector<1x16xf32>
        tpu.vector_store %arg11[%swap3A_492, %swap3A_493], %swap3A_496 {strides = array<i32>} : memref<128x32xf32, #tpu.memory_space<vmem>>, vector<1x16xf32>,
        %get3A_497 = arith.index_cast %add3A_483 : i32 to index
        %get3A_498 = arith.constant 16 : index
        %get3A_499 = tpu.vector_load %arg11[%get3A_497, %get3A_498] {strides = array<i32>} : memref<128x32xf32, #tpu.memory_space<vmem>>, vector<1x16xf32>,
        %get3A_500 = vector.shape_cast %get3A_499 : vector<1x16xf32> to vector<16xf32>
        %mul3A_501 = vector.broadcast %squeeze3A_485 : f32 to vector<16xf32>
        %mul3A_502 = arith.mulf %get3A_500, %mul3A_501 : vector<16xf32>
        %swap3A_503 = arith.index_cast %add3A_483 : i32 to index
        %swap3A_504 = arith.constant 16 : index
        %swap3A_505 = tpu.vector_load %arg11[%swap3A_503, %swap3A_504] {strides = array<i32>} : memref<128x32xf32, #tpu.memory_space<vmem>>, vector<1x16xf32>,
        %swap3A_506 = vector.shape_cast %swap3A_505 : vector<1x16xf32> to vector<16xf32>
        %swap3A_507 = vector.shape_cast %mul3A_502 : vector<16xf32> to vector<1x16xf32>
        tpu.vector_store %arg11[%swap3A_503, %swap3A_504], %swap3A_507 {strides = array<i32>} : memref<128x32xf32, #tpu.memory_space<vmem>>, vector<1x16xf32>,
        %scan3A_508 = arith.constant 0 : i32
        scf.yield %scan3A_508 : i32
      }
      %scan3A_50 = arith.constant 7 : i32
      "tpu.region"() ({
        %run_scoped3A = tpu.sem_alloc : memref<!tpu.dma_semaphore, #tpu.memory_space<semaphore_mem>>
        %dma_start3A = arith.constant 0 : i32
        %dma_start3A_57 = arith.constant 0 : i32
        %dma_start3A_58 = tpu.memref_slice %arg11[%dma_start3A, %dma_start3A_57] : memref<128x32xf32, #tpu.memory_space<vmem>> -> memref<112x32xf32, #tpu.memory_space<vmem>>
        %dma_start3A_59 = arith.constant 0 : i32
        %dma_start3A_60 = arith.constant 0 : i32
        %dma_start3A_61 = tpu.memref_slice %arg18[%dma_start3A_59, %dma_start3A_60] : memref<640x32xf32, #tpu.memory_space<vmem_shared>> -> memref<640x32xf32, #tpu.memory_space<vmem_shared>>
        tpu.enqueue_indirect_dma source(%dma_start3A_58 : memref<112x32xf32, #tpu.memory_space<vmem>>) target(%dma_start3A_61 : memref<640x32xf32, #tpu.memory_space<vmem_shared>>) offsets(%arg16 : memref<112xi32, #tpu.memory_space<vmem>>) semaphore(%run_scoped3A : memref<!tpu.dma_semaphore, #tpu.memory_space<semaphore_mem>>) {add = true}
        %dma_wait3A = arith.constant 0 : i32
        %dma_wait3A_62 = arith.constant 0 : i32
        %dma_wait3A_63 = tpu.memref_slice %arg11[%dma_wait3A, %dma_wait3A_62] : memref<128x32xf32, #tpu.memory_space<vmem>> -> memref<112x32xf32, #tpu.memory_space<vmem>>
        %dma_wait3A_64 = arith.constant 0 : i32
        %dma_wait3A_65 = arith.constant 0 : i32
        %dma_wait3A_66 = tpu.memref_slice %arg18[%dma_wait3A_64, %dma_wait3A_65] : memref<640x32xf32, #tpu.memory_space<vmem_shared>> -> memref<640x32xf32, #tpu.memory_space<vmem_shared>>
        tpu.wait_indirect_dma semaphore(%run_scoped3A : memref<!tpu.dma_semaphore, #tpu.memory_space<semaphore_mem>>) src(%dma_wait3A_63 : memref<112x32xf32, #tpu.memory_space<vmem>>) dst(%dma_wait3A_66 : memref<640x32xf32, #tpu.memory_space<vmem_shared>>)
        tpu.yield
      }) : () -> ()
      %eq3A_51 = arith.constant 0 : i32
      %eq3A_52 = arith.cmpi eq, %arg0, %eq3A_51 : i32
      %convert_element_type3A_53 = arith.extui %eq3A_52 : i1 to i32
      %cond3A_54 = arith.constant 0 : i32
      %cond3A_55 = arith.cmpi ne, %convert_element_type3A_53, %cond3A_54 : i32
      scf.if %cond3A_55 {
        "tpu.region"() ({
          %run_scoped3A = tpu.sem_alloc : memref<!tpu.dma_semaphore, #tpu.memory_space<semaphore_mem>>
          %dma_start3A = arith.constant 0 : i32
          %dma_start3A_57 = arith.constant 0 : i32
          %dma_start3A_58 = tpu.memref_slice %arg13[%dma_start3A, %dma_start3A_57] : memref<128x32xf32, #tpu.memory_space<vmem>> -> memref<112x32xf32, #tpu.memory_space<vmem>>
          %dma_start3A_59 = arith.constant 0 : i32
          %dma_start3A_60 = arith.constant 0 : i32
          %dma_start3A_61 = tpu.memref_slice %arg19[%dma_start3A_59, %dma_start3A_60] : memref<640x32xf32, #tpu.memory_space<vmem_shared>> -> memref<640x32xf32, #tpu.memory_space<vmem_shared>>
          tpu.enqueue_indirect_dma source(%dma_start3A_58 : memref<112x32xf32, #tpu.memory_space<vmem>>) target(%dma_start3A_61 : memref<640x32xf32, #tpu.memory_space<vmem_shared>>) offsets(%arg16 : memref<112xi32, #tpu.memory_space<vmem>>) semaphore(%run_scoped3A : memref<!tpu.dma_semaphore, #tpu.memory_space<semaphore_mem>>) {add = true}
          %dma_wait3A = arith.constant 0 : i32
          %dma_wait3A_62 = arith.constant 0 : i32
          %dma_wait3A_63 = tpu.memref_slice %arg13[%dma_wait3A, %dma_wait3A_62] : memref<128x32xf32, #tpu.memory_space<vmem>> -> memref<112x32xf32, #tpu.memory_space<vmem>>
          %dma_wait3A_64 = arith.constant 0 : i32
          %dma_wait3A_65 = arith.constant 0 : i32
          %dma_wait3A_66 = tpu.memref_slice %arg19[%dma_wait3A_64, %dma_wait3A_65] : memref<640x32xf32, #tpu.memory_space<vmem_shared>> -> memref<640x32xf32, #tpu.memory_space<vmem_shared>>
          tpu.wait_indirect_dma semaphore(%run_scoped3A : memref<!tpu.dma_semaphore, #tpu.memory_space<semaphore_mem>>) src(%dma_wait3A_63 : memref<112x32xf32, #tpu.memory_space<vmem>>) dst(%dma_wait3A_66 : memref<640x32xf32, #tpu.memory_space<vmem_shared>>)
          tpu.yield
        }) : () -> ()
      } else {
      }
      %scan3A_56 = arith.constant 0 : i32
      scf.yield %scan3A_56 : i32
    }
    %scan3A_34 = arith.constant 28 : i32
    %barrier3A_35 = arith.constant 0 : index
    tpu.barrier barrier_id(%barrier3A_35)
    %eq3A = arith.constant 0 : i32
    %eq3A_36 = arith.cmpi eq, %arg1, %eq3A : i32
    %convert_element_type3A = arith.extui %eq3A_36 : i1 to i32
    %cond3A = arith.constant 0 : i32
    %cond3A_37 = arith.cmpi ne, %convert_element_type3A, %cond3A : i32
    scf.if %cond3A_37 {
      "tpu.region"() ({
        %run_scoped3A = tpu.sem_alloc : memref<!tpu.dma_semaphore, #tpu.memory_space<semaphore_mem>>
        %dma_start3A = arith.constant 0 : i32
        %dma_start3A_43 = arith.constant 0 : i32
        %dma_start3A_44 = tpu.memref_slice %arg7[%arg0, %dma_start3A, %dma_start3A_43] : memref<2x512x32xf32, #tpu.memory_space<hbm>> -> memref<1x512x32xf32, #tpu.memory_space<hbm>>
        %dma_start3A_45 = tpu.memref_squeeze %dma_start3A_44 : memref<1x512x32xf32, #tpu.memory_space<hbm>> -> memref<512x32xf32, #tpu.memory_space<hbm>>
        %dma_start3A_46 = arith.constant 0 : i32
        %dma_start3A_47 = arith.constant 0 : i32
        %dma_start3A_48 = tpu.memref_slice %arg18[%dma_start3A_46, %dma_start3A_47] : memref<640x32xf32, #tpu.memory_space<vmem_shared>> -> memref<512x32xf32, #tpu.memory_space<vmem_shared>>
        tpu.enqueue_dma source(%dma_start3A_48 : memref<512x32xf32, #tpu.memory_space<vmem_shared>>) target(%dma_start3A_45 : memref<512x32xf32, #tpu.memory_space<hbm>>) target_semaphore(%run_scoped3A : memref<!tpu.dma_semaphore, #tpu.memory_space<semaphore_mem>>)
        %dma_wait3A = arith.constant 0 : i32
        %dma_wait3A_49 = arith.constant 0 : i32
        %dma_wait3A_50 = tpu.memref_slice %arg7[%arg0, %dma_wait3A, %dma_wait3A_49] : memref<2x512x32xf32, #tpu.memory_space<hbm>> -> memref<1x512x32xf32, #tpu.memory_space<hbm>>
        %dma_wait3A_51 = tpu.memref_squeeze %dma_wait3A_50 : memref<1x512x32xf32, #tpu.memory_space<hbm>> -> memref<512x32xf32, #tpu.memory_space<hbm>>
        %dma_wait3A_52 = arith.constant 0 : i32
        %dma_wait3A_53 = arith.constant 0 : i32
        %dma_wait3A_54 = tpu.memref_slice %arg18[%dma_wait3A_52, %dma_wait3A_53] : memref<640x32xf32, #tpu.memory_space<vmem_shared>> -> memref<512x32xf32, #tpu.memory_space<vmem_shared>>
        tpu.wait_dma2 semaphore(%run_scoped3A : memref<!tpu.dma_semaphore, #tpu.memory_space<semaphore_mem>>) src(%dma_wait3A_54 : memref<512x32xf32, #tpu.memory_space<vmem_shared>>) dst(%dma_wait3A_51 : memref<512x32xf32, #tpu.memory_space<hbm>>)
        tpu.yield
      }) : () -> ()
      %eq3A_38 = arith.constant 0 : i32
      %eq3A_39 = arith.cmpi eq, %arg0, %eq3A_38 : i32
      %convert_element_type3A_40 = arith.extui %eq3A_39 : i1 to i32
      %cond3A_41 = arith.constant 0 : i32
      %cond3A_42 = arith.cmpi ne, %convert_element_type3A_40, %cond3A_41 : i32
      scf.if %cond3A_42 {
        "tpu.region"() ({
          %run_scoped3A = tpu.sem_alloc : memref<!tpu.dma_semaphore, #tpu.memory_space<semaphore_mem>>
          %dma_start3A = arith.constant 0 : i32
          %dma_start3A_43 = arith.constant 0 : i32
          %dma_start3A_44 = tpu.memref_slice %arg19[%dma_start3A, %dma_start3A_43] : memref<640x32xf32, #tpu.memory_space<vmem_shared>> -> memref<512x32xf32, #tpu.memory_space<vmem_shared>>
          tpu.enqueue_dma source(%dma_start3A_44 : memref<512x32xf32, #tpu.memory_space<vmem_shared>>) target(%arg8 : memref<512x32xf32, #tpu.memory_space<hbm>>) target_semaphore(%run_scoped3A : memref<!tpu.dma_semaphore, #tpu.memory_space<semaphore_mem>>)
          %dma_wait3A = arith.constant 0 : i32
          %dma_wait3A_45 = arith.constant 0 : i32
          %dma_wait3A_46 = tpu.memref_slice %arg19[%dma_wait3A, %dma_wait3A_45] : memref<640x32xf32, #tpu.memory_space<vmem_shared>> -> memref<512x32xf32, #tpu.memory_space<vmem_shared>>
          tpu.wait_dma2 semaphore(%run_scoped3A : memref<!tpu.dma_semaphore, #tpu.memory_space<semaphore_mem>>) src(%dma_wait3A_46 : memref<512x32xf32, #tpu.memory_space<vmem_shared>>) dst(%arg8 : memref<512x32xf32, #tpu.memory_space<hbm>>)
          tpu.yield
        }) : () -> ()
      } else {
      }
    } else {
    }
    return
  }
}

#map = affine_map<(d0, d1) -> (0, 0, 0)>
#map1 = affine_map<(d0, d1) -> (0, 0)>
module attributes {stable_mosaic.version = 14 : i64} {
  func.func @_conv_g_body(%arg0: i32, %arg1: i32, %arg2: memref<2x50176x32xf32, #tpu.memory_space<hbm>>, %arg3: memref<6400x128xi32, #tpu.memory_space<hbm>>, %arg4: memref<6400x128xi32, #tpu.memory_space<hbm>>, %arg5: memref<2x50176x32xf32, #tpu.memory_space<hbm>>, %arg6: memref<40x128xi32, #tpu.memory_space<vmem>>, %arg7: memref<40x128xi32, #tpu.memory_space<vmem>>, %arg8: memref<128x32xf32, #tpu.memory_space<vmem>>, %arg9: memref<128x32xf32, #tpu.memory_space<vmem>>, %arg10: memref<128x32xf32, #tpu.memory_space<vmem>>, %arg11: memref<128x32xf32, #tpu.memory_space<vmem>>, %arg12: memref<50184x32xf32, #tpu.memory_space<vmem_shared>>, %arg13: memref<!tpu.dma_semaphore, #tpu.memory_space<semaphore_mem>>, %arg14: memref<!tpu.dma_semaphore, #tpu.memory_space<semaphore_mem>>, %arg15: memref<!tpu.dma_semaphore, #tpu.memory_space<semaphore_mem>>, %arg16: memref<!tpu.dma_semaphore, #tpu.memory_space<semaphore_mem>>, %arg17: memref<!tpu.dma_semaphore, #tpu.memory_space<semaphore_mem>>, %arg18: memref<!tpu.dma_semaphore, #tpu.memory_space<semaphore_mem>>, %arg19: memref<!tpu.dma_semaphore, #tpu.memory_space<semaphore_mem>>, %arg20: memref<!tpu.dma_semaphore, #tpu.memory_space<semaphore_mem>>) attributes {dimension_semantics = [#tpu.dimension_semantics<core_parallel>, #tpu.dimension_semantics<subcore_parallel>], iteration_bounds = array<i64: 2, 16>, scalar_prefetch = 0 : i64, scratch_operands = 15 : i64, tpu.core_type = #tpu.core_type<sc_vector_subcore>, window_params = [{transform_indices = #map}, {transform_indices = #map1}, {transform_indices = #map1}, {transform_indices = #map}]} {
    %mul3A = arith.constant 3136 : i32
    %mul3A_0 = arith.muli %arg1, %mul3A : i32
    %mul3A_1 = arith.constant 3136 : i32
    %mul3A_2 = arith.muli %arg1, %mul3A_1 : i32
    "tpu.region"() ({
      %run_scoped3A = tpu.sem_alloc : memref<!tpu.dma_semaphore, #tpu.memory_space<semaphore_mem>>
      %dma_start3A = arith.constant 0 : i32
      %dma_start3A_14 = tpu.memref_slice %arg12[%mul3A_2, %dma_start3A] : memref<50184x32xf32, #tpu.memory_space<vmem_shared>> -> memref<3136x32xf32, #tpu.memory_space<vmem_shared>>
      %dma_start3A_15 = arith.constant 0 : i32
      %dma_start3A_16 = tpu.memref_slice %arg2[%arg0, %mul3A_0, %dma_start3A_15] : memref<2x50176x32xf32, #tpu.memory_space<hbm>> -> memref<1x3136x32xf32, #tpu.memory_space<hbm>>
      %dma_start3A_17 = tpu.memref_squeeze %dma_start3A_16 : memref<1x3136x32xf32, #tpu.memory_space<hbm>> -> memref<3136x32xf32, #tpu.memory_space<hbm>>
      tpu.enqueue_dma source(%dma_start3A_17 : memref<3136x32xf32, #tpu.memory_space<hbm>>) target(%dma_start3A_14 : memref<3136x32xf32, #tpu.memory_space<vmem_shared>>) target_semaphore(%run_scoped3A : memref<!tpu.dma_semaphore, #tpu.memory_space<semaphore_mem>>)
      %dma_wait3A = arith.constant 0 : i32
      %dma_wait3A_18 = tpu.memref_slice %arg12[%mul3A_2, %dma_wait3A] : memref<50184x32xf32, #tpu.memory_space<vmem_shared>> -> memref<3136x32xf32, #tpu.memory_space<vmem_shared>>
      %dma_wait3A_19 = arith.constant 0 : i32
      %dma_wait3A_20 = tpu.memref_slice %arg2[%arg0, %mul3A_0, %dma_wait3A_19] : memref<2x50176x32xf32, #tpu.memory_space<hbm>> -> memref<1x3136x32xf32, #tpu.memory_space<hbm>>
      %dma_wait3A_21 = tpu.memref_squeeze %dma_wait3A_20 : memref<1x3136x32xf32, #tpu.memory_space<hbm>> -> memref<3136x32xf32, #tpu.memory_space<hbm>>
      tpu.wait_dma2 semaphore(%run_scoped3A : memref<!tpu.dma_semaphore, #tpu.memory_space<semaphore_mem>>) src(%dma_wait3A_21 : memref<3136x32xf32, #tpu.memory_space<hbm>>) dst(%dma_wait3A_18 : memref<3136x32xf32, #tpu.memory_space<vmem_shared>>)
      tpu.yield
    }) : () -> ()
    %barrier3A = arith.constant 0 : index
    tpu.barrier barrier_id(%barrier3A)
    %scan3A = arith.constant 0 : i32
    %scan3A_3 = arith.constant 0 : i32
    %scan3A_4 = arith.constant 10 : i32
    %scan3A_5 = arith.addi %scan3A_3, %scan3A_4 : i32
    %scan3A_6 = arith.constant 1 : i32
    %scan3A_7 = scf.for %scan3A_14 = %scan3A_3 to %scan3A_5 step %scan3A_6 iter_args(%scan3A_15 = %scan3A) -> (i32)  : i32 {
      %mul3A_16 = arith.constant 400 : i32
      %mul3A_17 = arith.muli %arg1, %mul3A_16 : i32
      %mul3A_18 = arith.constant 40 : i32
      %mul3A_19 = arith.muli %scan3A_14, %mul3A_18 : i32
      %add3A = arith.addi %mul3A_17, %mul3A_19 : i32
      "tpu.region"() ({
        %run_scoped3A = tpu.sem_alloc : memref<!tpu.dma_semaphore, #tpu.memory_space<semaphore_mem>>
        %dma_start3A_60 = arith.constant 0 : i32
        %dma_start3A_61 = tpu.memref_slice %arg3[%add3A, %dma_start3A_60] : memref<6400x128xi32, #tpu.memory_space<hbm>> -> memref<40x128xi32, #tpu.memory_space<hbm>>
        %dma_start3A_62 = arith.constant 0 : i32
        %dma_start3A_63 = tpu.memref_slice %arg3[%add3A, %dma_start3A_62] : memref<6400x128xi32, #tpu.memory_space<hbm>> -> memref<40x128xi32, #tpu.memory_space<hbm>>
        tpu.enqueue_dma source(%dma_start3A_63 : memref<40x128xi32, #tpu.memory_space<hbm>>) target(%arg6 : memref<40x128xi32, #tpu.memory_space<vmem>>) target_semaphore(%run_scoped3A : memref<!tpu.dma_semaphore, #tpu.memory_space<semaphore_mem>>)
        %dma_wait3A_64 = arith.constant 0 : i32
        %dma_wait3A_65 = tpu.memref_slice %arg3[%add3A, %dma_wait3A_64] : memref<6400x128xi32, #tpu.memory_space<hbm>> -> memref<40x128xi32, #tpu.memory_space<hbm>>
        %dma_wait3A_66 = arith.constant 0 : i32
        %dma_wait3A_67 = tpu.memref_slice %arg3[%add3A, %dma_wait3A_66] : memref<6400x128xi32, #tpu.memory_space<hbm>> -> memref<40x128xi32, #tpu.memory_space<hbm>>
        tpu.wait_dma2 semaphore(%run_scoped3A : memref<!tpu.dma_semaphore, #tpu.memory_space<semaphore_mem>>) src(%dma_wait3A_67 : memref<40x128xi32, #tpu.memory_space<hbm>>) dst(%arg6 : memref<40x128xi32, #tpu.memory_space<vmem>>)
        tpu.yield
      }) : () -> ()
      "tpu.region"() ({
        %run_scoped3A = tpu.sem_alloc : memref<!tpu.dma_semaphore, #tpu.memory_space<semaphore_mem>>
        %dma_start3A_60 = arith.constant 0 : i32
        %dma_start3A_61 = tpu.memref_slice %arg4[%add3A, %dma_start3A_60] : memref<6400x128xi32, #tpu.memory_space<hbm>> -> memref<40x128xi32, #tpu.memory_space<hbm>>
        %dma_start3A_62 = arith.constant 0 : i32
        %dma_start3A_63 = tpu.memref_slice %arg4[%add3A, %dma_start3A_62] : memref<6400x128xi32, #tpu.memory_space<hbm>> -> memref<40x128xi32, #tpu.memory_space<hbm>>
        tpu.enqueue_dma source(%dma_start3A_63 : memref<40x128xi32, #tpu.memory_space<hbm>>) target(%arg7 : memref<40x128xi32, #tpu.memory_space<vmem>>) target_semaphore(%run_scoped3A : memref<!tpu.dma_semaphore, #tpu.memory_space<semaphore_mem>>)
        %dma_wait3A_64 = arith.constant 0 : i32
        %dma_wait3A_65 = tpu.memref_slice %arg4[%add3A, %dma_wait3A_64] : memref<6400x128xi32, #tpu.memory_space<hbm>> -> memref<40x128xi32, #tpu.memory_space<hbm>>
        %dma_wait3A_66 = arith.constant 0 : i32
        %dma_wait3A_67 = tpu.memref_slice %arg4[%add3A, %dma_wait3A_66] : memref<6400x128xi32, #tpu.memory_space<hbm>> -> memref<40x128xi32, #tpu.memory_space<hbm>>
        tpu.wait_dma2 semaphore(%run_scoped3A : memref<!tpu.dma_semaphore, #tpu.memory_space<semaphore_mem>>) src(%dma_wait3A_67 : memref<40x128xi32, #tpu.memory_space<hbm>>) dst(%arg7 : memref<40x128xi32, #tpu.memory_space<vmem>>)
        tpu.yield
      }) : () -> ()
      %dma_start3A = arith.constant 0 : i32
      %dma_start3A_20 = arith.constant 0 : i32
      %dma_start3A_21 = tpu.memref_slice %arg6[%dma_start3A, %dma_start3A_20] : memref<40x128xi32, #tpu.memory_space<vmem>> -> memref<1x128xi32, #tpu.memory_space<vmem>>
      %dma_start3A_22 = tpu.memref_squeeze %dma_start3A_21 : memref<1x128xi32, #tpu.memory_space<vmem>> -> memref<128xi32, #tpu.memory_space<vmem>>
      %dma_start3A_23 = arith.constant 0 : i32
      %dma_start3A_24 = arith.constant 0 : i32
      %dma_start3A_25 = tpu.memref_slice %arg2[%arg0, %dma_start3A_23, %dma_start3A_24] : memref<2x50176x32xf32, #tpu.memory_space<hbm>> -> memref<1x50176x32xf32, #tpu.memory_space<hbm>>
      %dma_start3A_26 = tpu.memref_squeeze %dma_start3A_25 : memref<1x50176x32xf32, #tpu.memory_space<hbm>> -> memref<50176x32xf32, #tpu.memory_space<hbm>>
      %dma_start3A_27 = arith.constant 0 : i32
      %dma_start3A_28 = arith.constant 0 : i32
      %dma_start3A_29 = tpu.memref_slice %dma_start3A_26[%dma_start3A_27, %dma_start3A_28] : memref<50176x32xf32, #tpu.memory_space<hbm>> -> memref<50176x32xf32, #tpu.memory_space<hbm>>
      tpu.enqueue_indirect_dma source(%dma_start3A_29 : memref<50176x32xf32, #tpu.memory_space<hbm>>) target(%arg8 : memref<128x32xf32, #tpu.memory_space<vmem>>) offsets(%dma_start3A_22 : memref<128xi32, #tpu.memory_space<vmem>>) semaphore(%arg13 : memref<!tpu.dma_semaphore, #tpu.memory_space<semaphore_mem>>)
      %dma_start3A_30 = arith.constant 1 : i32
      %dma_start3A_31 = arith.constant 0 : i32
      %dma_start3A_32 = tpu.memref_slice %arg6[%dma_start3A_30, %dma_start3A_31] : memref<40x128xi32, #tpu.memory_space<vmem>> -> memref<1x128xi32, #tpu.memory_space<vmem>>
      %dma_start3A_33 = tpu.memref_squeeze %dma_start3A_32 : memref<1x128xi32, #tpu.memory_space<vmem>> -> memref<128xi32, #tpu.memory_space<vmem>>
      %dma_start3A_34 = arith.constant 0 : i32
      %dma_start3A_35 = arith.constant 0 : i32
      %dma_start3A_36 = tpu.memref_slice %arg2[%arg0, %dma_start3A_34, %dma_start3A_35] : memref<2x50176x32xf32, #tpu.memory_space<hbm>> -> memref<1x50176x32xf32, #tpu.memory_space<hbm>>
      %dma_start3A_37 = tpu.memref_squeeze %dma_start3A_36 : memref<1x50176x32xf32, #tpu.memory_space<hbm>> -> memref<50176x32xf32, #tpu.memory_space<hbm>>
      %dma_start3A_38 = arith.constant 0 : i32
      %dma_start3A_39 = arith.constant 0 : i32
      %dma_start3A_40 = tpu.memref_slice %dma_start3A_37[%dma_start3A_38, %dma_start3A_39] : memref<50176x32xf32, #tpu.memory_space<hbm>> -> memref<50176x32xf32, #tpu.memory_space<hbm>>
      tpu.enqueue_indirect_dma source(%dma_start3A_40 : memref<50176x32xf32, #tpu.memory_space<hbm>>) target(%arg9 : memref<128x32xf32, #tpu.memory_space<vmem>>) offsets(%dma_start3A_33 : memref<128xi32, #tpu.memory_space<vmem>>) semaphore(%arg14 : memref<!tpu.dma_semaphore, #tpu.memory_space<semaphore_mem>>)
      %scan3A_41 = arith.constant 0 : i32
      %scan3A_42 = arith.constant 0 : i32
      %scan3A_43 = arith.constant 10 : i32
      %scan3A_44 = arith.addi %scan3A_42, %scan3A_43 : i32
      %scan3A_45 = arith.constant 1 : i32
      %scan3A_46 = scf.for %scan3A_60 = %scan3A_42 to %scan3A_44 step %scan3A_45 iter_args(%scan3A_61 = %scan3A_41) -> (i32)  : i32 {
        %mul3A_62 = arith.constant 4 : i32
        %mul3A_63 = arith.muli %mul3A_62, %scan3A_60 : i32
        %add3A_64 = arith.constant 0 : i32
        %add3A_65 = arith.addi %mul3A_63, %add3A_64 : i32
        %ge3A = arith.constant 2 : i32
        %ge3A_66 = arith.cmpi sge, %add3A_65, %ge3A : i32
        %convert_element_type3A = arith.extui %ge3A_66 : i1 to i32
        %cond3A = arith.constant 0 : i32
        %cond3A_67 = arith.cmpi ne, %convert_element_type3A, %cond3A : i32
        scf.if %cond3A_67 {
          %dma_wait3A_179 = arith.constant 0 : i32
          %dma_wait3A_180 = arith.constant 0 : i32
          %dma_wait3A_181 = tpu.memref_slice %arg12[%dma_wait3A_179, %dma_wait3A_180] : memref<50184x32xf32, #tpu.memory_space<vmem_shared>> -> memref<128x32xf32, #tpu.memory_space<vmem_shared>>
          %dma_wait3A_182 = arith.constant 0 : i32
          %dma_wait3A_183 = arith.constant 0 : i32
          %dma_wait3A_184 = tpu.memref_slice %arg12[%dma_wait3A_182, %dma_wait3A_183] : memref<50184x32xf32, #tpu.memory_space<vmem_shared>> -> memref<128x32xf32, #tpu.memory_space<vmem_shared>>
          tpu.wait_dma2 semaphore(%arg19 : memref<!tpu.dma_semaphore, #tpu.memory_space<semaphore_mem>>) src(%arg10 : memref<128x32xf32, #tpu.memory_space<vmem>>) dst(%dma_wait3A_184 : memref<128x32xf32, #tpu.memory_space<vmem_shared>>)
        } else {
        }
        %add3A_68 = arith.constant 2 : i32
        %add3A_69 = arith.addi %add3A_65, %add3A_68 : i32
        %lt3A = arith.constant 40 : i32
        %lt3A_70 = arith.cmpi slt, %add3A_69, %lt3A : i32
        %convert_element_type3A_71 = arith.extui %lt3A_70 : i1 to i32
        %cond3A_72 = arith.constant 0 : i32
        %cond3A_73 = arith.cmpi ne, %convert_element_type3A_71, %cond3A_72 : i32
        scf.if %cond3A_73 {
          %add3A_179 = arith.constant 2 : i32
          %add3A_180 = arith.addi %add3A_65, %add3A_179 : i32
          %dma_start3A_181 = arith.constant 0 : i32
          %dma_start3A_182 = tpu.memref_slice %arg6[%add3A_180, %dma_start3A_181] : memref<40x128xi32, #tpu.memory_space<vmem>> -> memref<1x128xi32, #tpu.memory_space<vmem>>
          %dma_start3A_183 = tpu.memref_squeeze %dma_start3A_182 : memref<1x128xi32, #tpu.memory_space<vmem>> -> memref<128xi32, #tpu.memory_space<vmem>>
          %dma_start3A_184 = arith.constant 0 : i32
          %dma_start3A_185 = arith.constant 0 : i32
          %dma_start3A_186 = tpu.memref_slice %arg2[%arg0, %dma_start3A_184, %dma_start3A_185] : memref<2x50176x32xf32, #tpu.memory_space<hbm>> -> memref<1x50176x32xf32, #tpu.memory_space<hbm>>
          %dma_start3A_187 = tpu.memref_squeeze %dma_start3A_186 : memref<1x50176x32xf32, #tpu.memory_space<hbm>> -> memref<50176x32xf32, #tpu.memory_space<hbm>>
          %dma_start3A_188 = arith.constant 0 : i32
          %dma_start3A_189 = arith.constant 0 : i32
          %dma_start3A_190 = tpu.memref_slice %dma_start3A_187[%dma_start3A_188, %dma_start3A_189] : memref<50176x32xf32, #tpu.memory_space<hbm>> -> memref<50176x32xf32, #tpu.memory_space<hbm>>
          tpu.enqueue_indirect_dma source(%dma_start3A_190 : memref<50176x32xf32, #tpu.memory_space<hbm>>) target(%arg10 : memref<128x32xf32, #tpu.memory_space<vmem>>) offsets(%dma_start3A_183 : memref<128xi32, #tpu.memory_space<vmem>>) semaphore(%arg15 : memref<!tpu.dma_semaphore, #tpu.memory_space<semaphore_mem>>)
        } else {
        }
        %dma_wait3A_74 = arith.constant 0 : i32
        %dma_wait3A_75 = arith.constant 0 : i32
        %dma_wait3A_76 = tpu.memref_slice %arg2[%arg0, %dma_wait3A_74, %dma_wait3A_75] : memref<2x50176x32xf32, #tpu.memory_space<hbm>> -> memref<1x128x32xf32, #tpu.memory_space<hbm>>
        %dma_wait3A_77 = tpu.memref_squeeze %dma_wait3A_76 : memref<1x128x32xf32, #tpu.memory_space<hbm>> -> memref<128x32xf32, #tpu.memory_space<hbm>>
        %dma_wait3A_78 = arith.constant 0 : i32
        %dma_wait3A_79 = arith.constant 0 : i32
        %dma_wait3A_80 = tpu.memref_slice %arg2[%arg0, %dma_wait3A_78, %dma_wait3A_79] : memref<2x50176x32xf32, #tpu.memory_space<hbm>> -> memref<1x128x32xf32, #tpu.memory_space<hbm>>
        %dma_wait3A_81 = tpu.memref_squeeze %dma_wait3A_80 : memref<1x128x32xf32, #tpu.memory_space<hbm>> -> memref<128x32xf32, #tpu.memory_space<hbm>>
        tpu.wait_dma2 semaphore(%arg13 : memref<!tpu.dma_semaphore, #tpu.memory_space<semaphore_mem>>) src(%dma_wait3A_81 : memref<128x32xf32, #tpu.memory_space<hbm>>) dst(%arg8 : memref<128x32xf32, #tpu.memory_space<vmem>>)
        %dma_start3A_82 = arith.constant 0 : i32
        %dma_start3A_83 = tpu.memref_slice %arg7[%add3A_65, %dma_start3A_82] : memref<40x128xi32, #tpu.memory_space<vmem>> -> memref<1x128xi32, #tpu.memory_space<vmem>>
        %dma_start3A_84 = tpu.memref_squeeze %dma_start3A_83 : memref<1x128xi32, #tpu.memory_space<vmem>> -> memref<128xi32, #tpu.memory_space<vmem>>
        %dma_start3A_85 = arith.constant 0 : i32
        %dma_start3A_86 = arith.constant 0 : i32
        %dma_start3A_87 = tpu.memref_slice %arg12[%dma_start3A_85, %dma_start3A_86] : memref<50184x32xf32, #tpu.memory_space<vmem_shared>> -> memref<50184x32xf32, #tpu.memory_space<vmem_shared>>
        tpu.enqueue_indirect_dma source(%arg8 : memref<128x32xf32, #tpu.memory_space<vmem>>) target(%dma_start3A_87 : memref<50184x32xf32, #tpu.memory_space<vmem_shared>>) offsets(%dma_start3A_84 : memref<128xi32, #tpu.memory_space<vmem>>) semaphore(%arg17 : memref<!tpu.dma_semaphore, #tpu.memory_space<semaphore_mem>>) {add = true}
        %mul3A_88 = arith.constant 4 : i32
        %mul3A_89 = arith.muli %mul3A_88, %scan3A_60 : i32
        %add3A_90 = arith.constant 1 : i32
        %add3A_91 = arith.addi %mul3A_89, %add3A_90 : i32
        %ge3A_92 = arith.constant 2 : i32
        %ge3A_93 = arith.cmpi sge, %add3A_91, %ge3A_92 : i32
        %convert_element_type3A_94 = arith.extui %ge3A_93 : i1 to i32
        %cond3A_95 = arith.constant 0 : i32
        %cond3A_96 = arith.cmpi ne, %convert_element_type3A_94, %cond3A_95 : i32
        scf.if %cond3A_96 {
          %dma_wait3A_179 = arith.constant 0 : i32
          %dma_wait3A_180 = arith.constant 0 : i32
          %dma_wait3A_181 = tpu.memref_slice %arg12[%dma_wait3A_179, %dma_wait3A_180] : memref<50184x32xf32, #tpu.memory_space<vmem_shared>> -> memref<128x32xf32, #tpu.memory_space<vmem_shared>>
          %dma_wait3A_182 = arith.constant 0 : i32
          %dma_wait3A_183 = arith.constant 0 : i32
          %dma_wait3A_184 = tpu.memref_slice %arg12[%dma_wait3A_182, %dma_wait3A_183] : memref<50184x32xf32, #tpu.memory_space<vmem_shared>> -> memref<128x32xf32, #tpu.memory_space<vmem_shared>>
          tpu.wait_dma2 semaphore(%arg20 : memref<!tpu.dma_semaphore, #tpu.memory_space<semaphore_mem>>) src(%arg11 : memref<128x32xf32, #tpu.memory_space<vmem>>) dst(%dma_wait3A_184 : memref<128x32xf32, #tpu.memory_space<vmem_shared>>)
        } else {
        }
        %add3A_97 = arith.constant 2 : i32
        %add3A_98 = arith.addi %add3A_91, %add3A_97 : i32
        %lt3A_99 = arith.constant 40 : i32
        %lt3A_100 = arith.cmpi slt, %add3A_98, %lt3A_99 : i32
        %convert_element_type3A_101 = arith.extui %lt3A_100 : i1 to i32
        %cond3A_102 = arith.constant 0 : i32
        %cond3A_103 = arith.cmpi ne, %convert_element_type3A_101, %cond3A_102 : i32
        scf.if %cond3A_103 {
          %add3A_179 = arith.constant 2 : i32
          %add3A_180 = arith.addi %add3A_91, %add3A_179 : i32
          %dma_start3A_181 = arith.constant 0 : i32
          %dma_start3A_182 = tpu.memref_slice %arg6[%add3A_180, %dma_start3A_181] : memref<40x128xi32, #tpu.memory_space<vmem>> -> memref<1x128xi32, #tpu.memory_space<vmem>>
          %dma_start3A_183 = tpu.memref_squeeze %dma_start3A_182 : memref<1x128xi32, #tpu.memory_space<vmem>> -> memref<128xi32, #tpu.memory_space<vmem>>
          %dma_start3A_184 = arith.constant 0 : i32
          %dma_start3A_185 = arith.constant 0 : i32
          %dma_start3A_186 = tpu.memref_slice %arg2[%arg0, %dma_start3A_184, %dma_start3A_185] : memref<2x50176x32xf32, #tpu.memory_space<hbm>> -> memref<1x50176x32xf32, #tpu.memory_space<hbm>>
          %dma_start3A_187 = tpu.memref_squeeze %dma_start3A_186 : memref<1x50176x32xf32, #tpu.memory_space<hbm>> -> memref<50176x32xf32, #tpu.memory_space<hbm>>
          %dma_start3A_188 = arith.constant 0 : i32
          %dma_start3A_189 = arith.constant 0 : i32
          %dma_start3A_190 = tpu.memref_slice %dma_start3A_187[%dma_start3A_188, %dma_start3A_189] : memref<50176x32xf32, #tpu.memory_space<hbm>> -> memref<50176x32xf32, #tpu.memory_space<hbm>>
          tpu.enqueue_indirect_dma source(%dma_start3A_190 : memref<50176x32xf32, #tpu.memory_space<hbm>>) target(%arg11 : memref<128x32xf32, #tpu.memory_space<vmem>>) offsets(%dma_start3A_183 : memref<128xi32, #tpu.memory_space<vmem>>) semaphore(%arg16 : memref<!tpu.dma_semaphore, #tpu.memory_space<semaphore_mem>>)
        } else {
        }
        %dma_wait3A_104 = arith.constant 0 : i32
        %dma_wait3A_105 = arith.constant 0 : i32
        %dma_wait3A_106 = tpu.memref_slice %arg2[%arg0, %dma_wait3A_104, %dma_wait3A_105] : memref<2x50176x32xf32, #tpu.memory_space<hbm>> -> memref<1x128x32xf32, #tpu.memory_space<hbm>>
        %dma_wait3A_107 = tpu.memref_squeeze %dma_wait3A_106 : memref<1x128x32xf32, #tpu.memory_space<hbm>> -> memref<128x32xf32, #tpu.memory_space<hbm>>
        %dma_wait3A_108 = arith.constant 0 : i32
        %dma_wait3A_109 = arith.constant 0 : i32
        %dma_wait3A_110 = tpu.memref_slice %arg2[%arg0, %dma_wait3A_108, %dma_wait3A_109] : memref<2x50176x32xf32, #tpu.memory_space<hbm>> -> memref<1x128x32xf32, #tpu.memory_space<hbm>>
        %dma_wait3A_111 = tpu.memref_squeeze %dma_wait3A_110 : memref<1x128x32xf32, #tpu.memory_space<hbm>> -> memref<128x32xf32, #tpu.memory_space<hbm>>
        tpu.wait_dma2 semaphore(%arg14 : memref<!tpu.dma_semaphore, #tpu.memory_space<semaphore_mem>>) src(%dma_wait3A_111 : memref<128x32xf32, #tpu.memory_space<hbm>>) dst(%arg9 : memref<128x32xf32, #tpu.memory_space<vmem>>)
        %dma_start3A_112 = arith.constant 0 : i32
        %dma_start3A_113 = tpu.memref_slice %arg7[%add3A_91, %dma_start3A_112] : memref<40x128xi32, #tpu.memory_space<vmem>> -> memref<1x128xi32, #tpu.memory_space<vmem>>
        %dma_start3A_114 = tpu.memref_squeeze %dma_start3A_113 : memref<1x128xi32, #tpu.memory_space<vmem>> -> memref<128xi32, #tpu.memory_space<vmem>>
        %dma_start3A_115 = arith.constant 0 : i32
        %dma_start3A_116 = arith.constant 0 : i32
        %dma_start3A_117 = tpu.memref_slice %arg12[%dma_start3A_115, %dma_start3A_116] : memref<50184x32xf32, #tpu.memory_space<vmem_shared>> -> memref<50184x32xf32, #tpu.memory_space<vmem_shared>>
        tpu.enqueue_indirect_dma source(%arg9 : memref<128x32xf32, #tpu.memory_space<vmem>>) target(%dma_start3A_117 : memref<50184x32xf32, #tpu.memory_space<vmem_shared>>) offsets(%dma_start3A_114 : memref<128xi32, #tpu.memory_space<vmem>>) semaphore(%arg18 : memref<!tpu.dma_semaphore, #tpu.memory_space<semaphore_mem>>) {add = true}
        %mul3A_118 = arith.constant 4 : i32
        %mul3A_119 = arith.muli %mul3A_118, %scan3A_60 : i32
        %add3A_120 = arith.constant 2 : i32
        %add3A_121 = arith.addi %mul3A_119, %add3A_120 : i32
        %ge3A_122 = arith.constant 2 : i32
        %ge3A_123 = arith.cmpi sge, %add3A_121, %ge3A_122 : i32
        %convert_element_type3A_124 = arith.extui %ge3A_123 : i1 to i32
        %cond3A_125 = arith.constant 0 : i32
        %cond3A_126 = arith.cmpi ne, %convert_element_type3A_124, %cond3A_125 : i32
        scf.if %cond3A_126 {
          %dma_wait3A_179 = arith.constant 0 : i32
          %dma_wait3A_180 = arith.constant 0 : i32
          %dma_wait3A_181 = tpu.memref_slice %arg12[%dma_wait3A_179, %dma_wait3A_180] : memref<50184x32xf32, #tpu.memory_space<vmem_shared>> -> memref<128x32xf32, #tpu.memory_space<vmem_shared>>
          %dma_wait3A_182 = arith.constant 0 : i32
          %dma_wait3A_183 = arith.constant 0 : i32
          %dma_wait3A_184 = tpu.memref_slice %arg12[%dma_wait3A_182, %dma_wait3A_183] : memref<50184x32xf32, #tpu.memory_space<vmem_shared>> -> memref<128x32xf32, #tpu.memory_space<vmem_shared>>
          tpu.wait_dma2 semaphore(%arg17 : memref<!tpu.dma_semaphore, #tpu.memory_space<semaphore_mem>>) src(%arg8 : memref<128x32xf32, #tpu.memory_space<vmem>>) dst(%dma_wait3A_184 : memref<128x32xf32, #tpu.memory_space<vmem_shared>>)
        } else {
        }
        %add3A_127 = arith.constant 2 : i32
        %add3A_128 = arith.addi %add3A_121, %add3A_127 : i32
        %lt3A_129 = arith.constant 40 : i32
        %lt3A_130 = arith.cmpi slt, %add3A_128, %lt3A_129 : i32
        %convert_element_type3A_131 = arith.extui %lt3A_130 : i1 to i32
        %cond3A_132 = arith.constant 0 : i32
        %cond3A_133 = arith.cmpi ne, %convert_element_type3A_131, %cond3A_132 : i32
        scf.if %cond3A_133 {
          %add3A_179 = arith.constant 2 : i32
          %add3A_180 = arith.addi %add3A_121, %add3A_179 : i32
          %dma_start3A_181 = arith.constant 0 : i32
          %dma_start3A_182 = tpu.memref_slice %arg6[%add3A_180, %dma_start3A_181] : memref<40x128xi32, #tpu.memory_space<vmem>> -> memref<1x128xi32, #tpu.memory_space<vmem>>
          %dma_start3A_183 = tpu.memref_squeeze %dma_start3A_182 : memref<1x128xi32, #tpu.memory_space<vmem>> -> memref<128xi32, #tpu.memory_space<vmem>>
          %dma_start3A_184 = arith.constant 0 : i32
          %dma_start3A_185 = arith.constant 0 : i32
          %dma_start3A_186 = tpu.memref_slice %arg2[%arg0, %dma_start3A_184, %dma_start3A_185] : memref<2x50176x32xf32, #tpu.memory_space<hbm>> -> memref<1x50176x32xf32, #tpu.memory_space<hbm>>
          %dma_start3A_187 = tpu.memref_squeeze %dma_start3A_186 : memref<1x50176x32xf32, #tpu.memory_space<hbm>> -> memref<50176x32xf32, #tpu.memory_space<hbm>>
          %dma_start3A_188 = arith.constant 0 : i32
          %dma_start3A_189 = arith.constant 0 : i32
          %dma_start3A_190 = tpu.memref_slice %dma_start3A_187[%dma_start3A_188, %dma_start3A_189] : memref<50176x32xf32, #tpu.memory_space<hbm>> -> memref<50176x32xf32, #tpu.memory_space<hbm>>
          tpu.enqueue_indirect_dma source(%dma_start3A_190 : memref<50176x32xf32, #tpu.memory_space<hbm>>) target(%arg8 : memref<128x32xf32, #tpu.memory_space<vmem>>) offsets(%dma_start3A_183 : memref<128xi32, #tpu.memory_space<vmem>>) semaphore(%arg13 : memref<!tpu.dma_semaphore, #tpu.memory_space<semaphore_mem>>)
        } else {
        }
        %dma_wait3A_134 = arith.constant 0 : i32
        %dma_wait3A_135 = arith.constant 0 : i32
        %dma_wait3A_136 = tpu.memref_slice %arg2[%arg0, %dma_wait3A_134, %dma_wait3A_135] : memref<2x50176x32xf32, #tpu.memory_space<hbm>> -> memref<1x128x32xf32, #tpu.memory_space<hbm>>
        %dma_wait3A_137 = tpu.memref_squeeze %dma_wait3A_136 : memref<1x128x32xf32, #tpu.memory_space<hbm>> -> memref<128x32xf32, #tpu.memory_space<hbm>>
        %dma_wait3A_138 = arith.constant 0 : i32
        %dma_wait3A_139 = arith.constant 0 : i32
        %dma_wait3A_140 = tpu.memref_slice %arg2[%arg0, %dma_wait3A_138, %dma_wait3A_139] : memref<2x50176x32xf32, #tpu.memory_space<hbm>> -> memref<1x128x32xf32, #tpu.memory_space<hbm>>
        %dma_wait3A_141 = tpu.memref_squeeze %dma_wait3A_140 : memref<1x128x32xf32, #tpu.memory_space<hbm>> -> memref<128x32xf32, #tpu.memory_space<hbm>>
        tpu.wait_dma2 semaphore(%arg15 : memref<!tpu.dma_semaphore, #tpu.memory_space<semaphore_mem>>) src(%dma_wait3A_141 : memref<128x32xf32, #tpu.memory_space<hbm>>) dst(%arg10 : memref<128x32xf32, #tpu.memory_space<vmem>>)
        %dma_start3A_142 = arith.constant 0 : i32
        %dma_start3A_143 = tpu.memref_slice %arg7[%add3A_121, %dma_start3A_142] : memref<40x128xi32, #tpu.memory_space<vmem>> -> memref<1x128xi32, #tpu.memory_space<vmem>>
        %dma_start3A_144 = tpu.memref_squeeze %dma_start3A_143 : memref<1x128xi32, #tpu.memory_space<vmem>> -> memref<128xi32, #tpu.memory_space<vmem>>
        %dma_start3A_145 = arith.constant 0 : i32
        %dma_start3A_146 = arith.constant 0 : i32
        %dma_start3A_147 = tpu.memref_slice %arg12[%dma_start3A_145, %dma_start3A_146] : memref<50184x32xf32, #tpu.memory_space<vmem_shared>> -> memref<50184x32xf32, #tpu.memory_space<vmem_shared>>
        tpu.enqueue_indirect_dma source(%arg10 : memref<128x32xf32, #tpu.memory_space<vmem>>) target(%dma_start3A_147 : memref<50184x32xf32, #tpu.memory_space<vmem_shared>>) offsets(%dma_start3A_144 : memref<128xi32, #tpu.memory_space<vmem>>) semaphore(%arg19 : memref<!tpu.dma_semaphore, #tpu.memory_space<semaphore_mem>>) {add = true}
        %mul3A_148 = arith.constant 4 : i32
        %mul3A_149 = arith.muli %mul3A_148, %scan3A_60 : i32
        %add3A_150 = arith.constant 3 : i32
        %add3A_151 = arith.addi %mul3A_149, %add3A_150 : i32
        %ge3A_152 = arith.constant 2 : i32
        %ge3A_153 = arith.cmpi sge, %add3A_151, %ge3A_152 : i32
        %convert_element_type3A_154 = arith.extui %ge3A_153 : i1 to i32
        %cond3A_155 = arith.constant 0 : i32
        %cond3A_156 = arith.cmpi ne, %convert_element_type3A_154, %cond3A_155 : i32
        scf.if %cond3A_156 {
          %dma_wait3A_179 = arith.constant 0 : i32
          %dma_wait3A_180 = arith.constant 0 : i32
          %dma_wait3A_181 = tpu.memref_slice %arg12[%dma_wait3A_179, %dma_wait3A_180] : memref<50184x32xf32, #tpu.memory_space<vmem_shared>> -> memref<128x32xf32, #tpu.memory_space<vmem_shared>>
          %dma_wait3A_182 = arith.constant 0 : i32
          %dma_wait3A_183 = arith.constant 0 : i32
          %dma_wait3A_184 = tpu.memref_slice %arg12[%dma_wait3A_182, %dma_wait3A_183] : memref<50184x32xf32, #tpu.memory_space<vmem_shared>> -> memref<128x32xf32, #tpu.memory_space<vmem_shared>>
          tpu.wait_dma2 semaphore(%arg18 : memref<!tpu.dma_semaphore, #tpu.memory_space<semaphore_mem>>) src(%arg9 : memref<128x32xf32, #tpu.memory_space<vmem>>) dst(%dma_wait3A_184 : memref<128x32xf32, #tpu.memory_space<vmem_shared>>)
        } else {
        }
        %add3A_157 = arith.constant 2 : i32
        %add3A_158 = arith.addi %add3A_151, %add3A_157 : i32
        %lt3A_159 = arith.constant 40 : i32
        %lt3A_160 = arith.cmpi slt, %add3A_158, %lt3A_159 : i32
        %convert_element_type3A_161 = arith.extui %lt3A_160 : i1 to i32
        %cond3A_162 = arith.constant 0 : i32
        %cond3A_163 = arith.cmpi ne, %convert_element_type3A_161, %cond3A_162 : i32
        scf.if %cond3A_163 {
          %add3A_179 = arith.constant 2 : i32
          %add3A_180 = arith.addi %add3A_151, %add3A_179 : i32
          %dma_start3A_181 = arith.constant 0 : i32
          %dma_start3A_182 = tpu.memref_slice %arg6[%add3A_180, %dma_start3A_181] : memref<40x128xi32, #tpu.memory_space<vmem>> -> memref<1x128xi32, #tpu.memory_space<vmem>>
          %dma_start3A_183 = tpu.memref_squeeze %dma_start3A_182 : memref<1x128xi32, #tpu.memory_space<vmem>> -> memref<128xi32, #tpu.memory_space<vmem>>
          %dma_start3A_184 = arith.constant 0 : i32
          %dma_start3A_185 = arith.constant 0 : i32
          %dma_start3A_186 = tpu.memref_slice %arg2[%arg0, %dma_start3A_184, %dma_start3A_185] : memref<2x50176x32xf32, #tpu.memory_space<hbm>> -> memref<1x50176x32xf32, #tpu.memory_space<hbm>>
          %dma_start3A_187 = tpu.memref_squeeze %dma_start3A_186 : memref<1x50176x32xf32, #tpu.memory_space<hbm>> -> memref<50176x32xf32, #tpu.memory_space<hbm>>
          %dma_start3A_188 = arith.constant 0 : i32
          %dma_start3A_189 = arith.constant 0 : i32
          %dma_start3A_190 = tpu.memref_slice %dma_start3A_187[%dma_start3A_188, %dma_start3A_189] : memref<50176x32xf32, #tpu.memory_space<hbm>> -> memref<50176x32xf32, #tpu.memory_space<hbm>>
          tpu.enqueue_indirect_dma source(%dma_start3A_190 : memref<50176x32xf32, #tpu.memory_space<hbm>>) target(%arg9 : memref<128x32xf32, #tpu.memory_space<vmem>>) offsets(%dma_start3A_183 : memref<128xi32, #tpu.memory_space<vmem>>) semaphore(%arg14 : memref<!tpu.dma_semaphore, #tpu.memory_space<semaphore_mem>>)
        } else {
        }
        %dma_wait3A_164 = arith.constant 0 : i32
        %dma_wait3A_165 = arith.constant 0 : i32
        %dma_wait3A_166 = tpu.memref_slice %arg2[%arg0, %dma_wait3A_164, %dma_wait3A_165] : memref<2x50176x32xf32, #tpu.memory_space<hbm>> -> memref<1x128x32xf32, #tpu.memory_space<hbm>>
        %dma_wait3A_167 = tpu.memref_squeeze %dma_wait3A_166 : memref<1x128x32xf32, #tpu.memory_space<hbm>> -> memref<128x32xf32, #tpu.memory_space<hbm>>
        %dma_wait3A_168 = arith.constant 0 : i32
        %dma_wait3A_169 = arith.constant 0 : i32
        %dma_wait3A_170 = tpu.memref_slice %arg2[%arg0, %dma_wait3A_168, %dma_wait3A_169] : memref<2x50176x32xf32, #tpu.memory_space<hbm>> -> memref<1x128x32xf32, #tpu.memory_space<hbm>>
        %dma_wait3A_171 = tpu.memref_squeeze %dma_wait3A_170 : memref<1x128x32xf32, #tpu.memory_space<hbm>> -> memref<128x32xf32, #tpu.memory_space<hbm>>
        tpu.wait_dma2 semaphore(%arg16 : memref<!tpu.dma_semaphore, #tpu.memory_space<semaphore_mem>>) src(%dma_wait3A_171 : memref<128x32xf32, #tpu.memory_space<hbm>>) dst(%arg11 : memref<128x32xf32, #tpu.memory_space<vmem>>)
        %dma_start3A_172 = arith.constant 0 : i32
        %dma_start3A_173 = tpu.memref_slice %arg7[%add3A_151, %dma_start3A_172] : memref<40x128xi32, #tpu.memory_space<vmem>> -> memref<1x128xi32, #tpu.memory_space<vmem>>
        %dma_start3A_174 = tpu.memref_squeeze %dma_start3A_173 : memref<1x128xi32, #tpu.memory_space<vmem>> -> memref<128xi32, #tpu.memory_space<vmem>>
        %dma_start3A_175 = arith.constant 0 : i32
        %dma_start3A_176 = arith.constant 0 : i32
        %dma_start3A_177 = tpu.memref_slice %arg12[%dma_start3A_175, %dma_start3A_176] : memref<50184x32xf32, #tpu.memory_space<vmem_shared>> -> memref<50184x32xf32, #tpu.memory_space<vmem_shared>>
        tpu.enqueue_indirect_dma source(%arg11 : memref<128x32xf32, #tpu.memory_space<vmem>>) target(%dma_start3A_177 : memref<50184x32xf32, #tpu.memory_space<vmem_shared>>) offsets(%dma_start3A_174 : memref<128xi32, #tpu.memory_space<vmem>>) semaphore(%arg20 : memref<!tpu.dma_semaphore, #tpu.memory_space<semaphore_mem>>) {add = true}
        %scan3A_178 = arith.constant 0 : i32
        scf.yield %scan3A_178 : i32
      }
      %scan3A_47 = arith.constant 10 : i32
      %dma_wait3A = arith.constant 0 : i32
      %dma_wait3A_48 = arith.constant 0 : i32
      %dma_wait3A_49 = tpu.memref_slice %arg12[%dma_wait3A, %dma_wait3A_48] : memref<50184x32xf32, #tpu.memory_space<vmem_shared>> -> memref<128x32xf32, #tpu.memory_space<vmem_shared>>
      %dma_wait3A_50 = arith.constant 0 : i32
      %dma_wait3A_51 = arith.constant 0 : i32
      %dma_wait3A_52 = tpu.memref_slice %arg12[%dma_wait3A_50, %dma_wait3A_51] : memref<50184x32xf32, #tpu.memory_space<vmem_shared>> -> memref<128x32xf32, #tpu.memory_space<vmem_shared>>
      tpu.wait_dma2 semaphore(%arg19 : memref<!tpu.dma_semaphore, #tpu.memory_space<semaphore_mem>>) src(%arg10 : memref<128x32xf32, #tpu.memory_space<vmem>>) dst(%dma_wait3A_52 : memref<128x32xf32, #tpu.memory_space<vmem_shared>>)
      %dma_wait3A_53 = arith.constant 0 : i32
      %dma_wait3A_54 = arith.constant 0 : i32
      %dma_wait3A_55 = tpu.memref_slice %arg12[%dma_wait3A_53, %dma_wait3A_54] : memref<50184x32xf32, #tpu.memory_space<vmem_shared>> -> memref<128x32xf32, #tpu.memory_space<vmem_shared>>
      %dma_wait3A_56 = arith.constant 0 : i32
      %dma_wait3A_57 = arith.constant 0 : i32
      %dma_wait3A_58 = tpu.memref_slice %arg12[%dma_wait3A_56, %dma_wait3A_57] : memref<50184x32xf32, #tpu.memory_space<vmem_shared>> -> memref<128x32xf32, #tpu.memory_space<vmem_shared>>
      tpu.wait_dma2 semaphore(%arg20 : memref<!tpu.dma_semaphore, #tpu.memory_space<semaphore_mem>>) src(%arg11 : memref<128x32xf32, #tpu.memory_space<vmem>>) dst(%dma_wait3A_58 : memref<128x32xf32, #tpu.memory_space<vmem_shared>>)
      %scan3A_59 = arith.constant 0 : i32
      scf.yield %scan3A_59 : i32
    }
    %scan3A_8 = arith.constant 10 : i32
    %barrier3A_9 = arith.constant 0 : index
    tpu.barrier barrier_id(%barrier3A_9)
    %mul3A_10 = arith.constant 3136 : i32
    %mul3A_11 = arith.muli %arg1, %mul3A_10 : i32
    %mul3A_12 = arith.constant 3136 : i32
    %mul3A_13 = arith.muli %arg1, %mul3A_12 : i32
    "tpu.region"() ({
      %run_scoped3A = tpu.sem_alloc : memref<!tpu.dma_semaphore, #tpu.memory_space<semaphore_mem>>
      %dma_start3A = arith.constant 0 : i32
      %dma_start3A_14 = tpu.memref_slice %arg5[%arg0, %mul3A_13, %dma_start3A] : memref<2x50176x32xf32, #tpu.memory_space<hbm>> -> memref<1x3136x32xf32, #tpu.memory_space<hbm>>
      %dma_start3A_15 = tpu.memref_squeeze %dma_start3A_14 : memref<1x3136x32xf32, #tpu.memory_space<hbm>> -> memref<3136x32xf32, #tpu.memory_space<hbm>>
      %dma_start3A_16 = arith.constant 0 : i32
      %dma_start3A_17 = tpu.memref_slice %arg12[%mul3A_11, %dma_start3A_16] : memref<50184x32xf32, #tpu.memory_space<vmem_shared>> -> memref<3136x32xf32, #tpu.memory_space<vmem_shared>>
      tpu.enqueue_dma source(%dma_start3A_17 : memref<3136x32xf32, #tpu.memory_space<vmem_shared>>) target(%dma_start3A_15 : memref<3136x32xf32, #tpu.memory_space<hbm>>) target_semaphore(%run_scoped3A : memref<!tpu.dma_semaphore, #tpu.memory_space<semaphore_mem>>)
      %dma_wait3A = arith.constant 0 : i32
      %dma_wait3A_18 = tpu.memref_slice %arg5[%arg0, %mul3A_13, %dma_wait3A] : memref<2x50176x32xf32, #tpu.memory_space<hbm>> -> memref<1x3136x32xf32, #tpu.memory_space<hbm>>
      %dma_wait3A_19 = tpu.memref_squeeze %dma_wait3A_18 : memref<1x3136x32xf32, #tpu.memory_space<hbm>> -> memref<3136x32xf32, #tpu.memory_space<hbm>>
      %dma_wait3A_20 = arith.constant 0 : i32
      %dma_wait3A_21 = tpu.memref_slice %arg12[%mul3A_11, %dma_wait3A_20] : memref<50184x32xf32, #tpu.memory_space<vmem_shared>> -> memref<3136x32xf32, #tpu.memory_space<vmem_shared>>
      tpu.wait_dma2 semaphore(%run_scoped3A : memref<!tpu.dma_semaphore, #tpu.memory_space<semaphore_mem>>) src(%dma_wait3A_21 : memref<3136x32xf32, #tpu.memory_space<vmem_shared>>) dst(%dma_wait3A_19 : memref<3136x32xf32, #tpu.memory_space<hbm>>)
      tpu.yield
    }) : () -> ()
    return
  }
}

#map = affine_map<(d0, d1) -> (0, 0, 0)>
#map1 = affine_map<(d0, d1) -> (0, 0)>
module attributes {stable_mosaic.version = 14 : i64} {
  func.func @_conv_g_body(%arg0: i32, %arg1: i32, %arg2: memref<2x50176x32xf32, #tpu.memory_space<hbm>>, %arg3: memref<6400x128xi32, #tpu.memory_space<hbm>>, %arg4: memref<6400x128xi32, #tpu.memory_space<hbm>>, %arg5: memref<2x50176x32xf32, #tpu.memory_space<hbm>>, %arg6: memref<40x128xi32, #tpu.memory_space<vmem>>, %arg7: memref<40x128xi32, #tpu.memory_space<vmem>>, %arg8: memref<128x32xf32, #tpu.memory_space<vmem>>, %arg9: memref<128x32xf32, #tpu.memory_space<vmem>>, %arg10: memref<128x32xf32, #tpu.memory_space<vmem>>, %arg11: memref<128x32xf32, #tpu.memory_space<vmem>>, %arg12: memref<50184x32xf32, #tpu.memory_space<vmem_shared>>, %arg13: memref<!tpu.dma_semaphore, #tpu.memory_space<semaphore_mem>>, %arg14: memref<!tpu.dma_semaphore, #tpu.memory_space<semaphore_mem>>, %arg15: memref<!tpu.dma_semaphore, #tpu.memory_space<semaphore_mem>>, %arg16: memref<!tpu.dma_semaphore, #tpu.memory_space<semaphore_mem>>, %arg17: memref<!tpu.dma_semaphore, #tpu.memory_space<semaphore_mem>>, %arg18: memref<!tpu.dma_semaphore, #tpu.memory_space<semaphore_mem>>, %arg19: memref<!tpu.dma_semaphore, #tpu.memory_space<semaphore_mem>>, %arg20: memref<!tpu.dma_semaphore, #tpu.memory_space<semaphore_mem>>) attributes {dimension_semantics = [#tpu.dimension_semantics<core_parallel>, #tpu.dimension_semantics<subcore_parallel>], iteration_bounds = array<i64: 2, 16>, scalar_prefetch = 0 : i64, scratch_operands = 15 : i64, tpu.core_type = #tpu.core_type<sc_vector_subcore>, window_params = [{transform_indices = #map}, {transform_indices = #map1}, {transform_indices = #map1}, {transform_indices = #map}]} {
    %mul3A = arith.constant 3136 : i32
    %mul3A_0 = arith.muli %arg1, %mul3A : i32
    %mul3A_1 = arith.constant 3136 : i32
    %mul3A_2 = arith.muli %arg1, %mul3A_1 : i32
    "tpu.region"() ({
      %run_scoped3A = tpu.sem_alloc : memref<!tpu.dma_semaphore, #tpu.memory_space<semaphore_mem>>
      %dma_start3A = arith.constant 0 : i32
      %dma_start3A_14 = tpu.memref_slice %arg12[%mul3A_2, %dma_start3A] : memref<50184x32xf32, #tpu.memory_space<vmem_shared>> -> memref<3136x32xf32, #tpu.memory_space<vmem_shared>>
      %dma_start3A_15 = arith.constant 0 : i32
      %dma_start3A_16 = tpu.memref_slice %arg2[%arg0, %mul3A_0, %dma_start3A_15] : memref<2x50176x32xf32, #tpu.memory_space<hbm>> -> memref<1x3136x32xf32, #tpu.memory_space<hbm>>
      %dma_start3A_17 = tpu.memref_squeeze %dma_start3A_16 : memref<1x3136x32xf32, #tpu.memory_space<hbm>> -> memref<3136x32xf32, #tpu.memory_space<hbm>>
      tpu.enqueue_dma source(%dma_start3A_17 : memref<3136x32xf32, #tpu.memory_space<hbm>>) target(%dma_start3A_14 : memref<3136x32xf32, #tpu.memory_space<vmem_shared>>) target_semaphore(%run_scoped3A : memref<!tpu.dma_semaphore, #tpu.memory_space<semaphore_mem>>)
      %dma_wait3A = arith.constant 0 : i32
      %dma_wait3A_18 = tpu.memref_slice %arg12[%mul3A_2, %dma_wait3A] : memref<50184x32xf32, #tpu.memory_space<vmem_shared>> -> memref<3136x32xf32, #tpu.memory_space<vmem_shared>>
      %dma_wait3A_19 = arith.constant 0 : i32
      %dma_wait3A_20 = tpu.memref_slice %arg2[%arg0, %mul3A_0, %dma_wait3A_19] : memref<2x50176x32xf32, #tpu.memory_space<hbm>> -> memref<1x3136x32xf32, #tpu.memory_space<hbm>>
      %dma_wait3A_21 = tpu.memref_squeeze %dma_wait3A_20 : memref<1x3136x32xf32, #tpu.memory_space<hbm>> -> memref<3136x32xf32, #tpu.memory_space<hbm>>
      tpu.wait_dma2 semaphore(%run_scoped3A : memref<!tpu.dma_semaphore, #tpu.memory_space<semaphore_mem>>) src(%dma_wait3A_21 : memref<3136x32xf32, #tpu.memory_space<hbm>>) dst(%dma_wait3A_18 : memref<3136x32xf32, #tpu.memory_space<vmem_shared>>)
      tpu.yield
    }) : () -> ()
    %barrier3A = arith.constant 0 : index
    tpu.barrier barrier_id(%barrier3A)
    %scan3A = arith.constant 0 : i32
    %scan3A_3 = arith.constant 0 : i32
    %scan3A_4 = arith.constant 10 : i32
    %scan3A_5 = arith.addi %scan3A_3, %scan3A_4 : i32
    %scan3A_6 = arith.constant 1 : i32
    %scan3A_7 = scf.for %scan3A_14 = %scan3A_3 to %scan3A_5 step %scan3A_6 iter_args(%scan3A_15 = %scan3A) -> (i32)  : i32 {
      %mul3A_16 = arith.constant 400 : i32
      %mul3A_17 = arith.muli %arg1, %mul3A_16 : i32
      %mul3A_18 = arith.constant 40 : i32
      %mul3A_19 = arith.muli %scan3A_14, %mul3A_18 : i32
      %add3A = arith.addi %mul3A_17, %mul3A_19 : i32
      "tpu.region"() ({
        %run_scoped3A = tpu.sem_alloc : memref<!tpu.dma_semaphore, #tpu.memory_space<semaphore_mem>>
        %dma_start3A_60 = arith.constant 0 : i32
        %dma_start3A_61 = tpu.memref_slice %arg3[%add3A, %dma_start3A_60] : memref<6400x128xi32, #tpu.memory_space<hbm>> -> memref<40x128xi32, #tpu.memory_space<hbm>>
        %dma_start3A_62 = arith.constant 0 : i32
        %dma_start3A_63 = tpu.memref_slice %arg3[%add3A, %dma_start3A_62] : memref<6400x128xi32, #tpu.memory_space<hbm>> -> memref<40x128xi32, #tpu.memory_space<hbm>>
        tpu.enqueue_dma source(%dma_start3A_63 : memref<40x128xi32, #tpu.memory_space<hbm>>) target(%arg6 : memref<40x128xi32, #tpu.memory_space<vmem>>) target_semaphore(%run_scoped3A : memref<!tpu.dma_semaphore, #tpu.memory_space<semaphore_mem>>)
        %dma_wait3A_64 = arith.constant 0 : i32
        %dma_wait3A_65 = tpu.memref_slice %arg3[%add3A, %dma_wait3A_64] : memref<6400x128xi32, #tpu.memory_space<hbm>> -> memref<40x128xi32, #tpu.memory_space<hbm>>
        %dma_wait3A_66 = arith.constant 0 : i32
        %dma_wait3A_67 = tpu.memref_slice %arg3[%add3A, %dma_wait3A_66] : memref<6400x128xi32, #tpu.memory_space<hbm>> -> memref<40x128xi32, #tpu.memory_space<hbm>>
        tpu.wait_dma2 semaphore(%run_scoped3A : memref<!tpu.dma_semaphore, #tpu.memory_space<semaphore_mem>>) src(%dma_wait3A_67 : memref<40x128xi32, #tpu.memory_space<hbm>>) dst(%arg6 : memref<40x128xi32, #tpu.memory_space<vmem>>)
        tpu.yield
      }) : () -> ()
      "tpu.region"() ({
        %run_scoped3A = tpu.sem_alloc : memref<!tpu.dma_semaphore, #tpu.memory_space<semaphore_mem>>
        %dma_start3A_60 = arith.constant 0 : i32
        %dma_start3A_61 = tpu.memref_slice %arg4[%add3A, %dma_start3A_60] : memref<6400x128xi32, #tpu.memory_space<hbm>> -> memref<40x128xi32, #tpu.memory_space<hbm>>
        %dma_start3A_62 = arith.constant 0 : i32
        %dma_start3A_63 = tpu.memref_slice %arg4[%add3A, %dma_start3A_62] : memref<6400x128xi32, #tpu.memory_space<hbm>> -> memref<40x128xi32, #tpu.memory_space<hbm>>
        tpu.enqueue_dma source(%dma_start3A_63 : memref<40x128xi32, #tpu.memory_space<hbm>>) target(%arg7 : memref<40x128xi32, #tpu.memory_space<vmem>>) target_semaphore(%run_scoped3A : memref<!tpu.dma_semaphore, #tpu.memory_space<semaphore_mem>>)
        %dma_wait3A_64 = arith.constant 0 : i32
        %dma_wait3A_65 = tpu.memref_slice %arg4[%add3A, %dma_wait3A_64] : memref<6400x128xi32, #tpu.memory_space<hbm>> -> memref<40x128xi32, #tpu.memory_space<hbm>>
        %dma_wait3A_66 = arith.constant 0 : i32
        %dma_wait3A_67 = tpu.memref_slice %arg4[%add3A, %dma_wait3A_66] : memref<6400x128xi32, #tpu.memory_space<hbm>> -> memref<40x128xi32, #tpu.memory_space<hbm>>
        tpu.wait_dma2 semaphore(%run_scoped3A : memref<!tpu.dma_semaphore, #tpu.memory_space<semaphore_mem>>) src(%dma_wait3A_67 : memref<40x128xi32, #tpu.memory_space<hbm>>) dst(%arg7 : memref<40x128xi32, #tpu.memory_space<vmem>>)
        tpu.yield
      }) : () -> ()
      %dma_start3A = arith.constant 0 : i32
      %dma_start3A_20 = arith.constant 0 : i32
      %dma_start3A_21 = tpu.memref_slice %arg6[%dma_start3A, %dma_start3A_20] : memref<40x128xi32, #tpu.memory_space<vmem>> -> memref<1x128xi32, #tpu.memory_space<vmem>>
      %dma_start3A_22 = tpu.memref_squeeze %dma_start3A_21 : memref<1x128xi32, #tpu.memory_space<vmem>> -> memref<128xi32, #tpu.memory_space<vmem>>
      %dma_start3A_23 = arith.constant 0 : i32
      %dma_start3A_24 = arith.constant 0 : i32
      %dma_start3A_25 = tpu.memref_slice %arg2[%arg0, %dma_start3A_23, %dma_start3A_24] : memref<2x50176x32xf32, #tpu.memory_space<hbm>> -> memref<1x50176x32xf32, #tpu.memory_space<hbm>>
      %dma_start3A_26 = tpu.memref_squeeze %dma_start3A_25 : memref<1x50176x32xf32, #tpu.memory_space<hbm>> -> memref<50176x32xf32, #tpu.memory_space<hbm>>
      %dma_start3A_27 = arith.constant 0 : i32
      %dma_start3A_28 = arith.constant 0 : i32
      %dma_start3A_29 = tpu.memref_slice %dma_start3A_26[%dma_start3A_27, %dma_start3A_28] : memref<50176x32xf32, #tpu.memory_space<hbm>> -> memref<50176x32xf32, #tpu.memory_space<hbm>>
      tpu.enqueue_indirect_dma source(%dma_start3A_29 : memref<50176x32xf32, #tpu.memory_space<hbm>>) target(%arg8 : memref<128x32xf32, #tpu.memory_space<vmem>>) offsets(%dma_start3A_22 : memref<128xi32, #tpu.memory_space<vmem>>) semaphore(%arg13 : memref<!tpu.dma_semaphore, #tpu.memory_space<semaphore_mem>>)
      %dma_start3A_30 = arith.constant 1 : i32
      %dma_start3A_31 = arith.constant 0 : i32
      %dma_start3A_32 = tpu.memref_slice %arg6[%dma_start3A_30, %dma_start3A_31] : memref<40x128xi32, #tpu.memory_space<vmem>> -> memref<1x128xi32, #tpu.memory_space<vmem>>
      %dma_start3A_33 = tpu.memref_squeeze %dma_start3A_32 : memref<1x128xi32, #tpu.memory_space<vmem>> -> memref<128xi32, #tpu.memory_space<vmem>>
      %dma_start3A_34 = arith.constant 0 : i32
      %dma_start3A_35 = arith.constant 0 : i32
      %dma_start3A_36 = tpu.memref_slice %arg2[%arg0, %dma_start3A_34, %dma_start3A_35] : memref<2x50176x32xf32, #tpu.memory_space<hbm>> -> memref<1x50176x32xf32, #tpu.memory_space<hbm>>
      %dma_start3A_37 = tpu.memref_squeeze %dma_start3A_36 : memref<1x50176x32xf32, #tpu.memory_space<hbm>> -> memref<50176x32xf32, #tpu.memory_space<hbm>>
      %dma_start3A_38 = arith.constant 0 : i32
      %dma_start3A_39 = arith.constant 0 : i32
      %dma_start3A_40 = tpu.memref_slice %dma_start3A_37[%dma_start3A_38, %dma_start3A_39] : memref<50176x32xf32, #tpu.memory_space<hbm>> -> memref<50176x32xf32, #tpu.memory_space<hbm>>
      tpu.enqueue_indirect_dma source(%dma_start3A_40 : memref<50176x32xf32, #tpu.memory_space<hbm>>) target(%arg9 : memref<128x32xf32, #tpu.memory_space<vmem>>) offsets(%dma_start3A_33 : memref<128xi32, #tpu.memory_space<vmem>>) semaphore(%arg14 : memref<!tpu.dma_semaphore, #tpu.memory_space<semaphore_mem>>)
      %scan3A_41 = arith.constant 0 : i32
      %scan3A_42 = arith.constant 0 : i32
      %scan3A_43 = arith.constant 10 : i32
      %scan3A_44 = arith.addi %scan3A_42, %scan3A_43 : i32
      %scan3A_45 = arith.constant 1 : i32
      %scan3A_46 = scf.for %scan3A_60 = %scan3A_42 to %scan3A_44 step %scan3A_45 iter_args(%scan3A_61 = %scan3A_41) -> (i32)  : i32 {
        %mul3A_62 = arith.constant 4 : i32
        %mul3A_63 = arith.muli %mul3A_62, %scan3A_60 : i32
        %add3A_64 = arith.constant 0 : i32
        %add3A_65 = arith.addi %mul3A_63, %add3A_64 : i32
        %ge3A = arith.constant 2 : i32
        %ge3A_66 = arith.cmpi sge, %add3A_65, %ge3A : i32
        %convert_element_type3A = arith.extui %ge3A_66 : i1 to i32
        %cond3A = arith.constant 0 : i32
        %cond3A_67 = arith.cmpi ne, %convert_element_type3A, %cond3A : i32
        scf.if %cond3A_67 {
          %dma_wait3A_179 = arith.constant 0 : i32
          %dma_wait3A_180 = arith.constant 0 : i32
          %dma_wait3A_181 = tpu.memref_slice %arg12[%dma_wait3A_179, %dma_wait3A_180] : memref<50184x32xf32, #tpu.memory_space<vmem_shared>> -> memref<128x32xf32, #tpu.memory_space<vmem_shared>>
          %dma_wait3A_182 = arith.constant 0 : i32
          %dma_wait3A_183 = arith.constant 0 : i32
          %dma_wait3A_184 = tpu.memref_slice %arg12[%dma_wait3A_182, %dma_wait3A_183] : memref<50184x32xf32, #tpu.memory_space<vmem_shared>> -> memref<128x32xf32, #tpu.memory_space<vmem_shared>>
          tpu.wait_dma2 semaphore(%arg19 : memref<!tpu.dma_semaphore, #tpu.memory_space<semaphore_mem>>) src(%arg10 : memref<128x32xf32, #tpu.memory_space<vmem>>) dst(%dma_wait3A_184 : memref<128x32xf32, #tpu.memory_space<vmem_shared>>)
        } else {
        }
        %add3A_68 = arith.constant 2 : i32
        %add3A_69 = arith.addi %add3A_65, %add3A_68 : i32
        %lt3A = arith.constant 40 : i32
        %lt3A_70 = arith.cmpi slt, %add3A_69, %lt3A : i32
        %convert_element_type3A_71 = arith.extui %lt3A_70 : i1 to i32
        %cond3A_72 = arith.constant 0 : i32
        %cond3A_73 = arith.cmpi ne, %convert_element_type3A_71, %cond3A_72 : i32
        scf.if %cond3A_73 {
          %add3A_179 = arith.constant 2 : i32
          %add3A_180 = arith.addi %add3A_65, %add3A_179 : i32
          %dma_start3A_181 = arith.constant 0 : i32
          %dma_start3A_182 = tpu.memref_slice %arg6[%add3A_180, %dma_start3A_181] : memref<40x128xi32, #tpu.memory_space<vmem>> -> memref<1x128xi32, #tpu.memory_space<vmem>>
          %dma_start3A_183 = tpu.memref_squeeze %dma_start3A_182 : memref<1x128xi32, #tpu.memory_space<vmem>> -> memref<128xi32, #tpu.memory_space<vmem>>
          %dma_start3A_184 = arith.constant 0 : i32
          %dma_start3A_185 = arith.constant 0 : i32
          %dma_start3A_186 = tpu.memref_slice %arg2[%arg0, %dma_start3A_184, %dma_start3A_185] : memref<2x50176x32xf32, #tpu.memory_space<hbm>> -> memref<1x50176x32xf32, #tpu.memory_space<hbm>>
          %dma_start3A_187 = tpu.memref_squeeze %dma_start3A_186 : memref<1x50176x32xf32, #tpu.memory_space<hbm>> -> memref<50176x32xf32, #tpu.memory_space<hbm>>
          %dma_start3A_188 = arith.constant 0 : i32
          %dma_start3A_189 = arith.constant 0 : i32
          %dma_start3A_190 = tpu.memref_slice %dma_start3A_187[%dma_start3A_188, %dma_start3A_189] : memref<50176x32xf32, #tpu.memory_space<hbm>> -> memref<50176x32xf32, #tpu.memory_space<hbm>>
          tpu.enqueue_indirect_dma source(%dma_start3A_190 : memref<50176x32xf32, #tpu.memory_space<hbm>>) target(%arg10 : memref<128x32xf32, #tpu.memory_space<vmem>>) offsets(%dma_start3A_183 : memref<128xi32, #tpu.memory_space<vmem>>) semaphore(%arg15 : memref<!tpu.dma_semaphore, #tpu.memory_space<semaphore_mem>>)
        } else {
        }
        %dma_wait3A_74 = arith.constant 0 : i32
        %dma_wait3A_75 = arith.constant 0 : i32
        %dma_wait3A_76 = tpu.memref_slice %arg2[%arg0, %dma_wait3A_74, %dma_wait3A_75] : memref<2x50176x32xf32, #tpu.memory_space<hbm>> -> memref<1x128x32xf32, #tpu.memory_space<hbm>>
        %dma_wait3A_77 = tpu.memref_squeeze %dma_wait3A_76 : memref<1x128x32xf32, #tpu.memory_space<hbm>> -> memref<128x32xf32, #tpu.memory_space<hbm>>
        %dma_wait3A_78 = arith.constant 0 : i32
        %dma_wait3A_79 = arith.constant 0 : i32
        %dma_wait3A_80 = tpu.memref_slice %arg2[%arg0, %dma_wait3A_78, %dma_wait3A_79] : memref<2x50176x32xf32, #tpu.memory_space<hbm>> -> memref<1x128x32xf32, #tpu.memory_space<hbm>>
        %dma_wait3A_81 = tpu.memref_squeeze %dma_wait3A_80 : memref<1x128x32xf32, #tpu.memory_space<hbm>> -> memref<128x32xf32, #tpu.memory_space<hbm>>
        tpu.wait_dma2 semaphore(%arg13 : memref<!tpu.dma_semaphore, #tpu.memory_space<semaphore_mem>>) src(%dma_wait3A_81 : memref<128x32xf32, #tpu.memory_space<hbm>>) dst(%arg8 : memref<128x32xf32, #tpu.memory_space<vmem>>)
        %dma_start3A_82 = arith.constant 0 : i32
        %dma_start3A_83 = tpu.memref_slice %arg7[%add3A_65, %dma_start3A_82] : memref<40x128xi32, #tpu.memory_space<vmem>> -> memref<1x128xi32, #tpu.memory_space<vmem>>
        %dma_start3A_84 = tpu.memref_squeeze %dma_start3A_83 : memref<1x128xi32, #tpu.memory_space<vmem>> -> memref<128xi32, #tpu.memory_space<vmem>>
        %dma_start3A_85 = arith.constant 0 : i32
        %dma_start3A_86 = arith.constant 0 : i32
        %dma_start3A_87 = tpu.memref_slice %arg12[%dma_start3A_85, %dma_start3A_86] : memref<50184x32xf32, #tpu.memory_space<vmem_shared>> -> memref<50184x32xf32, #tpu.memory_space<vmem_shared>>
        tpu.enqueue_indirect_dma source(%arg8 : memref<128x32xf32, #tpu.memory_space<vmem>>) target(%dma_start3A_87 : memref<50184x32xf32, #tpu.memory_space<vmem_shared>>) offsets(%dma_start3A_84 : memref<128xi32, #tpu.memory_space<vmem>>) semaphore(%arg17 : memref<!tpu.dma_semaphore, #tpu.memory_space<semaphore_mem>>) {add = true}
        %mul3A_88 = arith.constant 4 : i32
        %mul3A_89 = arith.muli %mul3A_88, %scan3A_60 : i32
        %add3A_90 = arith.constant 1 : i32
        %add3A_91 = arith.addi %mul3A_89, %add3A_90 : i32
        %ge3A_92 = arith.constant 2 : i32
        %ge3A_93 = arith.cmpi sge, %add3A_91, %ge3A_92 : i32
        %convert_element_type3A_94 = arith.extui %ge3A_93 : i1 to i32
        %cond3A_95 = arith.constant 0 : i32
        %cond3A_96 = arith.cmpi ne, %convert_element_type3A_94, %cond3A_95 : i32
        scf.if %cond3A_96 {
          %dma_wait3A_179 = arith.constant 0 : i32
          %dma_wait3A_180 = arith.constant 0 : i32
          %dma_wait3A_181 = tpu.memref_slice %arg12[%dma_wait3A_179, %dma_wait3A_180] : memref<50184x32xf32, #tpu.memory_space<vmem_shared>> -> memref<128x32xf32, #tpu.memory_space<vmem_shared>>
          %dma_wait3A_182 = arith.constant 0 : i32
          %dma_wait3A_183 = arith.constant 0 : i32
          %dma_wait3A_184 = tpu.memref_slice %arg12[%dma_wait3A_182, %dma_wait3A_183] : memref<50184x32xf32, #tpu.memory_space<vmem_shared>> -> memref<128x32xf32, #tpu.memory_space<vmem_shared>>
          tpu.wait_dma2 semaphore(%arg20 : memref<!tpu.dma_semaphore, #tpu.memory_space<semaphore_mem>>) src(%arg11 : memref<128x32xf32, #tpu.memory_space<vmem>>) dst(%dma_wait3A_184 : memref<128x32xf32, #tpu.memory_space<vmem_shared>>)
        } else {
        }
        %add3A_97 = arith.constant 2 : i32
        %add3A_98 = arith.addi %add3A_91, %add3A_97 : i32
        %lt3A_99 = arith.constant 40 : i32
        %lt3A_100 = arith.cmpi slt, %add3A_98, %lt3A_99 : i32
        %convert_element_type3A_101 = arith.extui %lt3A_100 : i1 to i32
        %cond3A_102 = arith.constant 0 : i32
        %cond3A_103 = arith.cmpi ne, %convert_element_type3A_101, %cond3A_102 : i32
        scf.if %cond3A_103 {
          %add3A_179 = arith.constant 2 : i32
          %add3A_180 = arith.addi %add3A_91, %add3A_179 : i32
          %dma_start3A_181 = arith.constant 0 : i32
          %dma_start3A_182 = tpu.memref_slice %arg6[%add3A_180, %dma_start3A_181] : memref<40x128xi32, #tpu.memory_space<vmem>> -> memref<1x128xi32, #tpu.memory_space<vmem>>
          %dma_start3A_183 = tpu.memref_squeeze %dma_start3A_182 : memref<1x128xi32, #tpu.memory_space<vmem>> -> memref<128xi32, #tpu.memory_space<vmem>>
          %dma_start3A_184 = arith.constant 0 : i32
          %dma_start3A_185 = arith.constant 0 : i32
          %dma_start3A_186 = tpu.memref_slice %arg2[%arg0, %dma_start3A_184, %dma_start3A_185] : memref<2x50176x32xf32, #tpu.memory_space<hbm>> -> memref<1x50176x32xf32, #tpu.memory_space<hbm>>
          %dma_start3A_187 = tpu.memref_squeeze %dma_start3A_186 : memref<1x50176x32xf32, #tpu.memory_space<hbm>> -> memref<50176x32xf32, #tpu.memory_space<hbm>>
          %dma_start3A_188 = arith.constant 0 : i32
          %dma_start3A_189 = arith.constant 0 : i32
          %dma_start3A_190 = tpu.memref_slice %dma_start3A_187[%dma_start3A_188, %dma_start3A_189] : memref<50176x32xf32, #tpu.memory_space<hbm>> -> memref<50176x32xf32, #tpu.memory_space<hbm>>
          tpu.enqueue_indirect_dma source(%dma_start3A_190 : memref<50176x32xf32, #tpu.memory_space<hbm>>) target(%arg11 : memref<128x32xf32, #tpu.memory_space<vmem>>) offsets(%dma_start3A_183 : memref<128xi32, #tpu.memory_space<vmem>>) semaphore(%arg16 : memref<!tpu.dma_semaphore, #tpu.memory_space<semaphore_mem>>)
        } else {
        }
        %dma_wait3A_104 = arith.constant 0 : i32
        %dma_wait3A_105 = arith.constant 0 : i32
        %dma_wait3A_106 = tpu.memref_slice %arg2[%arg0, %dma_wait3A_104, %dma_wait3A_105] : memref<2x50176x32xf32, #tpu.memory_space<hbm>> -> memref<1x128x32xf32, #tpu.memory_space<hbm>>
        %dma_wait3A_107 = tpu.memref_squeeze %dma_wait3A_106 : memref<1x128x32xf32, #tpu.memory_space<hbm>> -> memref<128x32xf32, #tpu.memory_space<hbm>>
        %dma_wait3A_108 = arith.constant 0 : i32
        %dma_wait3A_109 = arith.constant 0 : i32
        %dma_wait3A_110 = tpu.memref_slice %arg2[%arg0, %dma_wait3A_108, %dma_wait3A_109] : memref<2x50176x32xf32, #tpu.memory_space<hbm>> -> memref<1x128x32xf32, #tpu.memory_space<hbm>>
        %dma_wait3A_111 = tpu.memref_squeeze %dma_wait3A_110 : memref<1x128x32xf32, #tpu.memory_space<hbm>> -> memref<128x32xf32, #tpu.memory_space<hbm>>
        tpu.wait_dma2 semaphore(%arg14 : memref<!tpu.dma_semaphore, #tpu.memory_space<semaphore_mem>>) src(%dma_wait3A_111 : memref<128x32xf32, #tpu.memory_space<hbm>>) dst(%arg9 : memref<128x32xf32, #tpu.memory_space<vmem>>)
        %dma_start3A_112 = arith.constant 0 : i32
        %dma_start3A_113 = tpu.memref_slice %arg7[%add3A_91, %dma_start3A_112] : memref<40x128xi32, #tpu.memory_space<vmem>> -> memref<1x128xi32, #tpu.memory_space<vmem>>
        %dma_start3A_114 = tpu.memref_squeeze %dma_start3A_113 : memref<1x128xi32, #tpu.memory_space<vmem>> -> memref<128xi32, #tpu.memory_space<vmem>>
        %dma_start3A_115 = arith.constant 0 : i32
        %dma_start3A_116 = arith.constant 0 : i32
        %dma_start3A_117 = tpu.memref_slice %arg12[%dma_start3A_115, %dma_start3A_116] : memref<50184x32xf32, #tpu.memory_space<vmem_shared>> -> memref<50184x32xf32, #tpu.memory_space<vmem_shared>>
        tpu.enqueue_indirect_dma source(%arg9 : memref<128x32xf32, #tpu.memory_space<vmem>>) target(%dma_start3A_117 : memref<50184x32xf32, #tpu.memory_space<vmem_shared>>) offsets(%dma_start3A_114 : memref<128xi32, #tpu.memory_space<vmem>>) semaphore(%arg18 : memref<!tpu.dma_semaphore, #tpu.memory_space<semaphore_mem>>) {add = true}
        %mul3A_118 = arith.constant 4 : i32
        %mul3A_119 = arith.muli %mul3A_118, %scan3A_60 : i32
        %add3A_120 = arith.constant 2 : i32
        %add3A_121 = arith.addi %mul3A_119, %add3A_120 : i32
        %ge3A_122 = arith.constant 2 : i32
        %ge3A_123 = arith.cmpi sge, %add3A_121, %ge3A_122 : i32
        %convert_element_type3A_124 = arith.extui %ge3A_123 : i1 to i32
        %cond3A_125 = arith.constant 0 : i32
        %cond3A_126 = arith.cmpi ne, %convert_element_type3A_124, %cond3A_125 : i32
        scf.if %cond3A_126 {
          %dma_wait3A_179 = arith.constant 0 : i32
          %dma_wait3A_180 = arith.constant 0 : i32
          %dma_wait3A_181 = tpu.memref_slice %arg12[%dma_wait3A_179, %dma_wait3A_180] : memref<50184x32xf32, #tpu.memory_space<vmem_shared>> -> memref<128x32xf32, #tpu.memory_space<vmem_shared>>
          %dma_wait3A_182 = arith.constant 0 : i32
          %dma_wait3A_183 = arith.constant 0 : i32
          %dma_wait3A_184 = tpu.memref_slice %arg12[%dma_wait3A_182, %dma_wait3A_183] : memref<50184x32xf32, #tpu.memory_space<vmem_shared>> -> memref<128x32xf32, #tpu.memory_space<vmem_shared>>
          tpu.wait_dma2 semaphore(%arg17 : memref<!tpu.dma_semaphore, #tpu.memory_space<semaphore_mem>>) src(%arg8 : memref<128x32xf32, #tpu.memory_space<vmem>>) dst(%dma_wait3A_184 : memref<128x32xf32, #tpu.memory_space<vmem_shared>>)
        } else {
        }
        %add3A_127 = arith.constant 2 : i32
        %add3A_128 = arith.addi %add3A_121, %add3A_127 : i32
        %lt3A_129 = arith.constant 40 : i32
        %lt3A_130 = arith.cmpi slt, %add3A_128, %lt3A_129 : i32
        %convert_element_type3A_131 = arith.extui %lt3A_130 : i1 to i32
        %cond3A_132 = arith.constant 0 : i32
        %cond3A_133 = arith.cmpi ne, %convert_element_type3A_131, %cond3A_132 : i32
        scf.if %cond3A_133 {
          %add3A_179 = arith.constant 2 : i32
          %add3A_180 = arith.addi %add3A_121, %add3A_179 : i32
          %dma_start3A_181 = arith.constant 0 : i32
          %dma_start3A_182 = tpu.memref_slice %arg6[%add3A_180, %dma_start3A_181] : memref<40x128xi32, #tpu.memory_space<vmem>> -> memref<1x128xi32, #tpu.memory_space<vmem>>
          %dma_start3A_183 = tpu.memref_squeeze %dma_start3A_182 : memref<1x128xi32, #tpu.memory_space<vmem>> -> memref<128xi32, #tpu.memory_space<vmem>>
          %dma_start3A_184 = arith.constant 0 : i32
          %dma_start3A_185 = arith.constant 0 : i32
          %dma_start3A_186 = tpu.memref_slice %arg2[%arg0, %dma_start3A_184, %dma_start3A_185] : memref<2x50176x32xf32, #tpu.memory_space<hbm>> -> memref<1x50176x32xf32, #tpu.memory_space<hbm>>
          %dma_start3A_187 = tpu.memref_squeeze %dma_start3A_186 : memref<1x50176x32xf32, #tpu.memory_space<hbm>> -> memref<50176x32xf32, #tpu.memory_space<hbm>>
          %dma_start3A_188 = arith.constant 0 : i32
          %dma_start3A_189 = arith.constant 0 : i32
          %dma_start3A_190 = tpu.memref_slice %dma_start3A_187[%dma_start3A_188, %dma_start3A_189] : memref<50176x32xf32, #tpu.memory_space<hbm>> -> memref<50176x32xf32, #tpu.memory_space<hbm>>
          tpu.enqueue_indirect_dma source(%dma_start3A_190 : memref<50176x32xf32, #tpu.memory_space<hbm>>) target(%arg8 : memref<128x32xf32, #tpu.memory_space<vmem>>) offsets(%dma_start3A_183 : memref<128xi32, #tpu.memory_space<vmem>>) semaphore(%arg13 : memref<!tpu.dma_semaphore, #tpu.memory_space<semaphore_mem>>)
        } else {
        }
        %dma_wait3A_134 = arith.constant 0 : i32
        %dma_wait3A_135 = arith.constant 0 : i32
        %dma_wait3A_136 = tpu.memref_slice %arg2[%arg0, %dma_wait3A_134, %dma_wait3A_135] : memref<2x50176x32xf32, #tpu.memory_space<hbm>> -> memref<1x128x32xf32, #tpu.memory_space<hbm>>
        %dma_wait3A_137 = tpu.memref_squeeze %dma_wait3A_136 : memref<1x128x32xf32, #tpu.memory_space<hbm>> -> memref<128x32xf32, #tpu.memory_space<hbm>>
        %dma_wait3A_138 = arith.constant 0 : i32
        %dma_wait3A_139 = arith.constant 0 : i32
        %dma_wait3A_140 = tpu.memref_slice %arg2[%arg0, %dma_wait3A_138, %dma_wait3A_139] : memref<2x50176x32xf32, #tpu.memory_space<hbm>> -> memref<1x128x32xf32, #tpu.memory_space<hbm>>
        %dma_wait3A_141 = tpu.memref_squeeze %dma_wait3A_140 : memref<1x128x32xf32, #tpu.memory_space<hbm>> -> memref<128x32xf32, #tpu.memory_space<hbm>>
        tpu.wait_dma2 semaphore(%arg15 : memref<!tpu.dma_semaphore, #tpu.memory_space<semaphore_mem>>) src(%dma_wait3A_141 : memref<128x32xf32, #tpu.memory_space<hbm>>) dst(%arg10 : memref<128x32xf32, #tpu.memory_space<vmem>>)
        %dma_start3A_142 = arith.constant 0 : i32
        %dma_start3A_143 = tpu.memref_slice %arg7[%add3A_121, %dma_start3A_142] : memref<40x128xi32, #tpu.memory_space<vmem>> -> memref<1x128xi32, #tpu.memory_space<vmem>>
        %dma_start3A_144 = tpu.memref_squeeze %dma_start3A_143 : memref<1x128xi32, #tpu.memory_space<vmem>> -> memref<128xi32, #tpu.memory_space<vmem>>
        %dma_start3A_145 = arith.constant 0 : i32
        %dma_start3A_146 = arith.constant 0 : i32
        %dma_start3A_147 = tpu.memref_slice %arg12[%dma_start3A_145, %dma_start3A_146] : memref<50184x32xf32, #tpu.memory_space<vmem_shared>> -> memref<50184x32xf32, #tpu.memory_space<vmem_shared>>
        tpu.enqueue_indirect_dma source(%arg10 : memref<128x32xf32, #tpu.memory_space<vmem>>) target(%dma_start3A_147 : memref<50184x32xf32, #tpu.memory_space<vmem_shared>>) offsets(%dma_start3A_144 : memref<128xi32, #tpu.memory_space<vmem>>) semaphore(%arg19 : memref<!tpu.dma_semaphore, #tpu.memory_space<semaphore_mem>>) {add = true}
        %mul3A_148 = arith.constant 4 : i32
        %mul3A_149 = arith.muli %mul3A_148, %scan3A_60 : i32
        %add3A_150 = arith.constant 3 : i32
        %add3A_151 = arith.addi %mul3A_149, %add3A_150 : i32
        %ge3A_152 = arith.constant 2 : i32
        %ge3A_153 = arith.cmpi sge, %add3A_151, %ge3A_152 : i32
        %convert_element_type3A_154 = arith.extui %ge3A_153 : i1 to i32
        %cond3A_155 = arith.constant 0 : i32
        %cond3A_156 = arith.cmpi ne, %convert_element_type3A_154, %cond3A_155 : i32
        scf.if %cond3A_156 {
          %dma_wait3A_179 = arith.constant 0 : i32
          %dma_wait3A_180 = arith.constant 0 : i32
          %dma_wait3A_181 = tpu.memref_slice %arg12[%dma_wait3A_179, %dma_wait3A_180] : memref<50184x32xf32, #tpu.memory_space<vmem_shared>> -> memref<128x32xf32, #tpu.memory_space<vmem_shared>>
          %dma_wait3A_182 = arith.constant 0 : i32
          %dma_wait3A_183 = arith.constant 0 : i32
          %dma_wait3A_184 = tpu.memref_slice %arg12[%dma_wait3A_182, %dma_wait3A_183] : memref<50184x32xf32, #tpu.memory_space<vmem_shared>> -> memref<128x32xf32, #tpu.memory_space<vmem_shared>>
          tpu.wait_dma2 semaphore(%arg18 : memref<!tpu.dma_semaphore, #tpu.memory_space<semaphore_mem>>) src(%arg9 : memref<128x32xf32, #tpu.memory_space<vmem>>) dst(%dma_wait3A_184 : memref<128x32xf32, #tpu.memory_space<vmem_shared>>)
        } else {
        }
        %add3A_157 = arith.constant 2 : i32
        %add3A_158 = arith.addi %add3A_151, %add3A_157 : i32
        %lt3A_159 = arith.constant 40 : i32
        %lt3A_160 = arith.cmpi slt, %add3A_158, %lt3A_159 : i32
        %convert_element_type3A_161 = arith.extui %lt3A_160 : i1 to i32
        %cond3A_162 = arith.constant 0 : i32
        %cond3A_163 = arith.cmpi ne, %convert_element_type3A_161, %cond3A_162 : i32
        scf.if %cond3A_163 {
          %add3A_179 = arith.constant 2 : i32
          %add3A_180 = arith.addi %add3A_151, %add3A_179 : i32
          %dma_start3A_181 = arith.constant 0 : i32
          %dma_start3A_182 = tpu.memref_slice %arg6[%add3A_180, %dma_start3A_181] : memref<40x128xi32, #tpu.memory_space<vmem>> -> memref<1x128xi32, #tpu.memory_space<vmem>>
          %dma_start3A_183 = tpu.memref_squeeze %dma_start3A_182 : memref<1x128xi32, #tpu.memory_space<vmem>> -> memref<128xi32, #tpu.memory_space<vmem>>
          %dma_start3A_184 = arith.constant 0 : i32
          %dma_start3A_185 = arith.constant 0 : i32
          %dma_start3A_186 = tpu.memref_slice %arg2[%arg0, %dma_start3A_184, %dma_start3A_185] : memref<2x50176x32xf32, #tpu.memory_space<hbm>> -> memref<1x50176x32xf32, #tpu.memory_space<hbm>>
          %dma_start3A_187 = tpu.memref_squeeze %dma_start3A_186 : memref<1x50176x32xf32, #tpu.memory_space<hbm>> -> memref<50176x32xf32, #tpu.memory_space<hbm>>
          %dma_start3A_188 = arith.constant 0 : i32
          %dma_start3A_189 = arith.constant 0 : i32
          %dma_start3A_190 = tpu.memref_slice %dma_start3A_187[%dma_start3A_188, %dma_start3A_189] : memref<50176x32xf32, #tpu.memory_space<hbm>> -> memref<50176x32xf32, #tpu.memory_space<hbm>>
          tpu.enqueue_indirect_dma source(%dma_start3A_190 : memref<50176x32xf32, #tpu.memory_space<hbm>>) target(%arg9 : memref<128x32xf32, #tpu.memory_space<vmem>>) offsets(%dma_start3A_183 : memref<128xi32, #tpu.memory_space<vmem>>) semaphore(%arg14 : memref<!tpu.dma_semaphore, #tpu.memory_space<semaphore_mem>>)
        } else {
        }
        %dma_wait3A_164 = arith.constant 0 : i32
        %dma_wait3A_165 = arith.constant 0 : i32
        %dma_wait3A_166 = tpu.memref_slice %arg2[%arg0, %dma_wait3A_164, %dma_wait3A_165] : memref<2x50176x32xf32, #tpu.memory_space<hbm>> -> memref<1x128x32xf32, #tpu.memory_space<hbm>>
        %dma_wait3A_167 = tpu.memref_squeeze %dma_wait3A_166 : memref<1x128x32xf32, #tpu.memory_space<hbm>> -> memref<128x32xf32, #tpu.memory_space<hbm>>
        %dma_wait3A_168 = arith.constant 0 : i32
        %dma_wait3A_169 = arith.constant 0 : i32
        %dma_wait3A_170 = tpu.memref_slice %arg2[%arg0, %dma_wait3A_168, %dma_wait3A_169] : memref<2x50176x32xf32, #tpu.memory_space<hbm>> -> memref<1x128x32xf32, #tpu.memory_space<hbm>>
        %dma_wait3A_171 = tpu.memref_squeeze %dma_wait3A_170 : memref<1x128x32xf32, #tpu.memory_space<hbm>> -> memref<128x32xf32, #tpu.memory_space<hbm>>
        tpu.wait_dma2 semaphore(%arg16 : memref<!tpu.dma_semaphore, #tpu.memory_space<semaphore_mem>>) src(%dma_wait3A_171 : memref<128x32xf32, #tpu.memory_space<hbm>>) dst(%arg11 : memref<128x32xf32, #tpu.memory_space<vmem>>)
        %dma_start3A_172 = arith.constant 0 : i32
        %dma_start3A_173 = tpu.memref_slice %arg7[%add3A_151, %dma_start3A_172] : memref<40x128xi32, #tpu.memory_space<vmem>> -> memref<1x128xi32, #tpu.memory_space<vmem>>
        %dma_start3A_174 = tpu.memref_squeeze %dma_start3A_173 : memref<1x128xi32, #tpu.memory_space<vmem>> -> memref<128xi32, #tpu.memory_space<vmem>>
        %dma_start3A_175 = arith.constant 0 : i32
        %dma_start3A_176 = arith.constant 0 : i32
        %dma_start3A_177 = tpu.memref_slice %arg12[%dma_start3A_175, %dma_start3A_176] : memref<50184x32xf32, #tpu.memory_space<vmem_shared>> -> memref<50184x32xf32, #tpu.memory_space<vmem_shared>>
        tpu.enqueue_indirect_dma source(%arg11 : memref<128x32xf32, #tpu.memory_space<vmem>>) target(%dma_start3A_177 : memref<50184x32xf32, #tpu.memory_space<vmem_shared>>) offsets(%dma_start3A_174 : memref<128xi32, #tpu.memory_space<vmem>>) semaphore(%arg20 : memref<!tpu.dma_semaphore, #tpu.memory_space<semaphore_mem>>) {add = true}
        %scan3A_178 = arith.constant 0 : i32
        scf.yield %scan3A_178 : i32
      }
      %scan3A_47 = arith.constant 10 : i32
      %dma_wait3A = arith.constant 0 : i32
      %dma_wait3A_48 = arith.constant 0 : i32
      %dma_wait3A_49 = tpu.memref_slice %arg12[%dma_wait3A, %dma_wait3A_48] : memref<50184x32xf32, #tpu.memory_space<vmem_shared>> -> memref<128x32xf32, #tpu.memory_space<vmem_shared>>
      %dma_wait3A_50 = arith.constant 0 : i32
      %dma_wait3A_51 = arith.constant 0 : i32
      %dma_wait3A_52 = tpu.memref_slice %arg12[%dma_wait3A_50, %dma_wait3A_51] : memref<50184x32xf32, #tpu.memory_space<vmem_shared>> -> memref<128x32xf32, #tpu.memory_space<vmem_shared>>
      tpu.wait_dma2 semaphore(%arg19 : memref<!tpu.dma_semaphore, #tpu.memory_space<semaphore_mem>>) src(%arg10 : memref<128x32xf32, #tpu.memory_space<vmem>>) dst(%dma_wait3A_52 : memref<128x32xf32, #tpu.memory_space<vmem_shared>>)
      %dma_wait3A_53 = arith.constant 0 : i32
      %dma_wait3A_54 = arith.constant 0 : i32
      %dma_wait3A_55 = tpu.memref_slice %arg12[%dma_wait3A_53, %dma_wait3A_54] : memref<50184x32xf32, #tpu.memory_space<vmem_shared>> -> memref<128x32xf32, #tpu.memory_space<vmem_shared>>
      %dma_wait3A_56 = arith.constant 0 : i32
      %dma_wait3A_57 = arith.constant 0 : i32
      %dma_wait3A_58 = tpu.memref_slice %arg12[%dma_wait3A_56, %dma_wait3A_57] : memref<50184x32xf32, #tpu.memory_space<vmem_shared>> -> memref<128x32xf32, #tpu.memory_space<vmem_shared>>
      tpu.wait_dma2 semaphore(%arg20 : memref<!tpu.dma_semaphore, #tpu.memory_space<semaphore_mem>>) src(%arg11 : memref<128x32xf32, #tpu.memory_space<vmem>>) dst(%dma_wait3A_58 : memref<128x32xf32, #tpu.memory_space<vmem_shared>>)
      %scan3A_59 = arith.constant 0 : i32
      scf.yield %scan3A_59 : i32
    }
    %scan3A_8 = arith.constant 10 : i32
    %barrier3A_9 = arith.constant 0 : index
    tpu.barrier barrier_id(%barrier3A_9)
    %mul3A_10 = arith.constant 3136 : i32
    %mul3A_11 = arith.muli %arg1, %mul3A_10 : i32
    %mul3A_12 = arith.constant 3136 : i32
    %mul3A_13 = arith.muli %arg1, %mul3A_12 : i32
    "tpu.region"() ({
      %run_scoped3A = tpu.sem_alloc : memref<!tpu.dma_semaphore, #tpu.memory_space<semaphore_mem>>
      %dma_start3A = arith.constant 0 : i32
      %dma_start3A_14 = tpu.memref_slice %arg5[%arg0, %mul3A_13, %dma_start3A] : memref<2x50176x32xf32, #tpu.memory_space<hbm>> -> memref<1x3136x32xf32, #tpu.memory_space<hbm>>
      %dma_start3A_15 = tpu.memref_squeeze %dma_start3A_14 : memref<1x3136x32xf32, #tpu.memory_space<hbm>> -> memref<3136x32xf32, #tpu.memory_space<hbm>>
      %dma_start3A_16 = arith.constant 0 : i32
      %dma_start3A_17 = tpu.memref_slice %arg12[%mul3A_11, %dma_start3A_16] : memref<50184x32xf32, #tpu.memory_space<vmem_shared>> -> memref<3136x32xf32, #tpu.memory_space<vmem_shared>>
      tpu.enqueue_dma source(%dma_start3A_17 : memref<3136x32xf32, #tpu.memory_space<vmem_shared>>) target(%dma_start3A_15 : memref<3136x32xf32, #tpu.memory_space<hbm>>) target_semaphore(%run_scoped3A : memref<!tpu.dma_semaphore, #tpu.memory_space<semaphore_mem>>)
      %dma_wait3A = arith.constant 0 : i32
      %dma_wait3A_18 = tpu.memref_slice %arg5[%arg0, %mul3A_13, %dma_wait3A] : memref<2x50176x32xf32, #tpu.memory_space<hbm>> -> memref<1x3136x32xf32, #tpu.memory_space<hbm>>
      %dma_wait3A_19 = tpu.memref_squeeze %dma_wait3A_18 : memref<1x3136x32xf32, #tpu.memory_space<hbm>> -> memref<3136x32xf32, #tpu.memory_space<hbm>>
      %dma_wait3A_20 = arith.constant 0 : i32
      %dma_wait3A_21 = tpu.memref_slice %arg12[%mul3A_11, %dma_wait3A_20] : memref<50184x32xf32, #tpu.memory_space<vmem_shared>> -> memref<3136x32xf32, #tpu.memory_space<vmem_shared>>
      tpu.wait_dma2 semaphore(%run_scoped3A : memref<!tpu.dma_semaphore, #tpu.memory_space<semaphore_mem>>) src(%dma_wait3A_21 : memref<3136x32xf32, #tpu.memory_space<vmem_shared>>) dst(%dma_wait3A_19 : memref<3136x32xf32, #tpu.memory_space<hbm>>)
      tpu.yield
    }) : () -> ()
    return
  }
}

module attributes {stable_mosaic.version = 14 : i64} {
  func.func @_b1_body(%arg0: i32, %arg1: memref<2x512x16xf32, #tpu.memory_space<vmem>>, %arg2: memref<512x8xf32, #tpu.memory_space<vmem>>, %arg3: memref<8x64xf32, #tpu.memory_space<vmem>>, %arg4: memref<512xf32, #tpu.memory_space<vmem>>, %arg5: memref<2x512x32xf32, #tpu.memory_space<vmem>>) attributes {dimension_semantics = [#tpu.dimension_semantics<arbitrary>], iteration_bounds = array<i64: 98>, scalar_prefetch = 0 : i64, scratch_operands = 0 : i64, tpu.core_type = #tpu.core_type<tc>, window_params = [{transform_indices = @transform_0, window_bounds = array<i64: 2, 512, 16>}, {transform_indices = @transform_1, window_bounds = array<i64: 512, 8>}, {pipeline_mode = #tpu.pipeline_mode<synchronous>, transform_indices = @transform_2, window_bounds = array<i64: 8, 64>}, {transform_indices = @transform_3, window_bounds = array<i64: 512>}, {transform_indices = @transform_4, window_bounds = array<i64: 2, 512, 32>}]} {
    %get3A = arith.constant 0 : index
    %get3A_0 = arith.constant 0 : index
    %get3A_1 = arith.constant 0 : index
    %get3A_2 = vector.load %arg1[%get3A, %get3A_0, %get3A_1] : memref<2x512x16xf32, #tpu.memory_space<vmem>>, vector<1x512x1xf32>
    %get3A_3 = vector.shape_cast %get3A_2 : vector<1x512x1xf32> to vector<512x1xf32>
    %get3A_4 = arith.constant 1 : index
    %get3A_5 = arith.constant 0 : index
    %get3A_6 = arith.constant 0 : index
    %get3A_7 = vector.load %arg1[%get3A_4, %get3A_5, %get3A_6] : memref<2x512x16xf32, #tpu.memory_space<vmem>>, vector<1x512x1xf32>
    %get3A_8 = vector.shape_cast %get3A_7 : vector<1x512x1xf32> to vector<512x1xf32>
    %add3A = arith.addf %get3A_3, %get3A_8 : vector<512x1xf32>
    %rsqrt3A = math.rsqrt %add3A : vector<512x1xf32>
    %squeeze3A = vector.shape_cast %rsqrt3A : vector<512x1xf32> to vector<512xf32>
    %swap3A = arith.constant 0 : index
    %swap3A_9 = vector.load %arg4[%swap3A] : memref<512xf32, #tpu.memory_space<vmem>>, vector<512xf32>
    tpu.vector_store %arg4[%swap3A], %squeeze3A {strides = array<i32>} : memref<512xf32, #tpu.memory_space<vmem>>, vector<512xf32>,
    %get3A_10 = arith.constant 0 : index
    %get3A_11 = arith.constant 0 : index
    %get3A_12 = vector.load %arg2[%get3A_10, %get3A_11] : memref<512x8xf32, #tpu.memory_space<vmem>>, vector<512x8xf32>
    %mul3A = vector.broadcast %rsqrt3A : vector<512x1xf32> to vector<512x8xf32>
    %mul3A_13 = arith.mulf %get3A_12, %mul3A : vector<512x8xf32>
    %get3A_14 = arith.constant 0 : index
    %get3A_15 = arith.constant 0 : index
    %get3A_16 = vector.load %arg3[%get3A_14, %get3A_15] : memref<8x64xf32, #tpu.memory_space<vmem>>, vector<8x64xf32>
    %dot_general3A = arith.constant dense<0.000000e+00> : vector<512x64xf32>
    %dot_general3A_17 = tpu.matmul %mul3A_13, %get3A_16, %dot_general3A {dimension_numbers = #tpu.dot_dimension_numbers<[1], [0], [0], [1], [0, 0, 1, 1], [], []>, transpose_lhs_hint = false} : vector<512x8xf32>, vector<8x64xf32>, vector<512x64xf32> -> vector<512x64xf32>
    %slice3A = vector.extract_strided_slice %dot_general3A_17 {offsets = [0, 0], sizes = [512, 32], strides = [1, 1]} : vector<512x64xf32> to vector<512x32xf32>
    %swap3A_18 = arith.constant 0 : index
    %swap3A_19 = arith.constant 0 : index
    %swap3A_20 = arith.constant 0 : index
    %swap3A_21 = vector.load %arg5[%swap3A_18, %swap3A_19, %swap3A_20] : memref<2x512x32xf32, #tpu.memory_space<vmem>>, vector<1x512x32xf32>
    %swap3A_22 = vector.shape_cast %swap3A_21 : vector<1x512x32xf32> to vector<512x32xf32>
    %swap3A_23 = vector.shape_cast %slice3A : vector<512x32xf32> to vector<1x512x32xf32>
    tpu.vector_store %arg5[%swap3A_18, %swap3A_19, %swap3A_20], %swap3A_23 {strides = array<i32>} : memref<2x512x32xf32, #tpu.memory_space<vmem>>, vector<1x512x32xf32>,
    %slice3A_24 = vector.extract_strided_slice %dot_general3A_17 {offsets = [0, 32], sizes = [512, 32], strides = [1, 1]} : vector<512x64xf32> to vector<512x32xf32>
    %swap3A_25 = arith.constant 1 : index
    %swap3A_26 = arith.constant 0 : index
    %swap3A_27 = arith.constant 0 : index
    %swap3A_28 = vector.load %arg5[%swap3A_25, %swap3A_26, %swap3A_27] : memref<2x512x32xf32, #tpu.memory_space<vmem>>, vector<1x512x32xf32>
    %swap3A_29 = vector.shape_cast %swap3A_28 : vector<1x512x32xf32> to vector<512x32xf32>
    %swap3A_30 = vector.shape_cast %slice3A_24 : vector<512x32xf32> to vector<1x512x32xf32>
    tpu.vector_store %arg5[%swap3A_25, %swap3A_26, %swap3A_27], %swap3A_30 {strides = array<i32>} : memref<2x512x32xf32, #tpu.memory_space<vmem>>, vector<1x512x32xf32>,
    return
  }
  func.func @transform_0(%arg0: i32) -> (i32, i32, i32) {
    %c0_i32 = arith.constant 0 : i32
    %c0_i32_0 = arith.constant 0 : i32
    %c0_i32_1 = arith.constant 0 : i32
    return %c0_i32, %arg0, %c0_i32_0 : i32, i32, i32
  }
  func.func @transform_1(%arg0: i32) -> (i32, i32) {
    %c0_i32 = arith.constant 0 : i32
    %c0_i32_0 = arith.constant 0 : i32
    return %arg0, %c0_i32 : i32, i32
  }
  func.func @transform_2(%arg0: i32) -> (i32, i32) {
    %c0_i32 = arith.constant 0 : i32
    %c0_i32_0 = arith.constant 0 : i32
    %c0_i32_1 = arith.constant 0 : i32
    return %c0_i32, %c0_i32_0 : i32, i32
  }
  func.func @transform_3(%arg0: i32) -> i32 {
    %c0_i32 = arith.constant 0 : i32
    return %arg0 : i32
  }
  func.func @transform_4(%arg0: i32) -> (i32, i32, i32) {
    %c0_i32 = arith.constant 0 : i32
    %c0_i32_0 = arith.constant 0 : i32
    %c0_i32_1 = arith.constant 0 : i32
    return %c0_i32, %arg0, %c0_i32_0 : i32, i32, i32
  }
}

module attributes {stable_mosaic.version = 14 : i64} {
  func.func @_mm_body(%arg0: i32, %arg1: memref<2x512x32xf32, #tpu.memory_space<vmem>>, %arg2: memref<512xf32, #tpu.memory_space<vmem>>, %arg3: memref<1x64xf32, #tpu.memory_space<vmem>>, %arg4: memref<64x64xf32, #tpu.memory_space<vmem>>, %arg5: memref<2x512x32xf32, #tpu.memory_space<vmem>>) attributes {dimension_semantics = [#tpu.dimension_semantics<arbitrary>], iteration_bounds = array<i64: 98>, scalar_prefetch = 0 : i64, scratch_operands = 0 : i64, tpu.core_type = #tpu.core_type<tc>, window_params = [{transform_indices = @transform_0, window_bounds = array<i64: 2, 512, 32>}, {transform_indices = @transform_1, window_bounds = array<i64: 512>}, {pipeline_mode = #tpu.pipeline_mode<synchronous>, transform_indices = @transform_2, window_bounds = array<i64: 1, 64>}, {pipeline_mode = #tpu.pipeline_mode<synchronous>, transform_indices = @transform_3, window_bounds = array<i64: 64, 64>}, {transform_indices = @transform_4, window_bounds = array<i64: 2, 512, 32>}]} {
    %get3A = arith.constant 0 : index
    %get3A_0 = vector.load %arg2[%get3A] : memref<512xf32, #tpu.memory_space<vmem>>, vector<512xf32>
    %broadcast_in_dim3A = vector.shape_cast %get3A_0 : vector<512xf32> to vector<512x1xf32>
    %get3A_1 = arith.constant 0 : index
    %get3A_2 = arith.constant 0 : index
    %get3A_3 = arith.constant 0 : index
    %get3A_4 = vector.load %arg1[%get3A_1, %get3A_2, %get3A_3] : memref<2x512x32xf32, #tpu.memory_space<vmem>>, vector<1x512x32xf32>
    %get3A_5 = vector.shape_cast %get3A_4 : vector<1x512x32xf32> to vector<512x32xf32>
    %mul3A = vector.broadcast %broadcast_in_dim3A : vector<512x1xf32> to vector<512x32xf32>
    %mul3A_6 = arith.mulf %get3A_5, %mul3A : vector<512x32xf32>
    %get3A_7 = arith.constant 0 : index
    %get3A_8 = arith.constant 0 : index
    %get3A_9 = vector.load %arg3[%get3A_7, %get3A_8] : memref<1x64xf32, #tpu.memory_space<vmem>>, vector<1x32xf32>
    %get3A_10 = vector.shape_cast %get3A_9 : vector<1x32xf32> to vector<32xf32>
    %broadcast_in_dim3A_11 = vector.shape_cast %get3A_10 : vector<32xf32> to vector<1x32xf32>
    %add3A = vector.broadcast %broadcast_in_dim3A_11 : vector<1x32xf32> to vector<512x32xf32>
    %add3A_12 = arith.addf %mul3A_6, %add3A : vector<512x32xf32>
    %max3A = arith.constant 0.000000e+00 : f32
    %max3A_13 = vector.broadcast %max3A : f32 to vector<512x32xf32>
    %max3A_14 = arith.maximumf %add3A_12, %max3A_13 : vector<512x32xf32>
    %mul3A_15 = vector.broadcast %broadcast_in_dim3A : vector<512x1xf32> to vector<512x32xf32>
    %mul3A_16 = arith.mulf %max3A_14, %mul3A_15 : vector<512x32xf32>
    %get3A_17 = arith.constant 1 : index
    %get3A_18 = arith.constant 0 : index
    %get3A_19 = arith.constant 0 : index
    %get3A_20 = vector.load %arg1[%get3A_17, %get3A_18, %get3A_19] : memref<2x512x32xf32, #tpu.memory_space<vmem>>, vector<1x512x32xf32>
    %get3A_21 = vector.shape_cast %get3A_20 : vector<1x512x32xf32> to vector<512x32xf32>
    %mul3A_22 = vector.broadcast %broadcast_in_dim3A : vector<512x1xf32> to vector<512x32xf32>
    %mul3A_23 = arith.mulf %get3A_21, %mul3A_22 : vector<512x32xf32>
    %get3A_24 = arith.constant 0 : index
    %get3A_25 = arith.constant 32 : index
    %get3A_26 = vector.load %arg3[%get3A_24, %get3A_25] : memref<1x64xf32, #tpu.memory_space<vmem>>, vector<1x32xf32>
    %get3A_27 = vector.shape_cast %get3A_26 : vector<1x32xf32> to vector<32xf32>
    %broadcast_in_dim3A_28 = vector.shape_cast %get3A_27 : vector<32xf32> to vector<1x32xf32>
    %add3A_29 = vector.broadcast %broadcast_in_dim3A_28 : vector<1x32xf32> to vector<512x32xf32>
    %add3A_30 = arith.addf %mul3A_23, %add3A_29 : vector<512x32xf32>
    %max3A_31 = arith.constant 0.000000e+00 : f32
    %max3A_32 = vector.broadcast %max3A_31 : f32 to vector<512x32xf32>
    %max3A_33 = arith.maximumf %add3A_30, %max3A_32 : vector<512x32xf32>
    %mul3A_34 = vector.broadcast %broadcast_in_dim3A : vector<512x1xf32> to vector<512x32xf32>
    %mul3A_35 = arith.mulf %max3A_33, %mul3A_34 : vector<512x32xf32>
    %get3A_36 = arith.constant 0 : index
    %get3A_37 = arith.constant 0 : index
    %get3A_38 = vector.load %arg4[%get3A_36, %get3A_37] : memref<64x64xf32, #tpu.memory_space<vmem>>, vector<32x64xf32>
    %dot_general3A = arith.constant dense<0.000000e+00> : vector<512x64xf32>
    %dot_general3A_39 = tpu.matmul %mul3A_16, %get3A_38, %dot_general3A {dimension_numbers = #tpu.dot_dimension_numbers<[1], [0], [0], [1], [0, 0, 1, 1], [], []>, transpose_lhs_hint = false} : vector<512x32xf32>, vector<32x64xf32>, vector<512x64xf32> -> vector<512x64xf32>
    %get3A_40 = arith.constant 32 : index
    %get3A_41 = arith.constant 0 : index
    %get3A_42 = vector.load %arg4[%get3A_40, %get3A_41] : memref<64x64xf32, #tpu.memory_space<vmem>>, vector<32x64xf32>
    %dot_general3A_43 = arith.constant dense<0.000000e+00> : vector<512x64xf32>
    %dot_general3A_44 = tpu.matmul %mul3A_35, %get3A_42, %dot_general3A_43 {dimension_numbers = #tpu.dot_dimension_numbers<[1], [0], [0], [1], [0, 0, 1, 1], [], []>, transpose_lhs_hint = false} : vector<512x32xf32>, vector<32x64xf32>, vector<512x64xf32> -> vector<512x64xf32>
    %add3A_45 = arith.addf %dot_general3A_39, %dot_general3A_44 : vector<512x64xf32>
    %slice3A = vector.extract_strided_slice %add3A_45 {offsets = [0, 0], sizes = [512, 32], strides = [1, 1]} : vector<512x64xf32> to vector<512x32xf32>
    %swap3A = arith.constant 0 : index
    %swap3A_46 = arith.constant 0 : index
    %swap3A_47 = arith.constant 0 : index
    %swap3A_48 = vector.load %arg5[%swap3A, %swap3A_46, %swap3A_47] : memref<2x512x32xf32, #tpu.memory_space<vmem>>, vector<1x512x32xf32>
    %swap3A_49 = vector.shape_cast %swap3A_48 : vector<1x512x32xf32> to vector<512x32xf32>
    %swap3A_50 = vector.shape_cast %slice3A : vector<512x32xf32> to vector<1x512x32xf32>
    tpu.vector_store %arg5[%swap3A, %swap3A_46, %swap3A_47], %swap3A_50 {strides = array<i32>} : memref<2x512x32xf32, #tpu.memory_space<vmem>>, vector<1x512x32xf32>,
    %slice3A_51 = vector.extract_strided_slice %add3A_45 {offsets = [0, 32], sizes = [512, 32], strides = [1, 1]} : vector<512x64xf32> to vector<512x32xf32>
    %swap3A_52 = arith.constant 1 : index
    %swap3A_53 = arith.constant 0 : index
    %swap3A_54 = arith.constant 0 : index
    %swap3A_55 = vector.load %arg5[%swap3A_52, %swap3A_53, %swap3A_54] : memref<2x512x32xf32, #tpu.memory_space<vmem>>, vector<1x512x32xf32>
    %swap3A_56 = vector.shape_cast %swap3A_55 : vector<1x512x32xf32> to vector<512x32xf32>
    %swap3A_57 = vector.shape_cast %slice3A_51 : vector<512x32xf32> to vector<1x512x32xf32>
    tpu.vector_store %arg5[%swap3A_52, %swap3A_53, %swap3A_54], %swap3A_57 {strides = array<i32>} : memref<2x512x32xf32, #tpu.memory_space<vmem>>, vector<1x512x32xf32>,
    return
  }
  func.func @transform_0(%arg0: i32) -> (i32, i32, i32) {
    %c0_i32 = arith.constant 0 : i32
    %c0_i32_0 = arith.constant 0 : i32
    %c0_i32_1 = arith.constant 0 : i32
    return %c0_i32, %arg0, %c0_i32_0 : i32, i32, i32
  }
  func.func @transform_1(%arg0: i32) -> i32 {
    %c0_i32 = arith.constant 0 : i32
    return %arg0 : i32
  }
  func.func @transform_2(%arg0: i32) -> (i32, i32) {
    %c0_i32 = arith.constant 0 : i32
    %c0_i32_0 = arith.constant 0 : i32
    %c0_i32_1 = arith.constant 0 : i32
    return %c0_i32, %c0_i32_0 : i32, i32
  }
  func.func @transform_3(%arg0: i32) -> (i32, i32) {
    %c0_i32 = arith.constant 0 : i32
    %c0_i32_0 = arith.constant 0 : i32
    %c0_i32_1 = arith.constant 0 : i32
    return %c0_i32, %c0_i32_0 : i32, i32
  }
  func.func @transform_4(%arg0: i32) -> (i32, i32, i32) {
    %c0_i32 = arith.constant 0 : i32
    %c0_i32_0 = arith.constant 0 : i32
    %c0_i32_1 = arith.constant 0 : i32
    return %c0_i32, %arg0, %c0_i32_0 : i32, i32, i32
  }
}

module attributes {stable_mosaic.version = 14 : i64} {
  func.func @_final_body(%arg0: memref<2x512x32xf32, #tpu.memory_space<vmem>>, %arg1: memref<512x32xf32, #tpu.memory_space<vmem>>, %arg2: memref<1x64xf32, #tpu.memory_space<vmem>>, %arg3: memref<64x128xf32, #tpu.memory_space<vmem>>, %arg4: memref<1x128xf32, #tpu.memory_space<vmem>>, %arg5: memref<512x128xf32, #tpu.memory_space<vmem>>) attributes {dimension_semantics = [], scalar_prefetch = 0 : i64, scratch_operands = 0 : i64, tpu.core_type = #tpu.core_type<tc>} {
    %get3A = arith.constant 0 : index
    %get3A_0 = arith.constant 0 : index
    %get3A_1 = vector.load %arg1[%get3A, %get3A_0] : memref<512x32xf32, #tpu.memory_space<vmem>>, vector<512x1xf32>
    %max3A = arith.constant 1.000000e+00 : f32
    %max3A_2 = vector.broadcast %max3A : f32 to vector<512x1xf32>
    %max3A_3 = arith.maximumf %get3A_1, %max3A_2 : vector<512x1xf32>
    %get3A_4 = arith.constant 0 : index
    %get3A_5 = arith.constant 0 : index
    %get3A_6 = arith.constant 0 : index
    %get3A_7 = vector.load %arg0[%get3A_4, %get3A_5, %get3A_6] : memref<2x512x32xf32, #tpu.memory_space<vmem>>, vector<1x512x32xf32>
    %get3A_8 = vector.shape_cast %get3A_7 : vector<1x512x32xf32> to vector<512x32xf32>
    %div3A = vector.broadcast %max3A_3 : vector<512x1xf32> to vector<512x32xf32>
    %div3A_9 = arith.divf %get3A_8, %div3A : vector<512x32xf32>
    %get3A_10 = arith.constant 0 : index
    %get3A_11 = arith.constant 0 : index
    %get3A_12 = vector.load %arg2[%get3A_10, %get3A_11] : memref<1x64xf32, #tpu.memory_space<vmem>>, vector<1x32xf32>
    %get3A_13 = vector.shape_cast %get3A_12 : vector<1x32xf32> to vector<32xf32>
    %broadcast_in_dim3A = vector.shape_cast %get3A_13 : vector<32xf32> to vector<1x32xf32>
    %add3A = vector.broadcast %broadcast_in_dim3A : vector<1x32xf32> to vector<512x32xf32>
    %add3A_14 = arith.addf %div3A_9, %add3A : vector<512x32xf32>
    %get3A_15 = arith.constant 1 : index
    %get3A_16 = arith.constant 0 : index
    %get3A_17 = arith.constant 0 : index
    %get3A_18 = vector.load %arg0[%get3A_15, %get3A_16, %get3A_17] : memref<2x512x32xf32, #tpu.memory_space<vmem>>, vector<1x512x32xf32>
    %get3A_19 = vector.shape_cast %get3A_18 : vector<1x512x32xf32> to vector<512x32xf32>
    %div3A_20 = vector.broadcast %max3A_3 : vector<512x1xf32> to vector<512x32xf32>
    %div3A_21 = arith.divf %get3A_19, %div3A_20 : vector<512x32xf32>
    %get3A_22 = arith.constant 0 : index
    %get3A_23 = arith.constant 32 : index
    %get3A_24 = vector.load %arg2[%get3A_22, %get3A_23] : memref<1x64xf32, #tpu.memory_space<vmem>>, vector<1x32xf32>
    %get3A_25 = vector.shape_cast %get3A_24 : vector<1x32xf32> to vector<32xf32>
    %broadcast_in_dim3A_26 = vector.shape_cast %get3A_25 : vector<32xf32> to vector<1x32xf32>
    %add3A_27 = vector.broadcast %broadcast_in_dim3A_26 : vector<1x32xf32> to vector<512x32xf32>
    %add3A_28 = arith.addf %div3A_21, %add3A_27 : vector<512x32xf32>
    %get3A_29 = arith.constant 0 : index
    %get3A_30 = arith.constant 0 : index
    %get3A_31 = vector.load %arg3[%get3A_29, %get3A_30] : memref<64x128xf32, #tpu.memory_space<vmem>>, vector<32x128xf32>
    %dot_general3A = arith.constant dense<0.000000e+00> : vector<512x128xf32>
    %dot_general3A_32 = tpu.matmul %add3A_14, %get3A_31, %dot_general3A {dimension_numbers = #tpu.dot_dimension_numbers<[1], [0], [0], [1], [0, 0, 1, 1], [], []>, transpose_lhs_hint = false} : vector<512x32xf32>, vector<32x128xf32>, vector<512x128xf32> -> vector<512x128xf32>
    %get3A_33 = arith.constant 32 : index
    %get3A_34 = arith.constant 0 : index
    %get3A_35 = vector.load %arg3[%get3A_33, %get3A_34] : memref<64x128xf32, #tpu.memory_space<vmem>>, vector<32x128xf32>
    %dot_general3A_36 = arith.constant dense<0.000000e+00> : vector<512x128xf32>
    %dot_general3A_37 = tpu.matmul %add3A_28, %get3A_35, %dot_general3A_36 {dimension_numbers = #tpu.dot_dimension_numbers<[1], [0], [0], [1], [0, 0, 1, 1], [], []>, transpose_lhs_hint = false} : vector<512x32xf32>, vector<32x128xf32>, vector<512x128xf32> -> vector<512x128xf32>
    %add3A_38 = arith.addf %dot_general3A_32, %dot_general3A_37 : vector<512x128xf32>
    %get3A_39 = arith.constant 0 : index
    %get3A_40 = arith.constant 0 : index
    %get3A_41 = vector.load %arg4[%get3A_39, %get3A_40] : memref<1x128xf32, #tpu.memory_space<vmem>>, vector<1x128xf32>
    %add3A_42 = vector.broadcast %get3A_41 : vector<1x128xf32> to vector<512x128xf32>
    %add3A_43 = arith.addf %add3A_38, %add3A_42 : vector<512x128xf32>
    %swap3A = arith.constant 0 : index
    %swap3A_44 = arith.constant 0 : index
    %swap3A_45 = vector.load %arg5[%swap3A, %swap3A_44] : memref<512x128xf32, #tpu.memory_space<vmem>>, vector<512x128xf32>
    tpu.vector_store %arg5[%swap3A, %swap3A_44], %add3A_43 {strides = array<i32>} : memref<512x128xf32, #tpu.memory_space<vmem>>, vector<512x128xf32>,
    return
  }
}

</mosaic_0001>

<sc_bundles>
// kernel: kernel.10.cloned.1.call-start
scs
__scs_entry_jumppad:
0x0: {  	(pc) =	sbr.rel $0x88, $3  }
0x1: {  	(tag) =	ssettag $0x0;
	lr =	simm.s32 $0x1  }
0x2: {  	[smem:$0x3F96] =	sst lr;
	_ =	strace $0xD0000000  }
0x3: {  	_ = 	snop  }
0x4: {  	_ = 	snop  }
0x5: {  	_ = 	snop  }
0x6: {  	_ = 	snop  }
0x7: {  	_ = 	snop  }
__scs_overlays_trampoline_lowered:
0x8: {  	[smem:$0x3FA5] =	sst s0  }
0x9: {  	[smem:$0x3FA6] =	sst s1  }
0xa: {  	[smem:$0x3FA7] =	sst s2  }
0xb: {  	[smem:$0x3FA8] =	sst s3  }
0xc: {  	[smem:$0x3FA9] =	sst s4  }
0xd: {  	[smem:$0x3FAA] =	sst s5  }
0xe: {  	[smem:$0x3FAB] =	sst s6  }
0xf: {  	[smem:$0x3FAC] =	sst s7  }
0x10: {  	[smem:$0x3FAD] =	sst s8  }
0x11: {  	[smem:$0x3FAE] =	sst s9;
	s0 =	simm.s32 @!p0 $0x0  }
0x12: {  	s1 =	sld [smem:$0x3F94];
	s0 =	simm.s32 @p0 $0x1  }
0x13: {  	[smem:$0x3FAF] =	sst s0;
	s0 =	simm.s32 @!p1 $0x0  }
0x14: {  	s2 =	sld [smem:$0x3F93];
	s0 =	simm.s32 @p1 $0x1  }
0x15: {  	[smem:$0x3FB0] =	sst s0;
	s0 =	simm.s32 @!p2 $0x0  }
0x16: {  	s3 =	sld [smem:$0x3FDB];
	s0 =	simm.s32 @p2 $0x1  }
0x17: {  	s4 =	simm.s32 $0x1BF5;
	[smem:$0x3FB2] =	sst s0  }
0x18: {  	s0 =	sld [smem:$0x3F95];
	_ =	swait.ge [sflag:s4], $0x0  }
0x19: {  	s7 =	sld [smem:$0x3F96]  }
0x1a: {  	s8 =	sadd.s32 $0xFFFFE003, lr  }
0x1b: {  	s9 =	sadd.s32 $0xFFFFFEF7, lr;
	s5 =	simm.s32 $0xFFFFFFFF;
	p2 =	slt.u32 s8, $0xFFFFF086  }
0x1c: {  	p1 =	slt.u32 s9, $0xF7A;
	s5 =	simm.s32 @!p2 $0x0  }
0x1d: {  	s5 =	simm.s32 @p1 $0x1;
	p0 =	seq.s32 s7, s2  }
0x1e: {  	s7 =	smul.u32 @!p0 $0xF7A, s2;
	p2 =	seq.s32 @!p0 s5, $0x0  }
0x1f: {  	s9 =	smul.u32 $0xF7A, s1;
	s8 =	simm.s32 @!p0 $0x1BF5;
	p2 =	por !p2, p0  }
0x20: {  	[sflag:s8] =	ssyncset.s32 @!p0 $0xFFFFF086;
	s6 =	sadd.s32 @!p0 s3, s7;
	s7 =	simm.s32 @!p0 $0x108  }
0x21: {  	s3 =	sadd.s32 s3, s9;
	s6 =	sadd.s32 @!p0 $0x88, s6;
	s7 =	simm.s32 @p2 $0x1082  }
0x22: {  	[simem:s7], [sflag:s8] =	dma.local @!p0 [hbm:s6], $0xF7A  }
0x23: {  	s9 =	sor.u32 $0xD0000000, s2;
	s6 =	simm.s32 $0x108;
	_ =	swait.ge @!p0 [sflag:s8], $0x0  }
0x24: {  	s3 =	sadd.s32 $0x88, s3;
	s6 =	simm.s32 @!p1 $0x1082;
	[sflag:s4] =	ssyncset.s32 $0xFFFFF086  }
0x25: {  	[simem:s6], [sflag:s4] =	dma.local [hbm:s3], $0xF7A  }
0x26: {  	[smem:$0x3F96] =	sst s1;
	(tag) =	ssettag s2;
	_ =	strace s9  }
0x27: {  	s1 =	sld [smem:$0x3FA6]  }
0x28: {  	s2 =	sld [smem:$0x3FA7]  }
0x29: {  	s4 =	sld [smem:$0x3FA9]  }
0x2a: {  	p0 =	seq.s32 s5, $0x0;
	s5 =	sld [smem:$0x3FAA]  }
0x2b: {  	s6 =	sld [smem:$0x3FAB]  }
0x2c: {  	s7 =	sld [smem:$0x3FAC]  }
0x2d: {  	s3 =	simm.s32 $0x108;
	s8 =	sld [smem:$0x3FAD]  }
0x2e: {  	s3 =	simm.s32 @!p0 $0x1082;
	s9 =	sld [smem:$0x3FAE]  }
0x2f: {  	lr =	sadd.s32 s0, s3;
	s0 =	sld [smem:$0x3FA5]  }
0x30: {  	s3 =	sld [smem:$0x3FA8]  }
0x31: {  	[smem:$0x3FB1] =	sst s10  }
0x32: {  	s10 =	sld [smem:$0x3FAF];
	_ =	sdelay $0x3  }
0x33: {  	p0 =	seq.s32 s10, $0x1;
	s10 =	sld [smem:$0x3FB1];
	_ =	sdelay $0x3  }
0x34: {  	[smem:$0x3FB1] =	sst s10  }
0x35: {  	s10 =	sld [smem:$0x3FB0];
	_ =	sdelay $0x3  }
0x36: {  	p1 =	seq.s32 s10, $0x1;
	s10 =	sld [smem:$0x3FB1];
	_ =	sdelay $0x3  }
0x37: {  	[smem:$0x3FB1] =	sst s10  }
0x38: {  	s10 =	sld [smem:$0x3FB2]  }
0x39: {  	_ = 	snop;
	(pc) =	sbr.ind lr, $3  }
0x3a: {  	_ = 	snop  }
0x3b: {  	_ = 	snop  }
0x3c: {  	p2 =	seq.s32 s10, $0x1;
	s10 =	sld [smem:$0x3FB1]  }
0x3d: {  	_ =	shalt  }
0x3e: {  	_ =	shalt  }
0x3f: {  	_ =	shalt  }
0x40: {  	_ =	shalt  }
0x41: {  	_ =	shalt  }
0x42: {  	_ =	shalt  }
0x43: {  	_ =	shalt  }
0x44: {  	_ =	shalt  }
0x45: {  	_ =	shalt  }
0x46: {  	_ =	shalt  }
0x47: {  	_ =	shalt  }
0x48: {  	_ =	shalt  }
0x49: {  	_ =	shalt  }
0x4a: {  	_ =	shalt  }
0x4b: {  	_ =	shalt  }
0x4c: {  	_ =	shalt  }
0x4d: {  	_ =	shalt  }
0x4e: {  	_ =	shalt  }
0x4f: {  	_ =	shalt  }
0x50: {  	_ =	shalt  }
0x51: {  	_ =	shalt  }
0x52: {  	_ =	shalt  }
0x53: {  	_ =	shalt  }
0x54: {  	_ =	shalt  }
0x55: {  	_ =	shalt  }
0x56: {  	_ =	shalt  }
0x57: {  	_ =	shalt  }
0x58: {  	_ =	shalt  }
0x59: {  	_ =	shalt  }
0x5a: {  	_ =	shalt  }
0x5b: {  	_ =	shalt  }
0x5c: {  	_ =	shalt  }
0x5d: {  	_ =	shalt  }
0x5e: {  	_ =	shalt  }
0x5f: {  	_ =	shalt  }
0x60: {  	_ =	shalt  }
0x61: {  	_ =	shalt  }
0x62: {  	_ =	shalt  }
0x63: {  	_ =	shalt  }
0x64: {  	_ =	shalt  }
0x65: {  	_ =	shalt  }
0x66: {  	_ =	shalt  }
0x67: {  	_ =	shalt  }
0x68: {  	_ =	shalt  }
0x69: {  	_ =	shalt  }
0x6a: {  	_ =	shalt  }
0x6b: {  	_ =	shalt  }
0x6c: {  	_ =	shalt  }
0x6d: {  	_ =	shalt  }
0x6e: {  	_ =	shalt  }
0x6f: {  	_ =	shalt  }
0x70: {  	_ =	shalt  }
0x71: {  	_ =	shalt  }
0x72: {  	_ =	shalt  }
0x73: {  	_ =	shalt  }
0x74: {  	_ =	shalt  }
0x75: {  	_ =	shalt  }
0x76: {  	_ =	shalt  }
0x77: {  	_ =	shalt  }
0x78: {  	_ =	shalt  }
0x79: {  	_ =	shalt  }
0x7a: {  	_ =	shalt  }
0x7b: {  	_ =	shalt  }
0x7c: {  	_ =	shalt  }
0x7d: {  	_ =	shalt  }
0x7e: {  	_ =	shalt  }
0x7f: {  	_ =	shalt  }
0x80: {  	_ =	shalt  }
0x81: {  	_ =	shalt  }
0x82: {  	_ =	shalt  }
0x83: {  	_ =	shalt  }
0x84: {  	_ =	shalt  }
0x85: {  	_ =	shalt  }
0x86: {  	_ =	shalt  }
0x87: {  	_ =	shalt  }
.Lfunc_end0:
.L_simem_size_0:
called_computation_lowered:
.L_overlay_start_0:
0x88: {  	s2 =	sld [smem:$0x3FD9]  }
0x89: {  	s3 =	sld [smem:$0x3FFE];
	_ =	sdelay $0x1  }
0x8a: {  	s1 =	srdreg.scid  }
0x8b: {  	s0 =	sand.u32 $0x1, s1  }
0x8c: {  	s16 =	sshll.u32 s0, $0xA;
	s2 =	sadd.s32 s3, s2  }
0x8d: {  	s2 =	sadd.s32 s2, s16  }
0x8e: {  	[smem:$0x3FBD] =	sst s2  }
0x8f: {  	_ = 	snop  }
0x90: {  	(tm) =	ssettm $0x1  }
0x91: {  	s17 =	sld [smem:$0x3FFB];
	_ =	sdelay $0x3  }
0x92: {  	_ =	strace s17  }
0x93: {  	s2 =	sld [smem:$0x3FFC];
	_ =	sdelay $0x3  }
0x94: {  	_ =	strace s2  }
0x95: {  	s2 =	sld [smem:$0x3FFD];
	_ =	sdelay $0x3  }
0x96: {  	_ =	strace s2  }
0x97: {  	_ =	strace $0x8FFFFFFF  }
0x98: {  	s18 =	sld [smem:$0x3FDB];
	_ =	sdelay $0x1  }
0x99: {  	s19 =	simm.s32 $_scs_section_size  }
0x9a: {  	s4 =	simm.s32 $_size__tile_overlayer_lowered;
	s5 =	simm.s32 $_tile_overlayer_lowered  }
0x9b: {  	s22 =	simm.s32 $0x1BFF;
	s21 =	sshll.u32 s5, $0x1;
	s2 =	sadd.s32 s19, s18  }
0x9c: {  	s6 =	simm.s32 $0x0;
	s20 =	sshll.u32 s4, $0x1;
	s4 =	sadd.s32 s21, s2  }
0x9d: {  	[timem:s6], [sflag:s22] =	dma.local [hbm:s4], s20  }
0x9e: {  	_ =	swait.ge [sflag:s22], s20  }
0x9f: {  	s3 =	ssub.s32 $0x0, s20;
	[sflag:s22] =	ssyncset.done $0x0  }
0xa0: {  	[sflag:s22] =	ssyncadd.s32 s3;
	_ =	sdelay $0x1  }
0xa1: {  	s23 =	simm.s32 $0x1B8B  }
0xa2: {  	_ =	swait.ge [sflag:s23], $0x1  }
0xa3: {  	[sflag:s23] =	ssyncset.done $0x0  }
0xa4: {  	s25 =	simm.s32 $0x1B8E;
	s24 =	sld [smem:$0x3FFE];
	[sflag:s23] =	ssyncadd.s32 $0xFFFFFFFF  }
0xa5: {  	s26 =	simm.s32 $execute0_lowered;
	[smem:$0x3FD2] =	sst s25  }
0xa6: {  	s4 =	sshll.u32 s26, $0x1;
	_ =	strace $0x80000046;
	[dreg:$0x1] =	wrdreg $0xFFFFFFFF  }
0xa7: {  	s28 =	simm.s32 $_size_execute0_lowered;
	s2 =	sadd.s32 s2, s4;
	[dreg:$0x0] =	wrdreg $0x0  }
0xa8: {  	s4 =	sshll.u32 s28, $0x1;
	[dreg:$0x2] =	wrdreg s2  }
0xa9: {  	[dreg:$0x3] =	wrdreg s4  }
0xaa: {  	[dreg:$0x4] =	wrdreg $0xC0  }
0xab: {  	_ =	task [dreg:s6], $0x5FFFF  }
0xac: {  	[dreg:$0x1] =	wrdreg $0xFFFFFFFF  }
0xad: {  	[dreg:$0x0] =	wrdreg $0x60  }
0xae: {  	[dreg:$0x2] =	wrdreg s24  }
0xaf: {  	[dreg:$0x3] =	wrdreg $0x23000  }
0xb0: {  	[dreg:$0x4] =	wrdreg $0x9  }
0xb1: {  	_ =	task.clear_ibuf [dreg:s6], $0x5FFFF;
	_ =	strace $0x90000046  }
0xb2: {  	s29 =	simm.s32 $0x9;
	_ =	strace $0x80000048  }
0xb3: {  	_ =	swait.ge [sflag:s29], $0x1  }
0xb4: {  	[sflag:s29] =	ssyncadd.s32 $0xFFFFFFFF  }
0xb5: {  	_ =	strace $0x90000048  }
0xb6: {  	_ =	sfence  }
0xb7: {  	s30 =	sld [smem:$0x0];
	_ =	sdelay $0x2  }
0xb8: {  	s31 =	sshll.u32 s1, $0xD;
	s1 =	sshrl.u32 s1, $0x2  }
0xb9: {  	s3 =	sand.u32 $0x4000, s31;
	s1 =	sadd.s32 s1, s30  }
0xba: {  	s0 =	sor.u32 s3, s0;
	s1 =	sshll.u32 s1, $0x11  }
0xbb: {  	s0 =	sor.u32 s1, s0  }
0xbc: {  	s0 =	sadd.s32 $0x8F2B, s0  }
0xbd: {  	[sflag:s0] =	ssyncadd.remote.s32 $0x1  }
0xbe: {  	_ =	sfence.sel $0xFFFF  }
0xbf: {  	[dreg:$0x0] =	wrdreg $0xFFFFFFFF;
	(pc) =	sbr.abs _section_cstart, $3  }
0xc0: {  	[dreg:$0x1] =	wrdreg $0xFFFFFFFF  }
0xc1: {  	_ =	task.clear_ibuf [dreg:s6], $0x2FFFF;
	_ =	strace $0x9FFFFFFF  }
0xc2: {  	(tm) =	ssettm $0x7FFFFFFF  }
0xc3: {  	_ =	shalt  }
tec
execute0_lowered:
.L_overlay_start_1:
0x0: {  	(tag) =	ssettag $0x1  }
0x1: {  	s7 =	rddreg [dreg:$0x0]  }
0x2: {  	s0 =	srdreg.scid;
	s2 =	rddreg [dreg:$0x1]  }
0x3: {  	s1 =	rddreg [dreg:$0x2];
	s4 =	sand.u32 $0x1, s0  }
0x4: {  	s3 =	simm.s32 $0x0;
	s0 =	stileid.u32;
	s5 =	smul.u32 $0xC80, s4  }
0x5: {  	s14 =	simm.f32 $1.000000000e+00;
	s12 =	simm.s32 $0x1C00;
	s6 =	smul.u32 $0xC8, s0  }
0x6: {  	s13 =	simm.s32 $0x1;
	[smem:$0x7FF] =	sst s3;
	s8 =	smul.u32 $0xC4000, s4  }
0x7: {  	s15 =	simm.s32 $0x1400;
	s9 =	smul.u32 $0xC400, s0;
	_ =	strace $0x80000047  }
0x8: {  	s30 =	ssub.s32 $0x2, s4;
	p0 =	seq.s32 s4, $0x0;
	s11 =	smul.u32 $0x31000, s0  }
0x9: {  	s31 =	sshrl.u32 s30, $0x1;
	s14 =	simm.s32 @!p0 $0x0;
	s5 =	sadd.s32 s6, s5  }
0xa: {  	s28 =	sadd.s32 s9, s8;
	s16 =	sadd.s32 s9, s2;
	s11 =	sshrl.u32 s11, $0x2  }
0xb: {  	v0 =	vmov s14;
	s14 =	simm.s32 $0x80;
	s5 =	sshll.u32 s5, $0x4;
	s6 =	sshrl.u32 s28, $0x3  }
0xc: {  	s11 =	sadd.s32 s11, s2;
	s16 =	sshrl.u32 s16, $0x3;
	s29 =	sadd.s32 s6, s7  }
0xd: {  	s10 =	sadd.s32 s5, s7;
	s6 =	ssub.s32 s30, s31;
	s4 =	sadd.s32 $0x1AE00, s29  }
0xe: {  	s5 =	smax.u32 s6, $0x1;
	s6 =	sadd.s32 $0x1E00, s10;
	s7 =	sadd.s32 $0x2080, s10  }
0xf: {  	v1 =	vimm.f32 $1.000000000e+00;
	s8 =	sadd.s32 $0x2300, s10;
	s9 =	sadd.s32 $0x2580, s10;
	s10 =	sadd.s32 $0x2800, s10  }
.LBB2_1:
0x10: {  	s17 =	simm.s32 $0x40;
	s18 =	simm.s32 $0x0  }
.LBB2_2:
0x11: {  	p0 =	sne.s32 s17, $0x1FC0;
	[tilespmem:s18+$0x1400] =	vst v1;
	s18 =	smov.u32 s17;
	s17 =	sadd.s32 $0x40, s17  }
.Ltmp0:
0x12: {  	(pc) =	sbr.rel @p0 .LBB2_2-.Ltmp0, $2  }
0x13: {  	_ =	sdelay $0x2  }
0x14: {  	s18 =	sshra.s32 s18, $0x2  }
0x15: {  	[tilespmem:s18+$0x1400] =	vst v1;
	s17 =	simm.s32 $0x40;
	s18 =	simm.s32 $0x0  }
.LBB2_4:
0x16: {  	p0 =	sne.s32 s17, $0x1BC0;
	[tilespmem:s18+$0x1C00] =	vst v0;
	s18 =	smov.u32 s17;
	s17 =	sadd.s32 $0x40, s17  }
.Ltmp1:
0x17: {  	(pc) =	sbr.rel @p0 .LBB2_4-.Ltmp1, $2  }
0x18: {  	_ =	sdelay $0x2  }
0x19: {  	s18 =	sshra.s32 s18, $0x2  }
0x1a: {  	[tilespmem:s18+$0x1C00] =	vst v0;
	s17 =	sadd.s32 $0x0, s11  }
0x1b: {  	[spmem:s17] =	stream.linear.scatter [tilespmem:s12], [sflag:$0x1], $0x700, $0x38;
	[tilespmem:$0xE708] =	vst v63  }
0x1c: {  	s17 =	simm.s32 $0x1C00;
	_ =	swait.ge [sflag:s13], $0x700  }
.LBB2_6:
0x1d: {  	s18 =	sshra.s32 s17, $0x2;
	[sflag:s13] =	ssyncset.done $0x0;
	p0 =	sne.s32 s17, $0x2F400  }
.Ltmp2:
0x1e: {  	s18 =	sadd.s32 s18, s11;
	[sflag:s13] =	ssyncadd.s32 $0xFFFFF900;
	(pc) =	sbr.rel @p0 .LBB2_6-.Ltmp2, $3  }
0x1f: {  	[spmem:s18] =	stream.linear.scatter [tilespmem:s12], [sflag:$0x1], $0x700, $0x38;
	[tilespmem:$0xE708] =	vst v63  }
0x20: {  	s17 =	sadd.s32 $0x1C00, s17;
	_ =	sdelay $0x1  }
0x21: {  	_ =	swait.ge [sflag:s13], $0x700  }
0x22: {  	[sflag:s13] =	ssyncset.done $0x0  }
0x23: {  	[sflag:s13] =	ssyncadd.s32 $0xFFFFF900  }
0x24: {  	s17 =	simm.s32 $0x0;
	[bflag:$0x0] =	sbarrier.arrive $0xFFFF  }
0x25: {  	[tilespmem:s17], [sflag:$0x1] =	stream.linear.gather [hbm4b:s6+s17], $0x1400, $0x38;
	[tilespmem:$0xE708] =	vst v63  }
0x26: {  	_ =	swait.ge [sflag:s13], $0x1400  }
0x27: {  	[sflag:s13] =	ssyncset.done $0x0  }
0x28: {  	s31 =	simm.s32 $0x0;
	[sflag:s13] =	ssyncadd.s32 $0xFFFFEC00  }
0x29: {  	[spmem:s2] =	stream.indirect.scatter.add.f32 [tilespmem:s15], [sflag:$0x1], $0x10, s31, s14, $0xb8;
	[tilespmem:$0xE708] =	vst v63  }
0x2a: {  	_ =	swait.ge [sflag:s13], $0x800  }
0x2b: {  	s17 =	simm.s32 $0x200;
	[sflag:s13] =	ssyncset.done $0x0  }
.LBB2_8:
0x2c: {  	s18 =	sshra.s32 s17, $0x2;
	[sflag:s13] =	ssyncadd.s32 $0xFFFFF800;
	p0 =	sne.s32 s17, $0x4E00  }
0x2d: {  	[spmem:s2] =	stream.indirect.scatter.add.f32 [tilespmem:s15], [sflag:$0x1], $0x10, s18, s14, $0xb8;
	[tilespmem:$0xE708] =	vst v63  }
.Ltmp3:
0x2e: {  	_ = 	snop;
	(pc) =	sbr.rel @p0 .LBB2_8-.Ltmp3, $4  }
0x2f: {  	_ = 	snop  }
0x30: {  	s17 =	sadd.s32 $0x200, s17  }
0x31: {  	_ =	swait.ge [sflag:s13], $0x800  }
0x32: {  	[sflag:s13] =	ssyncset.done $0x0  }
0x33: {  	[sflag:s13] =	ssyncadd.s32 $0xFFFFF800;
	s17 =	simm.s32 $0x0  }
0x34: {  	[tilespmem:s17], [sflag:$0x1] =	stream.linear.gather [hbm4b:s7+s17], $0x1400, $0x38;
	[tilespmem:$0xE708] =	vst v63  }
0x35: {  	_ =	swait.ge [sflag:s13], $0x1400  }
0x36: {  	[sflag:s13] =	ssyncset.done $0x0  }
0x37: {  	s31 =	simm.s32 $0x0;
	[sflag:s13] =	ssyncadd.s32 $0xFFFFEC00  }
0x38: {  	[spmem:s2] =	stream.indirect.scatter.add.f32 [tilespmem:s15], [sflag:$0x1], $0x10, s31, s14, $0xb8;
	[tilespmem:$0xE708] =	vst v63  }
0x39: {  	_ =	swait.ge [sflag:s13], $0x800  }
0x3a: {  	s17 =	simm.s32 $0x200;
	[sflag:s13] =	ssyncset.done $0x0  }
.LBB2_10:
0x3b: {  	s18 =	sshra.s32 s17, $0x2;
	[sflag:s13] =	ssyncadd.s32 $0xFFFFF800;
	p0 =	sne.s32 s17, $0x4E00  }
0x3c: {  	[spmem:s2] =	stream.indirect.scatter.add.f32 [tilespmem:s15], [sflag:$0x1], $0x10, s18, s14, $0xb8;
	[tilespmem:$0xE708] =	vst v63  }
.Ltmp4:
0x3d: {  	_ = 	snop;
	(pc) =	sbr.rel @p0 .LBB2_10-.Ltmp4, $4  }
0x3e: {  	_ = 	snop  }
0x3f: {  	s17 =	sadd.s32 $0x200, s17  }
0x40: {  	_ =	swait.ge [sflag:s13], $0x800  }
0x41: {  	[sflag:s13] =	ssyncset.done $0x0  }
0x42: {  	[sflag:s13] =	ssyncadd.s32 $0xFFFFF800;
	s17 =	simm.s32 $0x0  }
0x43: {  	[tilespmem:s17], [sflag:$0x1] =	stream.linear.gather [hbm4b:s8+s17], $0x1400, $0x38;
	[tilespmem:$0xE708] =	vst v63  }
0x44: {  	_ =	swait.ge [sflag:s13], $0x1400  }
0x45: {  	[sflag:s13] =	ssyncset.done $0x0  }
0x46: {  	s31 =	simm.s32 $0x0;
	[sflag:s13] =	ssyncadd.s32 $0xFFFFEC00  }
0x47: {  	[spmem:s2] =	stream.indirect.scatter.add.f32 [tilespmem:s15], [sflag:$0x1], $0x10, s31, s14, $0xb8;
	[tilespmem:$0xE708] =	vst v63  }
0x48: {  	_ =	swait.ge [sflag:s13], $0x800  }
0x49: {  	s17 =	simm.s32 $0x200;
	[sflag:s13] =	ssyncset.done $0x0  }
.LBB2_12:
0x4a: {  	s18 =	sshra.s32 s17, $0x2;
	[sflag:s13] =	ssyncadd.s32 $0xFFFFF800;
	p0 =	sne.s32 s17, $0x4E00  }
0x4b: {  	[spmem:s2] =	stream.indirect.scatter.add.f32 [tilespmem:s15], [sflag:$0x1], $0x10, s18, s14, $0xb8;
	[tilespmem:$0xE708] =	vst v63  }
.Ltmp5:
0x4c: {  	_ = 	snop;
	(pc) =	sbr.rel @p0 .LBB2_12-.Ltmp5, $4  }
0x4d: {  	_ = 	snop  }
0x4e: {  	s17 =	sadd.s32 $0x200, s17  }
0x4f: {  	_ =	swait.ge [sflag:s13], $0x800  }
0x50: {  	[sflag:s13] =	ssyncset.done $0x0  }
0x51: {  	[sflag:s13] =	ssyncadd.s32 $0xFFFFF800;
	s17 =	simm.s32 $0x0  }
0x52: {  	[tilespmem:s17], [sflag:$0x1] =	stream.linear.gather [hbm4b:s9+s17], $0x1400, $0x38;
	[tilespmem:$0xE708] =	vst v63  }
0x53: {  	_ =	swait.ge [sflag:s13], $0x1400  }
0x54: {  	[sflag:s13] =	ssyncset.done $0x0  }
0x55: {  	s31 =	simm.s32 $0x0;
	[sflag:s13] =	ssyncadd.s32 $0xFFFFEC00  }
0x56: {  	[spmem:s2] =	stream.indirect.scatter.add.f32 [tilespmem:s15], [sflag:$0x1], $0x10, s31, s14, $0xb8;
	[tilespmem:$0xE708] =	vst v63  }
0x57: {  	_ =	swait.ge [sflag:s13], $0x800  }
0x58: {  	s17 =	simm.s32 $0x200;
	[sflag:s13] =	ssyncset.done $0x0  }
.LBB2_14:
0x59: {  	s18 =	sshra.s32 s17, $0x2;
	[sflag:s13] =	ssyncadd.s32 $0xFFFFF800;
	p0 =	sne.s32 s17, $0x4E00  }
0x5a: {  	[spmem:s2] =	stream.indirect.scatter.add.f32 [tilespmem:s15], [sflag:$0x1], $0x10, s18, s14, $0xb8;
	[tilespmem:$0xE708] =	vst v63  }
.Ltmp6:
0x5b: {  	_ = 	snop;
	(pc) =	sbr.rel @p0 .LBB2_14-.Ltmp6, $4  }
0x5c: {  	_ = 	snop  }
0x5d: {  	s17 =	sadd.s32 $0x200, s17  }
0x5e: {  	_ =	swait.ge [sflag:s13], $0x800  }
0x5f: {  	[sflag:s13] =	ssyncset.done $0x0  }
0x60: {  	[sflag:s13] =	ssyncadd.s32 $0xFFFFF800;
	s17 =	simm.s32 $0x0  }
0x61: {  	[tilespmem:s17], [sflag:$0x1] =	stream.linear.gather [hbm4b:s10+s17], $0x1400, $0x38;
	[tilespmem:$0xE708] =	vst v63  }
0x62: {  	_ =	swait.ge [sflag:s13], $0x1400  }
0x63: {  	[sflag:s13] =	ssyncset.done $0x0  }
0x64: {  	s31 =	simm.s32 $0x0;
	[sflag:s13] =	ssyncadd.s32 $0xFFFFEC00  }
0x65: {  	[spmem:s2] =	stream.indirect.scatter.add.f32 [tilespmem:s15], [sflag:$0x1], $0x10, s31, s14, $0xb8;
	[tilespmem:$0xE708] =	vst v63  }
0x66: {  	_ =	swait.ge [sflag:s13], $0x800  }
0x67: {  	s17 =	simm.s32 $0x200;
	[sflag:s13] =	ssyncset.done $0x0  }
.LBB2_16:
0x68: {  	s18 =	sshra.s32 s17, $0x2;
	[sflag:s13] =	ssyncadd.s32 $0xFFFFF800;
	p0 =	sne.s32 s17, $0x4E00  }
0x69: {  	[spmem:s2] =	stream.indirect.scatter.add.f32 [tilespmem:s15], [sflag:$0x1], $0x10, s18, s14, $0xb8;
	[tilespmem:$0xE708] =	vst v63  }
.Ltmp7:
0x6a: {  	_ = 	snop;
	(pc) =	sbr.rel @p0 .LBB2_16-.Ltmp7, $4  }
0x6b: {  	_ = 	snop  }
0x6c: {  	s17 =	sadd.s32 $0x200, s17  }
0x6d: {  	_ =	swait.ge [sflag:s13], $0x800  }
0x6e: {  	[sflag:s13] =	ssyncset.done $0x0  }
0x6f: {  	s3 =	sadd.s32 $0x1, s3  }
0x70: {  	[sflag:s13] =	ssyncadd.s32 $0xFFFFF800;
	s17 =	sshll.u32 s0, $0x6;
	p0 =	sne.s32 s3, s5  }
.Ltmp8:
0x71: {  	[bflag:$0x0] =	sbarrier.arrive $0xFFFF;
	s17 =	sor.u32 $0x1C01, s17;
	(pc) =	sbr.rel @p0 .LBB2_1-.Ltmp8, $4  }
0x72: {  	[hbm:s4], [sflag:s17] =	dma.local [spmem:s16], $0x1880  }
0x73: {  	_ =	swait.ge [sflag:s13], $0x1880  }
0x74: {  	[sflag:s13] =	ssyncset.done $0x0  }
0x75: {  	[sflag:s13] =	ssyncadd.s32 $0xFFFFE780  }
0x76: {  	_ =	sfence.sel $0x180000  }
0x77: {  	[bflag:$0x0] =	sbarrier.arrive $0xFFFF  }
0x78: {  	p0 =	sne.s32 s0, $0x0;
	_ =	strace $0x90000047  }
0x79: {  	s0 =	sadd.s32 @!p0 $0x100000, s1;
	[bflag:$0x2] =	sbarrier.arrive $0xFFFF  }
0x7a: {  	[sflag:s0] =	ssyncadd.tile.s32 @!p0 $0x1;
	_ =	shalt  }
.Lfunc_end2:
_tile_overlayer_lowered:
.L_overlay_start_2:
0x7b: {  	(tag) =	ssettag $0x2  }
0x7c: {  	s0 =	rddreg [dreg:$0x0];
	s2 =	stileid.u32  }
0x7d: {  	s1 =	rddreg [dreg:$0x1];
	p0 =	sne.s32 s2, $0x0  }
0x7e: {  	s3 =	rddreg [dreg:$0x2];
	[bflag:$0x3] =	sbarrier.arrive $0xFFFF;
	s2 =	simm.s32 @!p0 $0x1C01  }
0x7f: {  	[timem:s3], [sflag:s2] =	dma.local @!p0 [hbm:s0], s1  }
0x80: {  	s0 =	simm.s32 @!p0 $0x1  }
0x81: {  	_ =	swait.ge @!p0 [sflag:s0], s1  }
0x82: {  	s1 =	ssub.s32 @!p0 $0x0, s1;
	[sflag:s0] =	ssyncset.done @!p0 $0x0  }
0x83: {  	[sflag:s0] =	ssyncadd.s32 @!p0 s1  }
0x84: {  	[bflag:$0x3] =	sbarrier.arrive $0xFFFF  }
0x85: {  	_ =	shalt  }

// kernel: kernel.13.cloned.1.call-start
scs
__scs_entry_jumppad:
0x0: {  	(pc) =	sbr.rel $0x88, $3  }
0x1: {  	(tag) =	ssettag $0x0;
	lr =	simm.s32 $0x1  }
0x2: {  	[smem:$0x3F96] =	sst lr;
	_ =	strace $0xD0000000  }
0x3: {  	_ = 	snop  }
0x4: {  	_ = 	snop  }
0x5: {  	_ = 	snop  }
0x6: {  	_ = 	snop  }
0x7: {  	_ = 	snop  }
__scs_overlays_trampoline_lowered:
0x8: {  	[smem:$0x3FA5] =	sst s0  }
0x9: {  	[smem:$0x3FA6] =	sst s1  }
0xa: {  	[smem:$0x3FA7] =	sst s2  }
0xb: {  	[smem:$0x3FA8] =	sst s3  }
0xc: {  	[smem:$0x3FA9] =	sst s4  }
0xd: {  	[smem:$0x3FAA] =	sst s5  }
0xe: {  	[smem:$0x3FAB] =	sst s6  }
0xf: {  	[smem:$0x3FAC] =	sst s7  }
0x10: {  	[smem:$0x3FAD] =	sst s8  }
0x11: {  	[smem:$0x3FAE] =	sst s9;
	s0 =	simm.s32 @!p0 $0x0  }
0x12: {  	s1 =	sld [smem:$0x3F94];
	s0 =	simm.s32 @p0 $0x1  }
0x13: {  	[smem:$0x3FAF] =	sst s0;
	s0 =	simm.s32 @!p1 $0x0  }
0x14: {  	s2 =	sld [smem:$0x3F93];
	s0 =	simm.s32 @p1 $0x1  }
0x15: {  	[smem:$0x3FB0] =	sst s0;
	s0 =	simm.s32 @!p2 $0x0  }
0x16: {  	s3 =	sld [smem:$0x3FDB];
	s0 =	simm.s32 @p2 $0x1  }
0x17: {  	s4 =	simm.s32 $0x1BF5;
	[smem:$0x3FB2] =	sst s0  }
0x18: {  	s0 =	sld [smem:$0x3F95];
	_ =	swait.ge [sflag:s4], $0x0  }
0x19: {  	s7 =	sld [smem:$0x3F96]  }
0x1a: {  	s8 =	sadd.s32 $0xFFFFE003, lr  }
0x1b: {  	s9 =	sadd.s32 $0xFFFFFEF7, lr;
	s5 =	simm.s32 $0xFFFFFFFF;
	p2 =	slt.u32 s8, $0xFFFFF086  }
0x1c: {  	p1 =	slt.u32 s9, $0xF7A;
	s5 =	simm.s32 @!p2 $0x0  }
0x1d: {  	s5 =	simm.s32 @p1 $0x1;
	p0 =	seq.s32 s7, s2  }
0x1e: {  	s7 =	smul.u32 @!p0 $0xF7A, s2;
	p2 =	seq.s32 @!p0 s5, $0x0  }
0x1f: {  	s9 =	smul.u32 $0xF7A, s1;
	s8 =	simm.s32 @!p0 $0x1BF5;
	p2 =	por !p2, p0  }
0x20: {  	[sflag:s8] =	ssyncset.s32 @!p0 $0xFFFFF086;
	s6 =	sadd.s32 @!p0 s3, s7;
	s7 =	simm.s32 @!p0 $0x108  }
0x21: {  	s3 =	sadd.s32 s3, s9;
	s6 =	sadd.s32 @!p0 $0x88, s6;
	s7 =	simm.s32 @p2 $0x1082  }
0x22: {  	[simem:s7], [sflag:s8] =	dma.local @!p0 [hbm:s6], $0xF7A  }
0x23: {  	s9 =	sor.u32 $0xD0000000, s2;
	s6 =	simm.s32 $0x108;
	_ =	swait.ge @!p0 [sflag:s8], $0x0  }
0x24: {  	s3 =	sadd.s32 $0x88, s3;
	s6 =	simm.s32 @!p1 $0x1082;
	[sflag:s4] =	ssyncset.s32 $0xFFFFF086  }
0x25: {  	[simem:s6], [sflag:s4] =	dma.local [hbm:s3], $0xF7A  }
0x26: {  	[smem:$0x3F96] =	sst s1;
	(tag) =	ssettag s2;
	_ =	strace s9  }
0x27: {  	s1 =	sld [smem:$0x3FA6]  }
0x28: {  	s2 =	sld [smem:$0x3FA7]  }
0x29: {  	s4 =	sld [smem:$0x3FA9]  }
0x2a: {  	p0 =	seq.s32 s5, $0x0;
	s5 =	sld [smem:$0x3FAA]  }
0x2b: {  	s6 =	sld [smem:$0x3FAB]  }
0x2c: {  	s7 =	sld [smem:$0x3FAC]  }
0x2d: {  	s3 =	simm.s32 $0x108;
	s8 =	sld [smem:$0x3FAD]  }
0x2e: {  	s3 =	simm.s32 @!p0 $0x1082;
	s9 =	sld [smem:$0x3FAE]  }
0x2f: {  	lr =	sadd.s32 s0, s3;
	s0 =	sld [smem:$0x3FA5]  }
0x30: {  	s3 =	sld [smem:$0x3FA8]  }
0x31: {  	[smem:$0x3FB1] =	sst s10  }
0x32: {  	s10 =	sld [smem:$0x3FAF];
	_ =	sdelay $0x3  }
0x33: {  	p0 =	seq.s32 s10, $0x1;
	s10 =	sld [smem:$0x3FB1];
	_ =	sdelay $0x3  }
0x34: {  	[smem:$0x3FB1] =	sst s10  }
0x35: {  	s10 =	sld [smem:$0x3FB0];
	_ =	sdelay $0x3  }
0x36: {  	p1 =	seq.s32 s10, $0x1;
	s10 =	sld [smem:$0x3FB1];
	_ =	sdelay $0x3  }
0x37: {  	[smem:$0x3FB1] =	sst s10  }
0x38: {  	s10 =	sld [smem:$0x3FB2]  }
0x39: {  	_ = 	snop;
	(pc) =	sbr.ind lr, $3  }
0x3a: {  	_ = 	snop  }
0x3b: {  	_ = 	snop  }
0x3c: {  	p2 =	seq.s32 s10, $0x1;
	s10 =	sld [smem:$0x3FB1]  }
0x3d: {  	_ =	shalt  }
0x3e: {  	_ =	shalt  }
0x3f: {  	_ =	shalt  }
0x40: {  	_ =	shalt  }
0x41: {  	_ =	shalt  }
0x42: {  	_ =	shalt  }
0x43: {  	_ =	shalt  }
0x44: {  	_ =	shalt  }
0x45: {  	_ =	shalt  }
0x46: {  	_ =	shalt  }
0x47: {  	_ =	shalt  }
0x48: {  	_ =	shalt  }
0x49: {  	_ =	shalt  }
0x4a: {  	_ =	shalt  }
0x4b: {  	_ =	shalt  }
0x4c: {  	_ =	shalt  }
0x4d: {  	_ =	shalt  }
0x4e: {  	_ =	shalt  }
0x4f: {  	_ =	shalt  }
0x50: {  	_ =	shalt  }
0x51: {  	_ =	shalt  }
0x52: {  	_ =	shalt  }
0x53: {  	_ =	shalt  }
0x54: {  	_ =	shalt  }
0x55: {  	_ =	shalt  }
0x56: {  	_ =	shalt  }
0x57: {  	_ =	shalt  }
0x58: {  	_ =	shalt  }
0x59: {  	_ =	shalt  }
0x5a: {  	_ =	shalt  }
0x5b: {  	_ =	shalt  }
0x5c: {  	_ =	shalt  }
0x5d: {  	_ =	shalt  }
0x5e: {  	_ =	shalt  }
0x5f: {  	_ =	shalt  }
0x60: {  	_ =	shalt  }
0x61: {  	_ =	shalt  }
0x62: {  	_ =	shalt  }
0x63: {  	_ =	shalt  }
0x64: {  	_ =	shalt  }
0x65: {  	_ =	shalt  }
0x66: {  	_ =	shalt  }
0x67: {  	_ =	shalt  }
0x68: {  	_ =	shalt  }
0x69: {  	_ =	shalt  }
0x6a: {  	_ =	shalt  }
0x6b: {  	_ =	shalt  }
0x6c: {  	_ =	shalt  }
0x6d: {  	_ =	shalt  }
0x6e: {  	_ =	shalt  }
0x6f: {  	_ =	shalt  }
0x70: {  	_ =	shalt  }
0x71: {  	_ =	shalt  }
0x72: {  	_ =	shalt  }
0x73: {  	_ =	shalt  }
0x74: {  	_ =	shalt  }
0x75: {  	_ =	shalt  }
0x76: {  	_ =	shalt  }
0x77: {  	_ =	shalt  }
0x78: {  	_ =	shalt  }
0x79: {  	_ =	shalt  }
0x7a: {  	_ =	shalt  }
0x7b: {  	_ =	shalt  }
0x7c: {  	_ =	shalt  }
0x7d: {  	_ =	shalt  }
0x7e: {  	_ =	shalt  }
0x7f: {  	_ =	shalt  }
0x80: {  	_ =	shalt  }
0x81: {  	_ =	shalt  }
0x82: {  	_ =	shalt  }
0x83: {  	_ =	shalt  }
0x84: {  	_ =	shalt  }
0x85: {  	_ =	shalt  }
0x86: {  	_ =	shalt  }
0x87: {  	_ =	shalt  }
.Lfunc_end0:
.L_simem_size_0:
called_computation.1_lowered:
.L_overlay_start_0:
0x88: {  	s2 =	sld [smem:$0x3FD9]  }
0x89: {  	s3 =	sld [smem:$0x3FFE];
	_ =	sdelay $0x1  }
0x8a: {  	s1 =	srdreg.scid  }
0x8b: {  	s0 =	sand.u32 $0x1, s1  }
0x8c: {  	s16 =	sshll.u32 s0, $0xA;
	s2 =	sadd.s32 s3, s2  }
0x8d: {  	s2 =	sadd.s32 s2, s16  }
0x8e: {  	[smem:$0x3FBD] =	sst s2  }
0x8f: {  	_ = 	snop  }
0x90: {  	(tm) =	ssettm $0x1  }
0x91: {  	s17 =	sld [smem:$0x3FFB];
	_ =	sdelay $0x3  }
0x92: {  	_ =	strace s17  }
0x93: {  	s2 =	sld [smem:$0x3FFC];
	_ =	sdelay $0x3  }
0x94: {  	_ =	strace s2  }
0x95: {  	s2 =	sld [smem:$0x3FFD];
	_ =	sdelay $0x3  }
0x96: {  	_ =	strace s2  }
0x97: {  	_ =	strace $0x8FFFFFFF  }
0x98: {  	s18 =	sld [smem:$0x3FDB];
	_ =	sdelay $0x1  }
0x99: {  	s19 =	simm.s32 $_scs_section_size  }
0x9a: {  	s4 =	simm.s32 $_size__tile_overlayer_lowered;
	s5 =	simm.s32 $_tile_overlayer_lowered  }
0x9b: {  	s22 =	simm.s32 $0x1BFF;
	s21 =	sshll.u32 s5, $0x1;
	s2 =	sadd.s32 s19, s18  }
0x9c: {  	s6 =	simm.s32 $0x0;
	s20 =	sshll.u32 s4, $0x1;
	s4 =	sadd.s32 s21, s2  }
0x9d: {  	[timem:s6], [sflag:s22] =	dma.local [hbm:s4], s20  }
0x9e: {  	_ =	swait.ge [sflag:s22], s20  }
0x9f: {  	s3 =	ssub.s32 $0x0, s20;
	[sflag:s22] =	ssyncset.done $0x0  }
0xa0: {  	[sflag:s22] =	ssyncadd.s32 s3;
	_ =	sdelay $0x1  }
0xa1: {  	s23 =	simm.s32 $0x1B8B  }
0xa2: {  	_ =	swait.ge [sflag:s23], $0x1  }
0xa3: {  	[sflag:s23] =	ssyncset.done $0x0  }
0xa4: {  	s25 =	simm.s32 $0x1B8E;
	s24 =	sld [smem:$0x3FFE];
	[sflag:s23] =	ssyncadd.s32 $0xFFFFFFFF  }
0xa5: {  	s26 =	simm.s32 $execute0_lowered;
	[smem:$0x3FD2] =	sst s25  }
0xa6: {  	s4 =	sshll.u32 s26, $0x1;
	_ =	strace $0x80000049;
	[dreg:$0x1] =	wrdreg $0xFFFFFFFF  }
0xa7: {  	s28 =	simm.s32 $_size_execute0_lowered;
	s2 =	sadd.s32 s2, s4;
	[dreg:$0x0] =	wrdreg $0x0  }
0xa8: {  	s4 =	sshll.u32 s28, $0x1;
	[dreg:$0x2] =	wrdreg s2  }
0xa9: {  	[dreg:$0x3] =	wrdreg s4  }
0xaa: {  	[dreg:$0x4] =	wrdreg $0xC0  }
0xab: {  	_ =	task [dreg:s6], $0x5FFFF  }
0xac: {  	[dreg:$0x1] =	wrdreg $0xFFFFFFFF  }
0xad: {  	[dreg:$0x0] =	wrdreg $0x60  }
0xae: {  	[dreg:$0x2] =	wrdreg s24  }
0xaf: {  	[dreg:$0x3] =	wrdreg $0x68000  }
0xb0: {  	[dreg:$0x4] =	wrdreg $0x9  }
0xb1: {  	_ =	task.clear_ibuf [dreg:s6], $0x5FFFF;
	_ =	strace $0x90000049  }
0xb2: {  	s29 =	simm.s32 $0x9;
	_ =	strace $0x8000004B  }
0xb3: {  	_ =	swait.ge [sflag:s29], $0x1  }
0xb4: {  	[sflag:s29] =	ssyncadd.s32 $0xFFFFFFFF  }
0xb5: {  	_ =	strace $0x9000004B  }
0xb6: {  	_ =	sfence  }
0xb7: {  	s30 =	sld [smem:$0x0];
	_ =	sdelay $0x2  }
0xb8: {  	s31 =	sshll.u32 s1, $0xD;
	s1 =	sshrl.u32 s1, $0x2  }
0xb9: {  	s3 =	sand.u32 $0x4000, s31;
	s1 =	sadd.s32 s1, s30  }
0xba: {  	s0 =	sor.u32 s3, s0;
	s1 =	sshll.u32 s1, $0x11  }
0xbb: {  	s0 =	sor.u32 s1, s0  }
0xbc: {  	s0 =	sadd.s32 $0x8F2B, s0  }
0xbd: {  	[sflag:s0] =	ssyncadd.remote.s32 $0x1  }
0xbe: {  	_ =	sfence.sel $0xFFFF  }
0xbf: {  	[dreg:$0x0] =	wrdreg $0xFFFFFFFF;
	(pc) =	sbr.abs _section_cstart, $3  }
0xc0: {  	[dreg:$0x1] =	wrdreg $0xFFFFFFFF  }
0xc1: {  	_ =	task.clear_ibuf [dreg:s6], $0x2FFFF;
	_ =	strace $0x9FFFFFFF  }
0xc2: {  	(tm) =	ssettm $0x7FFFFFFF  }
0xc3: {  	_ =	shalt  }
tec
execute0_lowered:
.L_overlay_start_1:
0x0: {  	(tag) =	ssettag $0x1  }
0x1: {  	s0 =	rddreg [dreg:$0x0];
	s1 =	srdreg.scid  }
0x2: {  	s10 =	stileid.u32;
	s2 =	rddreg [dreg:$0x1];
	s24 =	simm.s32 $0x0  }
0x3: {  	s13 =	simm.s32 $0x9;
	s14 =	simm.s32 $0x1400;
	s15 =	simm.s32 $0x80  }
0x4: {  	s16 =	simm.s32 $0x2800;
	s17 =	simm.s32 $0x3800;
	s19 =	simm.s32 $0x4800  }
0x5: {  	s20 =	simm.s32 $0x1;
	s22 =	simm.s32 $0x5800;
	s23 =	simm.s32 $0x2  }
0x6: {  	s25 =	simm.s32 $0x5;
	s28 =	simm.s32 $0x3;
	s30 =	simm.s32 $0x6  }
0x7: {  	s11 =	simm.s32 $0x1300;
	s12 =	simm.s32 $0x1380;
	s18 =	simm.s32 $0x2700  }
0x8: {  	s21 =	simm.s32 $0x2780;
	s1 =	sand.u32 $0x1, s1;
	s3 =	smul.u32 $0x18800, s10  }
0x9: {  	[smem:$0x7FF] =	sst s24;
	s7 =	sadd.s32 $0x1C800, s0;
	s4 =	sadd.s32 $0x10FE00, s0  }
0xa: {  	s26 =	sshll.u32 s10, $0x6;
	s6 =	smul.u32 $0x188000, s1;
	s1 =	ssub.s32 $0x2, s1  }
0xb: {  	_ =	strace $0x8000004A;
	s26 =	sor.u32 $0x1C09, s26;
	s9 =	sshrl.u32 s1, $0x1  }
0xc: {  	[dreg:$0x5] =	wrdreg s26;
	s5 =	sadd.s32 s3, s6;
	s1 =	ssub.s32 s1, s9  }
0xd: {  	s3 =	sadd.s32 s3, s2;
	s6 =	sshrl.u32 s6, $0x3;
	s8 =	sshrl.u32 s5, $0x3  }
0xe: {  	s5 =	sadd.s32 $0x1E00, s0;
	s9 =	sadd.s32 s7, s6;
	s29 =	smax.u32 s1, $0x1  }
0xf: {  	s31 =	sshrl.u32 s3, $0x3;
	s1 =	simm.s32 $0x4;
	s6 =	simm.s32 $0x7  }
0x10: {  	s3 =	simm.s32 $0x2680;
	s0 =	sadd.s32 s8, s0;
	[dreg:$0x7] =	wrdreg s29  }
0x11: {  	s8 =	sadd.s32 s7, s8;
	s7 =	simm.s32 $0x2600;
	[dreg:$0x8] =	wrdreg s31  }
0x12: {  	[dreg:$0x4] =	wrdreg s8;
	s8 =	smul.u32 $0x190, s10;
	s0 =	sadd.s32 $0x7E800, s0  }
0x13: {  	s10 =	simm.s32 $0x8;
	[dreg:$0x6] =	wrdreg s0;
	s0 =	simm.s32 $0x1580  }
.LBB2_1:
0x14: {  	[dreg:$0x3] =	wrdreg s24  }
0x15: {  	s29 =	rddreg [dreg:$0x4]  }
0x16: {  	[spmem:s31], [sflag:s26] =	dma.local [hbm:s29], $0x3100  }
0x17: {  	_ =	swait.ge [sflag:s13], $0x3100  }
0x18: {  	[sflag:s13] =	ssyncset.done $0x0  }
0x19: {  	[sflag:s13] =	ssyncadd.s32 $0xFFFFCF00  }
0x1a: {  	s24 =	simm.s32 $0x0;
	[bflag:$0x0] =	sbarrier.arrive $0xFFFF  }
.LBB2_2:
0x1b: {  	s26 =	smul.u32 $0x28, s24;
	_ =	sdelay $0x1  }
0x1c: {  	s26 =	sadd.s32 s8, s26  }
0x1d: {  	s26 =	sshll.u32 s26, $0x4  }
0x1e: {  	s31 =	simm.s32 $0x0;
	s29 =	sadd.s32 s4, s26  }
0x1f: {  	[tilespmem:s31], [sflag:$0x9] =	stream.linear.gather [hbm4b:s29+s31], $0x1400, $0x38;
	[tilespmem:$0x1F010] =	vst v63  }
0x20: {  	_ =	swait.ge [sflag:s13], $0x1400  }
0x21: {  	[sflag:s13] =	ssyncset.done $0x0  }
0x22: {  	s26 =	sadd.s32 s5, s26;
	[sflag:s13] =	ssyncadd.s32 $0xFFFFEC00  }
0x23: {  	[tilespmem:s14], [sflag:$0x9] =	stream.linear.gather [hbm4b:s26+s31], $0x1400, $0x38;
	[tilespmem:$0x1F010] =	vst v63  }
0x24: {  	_ =	swait.ge [sflag:s13], $0x1400  }
0x25: {  	[sflag:s13] =	ssyncset.done $0x0  }
0x26: {  	[sflag:s13] =	ssyncadd.s32 $0xFFFFEC00  }
0x27: {  	[tilespmem:s16], [sflag:$0x1] =	stream.indirect.gather [hbm4b:s9+s15], $0x20, s31, s15, $0xb8;
	[tilespmem:$0x1F010] =	vst v63  }
0x28: {  	_ = 	snop  }
0x29: {  	[tilespmem:s17], [sflag:$0x2] =	stream.indirect.gather [hbm4b:s9+s15], $0x20, s15, s15, $0xb8;
	[tilespmem:$0x1F010] =	vst v63  }
0x2a: {  	s31 =	simm.s32 $0x100  }
0x2b: {  	[tilespmem:s19], [sflag:$0x3] =	stream.indirect.gather [hbm4b:s9+s15], $0x20, s31, s15, $0xb8;
	[tilespmem:$0x1F010] =	vst v63  }
0x2c: {  	_ =	swait.ge [sflag:s20], $0x1000  }
0x2d: {  	[sflag:s20] =	ssyncset.done $0x0  }
0x2e: {  	[sflag:s20] =	ssyncadd.s32 $0xFFFFF000  }
0x2f: {  	[spmem:s2] =	stream.indirect.scatter.add.f32 [tilespmem:s16], [sflag:$0x5], $0x20, s14, s15, $0xb8;
	[tilespmem:$0x1F010] =	vst v63  }
0x30: {  	s31 =	simm.s32 $0x180  }
0x31: {  	[tilespmem:s22], [sflag:$0x4] =	stream.indirect.gather [hbm4b:s9+s15], $0x20, s31, s15, $0xb8;
	[tilespmem:$0x1F010] =	vst v63  }
0x32: {  	_ =	swait.ge [sflag:s23], $0x1000  }
0x33: {  	[sflag:s23] =	ssyncset.done $0x0  }
0x34: {  	s31 =	simm.s32 $0x1480;
	[sflag:s23] =	ssyncadd.s32 $0xFFFFF000  }
0x35: {  	[spmem:s2] =	stream.indirect.scatter.add.f32 [tilespmem:s17], [sflag:$0x6], $0x20, s31, s15, $0xb8;
	[tilespmem:$0x1F010] =	vst v63  }
0x36: {  	_ =	swait.ge [sflag:s25], $0x1000  }
0x37: {  	[sflag:s25] =	ssyncset.done $0x0  }
0x38: {  	s31 =	simm.s32 $0x200;
	[sflag:s25] =	ssyncadd.s32 $0xFFFFF000  }
0x39: {  	[tilespmem:s16], [sflag:$0x1] =	stream.indirect.gather [hbm4b:s9+s15], $0x20, s31, s15, $0xb8;
	[tilespmem:$0x1F010] =	vst v63  }
0x3a: {  	_ =	swait.ge [sflag:s28], $0x1000  }
0x3b: {  	[sflag:s28] =	ssyncset.done $0x0  }
0x3c: {  	s31 =	simm.s32 $0x1500;
	[sflag:s28] =	ssyncadd.s32 $0xFFFFF000  }
0x3d: {  	[spmem:s2] =	stream.indirect.scatter.add.f32 [tilespmem:s19], [sflag:$0x7], $0x20, s31, s15, $0xb8;
	[tilespmem:$0x1F010] =	vst v63  }
0x3e: {  	_ =	swait.ge [sflag:s30], $0x1000  }
0x3f: {  	[sflag:s30] =	ssyncset.done $0x0  }
0x40: {  	s31 =	simm.s32 $0x280;
	[sflag:s30] =	ssyncadd.s32 $0xFFFFF000  }
0x41: {  	[tilespmem:s17], [sflag:$0x2] =	stream.indirect.gather [hbm4b:s9+s15], $0x20, s31, s15, $0xb8;
	[tilespmem:$0x1F010] =	vst v63  }
0x42: {  	_ =	swait.ge [sflag:s1], $0x1000  }
0x43: {  	[sflag:s1] =	ssyncset.done $0x0  }
0x44: {  	[sflag:s1] =	ssyncadd.s32 $0xFFFFF000  }
0x45: {  	[spmem:s2] =	stream.indirect.scatter.add.f32 [tilespmem:s22], [sflag:$0x8], $0x20, s0, s15, $0xb8;
	[tilespmem:$0x1F010] =	vst v63  }
0x46: {  	_ =	swait.ge [sflag:s6], $0x1000  }
0x47: {  	[sflag:s6] =	ssyncset.done $0x0  }
0x48: {  	s31 =	simm.s32 $0x300;
	[sflag:s6] =	ssyncadd.s32 $0xFFFFF000  }
0x49: {  	[tilespmem:s19], [sflag:$0x3] =	stream.indirect.gather [hbm4b:s9+s15], $0x20, s31, s15, $0xb8;
	[tilespmem:$0x1F010] =	vst v63  }
0x4a: {  	_ =	swait.ge [sflag:s20], $0x1000  }
0x4b: {  	[sflag:s20] =	ssyncset.done $0x0  }
0x4c: {  	s31 =	simm.s32 $0x1600;
	[sflag:s20] =	ssyncadd.s32 $0xFFFFF000  }
0x4d: {  	[spmem:s2] =	stream.indirect.scatter.add.f32 [tilespmem:s16], [sflag:$0x5], $0x20, s31, s15, $0xb8;
	[tilespmem:$0x1F010] =	vst v63  }
0x4e: {  	_ =	swait.ge [sflag:s10], $0x1000  }
0x4f: {  	[sflag:s10] =	ssyncset.done $0x0  }
0x50: {  	s31 =	simm.s32 $0x380;
	[sflag:s10] =	ssyncadd.s32 $0xFFFFF000  }
0x51: {  	[tilespmem:s22], [sflag:$0x4] =	stream.indirect.gather [hbm4b:s9+s15], $0x20, s31, s15, $0xb8;
	[tilespmem:$0x1F010] =	vst v63  }
0x52: {  	_ =	swait.ge [sflag:s23], $0x1000  }
0x53: {  	[sflag:s23] =	ssyncset.done $0x0  }
0x54: {  	s31 =	simm.s32 $0x1680;
	[sflag:s23] =	ssyncadd.s32 $0xFFFFF000  }
0x55: {  	[spmem:s2] =	stream.indirect.scatter.add.f32 [tilespmem:s17], [sflag:$0x6], $0x20, s31, s15, $0xb8;
	[tilespmem:$0x1F010] =	vst v63  }
0x56: {  	_ =	swait.ge [sflag:s25], $0x1000  }
0x57: {  	[sflag:s25] =	ssyncset.done $0x0  }
0x58: {  	s31 =	simm.s32 $0x400;
	[sflag:s25] =	ssyncadd.s32 $0xFFFFF000  }
0x59: {  	[tilespmem:s16], [sflag:$0x1] =	stream.indirect.gather [hbm4b:s9+s15], $0x20, s31, s15, $0xb8;
	[tilespmem:$0x1F010] =	vst v63  }
0x5a: {  	_ =	swait.ge [sflag:s28], $0x1000  }
0x5b: {  	[sflag:s28] =	ssyncset.done $0x0  }
0x5c: {  	s31 =	simm.s32 $0x1700;
	[sflag:s28] =	ssyncadd.s32 $0xFFFFF000  }
0x5d: {  	[spmem:s2] =	stream.indirect.scatter.add.f32 [tilespmem:s19], [sflag:$0x7], $0x20, s31, s15, $0xb8;
	[tilespmem:$0x1F010] =	vst v63  }
0x5e: {  	_ =	swait.ge [sflag:s30], $0x1000  }
0x5f: {  	[sflag:s30] =	ssyncset.done $0x0  }
0x60: {  	s31 =	simm.s32 $0x480;
	[sflag:s30] =	ssyncadd.s32 $0xFFFFF000  }
0x61: {  	[tilespmem:s17], [sflag:$0x2] =	stream.indirect.gather [hbm4b:s9+s15], $0x20, s31, s15, $0xb8;
	[tilespmem:$0x1F010] =	vst v63  }
0x62: {  	_ =	swait.ge [sflag:s1], $0x1000  }
0x63: {  	[sflag:s1] =	ssyncset.done $0x0  }
0x64: {  	s29 =	simm.s32 $0x1780;
	s26 =	simm.s32 $0x800;
	[sflag:s1] =	ssyncadd.s32 $0xFFFFF000  }
.LBB2_3:
0x65: {  	[spmem:s2] =	stream.indirect.scatter.add.f32 [tilespmem:s22], [sflag:$0x8], $0x20, s29, s15, $0xb8;
	[tilespmem:$0x1F010] =	vst v63  }
0x66: {  	s29 =	smov.u32 s26  }
0x67: {  	p0 =	sne.s32 s26, $0x3800;
	s26 =	sadd.s32 $0x800, s26;
	_ =	swait.ge [sflag:s6], $0x1000  }
0x68: {  	s29 =	sshra.s32 s29, $0x2;
	[sflag:s6] =	ssyncset.done $0x0  }
0x69: {  	s31 =	sadd.s32 $0x300, s29;
	[sflag:s6] =	ssyncadd.s32 $0xFFFFF000  }
0x6a: {  	[tilespmem:s19], [sflag:$0x3] =	stream.indirect.gather [hbm4b:s9+s15], $0x20, s31, s15, $0xb8;
	[tilespmem:$0x1F010] =	vst v63  }
0x6b: {  	_ =	swait.ge [sflag:s20], $0x1000  }
0x6c: {  	[sflag:s20] =	ssyncset.done $0x0  }
0x6d: {  	s31 =	sadd.s32 $0x1600, s29;
	[sflag:s20] =	ssyncadd.s32 $0xFFFFF000  }
0x6e: {  	[spmem:s2] =	stream.indirect.scatter.add.f32 [tilespmem:s16], [sflag:$0x5], $0x20, s31, s15, $0xb8;
	[tilespmem:$0x1F010] =	vst v63  }
0x6f: {  	_ =	swait.ge [sflag:s10], $0x1000  }
0x70: {  	[sflag:s10] =	ssyncset.done $0x0  }
0x71: {  	s31 =	sadd.s32 $0x380, s29;
	[sflag:s10] =	ssyncadd.s32 $0xFFFFF000  }
0x72: {  	[tilespmem:s22], [sflag:$0x4] =	stream.indirect.gather [hbm4b:s9+s15], $0x20, s31, s15, $0xb8;
	[tilespmem:$0x1F010] =	vst v63  }
0x73: {  	_ =	swait.ge [sflag:s23], $0x1000  }
0x74: {  	[sflag:s23] =	ssyncset.done $0x0  }
0x75: {  	s31 =	sadd.s32 $0x1680, s29;
	[sflag:s23] =	ssyncadd.s32 $0xFFFFF000  }
0x76: {  	[spmem:s2] =	stream.indirect.scatter.add.f32 [tilespmem:s17], [sflag:$0x6], $0x20, s31, s15, $0xb8;
	[tilespmem:$0x1F010] =	vst v63  }
0x77: {  	_ =	swait.ge [sflag:s25], $0x1000  }
0x78: {  	[sflag:s25] =	ssyncset.done $0x0  }
0x79: {  	s31 =	sadd.s32 $0x400, s29;
	[sflag:s25] =	ssyncadd.s32 $0xFFFFF000  }
0x7a: {  	[tilespmem:s16], [sflag:$0x1] =	stream.indirect.gather [hbm4b:s9+s15], $0x20, s31, s15, $0xb8;
	[tilespmem:$0x1F010] =	vst v63  }
0x7b: {  	_ =	swait.ge [sflag:s28], $0x1000  }
0x7c: {  	[sflag:s28] =	ssyncset.done $0x0  }
0x7d: {  	s31 =	sadd.s32 $0x1700, s29;
	[sflag:s28] =	ssyncadd.s32 $0xFFFFF000  }
0x7e: {  	[spmem:s2] =	stream.indirect.scatter.add.f32 [tilespmem:s19], [sflag:$0x7], $0x20, s31, s15, $0xb8;
	[tilespmem:$0x1F010] =	vst v63  }
0x7f: {  	_ =	swait.ge [sflag:s30], $0x1000  }
0x80: {  	[sflag:s30] =	ssyncset.done $0x0  }
.Ltmp0:
0x81: {  	s31 =	sadd.s32 $0x480, s29;
	[sflag:s30] =	ssyncadd.s32 $0xFFFFF000;
	(pc) =	sbr.rel @p0 .LBB2_3-.Ltmp0, $4  }
0x82: {  	[tilespmem:s17], [sflag:$0x2] =	stream.indirect.gather [hbm4b:s9+s15], $0x20, s31, s15, $0xb8;
	[tilespmem:$0x1F010] =	vst v63  }
0x83: {  	_ =	swait.ge [sflag:s1], $0x1000  }
0x84: {  	[sflag:s1] =	ssyncset.done $0x0  }
0x85: {  	s29 =	sadd.s32 $0x1780, s29;
	[sflag:s1] =	ssyncadd.s32 $0xFFFFF000  }
0x86: {  	[spmem:s2] =	stream.indirect.scatter.add.f32 [tilespmem:s22], [sflag:$0x8], $0x20, s29, s15, $0xb8;
	[tilespmem:$0x1F010] =	vst v63  }
0x87: {  	_ =	swait.ge [sflag:s6], $0x1000  }
0x88: {  	[sflag:s6] =	ssyncset.done $0x0  }
0x89: {  	[sflag:s6] =	ssyncadd.s32 $0xFFFFF000  }
0x8a: {  	[tilespmem:s19], [sflag:$0x3] =	stream.indirect.gather [hbm4b:s9+s15], $0x20, s11, s15, $0xb8;
	[tilespmem:$0x1F010] =	vst v63  }
0x8b: {  	_ =	swait.ge [sflag:s20], $0x1000  }
0x8c: {  	[sflag:s20] =	ssyncset.done $0x0  }
0x8d: {  	[sflag:s20] =	ssyncadd.s32 $0xFFFFF000  }
0x8e: {  	[spmem:s2] =	stream.indirect.scatter.add.f32 [tilespmem:s16], [sflag:$0x5], $0x20, s7, s15, $0xb8;
	[tilespmem:$0x1F010] =	vst v63  }
0x8f: {  	_ =	swait.ge [sflag:s10], $0x1000  }
0x90: {  	[sflag:s10] =	ssyncset.done $0x0  }
0x91: {  	[sflag:s10] =	ssyncadd.s32 $0xFFFFF000  }
0x92: {  	[tilespmem:s22], [sflag:$0x4] =	stream.indirect.gather [hbm4b:s9+s15], $0x20, s12, s15, $0xb8;
	[tilespmem:$0x1F010] =	vst v63  }
0x93: {  	_ =	swait.ge [sflag:s23], $0x1000  }
0x94: {  	[sflag:s23] =	ssyncset.done $0x0  }
0x95: {  	[sflag:s23] =	ssyncadd.s32 $0xFFFFF000  }
0x96: {  	[spmem:s2] =	stream.indirect.scatter.add.f32 [tilespmem:s17], [sflag:$0x6], $0x20, s3, s15, $0xb8;
	[tilespmem:$0x1F010] =	vst v63  }
0x97: {  	_ =	swait.ge [sflag:s25], $0x1000  }
0x98: {  	[sflag:s25] =	ssyncset.done $0x0  }
0x99: {  	[sflag:s25] =	ssyncadd.s32 $0xFFFFF000  }
0x9a: {  	_ =	swait.ge [sflag:s28], $0x1000  }
0x9b: {  	[sflag:s28] =	ssyncset.done $0x0  }
0x9c: {  	[sflag:s28] =	ssyncadd.s32 $0xFFFFF000  }
0x9d: {  	[spmem:s2] =	stream.indirect.scatter.add.f32 [tilespmem:s19], [sflag:$0x7], $0x20, s18, s15, $0xb8;
	[tilespmem:$0x1F010] =	vst v63  }
0x9e: {  	_ =	swait.ge [sflag:s30], $0x1000  }
0x9f: {  	[sflag:s30] =	ssyncset.done $0x0  }
0xa0: {  	[sflag:s30] =	ssyncadd.s32 $0xFFFFF000  }
0xa1: {  	_ =	swait.ge [sflag:s1], $0x1000  }
0xa2: {  	[sflag:s1] =	ssyncset.done $0x0  }
0xa3: {  	s24 =	sadd.s32 $0x1, s24;
	[sflag:s1] =	ssyncadd.s32 $0xFFFFF000  }
0xa4: {  	[spmem:s2] =	stream.indirect.scatter.add.f32 [tilespmem:s22], [sflag:$0x8], $0x20, s21, s15, $0xb8;
	[tilespmem:$0x1F010] =	vst v63  }
0xa5: {  	p0 =	sne.s32 s24, $0xA;
	_ =	swait.ge [sflag:s6], $0x1000  }
.Ltmp1:
0xa6: {  	[sflag:s6] =	ssyncset.done $0x0;
	(pc) =	sbr.rel @p0 .LBB2_2-.Ltmp1, $4  }
0xa7: {  	[sflag:s6] =	ssyncadd.s32 $0xFFFFF000  }
0xa8: {  	_ =	swait.ge [sflag:s10], $0x1000  }
0xa9: {  	[sflag:s10] =	ssyncset.done $0x0  }
0xaa: {  	[sflag:s10] =	ssyncadd.s32 $0xFFFFF000  }
0xab: {  	[bflag:$0x0] =	sbarrier.arrive $0xFFFF  }
0xac: {  	s26 =	rddreg [dreg:$0x5]  }
0xad: {  	s24 =	rddreg [dreg:$0x6]  }
0xae: {  	s31 =	rddreg [dreg:$0x8]  }
0xaf: {  	[hbm:s24], [sflag:s26] =	dma.local [spmem:s31], $0x3100  }
0xb0: {  	_ =	swait.ge [sflag:s13], $0x3100  }
0xb1: {  	s29 =	rddreg [dreg:$0x3]  }
0xb2: {  	s24 =	sadd.s32 $0x1, s29;
	s29 =	rddreg [dreg:$0x7]  }
0xb3: {  	p0 =	sne.s32 s24, s29  }
.Ltmp2:
0xb4: {  	_ = 	snop;
	(pc) =	sbr.rel @p0 .LBB2_1-.Ltmp2, $3  }
0xb5: {  	_ =	sdelay $0x1  }
0xb6: {  	[sflag:s13] =	ssyncset.done $0x0  }
0xb7: {  	[sflag:s13] =	ssyncadd.s32 $0xFFFFCF00  }
0xb8: {  	_ =	sfence.sel $0x180000  }
0xb9: {  	[bflag:$0x0] =	sbarrier.arrive $0xFFFF  }
0xba: {  	_ =	strace $0x9000004A  }
0xbb: {  	s0 =	stileid.u32;
	[bflag:$0x2] =	sbarrier.arrive $0xFFFF  }
0xbc: {  	p0 =	sne.s32 s0, $0x0;
	s0 =	rddreg [dreg:$0x2]  }
0xbd: {  	s0 =	sadd.s32 @!p0 $0x100000, s0  }
0xbe: {  	[sflag:s0] =	ssyncadd.tile.s32 @!p0 $0x1;
	_ =	shalt  }
.Lfunc_end2:
_tile_overlayer_lowered:
.L_overlay_start_2:
0xbf: {  	(tag) =	ssettag $0x2  }
0xc0: {  	s0 =	rddreg [dreg:$0x0];
	s2 =	stileid.u32  }
0xc1: {  	s1 =	rddreg [dreg:$0x1];
	p0 =	sne.s32 s2, $0x0  }
0xc2: {  	s3 =	rddreg [dreg:$0x2];
	[bflag:$0x3] =	sbarrier.arrive $0xFFFF;
	s2 =	simm.s32 @!p0 $0x1C09  }
0xc3: {  	[timem:s3], [sflag:s2] =	dma.local @!p0 [hbm:s0], s1  }
0xc4: {  	s0 =	simm.s32 @!p0 $0x9  }
0xc5: {  	_ =	swait.ge @!p0 [sflag:s0], s1  }
0xc6: {  	s1 =	ssub.s32 @!p0 $0x0, s1;
	[sflag:s0] =	ssyncset.done @!p0 $0x0  }
0xc7: {  	[sflag:s0] =	ssyncadd.s32 @!p0 s1  }
0xc8: {  	[bflag:$0x3] =	sbarrier.arrive $0xFFFF  }
0xc9: {  	_ =	shalt  }

// kernel: kernel.16.cloned.1.call-start
scs
__scs_entry_jumppad:
0x0: {  	(pc) =	sbr.rel $0x88, $3  }
0x1: {  	(tag) =	ssettag $0x0;
	lr =	simm.s32 $0x1  }
0x2: {  	[smem:$0x3F96] =	sst lr;
	_ =	strace $0xD0000000  }
0x3: {  	_ = 	snop  }
0x4: {  	_ = 	snop  }
0x5: {  	_ = 	snop  }
0x6: {  	_ = 	snop  }
0x7: {  	_ = 	snop  }
__scs_overlays_trampoline_lowered:
0x8: {  	[smem:$0x3FA5] =	sst s0  }
0x9: {  	[smem:$0x3FA6] =	sst s1  }
0xa: {  	[smem:$0x3FA7] =	sst s2  }
0xb: {  	[smem:$0x3FA8] =	sst s3  }
0xc: {  	[smem:$0x3FA9] =	sst s4  }
0xd: {  	[smem:$0x3FAA] =	sst s5  }
0xe: {  	[smem:$0x3FAB] =	sst s6  }
0xf: {  	[smem:$0x3FAC] =	sst s7  }
0x10: {  	[smem:$0x3FAD] =	sst s8  }
0x11: {  	[smem:$0x3FAE] =	sst s9;
	s0 =	simm.s32 @!p0 $0x0  }
0x12: {  	s1 =	sld [smem:$0x3F94];
	s0 =	simm.s32 @p0 $0x1  }
0x13: {  	[smem:$0x3FAF] =	sst s0;
	s0 =	simm.s32 @!p1 $0x0  }
0x14: {  	s2 =	sld [smem:$0x3F93];
	s0 =	simm.s32 @p1 $0x1  }
0x15: {  	[smem:$0x3FB0] =	sst s0;
	s0 =	simm.s32 @!p2 $0x0  }
0x16: {  	s3 =	sld [smem:$0x3FDB];
	s0 =	simm.s32 @p2 $0x1  }
0x17: {  	s4 =	simm.s32 $0x1BF5;
	[smem:$0x3FB2] =	sst s0  }
0x18: {  	s0 =	sld [smem:$0x3F95];
	_ =	swait.ge [sflag:s4], $0x0  }
0x19: {  	s7 =	sld [smem:$0x3F96]  }
0x1a: {  	s8 =	sadd.s32 $0xFFFFE003, lr  }
0x1b: {  	s9 =	sadd.s32 $0xFFFFFEF7, lr;
	s5 =	simm.s32 $0xFFFFFFFF;
	p2 =	slt.u32 s8, $0xFFFFF086  }
0x1c: {  	p1 =	slt.u32 s9, $0xF7A;
	s5 =	simm.s32 @!p2 $0x0  }
0x1d: {  	s5 =	simm.s32 @p1 $0x1;
	p0 =	seq.s32 s7, s2  }
0x1e: {  	s7 =	smul.u32 @!p0 $0xF7A, s2;
	p2 =	seq.s32 @!p0 s5, $0x0  }
0x1f: {  	s9 =	smul.u32 $0xF7A, s1;
	s8 =	simm.s32 @!p0 $0x1BF5;
	p2 =	por !p2, p0  }
0x20: {  	[sflag:s8] =	ssyncset.s32 @!p0 $0xFFFFF086;
	s6 =	sadd.s32 @!p0 s3, s7;
	s7 =	simm.s32 @!p0 $0x108  }
0x21: {  	s3 =	sadd.s32 s3, s9;
	s6 =	sadd.s32 @!p0 $0x88, s6;
	s7 =	simm.s32 @p2 $0x1082  }
0x22: {  	[simem:s7], [sflag:s8] =	dma.local @!p0 [hbm:s6], $0xF7A  }
0x23: {  	s9 =	sor.u32 $0xD0000000, s2;
	s6 =	simm.s32 $0x108;
	_ =	swait.ge @!p0 [sflag:s8], $0x0  }
0x24: {  	s3 =	sadd.s32 $0x88, s3;
	s6 =	simm.s32 @!p1 $0x1082;
	[sflag:s4] =	ssyncset.s32 $0xFFFFF086  }
0x25: {  	[simem:s6], [sflag:s4] =	dma.local [hbm:s3], $0xF7A  }
0x26: {  	[smem:$0x3F96] =	sst s1;
	(tag) =	ssettag s2;
	_ =	strace s9  }
0x27: {  	s1 =	sld [smem:$0x3FA6]  }
0x28: {  	s2 =	sld [smem:$0x3FA7]  }
0x29: {  	s4 =	sld [smem:$0x3FA9]  }
0x2a: {  	p0 =	seq.s32 s5, $0x0;
	s5 =	sld [smem:$0x3FAA]  }
0x2b: {  	s6 =	sld [smem:$0x3FAB]  }
0x2c: {  	s7 =	sld [smem:$0x3FAC]  }
0x2d: {  	s3 =	simm.s32 $0x108;
	s8 =	sld [smem:$0x3FAD]  }
0x2e: {  	s3 =	simm.s32 @!p0 $0x1082;
	s9 =	sld [smem:$0x3FAE]  }
0x2f: {  	lr =	sadd.s32 s0, s3;
	s0 =	sld [smem:$0x3FA5]  }
0x30: {  	s3 =	sld [smem:$0x3FA8]  }
0x31: {  	[smem:$0x3FB1] =	sst s10  }
0x32: {  	s10 =	sld [smem:$0x3FAF];
	_ =	sdelay $0x3  }
0x33: {  	p0 =	seq.s32 s10, $0x1;
	s10 =	sld [smem:$0x3FB1];
	_ =	sdelay $0x3  }
0x34: {  	[smem:$0x3FB1] =	sst s10  }
0x35: {  	s10 =	sld [smem:$0x3FB0];
	_ =	sdelay $0x3  }
0x36: {  	p1 =	seq.s32 s10, $0x1;
	s10 =	sld [smem:$0x3FB1];
	_ =	sdelay $0x3  }
0x37: {  	[smem:$0x3FB1] =	sst s10  }
0x38: {  	s10 =	sld [smem:$0x3FB2]  }
0x39: {  	_ = 	snop;
	(pc) =	sbr.ind lr, $3  }
0x3a: {  	_ = 	snop  }
0x3b: {  	_ = 	snop  }
0x3c: {  	p2 =	seq.s32 s10, $0x1;
	s10 =	sld [smem:$0x3FB1]  }
0x3d: {  	_ =	shalt  }
0x3e: {  	_ =	shalt  }
0x3f: {  	_ =	shalt  }
0x40: {  	_ =	shalt  }
0x41: {  	_ =	shalt  }
0x42: {  	_ =	shalt  }
0x43: {  	_ =	shalt  }
0x44: {  	_ =	shalt  }
0x45: {  	_ =	shalt  }
0x46: {  	_ =	shalt  }
0x47: {  	_ =	shalt  }
0x48: {  	_ =	shalt  }
0x49: {  	_ =	shalt  }
0x4a: {  	_ =	shalt  }
0x4b: {  	_ =	shalt  }
0x4c: {  	_ =	shalt  }
0x4d: {  	_ =	shalt  }
0x4e: {  	_ =	shalt  }
0x4f: {  	_ =	shalt  }
0x50: {  	_ =	shalt  }
0x51: {  	_ =	shalt  }
0x52: {  	_ =	shalt  }
0x53: {  	_ =	shalt  }
0x54: {  	_ =	shalt  }
0x55: {  	_ =	shalt  }
0x56: {  	_ =	shalt  }
0x57: {  	_ =	shalt  }
0x58: {  	_ =	shalt  }
0x59: {  	_ =	shalt  }
0x5a: {  	_ =	shalt  }
0x5b: {  	_ =	shalt  }
0x5c: {  	_ =	shalt  }
0x5d: {  	_ =	shalt  }
0x5e: {  	_ =	shalt  }
0x5f: {  	_ =	shalt  }
0x60: {  	_ =	shalt  }
0x61: {  	_ =	shalt  }
0x62: {  	_ =	shalt  }
0x63: {  	_ =	shalt  }
0x64: {  	_ =	shalt  }
0x65: {  	_ =	shalt  }
0x66: {  	_ =	shalt  }
0x67: {  	_ =	shalt  }
0x68: {  	_ =	shalt  }
0x69: {  	_ =	shalt  }
0x6a: {  	_ =	shalt  }
0x6b: {  	_ =	shalt  }
0x6c: {  	_ =	shalt  }
0x6d: {  	_ =	shalt  }
0x6e: {  	_ =	shalt  }
0x6f: {  	_ =	shalt  }
0x70: {  	_ =	shalt  }
0x71: {  	_ =	shalt  }
0x72: {  	_ =	shalt  }
0x73: {  	_ =	shalt  }
0x74: {  	_ =	shalt  }
0x75: {  	_ =	shalt  }
0x76: {  	_ =	shalt  }
0x77: {  	_ =	shalt  }
0x78: {  	_ =	shalt  }
0x79: {  	_ =	shalt  }
0x7a: {  	_ =	shalt  }
0x7b: {  	_ =	shalt  }
0x7c: {  	_ =	shalt  }
0x7d: {  	_ =	shalt  }
0x7e: {  	_ =	shalt  }
0x7f: {  	_ =	shalt  }
0x80: {  	_ =	shalt  }
0x81: {  	_ =	shalt  }
0x82: {  	_ =	shalt  }
0x83: {  	_ =	shalt  }
0x84: {  	_ =	shalt  }
0x85: {  	_ =	shalt  }
0x86: {  	_ =	shalt  }
0x87: {  	_ =	shalt  }
.Lfunc_end0:
.L_simem_size_0:
called_computation.2_lowered:
.L_overlay_start_0:
0x88: {  	s2 =	sld [smem:$0x3FD9]  }
0x89: {  	s3 =	sld [smem:$0x3FFE];
	_ =	sdelay $0x1  }
0x8a: {  	s1 =	srdreg.scid  }
0x8b: {  	s0 =	sand.u32 $0x1, s1  }
0x8c: {  	s16 =	sshll.u32 s0, $0xA;
	s2 =	sadd.s32 s3, s2  }
0x8d: {  	s2 =	sadd.s32 s2, s16  }
0x8e: {  	[smem:$0x3FBD] =	sst s2  }
0x8f: {  	_ = 	snop  }
0x90: {  	(tm) =	ssettm $0x1  }
0x91: {  	s17 =	sld [smem:$0x3FFB];
	_ =	sdelay $0x3  }
0x92: {  	_ =	strace s17  }
0x93: {  	s2 =	sld [smem:$0x3FFC];
	_ =	sdelay $0x3  }
0x94: {  	_ =	strace s2  }
0x95: {  	s2 =	sld [smem:$0x3FFD];
	_ =	sdelay $0x3  }
0x96: {  	_ =	strace s2  }
0x97: {  	_ =	strace $0x8FFFFFFF  }
0x98: {  	s18 =	sld [smem:$0x3FDB];
	_ =	sdelay $0x1  }
0x99: {  	s19 =	simm.s32 $_scs_section_size  }
0x9a: {  	s4 =	simm.s32 $_size__tile_overlayer_lowered;
	s5 =	simm.s32 $_tile_overlayer_lowered  }
0x9b: {  	s22 =	simm.s32 $0x1BFF;
	s21 =	sshll.u32 s5, $0x1;
	s2 =	sadd.s32 s19, s18  }
0x9c: {  	s6 =	simm.s32 $0x0;
	s20 =	sshll.u32 s4, $0x1;
	s4 =	sadd.s32 s21, s2  }
0x9d: {  	[timem:s6], [sflag:s22] =	dma.local [hbm:s4], s20  }
0x9e: {  	_ =	swait.ge [sflag:s22], s20  }
0x9f: {  	s3 =	ssub.s32 $0x0, s20;
	[sflag:s22] =	ssyncset.done $0x0  }
0xa0: {  	[sflag:s22] =	ssyncadd.s32 s3;
	_ =	sdelay $0x1  }
0xa1: {  	s23 =	simm.s32 $0x1B8B  }
0xa2: {  	_ =	swait.ge [sflag:s23], $0x1  }
0xa3: {  	[sflag:s23] =	ssyncset.done $0x0  }
0xa4: {  	s25 =	simm.s32 $0x1B8E;
	s24 =	sld [smem:$0x3FFE];
	[sflag:s23] =	ssyncadd.s32 $0xFFFFFFFF  }
0xa5: {  	s26 =	simm.s32 $execute0_lowered;
	[smem:$0x3FD2] =	sst s25  }
0xa6: {  	s4 =	sshll.u32 s26, $0x1;
	_ =	strace $0x8000004C;
	[dreg:$0x1] =	wrdreg $0xFFFFFFFF  }
0xa7: {  	s28 =	simm.s32 $_size_execute0_lowered;
	s2 =	sadd.s32 s2, s4;
	[dreg:$0x0] =	wrdreg $0x0  }
0xa8: {  	s4 =	sshll.u32 s28, $0x1;
	[dreg:$0x2] =	wrdreg s2  }
0xa9: {  	[dreg:$0x3] =	wrdreg s4  }
0xaa: {  	[dreg:$0x4] =	wrdreg $0xC0  }
0xab: {  	_ =	task [dreg:s6], $0x5FFFF  }
0xac: {  	[dreg:$0x1] =	wrdreg $0xFFFFFFFF  }
0xad: {  	[dreg:$0x0] =	wrdreg $0x60  }
0xae: {  	[dreg:$0x2] =	wrdreg s24  }
0xaf: {  	[dreg:$0x3] =	wrdreg $0x68000  }
0xb0: {  	[dreg:$0x4] =	wrdreg $0x9  }
0xb1: {  	_ =	task.clear_ibuf [dreg:s6], $0x5FFFF;
	_ =	strace $0x9000004C  }
0xb2: {  	s29 =	simm.s32 $0x9;
	_ =	strace $0x8000004E  }
0xb3: {  	_ =	swait.ge [sflag:s29], $0x1  }
0xb4: {  	[sflag:s29] =	ssyncadd.s32 $0xFFFFFFFF  }
0xb5: {  	_ =	strace $0x9000004E  }
0xb6: {  	_ =	sfence  }
0xb7: {  	s30 =	sld [smem:$0x0];
	_ =	sdelay $0x2  }
0xb8: {  	s31 =	sshll.u32 s1, $0xD;
	s1 =	sshrl.u32 s1, $0x2  }
0xb9: {  	s3 =	sand.u32 $0x4000, s31;
	s1 =	sadd.s32 s1, s30  }
0xba: {  	s0 =	sor.u32 s3, s0;
	s1 =	sshll.u32 s1, $0x11  }
0xbb: {  	s0 =	sor.u32 s1, s0  }
0xbc: {  	s0 =	sadd.s32 $0x8F2B, s0  }
0xbd: {  	[sflag:s0] =	ssyncadd.remote.s32 $0x1  }
0xbe: {  	_ =	sfence.sel $0xFFFF  }
0xbf: {  	[dreg:$0x0] =	wrdreg $0xFFFFFFFF;
	(pc) =	sbr.abs _section_cstart, $3  }
0xc0: {  	[dreg:$0x1] =	wrdreg $0xFFFFFFFF  }
0xc1: {  	_ =	task.clear_ibuf [dreg:s6], $0x2FFFF;
	_ =	strace $0x9FFFFFFF  }
0xc2: {  	(tm) =	ssettm $0x7FFFFFFF  }
0xc3: {  	_ =	shalt  }
tec
execute0_lowered:
.L_overlay_start_1:
0x0: {  	(tag) =	ssettag $0x1  }
0x1: {  	s0 =	rddreg [dreg:$0x0];
	s1 =	srdreg.scid  }
0x2: {  	s10 =	stileid.u32;
	s2 =	rddreg [dreg:$0x1];
	s24 =	simm.s32 $0x0  }
0x3: {  	s13 =	simm.s32 $0x9;
	s14 =	simm.s32 $0x1400;
	s15 =	simm.s32 $0x80  }
0x4: {  	s16 =	simm.s32 $0x2800;
	s17 =	simm.s32 $0x3800;
	s19 =	simm.s32 $0x4800  }
0x5: {  	s20 =	simm.s32 $0x1;
	s22 =	simm.s32 $0x5800;
	s23 =	simm.s32 $0x2  }
0x6: {  	s25 =	simm.s32 $0x5;
	s28 =	simm.s32 $0x3;
	s30 =	simm.s32 $0x6  }
0x7: {  	s11 =	simm.s32 $0x1300;
	s12 =	simm.s32 $0x1380;
	s18 =	simm.s32 $0x2700  }
0x8: {  	s21 =	simm.s32 $0x2780;
	s1 =	sand.u32 $0x1, s1;
	s3 =	smul.u32 $0x18800, s10  }
0x9: {  	[smem:$0x7FF] =	sst s24;
	s7 =	sadd.s32 $0x1C800, s0;
	s4 =	sadd.s32 $0x10FE00, s0  }
0xa: {  	s26 =	sshll.u32 s10, $0x6;
	s6 =	smul.u32 $0x188000, s1;
	s1 =	ssub.s32 $0x2, s1  }
0xb: {  	_ =	strace $0x8000004D;
	s26 =	sor.u32 $0x1C09, s26;
	s9 =	sshrl.u32 s1, $0x1  }
0xc: {  	[dreg:$0x5] =	wrdreg s26;
	s5 =	sadd.s32 s3, s6;
	s1 =	ssub.s32 s1, s9  }
0xd: {  	s3 =	sadd.s32 s3, s2;
	s6 =	sshrl.u32 s6, $0x3;
	s8 =	sshrl.u32 s5, $0x3  }
0xe: {  	s5 =	sadd.s32 $0x1E00, s0;
	s9 =	sadd.s32 s7, s6;
	s29 =	smax.u32 s1, $0x1  }
0xf: {  	s31 =	sshrl.u32 s3, $0x3;
	s1 =	simm.s32 $0x4;
	s6 =	simm.s32 $0x7  }
0x10: {  	s3 =	simm.s32 $0x2680;
	s0 =	sadd.s32 s8, s0;
	[dreg:$0x7] =	wrdreg s29  }
0x11: {  	s8 =	sadd.s32 s7, s8;
	s7 =	simm.s32 $0x2600;
	[dreg:$0x8] =	wrdreg s31  }
0x12: {  	[dreg:$0x4] =	wrdreg s8;
	s8 =	smul.u32 $0x190, s10;
	s0 =	sadd.s32 $0x7E800, s0  }
0x13: {  	s10 =	simm.s32 $0x8;
	[dreg:$0x6] =	wrdreg s0;
	s0 =	simm.s32 $0x1580  }
.LBB2_1:
0x14: {  	[dreg:$0x3] =	wrdreg s24  }
0x15: {  	s29 =	rddreg [dreg:$0x4]  }
0x16: {  	[spmem:s31], [sflag:s26] =	dma.local [hbm:s29], $0x3100  }
0x17: {  	_ =	swait.ge [sflag:s13], $0x3100  }
0x18: {  	[sflag:s13] =	ssyncset.done $0x0  }
0x19: {  	[sflag:s13] =	ssyncadd.s32 $0xFFFFCF00  }
0x1a: {  	s24 =	simm.s32 $0x0;
	[bflag:$0x0] =	sbarrier.arrive $0xFFFF  }
.LBB2_2:
0x1b: {  	s26 =	smul.u32 $0x28, s24;
	_ =	sdelay $0x1  }
0x1c: {  	s26 =	sadd.s32 s8, s26  }
0x1d: {  	s26 =	sshll.u32 s26, $0x4  }
0x1e: {  	s31 =	simm.s32 $0x0;
	s29 =	sadd.s32 s4, s26  }
0x1f: {  	[tilespmem:s31], [sflag:$0x9] =	stream.linear.gather [hbm4b:s29+s31], $0x1400, $0x38;
	[tilespmem:$0x1F010] =	vst v63  }
0x20: {  	_ =	swait.ge [sflag:s13], $0x1400  }
0x21: {  	[sflag:s13] =	ssyncset.done $0x0  }
0x22: {  	s26 =	sadd.s32 s5, s26;
	[sflag:s13] =	ssyncadd.s32 $0xFFFFEC00  }
0x23: {  	[tilespmem:s14], [sflag:$0x9] =	stream.linear.gather [hbm4b:s26+s31], $0x1400, $0x38;
	[tilespmem:$0x1F010] =	vst v63  }
0x24: {  	_ =	swait.ge [sflag:s13], $0x1400  }
0x25: {  	[sflag:s13] =	ssyncset.done $0x0  }
0x26: {  	[sflag:s13] =	ssyncadd.s32 $0xFFFFEC00  }
0x27: {  	[tilespmem:s16], [sflag:$0x1] =	stream.indirect.gather [hbm4b:s9+s15], $0x20, s31, s15, $0xb8;
	[tilespmem:$0x1F010] =	vst v63  }
0x28: {  	_ = 	snop  }
0x29: {  	[tilespmem:s17], [sflag:$0x2] =	stream.indirect.gather [hbm4b:s9+s15], $0x20, s15, s15, $0xb8;
	[tilespmem:$0x1F010] =	vst v63  }
0x2a: {  	s31 =	simm.s32 $0x100  }
0x2b: {  	[tilespmem:s19], [sflag:$0x3] =	stream.indirect.gather [hbm4b:s9+s15], $0x20, s31, s15, $0xb8;
	[tilespmem:$0x1F010] =	vst v63  }
0x2c: {  	_ =	swait.ge [sflag:s20], $0x1000  }
0x2d: {  	[sflag:s20] =	ssyncset.done $0x0  }
0x2e: {  	[sflag:s20] =	ssyncadd.s32 $0xFFFFF000  }
0x2f: {  	[spmem:s2] =	stream.indirect.scatter.add.f32 [tilespmem:s16], [sflag:$0x5], $0x20, s14, s15, $0xb8;
	[tilespmem:$0x1F010] =	vst v63  }
0x30: {  	s31 =	simm.s32 $0x180  }
0x31: {  	[tilespmem:s22], [sflag:$0x4] =	stream.indirect.gather [hbm4b:s9+s15], $0x20, s31, s15, $0xb8;
	[tilespmem:$0x1F010] =	vst v63  }
0x32: {  	_ =	swait.ge [sflag:s23], $0x1000  }
0x33: {  	[sflag:s23] =	ssyncset.done $0x0  }
0x34: {  	s31 =	simm.s32 $0x1480;
	[sflag:s23] =	ssyncadd.s32 $0xFFFFF000  }
0x35: {  	[spmem:s2] =	stream.indirect.scatter.add.f32 [tilespmem:s17], [sflag:$0x6], $0x20, s31, s15, $0xb8;
	[tilespmem:$0x1F010] =	vst v63  }
0x36: {  	_ =	swait.ge [sflag:s25], $0x1000  }
0x37: {  	[sflag:s25] =	ssyncset.done $0x0  }
0x38: {  	s31 =	simm.s32 $0x200;
	[sflag:s25] =	ssyncadd.s32 $0xFFFFF000  }
0x39: {  	[tilespmem:s16], [sflag:$0x1] =	stream.indirect.gather [hbm4b:s9+s15], $0x20, s31, s15, $0xb8;
	[tilespmem:$0x1F010] =	vst v63  }
0x3a: {  	_ =	swait.ge [sflag:s28], $0x1000  }
0x3b: {  	[sflag:s28] =	ssyncset.done $0x0  }
0x3c: {  	s31 =	simm.s32 $0x1500;
	[sflag:s28] =	ssyncadd.s32 $0xFFFFF000  }
0x3d: {  	[spmem:s2] =	stream.indirect.scatter.add.f32 [tilespmem:s19], [sflag:$0x7], $0x20, s31, s15, $0xb8;
	[tilespmem:$0x1F010] =	vst v63  }
0x3e: {  	_ =	swait.ge [sflag:s30], $0x1000  }
0x3f: {  	[sflag:s30] =	ssyncset.done $0x0  }
0x40: {  	s31 =	simm.s32 $0x280;
	[sflag:s30] =	ssyncadd.s32 $0xFFFFF000  }
0x41: {  	[tilespmem:s17], [sflag:$0x2] =	stream.indirect.gather [hbm4b:s9+s15], $0x20, s31, s15, $0xb8;
	[tilespmem:$0x1F010] =	vst v63  }
0x42: {  	_ =	swait.ge [sflag:s1], $0x1000  }
0x43: {  	[sflag:s1] =	ssyncset.done $0x0  }
0x44: {  	[sflag:s1] =	ssyncadd.s32 $0xFFFFF000  }
0x45: {  	[spmem:s2] =	stream.indirect.scatter.add.f32 [tilespmem:s22], [sflag:$0x8], $0x20, s0, s15, $0xb8;
	[tilespmem:$0x1F010] =	vst v63  }
0x46: {  	_ =	swait.ge [sflag:s6], $0x1000  }
0x47: {  	[sflag:s6] =	ssyncset.done $0x0  }
0x48: {  	s31 =	simm.s32 $0x300;
	[sflag:s6] =	ssyncadd.s32 $0xFFFFF000  }
0x49: {  	[tilespmem:s19], [sflag:$0x3] =	stream.indirect.gather [hbm4b:s9+s15], $0x20, s31, s15, $0xb8;
	[tilespmem:$0x1F010] =	vst v63  }
0x4a: {  	_ =	swait.ge [sflag:s20], $0x1000  }
0x4b: {  	[sflag:s20] =	ssyncset.done $0x0  }
0x4c: {  	s31 =	simm.s32 $0x1600;
	[sflag:s20] =	ssyncadd.s32 $0xFFFFF000  }
0x4d: {  	[spmem:s2] =	stream.indirect.scatter.add.f32 [tilespmem:s16], [sflag:$0x5], $0x20, s31, s15, $0xb8;
	[tilespmem:$0x1F010] =	vst v63  }
0x4e: {  	_ =	swait.ge [sflag:s10], $0x1000  }
0x4f: {  	[sflag:s10] =	ssyncset.done $0x0  }
0x50: {  	s31 =	simm.s32 $0x380;
	[sflag:s10] =	ssyncadd.s32 $0xFFFFF000  }
0x51: {  	[tilespmem:s22], [sflag:$0x4] =	stream.indirect.gather [hbm4b:s9+s15], $0x20, s31, s15, $0xb8;
	[tilespmem:$0x1F010] =	vst v63  }
0x52: {  	_ =	swait.ge [sflag:s23], $0x1000  }
0x53: {  	[sflag:s23] =	ssyncset.done $0x0  }
0x54: {  	s31 =	simm.s32 $0x1680;
	[sflag:s23] =	ssyncadd.s32 $0xFFFFF000  }
0x55: {  	[spmem:s2] =	stream.indirect.scatter.add.f32 [tilespmem:s17], [sflag:$0x6], $0x20, s31, s15, $0xb8;
	[tilespmem:$0x1F010] =	vst v63  }
0x56: {  	_ =	swait.ge [sflag:s25], $0x1000  }
0x57: {  	[sflag:s25] =	ssyncset.done $0x0  }
0x58: {  	s31 =	simm.s32 $0x400;
	[sflag:s25] =	ssyncadd.s32 $0xFFFFF000  }
0x59: {  	[tilespmem:s16], [sflag:$0x1] =	stream.indirect.gather [hbm4b:s9+s15], $0x20, s31, s15, $0xb8;
	[tilespmem:$0x1F010] =	vst v63  }
0x5a: {  	_ =	swait.ge [sflag:s28], $0x1000  }
0x5b: {  	[sflag:s28] =	ssyncset.done $0x0  }
0x5c: {  	s31 =	simm.s32 $0x1700;
	[sflag:s28] =	ssyncadd.s32 $0xFFFFF000  }
0x5d: {  	[spmem:s2] =	stream.indirect.scatter.add.f32 [tilespmem:s19], [sflag:$0x7], $0x20, s31, s15, $0xb8;
	[tilespmem:$0x1F010] =	vst v63  }
0x5e: {  	_ =	swait.ge [sflag:s30], $0x1000  }
0x5f: {  	[sflag:s30] =	ssyncset.done $0x0  }
0x60: {  	s31 =	simm.s32 $0x480;
	[sflag:s30] =	ssyncadd.s32 $0xFFFFF000  }
0x61: {  	[tilespmem:s17], [sflag:$0x2] =	stream.indirect.gather [hbm4b:s9+s15], $0x20, s31, s15, $0xb8;
	[tilespmem:$0x1F010] =	vst v63  }
0x62: {  	_ =	swait.ge [sflag:s1], $0x1000  }
0x63: {  	[sflag:s1] =	ssyncset.done $0x0  }
0x64: {  	s29 =	simm.s32 $0x1780;
	s26 =	simm.s32 $0x800;
	[sflag:s1] =	ssyncadd.s32 $0xFFFFF000  }
.LBB2_3:
0x65: {  	[spmem:s2] =	stream.indirect.scatter.add.f32 [tilespmem:s22], [sflag:$0x8], $0x20, s29, s15, $0xb8;
	[tilespmem:$0x1F010] =	vst v63  }
0x66: {  	s29 =	smov.u32 s26  }
0x67: {  	p0 =	sne.s32 s26, $0x3800;
	s26 =	sadd.s32 $0x800, s26;
	_ =	swait.ge [sflag:s6], $0x1000  }
0x68: {  	s29 =	sshra.s32 s29, $0x2;
	[sflag:s6] =	ssyncset.done $0x0  }
0x69: {  	s31 =	sadd.s32 $0x300, s29;
	[sflag:s6] =	ssyncadd.s32 $0xFFFFF000  }
0x6a: {  	[tilespmem:s19], [sflag:$0x3] =	stream.indirect.gather [hbm4b:s9+s15], $0x20, s31, s15, $0xb8;
	[tilespmem:$0x1F010] =	vst v63  }
0x6b: {  	_ =	swait.ge [sflag:s20], $0x1000  }
0x6c: {  	[sflag:s20] =	ssyncset.done $0x0  }
0x6d: {  	s31 =	sadd.s32 $0x1600, s29;
	[sflag:s20] =	ssyncadd.s32 $0xFFFFF000  }
0x6e: {  	[spmem:s2] =	stream.indirect.scatter.add.f32 [tilespmem:s16], [sflag:$0x5], $0x20, s31, s15, $0xb8;
	[tilespmem:$0x1F010] =	vst v63  }
0x6f: {  	_ =	swait.ge [sflag:s10], $0x1000  }
0x70: {  	[sflag:s10] =	ssyncset.done $0x0  }
0x71: {  	s31 =	sadd.s32 $0x380, s29;
	[sflag:s10] =	ssyncadd.s32 $0xFFFFF000  }
0x72: {  	[tilespmem:s22], [sflag:$0x4] =	stream.indirect.gather [hbm4b:s9+s15], $0x20, s31, s15, $0xb8;
	[tilespmem:$0x1F010] =	vst v63  }
0x73: {  	_ =	swait.ge [sflag:s23], $0x1000  }
0x74: {  	[sflag:s23] =	ssyncset.done $0x0  }
0x75: {  	s31 =	sadd.s32 $0x1680, s29;
	[sflag:s23] =	ssyncadd.s32 $0xFFFFF000  }
0x76: {  	[spmem:s2] =	stream.indirect.scatter.add.f32 [tilespmem:s17], [sflag:$0x6], $0x20, s31, s15, $0xb8;
	[tilespmem:$0x1F010] =	vst v63  }
0x77: {  	_ =	swait.ge [sflag:s25], $0x1000  }
0x78: {  	[sflag:s25] =	ssyncset.done $0x0  }
0x79: {  	s31 =	sadd.s32 $0x400, s29;
	[sflag:s25] =	ssyncadd.s32 $0xFFFFF000  }
0x7a: {  	[tilespmem:s16], [sflag:$0x1] =	stream.indirect.gather [hbm4b:s9+s15], $0x20, s31, s15, $0xb8;
	[tilespmem:$0x1F010] =	vst v63  }
0x7b: {  	_ =	swait.ge [sflag:s28], $0x1000  }
0x7c: {  	[sflag:s28] =	ssyncset.done $0x0  }
0x7d: {  	s31 =	sadd.s32 $0x1700, s29;
	[sflag:s28] =	ssyncadd.s32 $0xFFFFF000  }
0x7e: {  	[spmem:s2] =	stream.indirect.scatter.add.f32 [tilespmem:s19], [sflag:$0x7], $0x20, s31, s15, $0xb8;
	[tilespmem:$0x1F010] =	vst v63  }
0x7f: {  	_ =	swait.ge [sflag:s30], $0x1000  }
0x80: {  	[sflag:s30] =	ssyncset.done $0x0  }
.Ltmp0:
0x81: {  	s31 =	sadd.s32 $0x480, s29;
	[sflag:s30] =	ssyncadd.s32 $0xFFFFF000;
	(pc) =	sbr.rel @p0 .LBB2_3-.Ltmp0, $4  }
0x82: {  	[tilespmem:s17], [sflag:$0x2] =	stream.indirect.gather [hbm4b:s9+s15], $0x20, s31, s15, $0xb8;
	[tilespmem:$0x1F010] =	vst v63  }
0x83: {  	_ =	swait.ge [sflag:s1], $0x1000  }
0x84: {  	[sflag:s1] =	ssyncset.done $0x0  }
0x85: {  	s29 =	sadd.s32 $0x1780, s29;
	[sflag:s1] =	ssyncadd.s32 $0xFFFFF000  }
0x86: {  	[spmem:s2] =	stream.indirect.scatter.add.f32 [tilespmem:s22], [sflag:$0x8], $0x20, s29, s15, $0xb8;
	[tilespmem:$0x1F010] =	vst v63  }
0x87: {  	_ =	swait.ge [sflag:s6], $0x1000  }
0x88: {  	[sflag:s6] =	ssyncset.done $0x0  }
0x89: {  	[sflag:s6] =	ssyncadd.s32 $0xFFFFF000  }
0x8a: {  	[tilespmem:s19], [sflag:$0x3] =	stream.indirect.gather [hbm4b:s9+s15], $0x20, s11, s15, $0xb8;
	[tilespmem:$0x1F010] =	vst v63  }
0x8b: {  	_ =	swait.ge [sflag:s20], $0x1000  }
0x8c: {  	[sflag:s20] =	ssyncset.done $0x0  }
0x8d: {  	[sflag:s20] =	ssyncadd.s32 $0xFFFFF000  }
0x8e: {  	[spmem:s2] =	stream.indirect.scatter.add.f32 [tilespmem:s16], [sflag:$0x5], $0x20, s7, s15, $0xb8;
	[tilespmem:$0x1F010] =	vst v63  }
0x8f: {  	_ =	swait.ge [sflag:s10], $0x1000  }
0x90: {  	[sflag:s10] =	ssyncset.done $0x0  }
0x91: {  	[sflag:s10] =	ssyncadd.s32 $0xFFFFF000  }
0x92: {  	[tilespmem:s22], [sflag:$0x4] =	stream.indirect.gather [hbm4b:s9+s15], $0x20, s12, s15, $0xb8;
	[tilespmem:$0x1F010] =	vst v63  }
0x93: {  	_ =	swait.ge [sflag:s23], $0x1000  }
0x94: {  	[sflag:s23] =	ssyncset.done $0x0  }
0x95: {  	[sflag:s23] =	ssyncadd.s32 $0xFFFFF000  }
0x96: {  	[spmem:s2] =	stream.indirect.scatter.add.f32 [tilespmem:s17], [sflag:$0x6], $0x20, s3, s15, $0xb8;
	[tilespmem:$0x1F010] =	vst v63  }
0x97: {  	_ =	swait.ge [sflag:s25], $0x1000  }
0x98: {  	[sflag:s25] =	ssyncset.done $0x0  }
0x99: {  	[sflag:s25] =	ssyncadd.s32 $0xFFFFF000  }
0x9a: {  	_ =	swait.ge [sflag:s28], $0x1000  }
0x9b: {  	[sflag:s28] =	ssyncset.done $0x0  }
0x9c: {  	[sflag:s28] =	ssyncadd.s32 $0xFFFFF000  }
0x9d: {  	[spmem:s2] =	stream.indirect.scatter.add.f32 [tilespmem:s19], [sflag:$0x7], $0x20, s18, s15, $0xb8;
	[tilespmem:$0x1F010] =	vst v63  }
0x9e: {  	_ =	swait.ge [sflag:s30], $0x1000  }
0x9f: {  	[sflag:s30] =	ssyncset.done $0x0  }
0xa0: {  	[sflag:s30] =	ssyncadd.s32 $0xFFFFF000  }
0xa1: {  	_ =	swait.ge [sflag:s1], $0x1000  }
0xa2: {  	[sflag:s1] =	ssyncset.done $0x0  }
0xa3: {  	s24 =	sadd.s32 $0x1, s24;
	[sflag:s1] =	ssyncadd.s32 $0xFFFFF000  }
0xa4: {  	[spmem:s2] =	stream.indirect.scatter.add.f32 [tilespmem:s22], [sflag:$0x8], $0x20, s21, s15, $0xb8;
	[tilespmem:$0x1F010] =	vst v63  }
0xa5: {  	p0 =	sne.s32 s24, $0xA;
	_ =	swait.ge [sflag:s6], $0x1000  }
.Ltmp1:
0xa6: {  	[sflag:s6] =	ssyncset.done $0x0;
	(pc) =	sbr.rel @p0 .LBB2_2-.Ltmp1, $4  }
0xa7: {  	[sflag:s6] =	ssyncadd.s32 $0xFFFFF000  }
0xa8: {  	_ =	swait.ge [sflag:s10], $0x1000  }
0xa9: {  	[sflag:s10] =	ssyncset.done $0x0  }
0xaa: {  	[sflag:s10] =	ssyncadd.s32 $0xFFFFF000  }
0xab: {  	[bflag:$0x0] =	sbarrier.arrive $0xFFFF  }
0xac: {  	s26 =	rddreg [dreg:$0x5]  }
0xad: {  	s24 =	rddreg [dreg:$0x6]  }
0xae: {  	s31 =	rddreg [dreg:$0x8]  }
0xaf: {  	[hbm:s24], [sflag:s26] =	dma.local [spmem:s31], $0x3100  }
0xb0: {  	_ =	swait.ge [sflag:s13], $0x3100  }
0xb1: {  	s29 =	rddreg [dreg:$0x3]  }
0xb2: {  	s24 =	sadd.s32 $0x1, s29;
	s29 =	rddreg [dreg:$0x7]  }
0xb3: {  	p0 =	sne.s32 s24, s29  }
.Ltmp2:
0xb4: {  	_ = 	snop;
	(pc) =	sbr.rel @p0 .LBB2_1-.Ltmp2, $3  }
0xb5: {  	_ =	sdelay $0x1  }
0xb6: {  	[sflag:s13] =	ssyncset.done $0x0  }
0xb7: {  	[sflag:s13] =	ssyncadd.s32 $0xFFFFCF00  }
0xb8: {  	_ =	sfence.sel $0x180000  }
0xb9: {  	[bflag:$0x0] =	sbarrier.arrive $0xFFFF  }
0xba: {  	_ =	strace $0x9000004D  }
0xbb: {  	s0 =	stileid.u32;
	[bflag:$0x2] =	sbarrier.arrive $0xFFFF  }
0xbc: {  	p0 =	sne.s32 s0, $0x0;
	s0 =	rddreg [dreg:$0x2]  }
0xbd: {  	s0 =	sadd.s32 @!p0 $0x100000, s0  }
0xbe: {  	[sflag:s0] =	ssyncadd.tile.s32 @!p0 $0x1;
	_ =	shalt  }
.Lfunc_end2:
_tile_overlayer_lowered:
.L_overlay_start_2:
0xbf: {  	(tag) =	ssettag $0x2  }
0xc0: {  	s0 =	rddreg [dreg:$0x0];
	s2 =	stileid.u32  }
0xc1: {  	s1 =	rddreg [dreg:$0x1];
	p0 =	sne.s32 s2, $0x0  }
0xc2: {  	s3 =	rddreg [dreg:$0x2];
	[bflag:$0x3] =	sbarrier.arrive $0xFFFF;
	s2 =	simm.s32 @!p0 $0x1C09  }
0xc3: {  	[timem:s3], [sflag:s2] =	dma.local @!p0 [hbm:s0], s1  }
0xc4: {  	s0 =	simm.s32 @!p0 $0x9  }
0xc5: {  	_ =	swait.ge @!p0 [sflag:s0], s1  }
0xc6: {  	s1 =	ssub.s32 @!p0 $0x0, s1;
	[sflag:s0] =	ssyncset.done @!p0 $0x0  }
0xc7: {  	[sflag:s0] =	ssyncadd.s32 @!p0 s1  }
0xc8: {  	[bflag:$0x3] =	sbarrier.arrive $0xFFFF  }
0xc9: {  	_ =	shalt  }

// kernel: kernel.19.cloned.1.call-start
scs
__scs_entry_jumppad:
0x0: {  	(pc) =	sbr.rel $0x88, $3  }
0x1: {  	(tag) =	ssettag $0x0;
	lr =	simm.s32 $0x1  }
0x2: {  	[smem:$0x3F96] =	sst lr;
	_ =	strace $0xD0000000  }
0x3: {  	_ = 	snop  }
0x4: {  	_ = 	snop  }
0x5: {  	_ = 	snop  }
0x6: {  	_ = 	snop  }
0x7: {  	_ = 	snop  }
__scs_overlays_trampoline_lowered:
0x8: {  	[smem:$0x3FA5] =	sst s0  }
0x9: {  	[smem:$0x3FA6] =	sst s1  }
0xa: {  	[smem:$0x3FA7] =	sst s2  }
0xb: {  	[smem:$0x3FA8] =	sst s3  }
0xc: {  	[smem:$0x3FA9] =	sst s4  }
0xd: {  	[smem:$0x3FAA] =	sst s5  }
0xe: {  	[smem:$0x3FAB] =	sst s6  }
0xf: {  	[smem:$0x3FAC] =	sst s7  }
0x10: {  	[smem:$0x3FAD] =	sst s8  }
0x11: {  	[smem:$0x3FAE] =	sst s9;
	s0 =	simm.s32 @!p0 $0x0  }
0x12: {  	s1 =	sld [smem:$0x3F94];
	s0 =	simm.s32 @p0 $0x1  }
0x13: {  	[smem:$0x3FAF] =	sst s0;
	s0 =	simm.s32 @!p1 $0x0  }
0x14: {  	s2 =	sld [smem:$0x3F93];
	s0 =	simm.s32 @p1 $0x1  }
0x15: {  	[smem:$0x3FB0] =	sst s0;
	s0 =	simm.s32 @!p2 $0x0  }
0x16: {  	s3 =	sld [smem:$0x3FDB];
	s0 =	simm.s32 @p2 $0x1  }
0x17: {  	s4 =	simm.s32 $0x1BF5;
	[smem:$0x3FB2] =	sst s0  }
0x18: {  	s0 =	sld [smem:$0x3F95];
	_ =	swait.ge [sflag:s4], $0x0  }
0x19: {  	s7 =	sld [smem:$0x3F96]  }
0x1a: {  	s8 =	sadd.s32 $0xFFFFE003, lr  }
0x1b: {  	s9 =	sadd.s32 $0xFFFFFEF7, lr;
	s5 =	simm.s32 $0xFFFFFFFF;
	p2 =	slt.u32 s8, $0xFFFFF086  }
0x1c: {  	p1 =	slt.u32 s9, $0xF7A;
	s5 =	simm.s32 @!p2 $0x0  }
0x1d: {  	s5 =	simm.s32 @p1 $0x1;
	p0 =	seq.s32 s7, s2  }
0x1e: {  	s7 =	smul.u32 @!p0 $0xF7A, s2;
	p2 =	seq.s32 @!p0 s5, $0x0  }
0x1f: {  	s9 =	smul.u32 $0xF7A, s1;
	s8 =	simm.s32 @!p0 $0x1BF5;
	p2 =	por !p2, p0  }
0x20: {  	[sflag:s8] =	ssyncset.s32 @!p0 $0xFFFFF086;
	s6 =	sadd.s32 @!p0 s3, s7;
	s7 =	simm.s32 @!p0 $0x108  }
0x21: {  	s3 =	sadd.s32 s3, s9;
	s6 =	sadd.s32 @!p0 $0x88, s6;
	s7 =	simm.s32 @p2 $0x1082  }
0x22: {  	[simem:s7], [sflag:s8] =	dma.local @!p0 [hbm:s6], $0xF7A  }
0x23: {  	s9 =	sor.u32 $0xD0000000, s2;
	s6 =	simm.s32 $0x108;
	_ =	swait.ge @!p0 [sflag:s8], $0x0  }
0x24: {  	s3 =	sadd.s32 $0x88, s3;
	s6 =	simm.s32 @!p1 $0x1082;
	[sflag:s4] =	ssyncset.s32 $0xFFFFF086  }
0x25: {  	[simem:s6], [sflag:s4] =	dma.local [hbm:s3], $0xF7A  }
0x26: {  	[smem:$0x3F96] =	sst s1;
	(tag) =	ssettag s2;
	_ =	strace s9  }
0x27: {  	s1 =	sld [smem:$0x3FA6]  }
0x28: {  	s2 =	sld [smem:$0x3FA7]  }
0x29: {  	s4 =	sld [smem:$0x3FA9]  }
0x2a: {  	p0 =	seq.s32 s5, $0x0;
	s5 =	sld [smem:$0x3FAA]  }
0x2b: {  	s6 =	sld [smem:$0x3FAB]  }
0x2c: {  	s7 =	sld [smem:$0x3FAC]  }
0x2d: {  	s3 =	simm.s32 $0x108;
	s8 =	sld [smem:$0x3FAD]  }
0x2e: {  	s3 =	simm.s32 @!p0 $0x1082;
	s9 =	sld [smem:$0x3FAE]  }
0x2f: {  	lr =	sadd.s32 s0, s3;
	s0 =	sld [smem:$0x3FA5]  }
0x30: {  	s3 =	sld [smem:$0x3FA8]  }
0x31: {  	[smem:$0x3FB1] =	sst s10  }
0x32: {  	s10 =	sld [smem:$0x3FAF];
	_ =	sdelay $0x3  }
0x33: {  	p0 =	seq.s32 s10, $0x1;
	s10 =	sld [smem:$0x3FB1];
	_ =	sdelay $0x3  }
0x34: {  	[smem:$0x3FB1] =	sst s10  }
0x35: {  	s10 =	sld [smem:$0x3FB0];
	_ =	sdelay $0x3  }
0x36: {  	p1 =	seq.s32 s10, $0x1;
	s10 =	sld [smem:$0x3FB1];
	_ =	sdelay $0x3  }
0x37: {  	[smem:$0x3FB1] =	sst s10  }
0x38: {  	s10 =	sld [smem:$0x3FB2]  }
0x39: {  	_ = 	snop;
	(pc) =	sbr.ind lr, $3  }
0x3a: {  	_ = 	snop  }
0x3b: {  	_ = 	snop  }
0x3c: {  	p2 =	seq.s32 s10, $0x1;
	s10 =	sld [smem:$0x3FB1]  }
0x3d: {  	_ =	shalt  }
0x3e: {  	_ =	shalt  }
0x3f: {  	_ =	shalt  }
0x40: {  	_ =	shalt  }
0x41: {  	_ =	shalt  }
0x42: {  	_ =	shalt  }
0x43: {  	_ =	shalt  }
0x44: {  	_ =	shalt  }
0x45: {  	_ =	shalt  }
0x46: {  	_ =	shalt  }
0x47: {  	_ =	shalt  }
0x48: {  	_ =	shalt  }
0x49: {  	_ =	shalt  }
0x4a: {  	_ =	shalt  }
0x4b: {  	_ =	shalt  }
0x4c: {  	_ =	shalt  }
0x4d: {  	_ =	shalt  }
0x4e: {  	_ =	shalt  }
0x4f: {  	_ =	shalt  }
0x50: {  	_ =	shalt  }
0x51: {  	_ =	shalt  }
0x52: {  	_ =	shalt  }
0x53: {  	_ =	shalt  }
0x54: {  	_ =	shalt  }
0x55: {  	_ =	shalt  }
0x56: {  	_ =	shalt  }
0x57: {  	_ =	shalt  }
0x58: {  	_ =	shalt  }
0x59: {  	_ =	shalt  }
0x5a: {  	_ =	shalt  }
0x5b: {  	_ =	shalt  }
0x5c: {  	_ =	shalt  }
0x5d: {  	_ =	shalt  }
0x5e: {  	_ =	shalt  }
0x5f: {  	_ =	shalt  }
0x60: {  	_ =	shalt  }
0x61: {  	_ =	shalt  }
0x62: {  	_ =	shalt  }
0x63: {  	_ =	shalt  }
0x64: {  	_ =	shalt  }
0x65: {  	_ =	shalt  }
0x66: {  	_ =	shalt  }
0x67: {  	_ =	shalt  }
0x68: {  	_ =	shalt  }
0x69: {  	_ =	shalt  }
0x6a: {  	_ =	shalt  }
0x6b: {  	_ =	shalt  }
0x6c: {  	_ =	shalt  }
0x6d: {  	_ =	shalt  }
0x6e: {  	_ =	shalt  }
0x6f: {  	_ =	shalt  }
0x70: {  	_ =	shalt  }
0x71: {  	_ =	shalt  }
0x72: {  	_ =	shalt  }
0x73: {  	_ =	shalt  }
0x74: {  	_ =	shalt  }
0x75: {  	_ =	shalt  }
0x76: {  	_ =	shalt  }
0x77: {  	_ =	shalt  }
0x78: {  	_ =	shalt  }
0x79: {  	_ =	shalt  }
0x7a: {  	_ =	shalt  }
0x7b: {  	_ =	shalt  }
0x7c: {  	_ =	shalt  }
0x7d: {  	_ =	shalt  }
0x7e: {  	_ =	shalt  }
0x7f: {  	_ =	shalt  }
0x80: {  	_ =	shalt  }
0x81: {  	_ =	shalt  }
0x82: {  	_ =	shalt  }
0x83: {  	_ =	shalt  }
0x84: {  	_ =	shalt  }
0x85: {  	_ =	shalt  }
0x86: {  	_ =	shalt  }
0x87: {  	_ =	shalt  }
.Lfunc_end0:
.L_simem_size_0:
called_computation.3_lowered:
.L_overlay_start_0:
0x88: {  	s2 =	sld [smem:$0x3FD9]  }
0x89: {  	s3 =	sld [smem:$0x3FFE];
	_ =	sdelay $0x1  }
0x8a: {  	s1 =	srdreg.scid  }
0x8b: {  	s0 =	sand.u32 $0x1, s1  }
0x8c: {  	s16 =	sshll.u32 s0, $0xA;
	s2 =	sadd.s32 s3, s2  }
0x8d: {  	s2 =	sadd.s32 s2, s16  }
0x8e: {  	[smem:$0x3FBD] =	sst s2  }
0x8f: {  	_ = 	snop  }
0x90: {  	(tm) =	ssettm $0x1  }
0x91: {  	s17 =	sld [smem:$0x3FFB];
	_ =	sdelay $0x3  }
0x92: {  	_ =	strace s17  }
0x93: {  	s2 =	sld [smem:$0x3FFC];
	_ =	sdelay $0x3  }
0x94: {  	_ =	strace s2  }
0x95: {  	s2 =	sld [smem:$0x3FFD];
	_ =	sdelay $0x3  }
0x96: {  	_ =	strace s2  }
0x97: {  	_ =	strace $0x8FFFFFFF  }
0x98: {  	s18 =	sld [smem:$0x3FDB];
	_ =	sdelay $0x1  }
0x99: {  	s19 =	simm.s32 $_scs_section_size  }
0x9a: {  	s4 =	simm.s32 $_size__tile_overlayer_lowered;
	s5 =	simm.s32 $_tile_overlayer_lowered  }
0x9b: {  	s22 =	simm.s32 $0x1BFF;
	s21 =	sshll.u32 s5, $0x1;
	s2 =	sadd.s32 s19, s18  }
0x9c: {  	s6 =	simm.s32 $0x0;
	s20 =	sshll.u32 s4, $0x1;
	s4 =	sadd.s32 s21, s2  }
0x9d: {  	[timem:s6], [sflag:s22] =	dma.local [hbm:s4], s20  }
0x9e: {  	_ =	swait.ge [sflag:s22], s20  }
0x9f: {  	s3 =	ssub.s32 $0x0, s20;
	[sflag:s22] =	ssyncset.done $0x0  }
0xa0: {  	[sflag:s22] =	ssyncadd.s32 s3;
	_ =	sdelay $0x1  }
0xa1: {  	s23 =	simm.s32 $0x1B8B  }
0xa2: {  	_ =	swait.ge [sflag:s23], $0x1  }
0xa3: {  	[sflag:s23] =	ssyncset.done $0x0  }
0xa4: {  	s25 =	simm.s32 $0x1B8E;
	s24 =	sld [smem:$0x3FFE];
	[sflag:s23] =	ssyncadd.s32 $0xFFFFFFFF  }
0xa5: {  	s26 =	simm.s32 $execute0_lowered;
	[smem:$0x3FD2] =	sst s25  }
0xa6: {  	s4 =	sshll.u32 s26, $0x1;
	_ =	strace $0x8000004F;
	[dreg:$0x1] =	wrdreg $0xFFFFFFFF  }
0xa7: {  	s28 =	simm.s32 $_size_execute0_lowered;
	s2 =	sadd.s32 s2, s4;
	[dreg:$0x0] =	wrdreg $0x0  }
0xa8: {  	s4 =	sshll.u32 s28, $0x1;
	[dreg:$0x2] =	wrdreg s2  }
0xa9: {  	[dreg:$0x3] =	wrdreg s4  }
0xaa: {  	[dreg:$0x4] =	wrdreg $0xC0  }
0xab: {  	_ =	task [dreg:s6], $0x5FFFF  }
0xac: {  	[dreg:$0x1] =	wrdreg $0xFFFFFFFF  }
0xad: {  	[dreg:$0x0] =	wrdreg $0x60  }
0xae: {  	[dreg:$0x2] =	wrdreg s24  }
0xaf: {  	[dreg:$0x3] =	wrdreg $0x68E00  }
0xb0: {  	[dreg:$0x4] =	wrdreg $0x1F0F00  }
0xb1: {  	[dreg:$0x5] =	wrdreg $0x1F5F00  }
0xb2: {  	[dreg:$0x6] =	wrdreg $0x9  }
0xb3: {  	_ =	task.clear_ibuf [dreg:s6], $0x7FFFF;
	_ =	strace $0x9000004F  }
0xb4: {  	s29 =	simm.s32 $0x9;
	_ =	strace $0x80000051  }
0xb5: {  	_ =	swait.ge [sflag:s29], $0x1  }
0xb6: {  	[sflag:s29] =	ssyncadd.s32 $0xFFFFFFFF  }
0xb7: {  	_ =	strace $0x90000051  }
0xb8: {  	_ =	sfence  }
0xb9: {  	s30 =	sld [smem:$0x0];
	_ =	sdelay $0x2  }
0xba: {  	s31 =	sshll.u32 s1, $0xD;
	s1 =	sshrl.u32 s1, $0x2  }
0xbb: {  	s3 =	sand.u32 $0x4000, s31;
	s1 =	sadd.s32 s1, s30  }
0xbc: {  	s0 =	sor.u32 s3, s0;
	s1 =	sshll.u32 s1, $0x11  }
0xbd: {  	s0 =	sor.u32 s1, s0  }
0xbe: {  	s0 =	sadd.s32 $0x8F2B, s0  }
0xbf: {  	[sflag:s0] =	ssyncadd.remote.s32 $0x1  }
0xc0: {  	_ =	sfence.sel $0xFFFF  }
0xc1: {  	[dreg:$0x0] =	wrdreg $0xFFFFFFFF;
	(pc) =	sbr.abs _section_cstart, $3  }
0xc2: {  	[dreg:$0x1] =	wrdreg $0xFFFFFFFF  }
0xc3: {  	_ =	task.clear_ibuf [dreg:s6], $0x2FFFF;
	_ =	strace $0x9FFFFFFF  }
0xc4: {  	(tm) =	ssettm $0x7FFFFFFF  }
0xc5: {  	_ =	shalt  }
tec
execute0_lowered:
.L_overlay_start_1:
0x0: {  	(tag) =	ssettag $0x1  }
0x1: {  	s0 =	rddreg [dreg:$0x0]  }
0x2: {  	s1 =	rddreg [dreg:$0x1]  }
0x3: {  	s17 =	rddreg [dreg:$0x2]  }
0x4: {  	s18 =	rddreg [dreg:$0x3];
	s25 =	simm.s32 $0x0  }
0x5: {  	s3 =	srdreg.scid;
	s4 =	stileid.u32;
	s28 =	simm.s32 $0x1  }
0x6: {  	s30 =	simm.s32 $0x5800;
	s31 =	simm.s32 $0x2;
	[smem:$0x7FF] =	sst s25  }
0x7: {  	s2 =	sadd.s32 $0x1C800, s0;
	s5 =	sadd.s32 $0x10FE00, s0;
	s6 =	sadd.s32 $0x1E00, s0  }
0x8: {  	s3 =	sand.u32 $0x1, s3;
	s7 =	sadd.s32 $0x1AE00, s0;
	s12 =	smul.u32 $0x18800, s4  }
0x9: {  	s8 =	sadd.s32 $0xE0800, s0;
	s21 =	sshll.u32 s4, $0x6;
	s13 =	smul.u32 $0x190, s4  }
0xa: {  	p0 =	sne.s32 s4, $0x0;
	_ =	strace $0x80000050;
	s9 =	smul.u32 $0x188000, s3  }
0xb: {  	s10 =	sshll.u32 s3, $0xB;
	s11 =	ssub.s32 $0x2, s3;
	s29 =	sor.u32 $0x1C09, s21  }
0xc: {  	s21 =	simm.s32 $0x1400;
	p1 =	sne.s32 s3, $0x0;
	p2 =	sne.s32 @!p0 s3, $0x0  }
0xd: {  	s3 =	simm.s32 $0x6870;
	s15 =	sadd.s32 s10, s0;
	s16 =	sshrl.u32 s11, $0x1  }
0xe: {  	s0 =	sadd.s32 $0xE3200, s0;
	s10 =	smul.u32 $0xC40, s4;
	[dreg:$0x8] =	wrdreg s29  }
0xf: {  	p2 =	por p2, p0;
	[dreg:$0x6] =	wrdreg s0;
	s19 =	ssub.s32 s11, s16  }
0x10: {  	s20 =	sadd.s32 s12, s9;
	s12 =	sadd.s32 s12, s1;
	s16 =	smul.u32 $0x500, s4  }
0x11: {  	s9 =	sshrl.u32 s9, $0x3;
	s24 =	sadd.s32 $0xE2200, s15;
	s15 =	simm.s32 $0x3  }
0x12: {  	s4 =	simm.s32 $0x7;
	s11 =	sshrl.u32 s20, $0x3;
	s14 =	sadd.s32 s2, s9  }
0x13: {  	[dreg:$0xb] =	wrdreg s24;
	s0 =	smax.u32 s19, $0x1;
	s26 =	sshrl.u32 s12, $0x3  }
0x14: {  	s20 =	simm.s32 $0x9;
	s24 =	simm.s32 $0x3800;
	s9 =	simm.s32 $0x5  }
0x15: {  	s19 =	simm.s32 $0x4;
	s11 =	sadd.s32 s2, s11;
	[dreg:$0xc] =	wrdreg s0  }
0x16: {  	s22 =	sadd.s32 s16, s17;
	s23 =	sadd.s32 s16, s18;
	[dreg:$0xd] =	wrdreg s26  }
0x17: {  	s26 =	simm.s32 $0x4800;
	s17 =	simm.s32 $0x6;
	[dreg:$0x7] =	wrdreg s11  }
0x18: {  	s2 =	simm.s32 $0x8;
	s18 =	simm.s32 $0xA;
	[dreg:$0x9] =	wrdreg s22  }
0x19: {  	v0 =	vimm.f32 $0.0e+00;
	v1 =	vimm.f32 $1.000000000e+00;
	[dreg:$0xa] =	wrdreg s23;
	s22 =	simm.s32 $0x80;
	s23 =	simm.s32 $0x2800  }
.LBB2_1:
0x1a: {  	s0 =	rddreg [dreg:$0x7]  }
0x1b: {  	s11 =	rddreg [dreg:$0xd]  }
0x1c: {  	[spmem:s11], [sflag:s29] =	dma.local [hbm:s0], $0x3100  }
0x1d: {  	_ =	swait.ge [sflag:s20], $0x3100  }
0x1e: {  	[sflag:s20] =	ssyncset.done $0x0  }
0x1f: {  	[sflag:s20] =	ssyncadd.s32 $0xFFFFCF00  }
0x20: {  	s0 =	simm.s32 $0x0;
	[bflag:$0x0] =	sbarrier.arrive $0xFFFF  }
.LBB2_2:
0x21: {  	s11 =	smul.u32 $0x28, s0;
	_ =	sdelay $0x1  }
0x22: {  	s11 =	sadd.s32 s13, s11  }
0x23: {  	s11 =	sshll.u32 s11, $0x4  }
0x24: {  	s16 =	simm.s32 $0x0;
	s12 =	sadd.s32 s5, s11  }
0x25: {  	[tilespmem:s16], [sflag:$0x9] =	stream.linear.gather [hbm4b:s12+s16], $0x1400, $0x38;
	[tilespmem:$0x1FAF0] =	vst v63  }
0x26: {  	_ =	swait.ge [sflag:s20], $0x1400  }
0x27: {  	[sflag:s20] =	ssyncset.done $0x0  }
0x28: {  	s11 =	sadd.s32 s6, s11;
	[sflag:s20] =	ssyncadd.s32 $0xFFFFEC00  }
0x29: {  	[tilespmem:s21], [sflag:$0x9] =	stream.linear.gather [hbm4b:s11+s16], $0x1400, $0x38;
	[tilespmem:$0x1FAF0] =	vst v63  }
0x2a: {  	_ =	swait.ge [sflag:s20], $0x1400  }
0x2b: {  	[sflag:s20] =	ssyncset.done $0x0  }
0x2c: {  	[sflag:s20] =	ssyncadd.s32 $0xFFFFEC00  }
0x2d: {  	[tilespmem:s23], [sflag:$0x1] =	stream.indirect.gather [hbm4b:s14+s22], $0x20, s16, s22, $0xb8;
	[tilespmem:$0x1FAF0] =	vst v63  }
0x2e: {  	_ = 	snop  }
0x2f: {  	[tilespmem:s24], [sflag:$0x2] =	stream.indirect.gather [hbm4b:s14+s22], $0x20, s22, s22, $0xb8;
	[tilespmem:$0x1FAF0] =	vst v63  }
0x30: {  	s16 =	simm.s32 $0x100  }
0x31: {  	[tilespmem:s26], [sflag:$0x3] =	stream.indirect.gather [hbm4b:s14+s22], $0x20, s16, s22, $0xb8;
	[tilespmem:$0x1FAF0] =	vst v63  }
0x32: {  	_ =	swait.ge [sflag:s28], $0x1000  }
0x33: {  	[sflag:s28] =	ssyncset.done $0x0  }
0x34: {  	[sflag:s28] =	ssyncadd.s32 $0xFFFFF000  }
0x35: {  	[spmem:s1] =	stream.indirect.scatter.add.f32 [tilespmem:s23], [sflag:$0x5], $0x20, s21, s22, $0xb8;
	[tilespmem:$0x1FAF0] =	vst v63  }
0x36: {  	s29 =	simm.s32 $0x180  }
0x37: {  	[tilespmem:s30], [sflag:$0x4] =	stream.indirect.gather [hbm4b:s14+s22], $0x20, s29, s22, $0xb8;
	[tilespmem:$0x1FAF0] =	vst v63  }
0x38: {  	_ =	swait.ge [sflag:s31], $0x1000  }
0x39: {  	[sflag:s31] =	ssyncset.done $0x0  }
0x3a: {  	s12 =	simm.s32 $0x1480;
	[sflag:s31] =	ssyncadd.s32 $0xFFFFF000  }
0x3b: {  	[spmem:s1] =	stream.indirect.scatter.add.f32 [tilespmem:s24], [sflag:$0x6], $0x20, s12, s22, $0xb8;
	[tilespmem:$0x1FAF0] =	vst v63  }
0x3c: {  	_ =	swait.ge [sflag:s9], $0x1000  }
0x3d: {  	[sflag:s9] =	ssyncset.done $0x0  }
0x3e: {  	s16 =	simm.s32 $0x200;
	[sflag:s9] =	ssyncadd.s32 $0xFFFFF000  }
0x3f: {  	[tilespmem:s23], [sflag:$0x1] =	stream.indirect.gather [hbm4b:s14+s22], $0x20, s16, s22, $0xb8;
	[tilespmem:$0x1FAF0] =	vst v63  }
0x40: {  	_ =	swait.ge [sflag:s15], $0x1000  }
0x41: {  	[sflag:s15] =	ssyncset.done $0x0  }
0x42: {  	s29 =	simm.s32 $0x1500;
	[sflag:s15] =	ssyncadd.s32 $0xFFFFF000  }
0x43: {  	[spmem:s1] =	stream.indirect.scatter.add.f32 [tilespmem:s26], [sflag:$0x7], $0x20, s29, s22, $0xb8;
	[tilespmem:$0x1FAF0] =	vst v63  }
0x44: {  	_ =	swait.ge [sflag:s17], $0x1000  }
0x45: {  	[sflag:s17] =	ssyncset.done $0x0  }
0x46: {  	s12 =	simm.s32 $0x280;
	[sflag:s17] =	ssyncadd.s32 $0xFFFFF000  }
0x47: {  	[tilespmem:s24], [sflag:$0x2] =	stream.indirect.gather [hbm4b:s14+s22], $0x20, s12, s22, $0xb8;
	[tilespmem:$0x1FAF0] =	vst v63  }
0x48: {  	_ =	swait.ge [sflag:s19], $0x1000  }
0x49: {  	[sflag:s19] =	ssyncset.done $0x0  }
0x4a: {  	s16 =	simm.s32 $0x1580;
	[sflag:s19] =	ssyncadd.s32 $0xFFFFF000  }
0x4b: {  	[spmem:s1] =	stream.indirect.scatter.add.f32 [tilespmem:s30], [sflag:$0x8], $0x20, s16, s22, $0xb8;
	[tilespmem:$0x1FAF0] =	vst v63  }
0x4c: {  	_ =	swait.ge [sflag:s4], $0x1000  }
0x4d: {  	[sflag:s4] =	ssyncset.done $0x0  }
0x4e: {  	s29 =	simm.s32 $0x300;
	[sflag:s4] =	ssyncadd.s32 $0xFFFFF000  }
0x4f: {  	[tilespmem:s26], [sflag:$0x3] =	stream.indirect.gather [hbm4b:s14+s22], $0x20, s29, s22, $0xb8;
	[tilespmem:$0x1FAF0] =	vst v63  }
0x50: {  	_ =	swait.ge [sflag:s28], $0x1000  }
0x51: {  	[sflag:s28] =	ssyncset.done $0x0  }
0x52: {  	s12 =	simm.s32 $0x1600;
	[sflag:s28] =	ssyncadd.s32 $0xFFFFF000  }
0x53: {  	[spmem:s1] =	stream.indirect.scatter.add.f32 [tilespmem:s23], [sflag:$0x5], $0x20, s12, s22, $0xb8;
	[tilespmem:$0x1FAF0] =	vst v63  }
0x54: {  	_ =	swait.ge [sflag:s2], $0x1000  }
0x55: {  	[sflag:s2] =	ssyncset.done $0x0  }
0x56: {  	s16 =	simm.s32 $0x380;
	[sflag:s2] =	ssyncadd.s32 $0xFFFFF000  }
0x57: {  	[tilespmem:s30], [sflag:$0x4] =	stream.indirect.gather [hbm4b:s14+s22], $0x20, s16, s22, $0xb8;
	[tilespmem:$0x1FAF0] =	vst v63  }
0x58: {  	_ =	swait.ge [sflag:s31], $0x1000  }
0x59: {  	[sflag:s31] =	ssyncset.done $0x0  }
0x5a: {  	s29 =	simm.s32 $0x1680;
	[sflag:s31] =	ssyncadd.s32 $0xFFFFF000  }
0x5b: {  	[spmem:s1] =	stream.indirect.scatter.add.f32 [tilespmem:s24], [sflag:$0x6], $0x20, s29, s22, $0xb8;
	[tilespmem:$0x1FAF0] =	vst v63  }
0x5c: {  	_ =	swait.ge [sflag:s9], $0x1000  }
0x5d: {  	[sflag:s9] =	ssyncset.done $0x0  }
0x5e: {  	s12 =	simm.s32 $0x400;
	[sflag:s9] =	ssyncadd.s32 $0xFFFFF000  }
0x5f: {  	[tilespmem:s23], [sflag:$0x1] =	stream.indirect.gather [hbm4b:s14+s22], $0x20, s12, s22, $0xb8;
	[tilespmem:$0x1FAF0] =	vst v63  }
0x60: {  	_ =	swait.ge [sflag:s15], $0x1000  }
0x61: {  	[sflag:s15] =	ssyncset.done $0x0  }
0x62: {  	s16 =	simm.s32 $0x1700;
	[sflag:s15] =	ssyncadd.s32 $0xFFFFF000  }
0x63: {  	[spmem:s1] =	stream.indirect.scatter.add.f32 [tilespmem:s26], [sflag:$0x7], $0x20, s16, s22, $0xb8;
	[tilespmem:$0x1FAF0] =	vst v63  }
0x64: {  	_ =	swait.ge [sflag:s17], $0x1000  }
0x65: {  	[sflag:s17] =	ssyncset.done $0x0  }
0x66: {  	s29 =	simm.s32 $0x480;
	[sflag:s17] =	ssyncadd.s32 $0xFFFFF000  }
0x67: {  	[tilespmem:s24], [sflag:$0x2] =	stream.indirect.gather [hbm4b:s14+s22], $0x20, s29, s22, $0xb8;
	[tilespmem:$0x1FAF0] =	vst v63  }
0x68: {  	_ =	swait.ge [sflag:s19], $0x1000  }
0x69: {  	[sflag:s19] =	ssyncset.done $0x0  }
0x6a: {  	s11 =	simm.s32 $0x800;
	s12 =	simm.s32 $0x1780;
	[sflag:s19] =	ssyncadd.s32 $0xFFFFF000  }
.LBB2_3:
0x6b: {  	[spmem:s1] =	stream.indirect.scatter.add.f32 [tilespmem:s30], [sflag:$0x8], $0x20, s12, s22, $0xb8;
	[tilespmem:$0x1FAF0] =	vst v63  }
0x6c: {  	s12 =	smov.u32 s11  }
0x6d: {  	p3 =	sne.s32 s11, $0x3800;
	s11 =	sadd.s32 $0x800, s11;
	_ =	swait.ge [sflag:s4], $0x1000  }
0x6e: {  	s12 =	sshra.s32 s12, $0x2;
	[sflag:s4] =	ssyncset.done $0x0  }
0x6f: {  	s16 =	sadd.s32 $0x300, s12;
	[sflag:s4] =	ssyncadd.s32 $0xFFFFF000  }
0x70: {  	[tilespmem:s26], [sflag:$0x3] =	stream.indirect.gather [hbm4b:s14+s22], $0x20, s16, s22, $0xb8;
	[tilespmem:$0x1FAF0] =	vst v63  }
0x71: {  	_ =	swait.ge [sflag:s28], $0x1000  }
0x72: {  	[sflag:s28] =	ssyncset.done $0x0  }
0x73: {  	s16 =	sadd.s32 $0x1600, s12;
	[sflag:s28] =	ssyncadd.s32 $0xFFFFF000  }
0x74: {  	[spmem:s1] =	stream.indirect.scatter.add.f32 [tilespmem:s23], [sflag:$0x5], $0x20, s16, s22, $0xb8;
	[tilespmem:$0x1FAF0] =	vst v63  }
0x75: {  	_ =	swait.ge [sflag:s2], $0x1000  }
0x76: {  	[sflag:s2] =	ssyncset.done $0x0  }
0x77: {  	s16 =	sadd.s32 $0x380, s12;
	[sflag:s2] =	ssyncadd.s32 $0xFFFFF000  }
0x78: {  	[tilespmem:s30], [sflag:$0x4] =	stream.indirect.gather [hbm4b:s14+s22], $0x20, s16, s22, $0xb8;
	[tilespmem:$0x1FAF0] =	vst v63  }
0x79: {  	_ =	swait.ge [sflag:s31], $0x1000  }
0x7a: {  	[sflag:s31] =	ssyncset.done $0x0  }
0x7b: {  	s16 =	sadd.s32 $0x1680, s12;
	[sflag:s31] =	ssyncadd.s32 $0xFFFFF000  }
0x7c: {  	[spmem:s1] =	stream.indirect.scatter.add.f32 [tilespmem:s24], [sflag:$0x6], $0x20, s16, s22, $0xb8;
	[tilespmem:$0x1FAF0] =	vst v63  }
0x7d: {  	_ =	swait.ge [sflag:s9], $0x1000  }
0x7e: {  	[sflag:s9] =	ssyncset.done $0x0  }
0x7f: {  	s16 =	sadd.s32 $0x400, s12;
	[sflag:s9] =	ssyncadd.s32 $0xFFFFF000  }
0x80: {  	[tilespmem:s23], [sflag:$0x1] =	stream.indirect.gather [hbm4b:s14+s22], $0x20, s16, s22, $0xb8;
	[tilespmem:$0x1FAF0] =	vst v63  }
0x81: {  	_ =	swait.ge [sflag:s15], $0x1000  }
0x82: {  	[sflag:s15] =	ssyncset.done $0x0  }
0x83: {  	s16 =	sadd.s32 $0x1700, s12;
	[sflag:s15] =	ssyncadd.s32 $0xFFFFF000  }
0x84: {  	[spmem:s1] =	stream.indirect.scatter.add.f32 [tilespmem:s26], [sflag:$0x7], $0x20, s16, s22, $0xb8;
	[tilespmem:$0x1FAF0] =	vst v63  }
0x85: {  	_ =	swait.ge [sflag:s17], $0x1000  }
0x86: {  	[sflag:s17] =	ssyncset.done $0x0  }
.Ltmp0:
0x87: {  	s16 =	sadd.s32 $0x480, s12;
	[sflag:s17] =	ssyncadd.s32 $0xFFFFF000;
	(pc) =	sbr.rel @p3 .LBB2_3-.Ltmp0, $4  }
0x88: {  	[tilespmem:s24], [sflag:$0x2] =	stream.indirect.gather [hbm4b:s14+s22], $0x20, s16, s22, $0xb8;
	[tilespmem:$0x1FAF0] =	vst v63  }
0x89: {  	_ =	swait.ge [sflag:s19], $0x1000  }
0x8a: {  	[sflag:s19] =	ssyncset.done $0x0  }
0x8b: {  	s12 =	sadd.s32 $0x1780, s12;
	[sflag:s19] =	ssyncadd.s32 $0xFFFFF000  }
0x8c: {  	[spmem:s1] =	stream.indirect.scatter.add.f32 [tilespmem:s30], [sflag:$0x8], $0x20, s12, s22, $0xb8;
	[tilespmem:$0x1FAF0] =	vst v63  }
0x8d: {  	_ =	swait.ge [sflag:s4], $0x1000  }
0x8e: {  	[sflag:s4] =	ssyncset.done $0x0  }
0x8f: {  	s11 =	simm.s32 $0x1300;
	[sflag:s4] =	ssyncadd.s32 $0xFFFFF000  }
0x90: {  	[tilespmem:s26], [sflag:$0x3] =	stream.indirect.gather [hbm4b:s14+s22], $0x20, s11, s22, $0xb8;
	[tilespmem:$0x1FAF0] =	vst v63  }
0x91: {  	_ =	swait.ge [sflag:s28], $0x1000  }
0x92: {  	[sflag:s28] =	ssyncset.done $0x0  }
0x93: {  	s16 =	simm.s32 $0x2600;
	[sflag:s28] =	ssyncadd.s32 $0xFFFFF000  }
0x94: {  	[spmem:s1] =	stream.indirect.scatter.add.f32 [tilespmem:s23], [sflag:$0x5], $0x20, s16, s22, $0xb8;
	[tilespmem:$0x1FAF0] =	vst v63  }
0x95: {  	_ =	swait.ge [sflag:s2], $0x1000  }
0x96: {  	[sflag:s2] =	ssyncset.done $0x0  }
0x97: {  	s29 =	simm.s32 $0x1380;
	[sflag:s2] =	ssyncadd.s32 $0xFFFFF000  }
0x98: {  	[tilespmem:s30], [sflag:$0x4] =	stream.indirect.gather [hbm4b:s14+s22], $0x20, s29, s22, $0xb8;
	[tilespmem:$0x1FAF0] =	vst v63  }
0x99: {  	_ =	swait.ge [sflag:s31], $0x1000  }
0x9a: {  	[sflag:s31] =	ssyncset.done $0x0  }
0x9b: {  	s12 =	simm.s32 $0x2680;
	[sflag:s31] =	ssyncadd.s32 $0xFFFFF000  }
0x9c: {  	[spmem:s1] =	stream.indirect.scatter.add.f32 [tilespmem:s24], [sflag:$0x6], $0x20, s12, s22, $0xb8;
	[tilespmem:$0x1FAF0] =	vst v63  }
0x9d: {  	_ =	swait.ge [sflag:s9], $0x1000  }
0x9e: {  	[sflag:s9] =	ssyncset.done $0x0  }
0x9f: {  	[sflag:s9] =	ssyncadd.s32 $0xFFFFF000  }
0xa0: {  	_ =	swait.ge [sflag:s15], $0x1000  }
0xa1: {  	[sflag:s15] =	ssyncset.done $0x0  }
0xa2: {  	s16 =	simm.s32 $0x2700;
	[sflag:s15] =	ssyncadd.s32 $0xFFFFF000  }
0xa3: {  	[spmem:s1] =	stream.indirect.scatter.add.f32 [tilespmem:s26], [sflag:$0x7], $0x20, s16, s22, $0xb8;
	[tilespmem:$0x1FAF0] =	vst v63  }
0xa4: {  	_ =	swait.ge [sflag:s17], $0x1000  }
0xa5: {  	[sflag:s17] =	ssyncset.done $0x0  }
0xa6: {  	[sflag:s17] =	ssyncadd.s32 $0xFFFFF000  }
0xa7: {  	_ =	swait.ge [sflag:s19], $0x1000  }
0xa8: {  	[sflag:s19] =	ssyncset.done $0x0  }
0xa9: {  	s0 =	sadd.s32 $0x1, s0;
	s29 =	simm.s32 $0x2780;
	[sflag:s19] =	ssyncadd.s32 $0xFFFFF000  }
0xaa: {  	[spmem:s1] =	stream.indirect.scatter.add.f32 [tilespmem:s30], [sflag:$0x8], $0x20, s29, s22, $0xb8;
	[tilespmem:$0x1FAF0] =	vst v63  }
0xab: {  	p3 =	sne.s32 s0, $0xA;
	_ =	swait.ge [sflag:s4], $0x1000  }
.Ltmp1:
0xac: {  	[sflag:s4] =	ssyncset.done $0x0;
	(pc) =	sbr.rel @p3 .LBB2_2-.Ltmp1, $4  }
0xad: {  	[sflag:s4] =	ssyncadd.s32 $0xFFFFF000  }
0xae: {  	_ =	swait.ge [sflag:s2], $0x1000  }
0xaf: {  	[sflag:s2] =	ssyncset.done $0x0  }
0xb0: {  	[sflag:s2] =	ssyncadd.s32 $0xFFFFF000  }
0xb1: {  	[dreg:$0x5] =	wrdreg s25;
	s0 =	simm.s32 $0x80;
	s11 =	simm.s32 $0x0  }
.LBB2_6:
0xb2: {  	p3 =	sne.s32 s0, $0x1380;
	[tilespmem:s11+$0x5800] =	vst v0;
	s12 =	smov.u32 s0;
	s0 =	sadd.s32 $0x80, s0  }
.Ltmp2:
0xb3: {  	[tilespmem:s11+$0x5810] =	vst v0;
	(pc) =	sbr.rel @p3 .LBB2_6-.Ltmp2, $2  }
0xb4: {  	_ =	sdelay $0x2  }
0xb5: {  	s11 =	sshra.s32 s12, $0x2  }
0xb6: {  	[tilespmem:s11+$0x5800] =	vst v0  }
0xb7: {  	[tilespmem:s11+$0x5810] =	vst v0;
	s0 =	rddreg [dreg:$0x9]  }
0xb8: {  	[spmem:s0] =	stream.linear.scatter [tilespmem:s30], [sflag:$0x9], $0x500, $0x38;
	[tilespmem:$0x1FAF0] =	vst v63  }
0xb9: {  	_ =	swait.ge [sflag:s20], $0x500  }
0xba: {  	[sflag:s20] =	ssyncset.done $0x0  }
0xbb: {  	s29 =	rddreg [dreg:$0xa];
	[sflag:s20] =	ssyncadd.s32 $0xFFFFFB00  }
0xbc: {  	[spmem:s29] =	stream.linear.scatter [tilespmem:s30], [sflag:$0x9], $0x500, $0x38;
	[tilespmem:$0x1FAF0] =	vst v63  }
0xbd: {  	_ =	swait.ge [sflag:s20], $0x500  }
0xbe: {  	[sflag:s20] =	ssyncset.done $0x0  }
0xbf: {  	s11 =	simm.s32 $0x0;
	s0 =	simm.s32 $0x80;
	[sflag:s20] =	ssyncadd.s32 $0xFFFFFB00  }
.LBB2_8:
0xc0: {  	p3 =	sne.s32 s0, $0x3780;
	[tilespmem:s11+$0x4800] =	vst v1;
	s12 =	smov.u32 s0;
	s0 =	sadd.s32 $0x80, s0  }
.Ltmp3:
0xc1: {  	[tilespmem:s11+$0x4810] =	vst v1;
	(pc) =	sbr.rel @p3 .LBB2_8-.Ltmp3, $2  }
0xc2: {  	_ =	sdelay $0x2  }
0xc3: {  	s11 =	sshra.s32 s12, $0x2  }
0xc4: {  	[tilespmem:s11+$0x4800] =	vst v1  }
0xc5: {  	[tilespmem:s11+$0x4810] =	vst v1  }
0xc6: {  	s29 =	simm.s32 $0x0;
	s0 =	simm.s32 $0x0;
	[bflag:$0x0] =	sbarrier.arrive $0xFFFF  }
.LBB2_10:
0xc7: {  	s11 =	smul.u32 $0x70, s0;
	_ =	sdelay $0x1  }
0xc8: {  	s11 =	sadd.s32 s10, s11  }
0xc9: {  	s12 =	sshll.u32 s11, $0x5  }
0xca: {  	s12 =	sand.u32 $0x3FFFFFE0, s12  }
0xcb: {  	s12 =	sadd.s32 s12, s1  }
0xcc: {  	[tilespmem:s23], [sflag:$0xA] =	stream.linear.gather [spmem:s12], $0xE00, $0x38;
	[tilespmem:$0x1FAF0] =	vst v63  }
0xcd: {  	_ =	swait.ge [sflag:s18], $0xE00  }
0xce: {  	s11 =	sshrl.u32 s11, $0x3;
	[sflag:s18] =	ssyncset.done $0x0  }
0xcf: {  	s16 =	simm.s32 $0x6800;
	s25 =	sadd.s32 s7, s11;
	[sflag:s18] =	ssyncadd.s32 $0xFFFFF200  }
0xd0: {  	[tilespmem:s16], [sflag:$0xA] =	stream.linear.gather [hbm4b:s25+s29], $0x70, $0x38;
	[tilespmem:$0x1FAF0] =	vst v63  }
0xd1: {  	_ =	swait.ge [sflag:s18], $0x70  }
0xd2: {  	[sflag:s18] =	ssyncset.done $0x0  }
0xd3: {  	s11 =	sadd.s32 s8, s11;
	[sflag:s18] =	ssyncadd.s32 $0xFFFFFF90  }
0xd4: {  	[tilespmem:s3], [sflag:$0xA] =	stream.linear.gather [hbm4b:s11+s29], $0x70, $0x38;
	[tilespmem:$0x1FAF0] =	vst v63  }
0xd5: {  	_ =	swait.ge [sflag:s18], $0x70  }
0xd6: {  	[sflag:s18] =	ssyncset.done $0x0  }
0xd7: {  	s11 =	simm.s32 $0x2900;
	[sflag:s18] =	ssyncadd.s32 $0xFFFFFF90  }
0xd8: {  	v7 =	vld [tilespmem:s11+$0xFFFFFFA0]  }
0xd9: {  	v5 =	vld [tilespmem:s11+$0xFFFFFFF0]  }
0xda: {  	v2 =	vld [tilespmem:s11+$0xFFFFFF60]  }
0xdb: {  	v8 =	vld [tilespmem:s11+$0xFFFFFFD0]  }
0xdc: {  	v9 =	vld [tilespmem:s11+$0x80]  }
0xdd: {  	v12 =	vld [tilespmem:s11+$0xFFFFFF10]  }
0xde: {  	v16 =	vld [tilespmem:s11+$0xE0]  }
0xdf: {  	v11 =	vld [tilespmem:s11+$0xFFFFFF40]  }
0xe0: {  	s25 =	simm.s32 $0x0;
	v3 =	vld [tilespmem:s11+$0xFFFFFF90]  }
0xe1: {  	v4 =	vld [tilespmem:s25+$0x6800]  }
0xe2: {  	v10 =	vld [tilespmem:s11+$0xFFFFFFC0]  }
0xe3: {  	v13 =	vld [tilespmem:s11+$0xFFFFFF00]  }
0xe4: {  	v14 =	vld [tilespmem:s11+$0xD0]  }
0xe5: {  	v23 =	vld [tilespmem:s11+$0xC0]  }
0xe6: {  	v21 =	vld [tilespmem:s11+$0x90];
	v19 =	vbroadcast v4, $0x0;
	v6 =	vbroadcast v4, $0xF  }
0xe7: {  	v22 =	vld [tilespmem:s11+$0xFFFFFF50];
	v20 =	vbroadcast v4, $0x2;
	v18 =	vbroadcast v4, $0xE  }
0xe8: {  	v17 =	vld [tilespmem:s11+$0xB0];
	v15 =	vbroadcast v4, $0xC;
	v25 =	vmul.f32 v19, v13  }
0xe9: {  	s12 =	simm.s32 $0x2900;
	s16 =	simm.s32 $0x40;
	v13 =	vbroadcast v4, $0xD;
	v24 =	vmul.f32 v11, v20;
	v11 =	vld [tilespmem:s11+$0x60]  }
.LBB2_11:
0xea: {  	p3 =	sne.s32 s16, $0x180  }
0xeb: {  	[tilespmem:s11+$0xFFFFFF00] =	vst v25;
	v25 =	vld [tilespmem:s11+$0xFFFFFFB0];
	v23 =	vmul.f32 v23, v18;
	v16 =	vmul.f32 v16, v6;
	s12 =	sadd.s32 $0x200, s12;
	s25 =	smov.u32 s16;
	s16 =	sadd.s32 $0x40, s16  }
0xec: {  	[tilespmem:s11+$0xFFFFFF40] =	vst v24;
	v24 =	vbroadcast v4, $0xA;
	v21 =	vmul.f32 v21, v15;
	v26 =	vld [tilespmem:s11+$0xA0]  }
0xed: {  	v12 =	vmul.f32 v12, v19;
	v19 =	vmul.f32 v22, v20;
	v20 =	vld [tilespmem:s11+$0x70];
	[tilespmem:s11+$0xE0] =	vst v16  }
0xee: {  	v16 =	vbroadcast v4, $0x5;
	v22 =	vld [tilespmem:s11+$0xFFFFFFE0];
	v17 =	vmul.f32 v17, v13;
	[tilespmem:s11+$0xC0] =	vst v23  }
0xef: {  	v14 =	vmul.f32 v14, v18;
	[tilespmem:s11+$0xFFFFFF10] =	vst v12;
	v12 =	vbroadcast v4, $0x6;
	v23 =	vld [tilespmem:s11+$0x40]  }
0xf0: {  	v27 =	vbroadcast v4, $0xB;
	v7 =	vmul.f32 v7, v16;
	v18 =	vld [tilespmem:s11+$0xFFFFFF20];
	[tilespmem:s11+$0x90] =	vst v21  }
0xf1: {  	v21 =	vbroadcast v4, $0x9;
	[tilespmem:s11+$0xFFFFFF50] =	vst v19;
	v19 =	vld [tilespmem:s11+$0x20];
	v13 =	vmul.f32 v26, v13  }
0xf2: {  	v16 =	vmul.f32 v25, v16;
	v25 =	vld [tilespmem:s11+$0x50];
	v20 =	vmul.f32 v20, v27;
	[tilespmem:s11+$0xD0] =	vst v14  }
0xf3: {  	v9 =	vmul.f32 v9, v15;
	v14 =	vbroadcast v4, $0x7;
	v26 =	vld [tilespmem:s11+$0x30];
	[tilespmem:s11+$0xA0] =	vst v13  }
0xf4: {  	v10 =	vmul.f32 v10, v12;
	v13 =	vbroadcast v4, $0x3;
	v15 =	vld [tilespmem:s11+$0x0];
	[tilespmem:s11+$0x70] =	vst v20  }
0xf5: {  	v11 =	vmul.f32 v11, v27;
	v8 =	vmul.f32 v8, v12;
	v12 =	vld [tilespmem:s11+$0x10];
	[tilespmem:s11+$0x80] =	vst v9  }
0xf6: {  	v20 =	vbroadcast v4, $0x8;
	v23 =	vmul.f32 v23, v24;
	v9 =	vld [tilespmem:s11+$0xFFFFFF30];
	[tilespmem:s11+$0xB0] =	vst v17  }
0xf7: {  	v17 =	vbroadcast v4, $0x1;
	v27 =	vld [tilespmem:s11+$0xFFFFFF70];
	[tilespmem:s11+$0xFFFFFFD0] =	vst v8;
	v24 =	vmul.f32 v25, v24  }
0xf8: {  	v5 =	vmul.f32 v5, v14;
	v8 =	vmul.f32 v22, v14;
	[tilespmem:s11+$0xFFFFFFC0] =	vst v10;
	v10 =	vld [tilespmem:s11+$0xF0]  }
0xf9: {  	v22 =	vmul.f32 v26, v21;
	v14 =	vld [tilespmem:s11+$0xFFFFFF80];
	[tilespmem:s11+$0xFFFFFFA0] =	vst v7;
	v15 =	vmul.f32 v15, v20  }
0xfa: {  	v7 =	vld [tilespmem:s12+$0xFFFFFFA0];
	[tilespmem:s11+$0xFFFFFFF0] =	vst v5;
	v20 =	vmul.f32 v12, v20;
	v12 =	vmul.f32 v19, v21  }
0xfb: {  	v5 =	vmul.f32 v18, v17;
	v17 =	vmul.f32 v9, v17;
	[tilespmem:s11+$0x60] =	vst v11  }
0xfc: {  	v2 =	vmul.f32 v2, v13;
	v9 =	vmul.f32 v27, v13;
	[tilespmem:s11+$0xFFFFFFB0] =	vst v16  }
0xfd: {  	v4 =	vbroadcast v4, $0x4;
	[tilespmem:s11+$0xFFFFFF20] =	vst v5;
	v5 =	vmul.f32 v10, v6  }
0xfe: {  	[tilespmem:s11+$0xFFFFFF60] =	vst v2  }
0xff: {  	v6 =	vmul.f32 v14, v4;
	v2 =	vmul.f32 v3, v4;
	[tilespmem:s11+$0x40] =	vst v23  }
0x100: {  	[tilespmem:s11+$0xFFFFFFE0] =	vst v8  }
0x101: {  	[tilespmem:s11+$0xF0] =	vst v5  }
0x102: {  	[tilespmem:s11+$0xFFFFFF90] =	vst v2  }
0x103: {  	v5 =	vld [tilespmem:s12+$0xFFFFFFF0];
	[tilespmem:s11+$0xFFFFFF70] =	vst v9  }
0x104: {  	v2 =	vld [tilespmem:s12+$0xFFFFFF60];
	[tilespmem:s11+$0x20] =	vst v12  }
0x105: {  	v8 =	vld [tilespmem:s12+$0xFFFFFFD0];
	[tilespmem:s11+$0x30] =	vst v22  }
0x106: {  	v9 =	vld [tilespmem:s12+$0x80];
	[tilespmem:s11+$0xFFFFFF80] =	vst v6  }
0x107: {  	v12 =	vld [tilespmem:s12+$0xFFFFFF10];
	[tilespmem:s11+$0x50] =	vst v24  }
0x108: {  	v16 =	vld [tilespmem:s12+$0xE0];
	[tilespmem:s11+$0x0] =	vst v15  }
0x109: {  	v11 =	vld [tilespmem:s12+$0xFFFFFF40];
	[tilespmem:s11+$0xFFFFFF30] =	vst v17  }
0x10a: {  	s25 =	sshra.s32 s25, $0x2;
	v3 =	vld [tilespmem:s12+$0xFFFFFF90];
	[tilespmem:s11+$0x10] =	vst v20;
	s11 =	smov.u32 s12  }
0x10b: {  	v4 =	vld [tilespmem:s25+$0x6800]  }
0x10c: {  	v10 =	vld [tilespmem:s12+$0xFFFFFFC0]  }
0x10d: {  	v13 =	vld [tilespmem:s12+$0xFFFFFF00]  }
0x10e: {  	v14 =	vld [tilespmem:s12+$0xD0]  }
.Ltmp4:
0x10f: {  	v23 =	vld [tilespmem:s12+$0xC0];
	(pc) =	sbr.rel @p3 .LBB2_11-.Ltmp4, $4  }
0x110: {  	v19 =	vbroadcast v4, $0x0;
	v21 =	vld [tilespmem:s12+$0x90];
	v6 =	vbroadcast v4, $0xF  }
0x111: {  	v20 =	vbroadcast v4, $0x2;
	v18 =	vbroadcast v4, $0xE;
	v22 =	vld [tilespmem:s12+$0xFFFFFF50]  }
0x112: {  	v25 =	vmul.f32 v19, v13;
	v13 =	vbroadcast v4, $0xD;
	v17 =	vld [tilespmem:s12+$0xB0]  }
0x113: {  	v15 =	vbroadcast v4, $0xC;
	v24 =	vmul.f32 v11, v20;
	v11 =	vld [tilespmem:s12+$0x60]  }
0x114: {  	[tilespmem:s11+$0xFFFFFF00] =	vst v25;
	v16 =	vmul.f32 v16, v6  }
0x115: {  	v23 =	vmul.f32 v23, v18;
	[tilespmem:s11+$0xFFFFFF40] =	vst v24  }
0x116: {  	v12 =	vmul.f32 v12, v19;
	[tilespmem:s11+$0xE0] =	vst v16  }
0x117: {  	v34 =	vmul.f32 v14, v18;
	[tilespmem:s11+$0xC0] =	vst v23  }
0x118: {  	v32 =	vmul.f32 v21, v15;
	[tilespmem:s11+$0xFFFFFF10] =	vst v12  }
0x119: {  	v40 =	vbroadcast v4, $0x6;
	v9 =	vmul.f32 v9, v15;
	[tilespmem:s11+$0xD0] =	vst v34  }
0x11a: {  	v20 =	vmul.f32 v22, v20;
	[tilespmem:s11+$0x90] =	vst v32  }
0x11b: {  	v44 =	vbroadcast v4, $0x5;
	v8 =	vmul.f32 v8, v40;
	[tilespmem:s11+$0x80] =	vst v9  }
0x11c: {  	v46 =	vbroadcast v4, $0x7;
	v10 =	vmul.f32 v10, v40;
	[tilespmem:s11+$0xFFFFFF50] =	vst v20  }
0x11d: {  	v53 =	vbroadcast v4, $0x3;
	v7 =	vmul.f32 v7, v44;
	[tilespmem:s11+$0xFFFFFFD0] =	vst v8  }
0x11e: {  	v30 =	vld [tilespmem:s11+$0xA0];
	v58 =	vbroadcast v4, $0x4;
	v5 =	vmul.f32 v5, v46;
	[tilespmem:s11+$0xFFFFFFC0] =	vst v10  }
0x11f: {  	v31 =	vld [tilespmem:s11+$0x70];
	v2 =	vmul.f32 v2, v53;
	[tilespmem:s11+$0xFFFFFFA0] =	vst v7  }
0x120: {  	v33 =	vld [tilespmem:s11+$0xFFFFFFB0];
	v36 =	vbroadcast v4, $0xB;
	v3 =	vmul.f32 v3, v58;
	[tilespmem:s11+$0xFFFFFFF0] =	vst v5  }
0x121: {  	v35 =	vld [tilespmem:s11+$0xFFFFFF20];
	v42 =	vmul.f32 v17, v13;
	[tilespmem:s11+$0xFFFFFF60] =	vst v2  }
0x122: {  	v39 =	vld [tilespmem:s11+$0x40];
	v11 =	vmul.f32 v11, v36;
	[tilespmem:s11+$0xFFFFFF90] =	vst v3  }
0x123: {  	v37 =	vld [tilespmem:s11+$0xFFFFFFE0];
	v38 =	vmul.f32 v30, v13;
	[tilespmem:s11+$0xB0] =	vst v42  }
0x124: {  	v51 =	vbroadcast v4, $0x1;
	v54 =	vld [tilespmem:s11+$0xF0];
	v19 =	vmul.f32 v31, v36;
	[tilespmem:s11+$0x60] =	vst v11  }
0x125: {  	v48 =	vld [tilespmem:s11+$0xFFFFFF70];
	v55 =	vbroadcast v4, $0xA;
	v52 =	vmul.f32 v33, v44;
	[tilespmem:s11+$0xA0] =	vst v38  }
0x126: {  	v45 =	vld [tilespmem:s11+$0x30];
	v14 =	vmul.f32 v35, v51;
	[tilespmem:s11+$0x70] =	vst v19  }
0x127: {  	v49 =	vld [tilespmem:s11+$0xFFFFFF80];
	v57 =	vmul.f32 v39, v55;
	[tilespmem:s11+$0xFFFFFFB0] =	vst v52  }
0x128: {  	v43 =	vld [tilespmem:s11+$0x20];
	v9 =	vmul.f32 v37, v46;
	[tilespmem:s11+$0xFFFFFF20] =	vst v14  }
0x129: {  	v56 =	vld [tilespmem:s11+$0xFFFFFF30];
	v59 =	vbroadcast v4, $0x9;
	v2 =	vmul.f32 v54, v6;
	[tilespmem:s11+$0x40] =	vst v57  }
0x12a: {  	v41 =	vld [tilespmem:s11+$0x50];
	v60 =	vmul.f32 v48, v53;
	[tilespmem:s11+$0xFFFFFFE0] =	vst v9  }
0x12b: {  	v47 =	vld [tilespmem:s11+$0x0];
	v3 =	vmul.f32 v45, v59;
	[tilespmem:s11+$0xF0] =	vst v2  }
0x12c: {  	v50 =	vld [tilespmem:s11+$0x10];
	v62 =	vmul.f32 v49, v58;
	[tilespmem:s11+$0xFFFFFF70] =	vst v60  }
0x12d: {  	v2 =	vmul.f32 v43, v59;
	[tilespmem:s11+$0x30] =	vst v3  }
0x12e: {  	v61 =	vbroadcast v4, $0x8;
	v63 =	vmul.f32 v56, v51;
	[tilespmem:s11+$0xFFFFFF80] =	vst v62  }
0x12f: {  	[tilespmem:s11+$0x20] =	vst v2;
	v2 =	vmul.f32 v41, v55  }
0x130: {  	v3 =	vmul.f32 v47, v61;
	[tilespmem:s11+$0xFFFFFF30] =	vst v63  }
0x131: {  	[tilespmem:s11+$0x50] =	vst v2;
	v2 =	vmul.f32 v50, v61  }
0x132: {  	[tilespmem:s11+$0x0] =	vst v3  }
0x133: {  	s25 =	rddreg [dreg:$0x2];
	s12 =	simm.s32 $0x70;
	[tilespmem:s11+$0x10] =	vst v2  }
0x134: {  	[spmem:s25] =	stream.indirect.scatter.add.f32 [tilespmem:s23], [sflag:$0xA], $0x20, s3, s12, $0xb8;
	[tilespmem:$0x1FAF0] =	vst v63  }
0x135: {  	_ =	swait.ge [sflag:s18], $0xE00  }
0x136: {  	s0 =	sadd.s32 $0x1, s0;
	[sflag:s18] =	ssyncset.done $0x0  }
0x137: {  	s16 =	simm.s32 @!p1 $0x4800;
	p3 =	sne.s32 s0, $0x1C;
	[sflag:s18] =	ssyncadd.s32 $0xFFFFF200  }
0x138: {  	s11 =	simm.s32 @!p1 $0x70;
	s12 =	simm.s32 @!p1 $0x6870;
	s25 =	rddreg [dreg:$0x3]  }
0x139: {  	[spmem:s25] =	stream.indirect.scatter.add.f32 @!p1 [tilespmem:s16], [sflag:$0x9], $0x20, s12, s11, $0xb8;
	[tilespmem:$0x1FAF0] =	vst v63  }
.Ltmp5:
0x13a: {  	_ = 	snop;
	(pc) =	sbr.rel @p3 .LBB2_10-.Ltmp5, $4  }
0x13b: {  	s11 =	simm.s32 @!p1 $0x9  }
0x13c: {  	_ =	swait.ge @!p1 [sflag:s11], $0xE00  }
0x13d: {  	[sflag:s11] =	ssyncset.done @!p1 $0x0  }
0x13e: {  	[sflag:s11] =	ssyncadd.s32 @!p1 $0xFFFFF200  }
0x13f: {  	[bflag:$0x0] =	sbarrier.arrive $0xFFFF  }
0x140: {  	s0 =	rddreg [dreg:$0x2]  }
0x141: {  	s29 =	rddreg [dreg:$0x8]  }
0x142: {  	s11 =	rddreg [dreg:$0xb];
	s0 =	sshrl.u32 @!p0 s0, $0x3  }
0x143: {  	[hbm:s11], [sflag:s29] =	dma.local @!p0 [spmem:s0], $0x800  }
0x144: {  	s0 =	simm.s32 @!p0 $0x9  }
0x145: {  	_ =	swait.ge @!p0 [sflag:s0], $0x800  }
0x146: {  	[sflag:s0] =	ssyncset.done @!p0 $0x0  }
0x147: {  	[sflag:s0] =	ssyncadd.s32 @!p0 $0xFFFFF800  }
0x148: {  	s0 =	rddreg [dreg:$0x3]  }
0x149: {  	s11 =	rddreg [dreg:$0x6];
	s0 =	sshrl.u32 @!p2 s0, $0x3  }
0x14a: {  	[hbm:s11], [sflag:s29] =	dma.local @!p2 [spmem:s0], $0x800  }
0x14b: {  	s0 =	simm.s32 @!p2 $0x9  }
0x14c: {  	_ =	swait.ge @!p2 [sflag:s0], $0x800  }
0x14d: {  	s25 =	rddreg [dreg:$0x5]  }
0x14e: {  	s16 =	rddreg [dreg:$0xc];
	s25 =	sadd.s32 $0x1, s25  }
0x14f: {  	p3 =	sne.s32 s25, s16  }
.Ltmp6:
0x150: {  	_ = 	snop;
	(pc) =	sbr.rel @p3 .LBB2_1-.Ltmp6, $3  }
0x151: {  	_ =	sdelay $0x1  }
0x152: {  	[sflag:s0] =	ssyncset.done @!p2 $0x0  }
0x153: {  	[sflag:s0] =	ssyncadd.s32 @!p2 $0xFFFFF800  }
0x154: {  	_ =	sfence.sel $0x180000  }
0x155: {  	[bflag:$0x0] =	sbarrier.arrive $0xFFFF  }
0x156: {  	_ =	strace $0x90000050  }
0x157: {  	[bflag:$0x2] =	sbarrier.arrive $0xFFFF  }
0x158: {  	s0 =	rddreg [dreg:$0x4]  }
0x159: {  	s0 =	sadd.s32 @!p0 $0x100000, s0  }
0x15a: {  	[sflag:s0] =	ssyncadd.tile.s32 @!p0 $0x1;
	_ =	shalt  }
.Lfunc_end2:
_tile_overlayer_lowered:
.L_overlay_start_2:
0x15b: {  	(tag) =	ssettag $0x2  }
0x15c: {  	s0 =	rddreg [dreg:$0x0];
	s2 =	stileid.u32  }
0x15d: {  	s1 =	rddreg [dreg:$0x1];
	p0 =	sne.s32 s2, $0x0  }
0x15e: {  	s3 =	rddreg [dreg:$0x2];
	[bflag:$0x3] =	sbarrier.arrive $0xFFFF;
	s2 =	simm.s32 @!p0 $0x1C09  }
0x15f: {  	[timem:s3], [sflag:s2] =	dma.local @!p0 [hbm:s0], s1  }
0x160: {  	s0 =	simm.s32 @!p0 $0x9  }
0x161: {  	_ =	swait.ge @!p0 [sflag:s0], s1  }
0x162: {  	s1 =	ssub.s32 @!p0 $0x0, s1;
	[sflag:s0] =	ssyncset.done @!p0 $0x0  }
0x163: {  	[sflag:s0] =	ssyncadd.s32 @!p0 s1  }
0x164: {  	[bflag:$0x3] =	sbarrier.arrive $0xFFFF  }
0x165: {  	_ =	shalt  }

</sc_bundles>
